<compile_context>
chip_gen: v7x
topology: tpu7x:2x2x1
jax: 0.10.2.dev20260603
libtpu: 0.0.44.dev20260713+nightly
codegen_flags: <defaults>
</compile_context>

<pallas_src>
import functools

import jax
import jax.numpy as jnp
from jax import lax
from jax.experimental import pallas as pl
from jax.experimental.pallas import tpu as pltpu
from jax.experimental.pallas import tpu_sc as plsc

N_NODES = 10000
N_EDGES = 320000
D = 128

NC = 2
NS = 16
NW = NC * NS
GC = 80
ROW_CHUNKS = N_NODES // GC

EB = 2000
NB = 2000

_SC_PARAMS = None


def _sc_mesh():
    return plsc.VectorSubcoreMesh(core_axis_name="c", subcore_axis_name="s",
                                  num_cores=NC, num_subcores=NS)


def _ln(y, g, b):
    mu = jnp.mean(y, axis=-1, keepdims=True)
    yc = y - mu
    var = jnp.mean(yc * yc, axis=-1, keepdims=True)
    return yc / jnp.sqrt(var + 1e-5) * g + b


def _dot(a, b):
    return jnp.dot(a.astype(jnp.bfloat16), b.astype(jnp.bfloat16),
                   preferred_element_type=jnp.float32)



def _full(shape):
    return pl.BlockSpec(shape, lambda i: tuple(0 for _ in shape))


def _rows(shape):
    return pl.BlockSpec(shape, lambda i: (i, 0))


def _mlp_ln_kernel(x_ref, w1, b1, w2, b2, w3, b3, g, beta, o_ref):
    x1 = jax.nn.relu(_dot(x_ref[...], w1[...]) + b1[...])
    x2 = jax.nn.relu(_dot(x1, w2[...]) + b2[...])
    y = _dot(x2, w3[...]) + b3[...]
    o_ref[...] = _ln(y, g[...], beta[...])


def _mlp_ln(x, p, block_rows):
    n, din = x.shape
    w1, w2, w3 = p["fc1"]["w"], p["fc2"]["w"], p["fc3"]["w"]
    dout = w3.shape[1]
    args = (x, w1, p["fc1"]["b"][None, :], w2, p["fc2"]["b"][None, :],
            w3, p["fc3"]["b"][None, :], p["ln"]["g"][None, :], p["ln"]["b"][None, :])
    return pl.pallas_call(
        _mlp_ln_kernel,
        grid=(n // block_rows,),
        in_specs=[_rows((block_rows, din)), _full(w1.shape), _full((1, D)),
                  _full(w2.shape), _full((1, D)), _full(w3.shape), _full((1, dout)),
                  _full((1, dout)), _full((1, dout))],
        out_specs=_rows((block_rows, dout)),
        out_shape=jax.ShapeDtypeStruct((n, dout), jnp.float32),
    )(*args)


def _dec_kernel(x_ref, w1, b1, w2, b2, w3, b3, o_ref):
    x1 = jax.nn.relu(_dot(x_ref[...], w1[...]) + b1[...])
    x2 = jax.nn.relu(_dot(x1, w2[...]) + b2[...])
    o_ref[...] = _dot(x2, w3[...]) + b3[...]


def _decoder(x, p, block_rows):
    n, din = x.shape
    dout = p["fc3"]["w"].shape[1]
    return pl.pallas_call(
        _dec_kernel,
        grid=(n // block_rows,),
        in_specs=[_rows((block_rows, din)), _full((din, D)), _full((1, D)),
                  _full((D, D)), _full((1, D)), _full((D, dout)), _full((1, dout))],
        out_specs=_rows((block_rows, dout)),
        out_shape=jax.ShapeDtypeStruct((n, dout), jnp.float32),
    )(x, p["fc1"]["w"], p["fc1"]["b"][None, :], p["fc2"]["w"], p["fc2"]["b"][None, :],
      p["fc3"]["w"], p["fc3"]["b"][None, :])


def _pre_proj_kernel(h_ref, w_ref, ab_ref):
    ab_ref[0] = _dot(h_ref[...], w_ref[0])


def _pre_proj(h, wsr):
    return pl.pallas_call(
        _pre_proj_kernel,
        grid=(2, N_NODES // NB),
        in_specs=[pl.BlockSpec((NB, D), lambda i, j: (j, 0)),
                  pl.BlockSpec((1, D, D), lambda i, j: (i, 0, 0))],
        out_specs=pl.BlockSpec((1, NB, D), lambda i, j: (i, j, 0)),
        out_shape=jax.ShapeDtypeStruct((2, N_NODES, D), jnp.float32),
    )(h, wsr)


def _edge_mlp_kernel(he_ref, gs_ref, gr_ref, w1e, b1, w2, b2, w3, b3, g, beta,
                     ho_ref, u_ref):
    he = he_ref[...]
    x1 = jax.nn.relu(_dot(he, w1e[...]) + gs_ref[...] + gr_ref[...] + b1[...])
    x2 = jax.nn.relu(_dot(x1, w2[...]) + b2[...])
    y = _dot(x2, w3[...]) + b3[...]
    u = _ln(y, g[...], beta[...])
    u_ref[...] = u
    ho_ref[...] = he + u


def _edge_mlp(h_edges, gs, gr, w1, b1, w2, b2, w3, b3, g, beta):
    n_e = h_edges.shape[0]
    return pl.pallas_call(
        _edge_mlp_kernel,
        grid=(n_e // EB,),
        in_specs=[_rows((EB, D)), _rows((EB, D)), _rows((EB, D)),
                  _full((D, D)), _full((1, D)), _full((D, D)), _full((1, D)),
                  _full((D, D)), _full((1, D)), _full((1, D)), _full((1, D))],
        out_specs=(_rows((EB, D)), _rows((EB, D))),
        out_shape=(jax.ShapeDtypeStruct((n_e, D), jnp.float32),
                   jax.ShapeDtypeStruct((n_e, D), jnp.float32)),
    )(h_edges, gs, gr, w1, b1, w2, b2, w3, b3, g, beta)


def _node_mlp_kernel(h_ref, pa_ref, pb_ref, w1, b1, w2, b2, w3, b3, g, beta,
                     ho_ref):
    h = h_ref[...]
    agg = pa_ref[0] + pa_ref[1] + pb_ref[0] + pb_ref[1]
    x = jnp.concatenate([h, agg], axis=-1)
    x1 = jax.nn.relu(_dot(x, w1[...]) + b1[...])
    x2 = jax.nn.relu(_dot(x1, w2[...]) + b2[...])
    y = _dot(x2, w3[...]) + b3[...]
    ho_ref[...] = h + _ln(y, g[...], beta[...])


def _node_mlp(h, pa, pb, w1, b1, w2, b2, w3, b3, g, beta):
    p2 = pl.BlockSpec((2, NB, D), lambda i: (0, i, 0))
    return pl.pallas_call(
        _node_mlp_kernel,
        grid=(N_NODES // NB,),
        in_specs=[_rows((NB, D)), p2, p2,
                  _full((2 * D, D)), _full((1, D)), _full((D, D)), _full((1, D)),
                  _full((D, D)), _full((1, D)), _full((1, D)), _full((1, D))],
        out_specs=_rows((NB, D)),
        out_shape=jax.ShapeDtypeStruct((N_NODES, D), jnp.float32),
    )(h, pa, pb, w1, b1, w2, b2, w3, b3, g, beta)



def _sc_gather(ab, idx_flat, n_e):
    ept = n_e // NS
    gnch = ept // GC

    @functools.partial(
        pl.kernel,
        out_type=(jax.ShapeDtypeStruct((n_e, D), jnp.float32),
                  jax.ShapeDtypeStruct((n_e, D), jnp.float32)),
        mesh=_sc_mesh(),
        compiler_params=_SC_PARAMS,
        scratch_types=[
            pltpu.VMEM((GC,), jnp.int32),
            pltpu.VMEM((GC,), jnp.int32),
            pltpu.VMEM((GC, D), jnp.float32),
            pltpu.VMEM((GC, D), jnp.float32),
            pltpu.VMEM((GC, D), jnp.float32),
            pltpu.VMEM_SHARED((N_NODES, D), jnp.float32),
            pltpu.SemaphoreType.DMA,
            pltpu.SemaphoreType.DMA,
            pltpu.SemaphoreType.DMA,
        ],
    )
    def k(ab_hbm, idx_hbm, gs_hbm, gr_hbm,
          i0_v, i1_v, r0_v, r1_v, stage_v, tbl_sh, gsem, osem0, osem1):
        cid = lax.axis_index("c")
        sid = lax.axis_index("s")

        def tload(j, carry):
            c = sid + j * NS

            @pl.when(c < ROW_CHUNKS)
            def _():
                pltpu.sync_copy(ab_hbm.at[cid, pl.ds(c * GC, GC)], stage_v)
                pltpu.sync_copy(stage_v, tbl_sh.at[pl.ds(c * GC, GC)])
            return carry

        lax.fori_loop(0, (ROW_CHUNKS + NS - 1) // NS, tload, 0)
        plsc.subcore_barrier()

        bufs = ((i0_v, r0_v, osem0), (i1_v, r1_v, osem1))

        def run(out_hbm):
            def chunk_body(iv, rv, osem, base):
                pltpu.sync_copy(idx_hbm.at[pl.ds(cid * n_e + base, GC)], iv)
                pltpu.async_copy(tbl_sh.at[iv], rv, gsem).wait()
                pltpu.async_copy(rv, out_hbm.at[pl.ds(base, GC)], osem)

            def pair(j, carry):
                for bi, (iv, rv, osem) in enumerate(bufs):
                    @pl.when(j > 0)
                    def _():
                        pltpu.make_async_copy(
                            rv, out_hbm.at[pl.ds(0, GC)], osem).wait()

                    chunk_body(iv, rv, osem, sid * ept + (2 * j + bi) * GC)
                return carry

            lax.fori_loop(0, gnch // 2, pair, 0)
            if gnch % 2:
                iv, rv, osem = bufs[0]
                pltpu.make_async_copy(
                    rv, out_hbm.at[pl.ds(0, GC)], osem).wait()
                chunk_body(iv, rv, osem, sid * ept + (gnch - 1) * GC)
            for iv, rv, osem in bufs:
                pltpu.make_async_copy(
                    rv, out_hbm.at[pl.ds(0, GC)], osem).wait()

        @pl.when(cid == 0)
        def _():
            run(gs_hbm)

        @pl.when(cid == 1)
        def _():
            run(gr_hbm)

    return k(ab, idx_flat)


SGC = 40


def _sc_scatter(u, ridx, zeros_blk, n_e):
    epw = n_e // NW
    nchunk = epw // SGC
    assert nchunk % 2 == 1 and epw % SGC == 0

    @functools.partial(
        pl.kernel,
        out_type=jax.ShapeDtypeStruct((NC, N_NODES, D), jnp.float32),
        mesh=_sc_mesh(),
        compiler_params=_SC_PARAMS,
        scratch_types=[
            pltpu.VMEM((SGC, D), jnp.float32),
            pltpu.VMEM((SGC,), jnp.int32),
            pltpu.VMEM((SGC, D), jnp.float32),
            pltpu.VMEM((SGC,), jnp.int32),
            pltpu.VMEM((GC, D), jnp.float32),
            pltpu.VMEM_SHARED((N_NODES, D), jnp.float32),
            pltpu.SemaphoreType.DMA,
            pltpu.SemaphoreType.DMA,
        ],
    )
    def k(u_hbm, ri_hbm, z_hbm, p_hbm, u_v, ri_v, u2_v, ri2_v, row_v, acc_sh,
          lsem0, lsem1):
        cid = lax.axis_index("c")
        sid = lax.axis_index("s")
        wid = sid * NC + cid

        pltpu.sync_copy(z_hbm, row_v)

        def zloop(j, carry):
            c = sid + j * NS

            @pl.when(c < ROW_CHUNKS)
            def _():
                pltpu.sync_copy(row_v, acc_sh.at[pl.ds(c * GC, GC)])
            return carry

        lax.fori_loop(0, (ROW_CHUNKS + NS - 1) // NS, zloop, 0)
        plsc.subcore_barrier()

        ebase = wid * epw
        pltpu.sync_copy(ri_hbm.at[pl.ds(ebase, SGC)], ri_v)
        pltpu.sync_copy(u_hbm.at[pl.ds(ebase, SGC)], u_v)

        def pair(j, carry):
            b1 = ebase + (2 * j + 1) * SGC
            c1u = pltpu.async_copy(u_hbm.at[pl.ds(b1, SGC)], u2_v, lsem0)
            c1r = pltpu.async_copy(ri_hbm.at[pl.ds(b1, SGC)], ri2_v, lsem1)
            pltpu.sync_copy(u_v, acc_sh.at[ri_v], add=True)
            c1u.wait()
            c1r.wait()
            b2 = ebase + (2 * j + 2) * SGC
            c2u = pltpu.async_copy(u_hbm.at[pl.ds(b2, SGC)], u_v, lsem0)
            c2r = pltpu.async_copy(ri_hbm.at[pl.ds(b2, SGC)], ri_v, lsem1)
            pltpu.sync_copy(u2_v, acc_sh.at[ri2_v], add=True)
            c2u.wait()
            c2r.wait()
            return carry

        lax.fori_loop(0, (nchunk - 1) // 2, pair, 0)
        pltpu.sync_copy(u_v, acc_sh.at[ri_v], add=True)
        plsc.subcore_barrier()

        def oloop(j, carry):
            c = sid + j * NS

            @pl.when(c < ROW_CHUNKS)
            def _():
                pltpu.sync_copy(acc_sh.at[pl.ds(c * GC, GC)], row_v)
                pltpu.sync_copy(row_v, p_hbm.at[cid, pl.ds(c * GC, GC)])
            return carry

        lax.fori_loop(0, (ROW_CHUNKS + NS - 1) // NS, oloop, 0)

    return k(u, ridx, zeros_blk)



EH = N_EDGES // 2


def kernel(node_features, edge_features, edge_index, params):
    idx2 = edge_index.astype(jnp.int32)
    sender, receiver = idx2[0], idx2[1]
    idx_h = [jnp.concatenate([sender[h * EH:(h + 1) * EH],
                              receiver[h * EH:(h + 1) * EH]]) for h in (0, 1)]
    ridx_h = [receiver[h * EH:(h + 1) * EH] for h in (0, 1)]
    zeros_blk = jnp.zeros((GC, D), jnp.float32)

    h_nodes = _mlp_ln(node_features, params["node_enc"], NB)
    h_edges_full = _mlp_ln(edge_features, params["edge_enc"], EB)
    he_init = (h_edges_full[:EH], h_edges_full[EH:])

    layers = params["layers"]

    def stack(fn):
        return jnp.stack([fn(lp) for lp in layers])

    lw = {
        "ew1": stack(lambda lp: lp["edge_mlp"]["fc1"]["w"]),
        "eb1": stack(lambda lp: lp["edge_mlp"]["fc1"]["b"]),
        "ew2": stack(lambda lp: lp["edge_mlp"]["fc2"]["w"]),
        "eb2": stack(lambda lp: lp["edge_mlp"]["fc2"]["b"]),
        "ew3": stack(lambda lp: lp["edge_mlp"]["fc3"]["w"]),
        "eb3": stack(lambda lp: lp["edge_mlp"]["fc3"]["b"]),
        "eg": stack(lambda lp: lp["edge_mlp"]["ln"]["g"]),
        "ebt": stack(lambda lp: lp["edge_mlp"]["ln"]["b"]),
        "nw1": stack(lambda lp: lp["node_mlp"]["fc1"]["w"]),
        "nb1": stack(lambda lp: lp["node_mlp"]["fc1"]["b"]),
        "nw2": stack(lambda lp: lp["node_mlp"]["fc2"]["w"]),
        "nb2": stack(lambda lp: lp["node_mlp"]["fc2"]["b"]),
        "nw3": stack(lambda lp: lp["node_mlp"]["fc3"]["w"]),
        "nb3": stack(lambda lp: lp["node_mlp"]["fc3"]["b"]),
        "ng": stack(lambda lp: lp["node_mlp"]["ln"]["g"]),
        "nbt": stack(lambda lp: lp["node_mlp"]["ln"]["b"]),
    }

    def step(carry, w):
        h_nodes, he0, he1 = carry
        eargs = (w["ew1"][:D], w["eb1"][None, :], w["ew2"], w["eb2"][None, :],
                 w["ew3"], w["eb3"][None, :], w["eg"][None, :],
                 w["ebt"][None, :])
        wsr = jnp.stack([w["ew1"][D:2 * D], w["ew1"][2 * D:]])
        ab = _pre_proj(h_nodes, wsr)
        gs0, gr0 = _sc_gather(ab, idx_h[0], EH)
        gs1, gr1 = _sc_gather(ab, idx_h[1], EH)
        he0, u0 = _edge_mlp(he0, gs0, gr0, *eargs)
        he1, u1 = _edge_mlp(he1, gs1, gr1, *eargs)
        pa = _sc_scatter(u0, ridx_h[0], zeros_blk, EH)
        pb = _sc_scatter(u1, ridx_h[1], zeros_blk, EH)
        h_nodes = _node_mlp(h_nodes, pa, pb, w["nw1"], w["nb1"][None, :],
                            w["nw2"], w["nb2"][None, :], w["nw3"],
                            w["nb3"][None, :], w["ng"][None, :],
                            w["nbt"][None, :])
        return (h_nodes, he0, he1), None

    (h_nodes, _, _), _ = lax.scan(step, (h_nodes,) + he_init, lw)
    return _decoder(h_nodes, params["decoder"], NB)

# --- scband reference (transcript-rebuilt; emitter-appended) ---
"""Pipeline reference for scband-mesh-graph-net-71906342470111 (READ-ONLY COPY).

The authoritative reference and input builder live on the scoring server;
editing this copy changes nothing except your own understanding.
"""

import jax, jax.numpy as jnp
import numpy as np

EMBED = 128
HIDDEN = 128
NUM_LAYERS = 15
N_NODES = 10000
N_EDGES = 320000
NODE_FEAT = 12
EDGE_FEAT = 4
OUT_DIM = 3


def _linear_init(key, din, dout):
    w = jax.random.normal(key, (din, dout), jnp.float32) * (1.0 / np.sqrt(din))
    b = jnp.zeros((dout,), jnp.float32)
    return {"w": w, "b": b}


def _mlp_init(key, din, dout, ln=True, hidden=HIDDEN):
    k1, k2, k3 = jax.random.split(key, 3)
    p = {
        "fc1": _linear_init(k1, din, hidden),
        "fc2": _linear_init(k2, hidden, hidden),
        "fc3": _linear_init(k3, hidden, dout),
    }
    if ln:
        p["ln"] = {"g": jnp.ones((dout,), jnp.float32), "b": jnp.zeros((dout,), jnp.float32)}
    return p


def _mlp_apply(p, x):
    x = jax.nn.relu(x @ p["fc1"]["w"] + p["fc1"]["b"])
    x = jax.nn.relu(x @ p["fc2"]["w"] + p["fc2"]["b"])
    x = x @ p["fc3"]["w"] + p["fc3"]["b"]
    if "ln" in p:
        mu = jnp.mean(x, axis=-1, keepdims=True)
        var = jnp.var(x, axis=-1, keepdims=True)
        x = (x - mu) / jnp.sqrt(var + 1e-5) * p["ln"]["g"] + p["ln"]["b"]
    return x


def _forward(node_features, edge_features, params, edge_index):
    # Encoder
    h_nodes = _mlp_apply(params["node_enc"], node_features)
    h_edges = _mlp_apply(params["edge_enc"], edge_features)
    sender = edge_index[0]
    receiver = edge_index[1]
    # Processor: 15 message passing blocks
    for lp in params["layers"]:
        edge_inputs = jnp.concatenate(
            [h_edges, jnp.take(h_nodes, sender, axis=0), jnp.take(h_nodes, receiver, axis=0)],
            axis=-1,
        )
        edge_updates = _mlp_apply(lp["edge_mlp"], edge_inputs)
        aggregated = jax.ops.segment_sum(edge_updates, receiver, num_segments=h_nodes.shape[0])
        node_inputs = jnp.concatenate([h_nodes, aggregated], axis=-1)
        node_updates = _mlp_apply(lp["node_mlp"], node_inputs)
        h_edges = h_edges + edge_updates
        h_nodes = h_nodes + node_updates
    # Decoder (no layer norm)
    return _mlp_apply(params["decoder"], h_nodes)


def setup_inputs(seed: int = 0) -> dict:
    key = jax.random.key(seed)
    kn, ke, ki, kp = jax.random.split(key, 4)
    node_features = jax.random.normal(kn, (N_NODES, NODE_FEAT), jnp.float32)
    edge_features = jax.random.normal(ke, (N_EDGES, EDGE_FEAT), jnp.float32)
    edge_index = jax.random.randint(ki, (2, N_EDGES), 0, N_NODES)
    pkeys = jax.random.split(kp, NUM_LAYERS * 2 + 3)
    layers = []
    for i in range(NUM_LAYERS):
        layers.append({
            "edge_mlp": _mlp_init(pkeys[2 * i], 3 * EMBED, EMBED, ln=True),
            "node_mlp": _mlp_init(pkeys[2 * i + 1], 2 * EMBED, EMBED, ln=True),
        })
    params = {
        "node_enc": _mlp_init(pkeys[-3], NODE_FEAT, EMBED, ln=True),
        "edge_enc": _mlp_init(pkeys[-2], EDGE_FEAT, EMBED, ln=True),
        "layers": layers,
        "decoder": _mlp_init(pkeys[-1], EMBED, OUT_DIM, ln=False),
    }
    return {
        "node_features": node_features,
        "edge_features": edge_features,
        "edge_index": edge_index,
        "params": params,
    }


def reference(node_features, edge_features, edge_index, params):
    return _forward(node_features, edge_features, params, edge_index)

if __name__ == "__main__":
    import jax
    _d = setup_inputs()
    print(jax.jit(kernel)(*tuple(_d.values())))

</pallas_src>

<mosaic_0001>
#map = affine_map<(d0, d1) -> (0, 0)>
#map1 = affine_map<(d0, d1) -> (0)>
#map2 = affine_map<(d0, d1) -> (0, 0, 0)>
module attributes {stable_mosaic.version = 14 : i64} {
  func.func @k(%arg0: i32, %arg1: i32, %arg2: memref<160000x128xf32, #tpu.memory_space<hbm>>, %arg3: memref<160000xi32, #tpu.memory_space<hbm>>, %arg4: memref<80x128xf32, #tpu.memory_space<hbm>>, %arg5: memref<2x10000x128xf32, #tpu.memory_space<hbm>>, %arg6: memref<40x128xf32, #tpu.memory_space<vmem>>, %arg7: memref<40xi32, #tpu.memory_space<vmem>>, %arg8: memref<40x128xf32, #tpu.memory_space<vmem>>, %arg9: memref<40xi32, #tpu.memory_space<vmem>>, %arg10: memref<80x128xf32, #tpu.memory_space<vmem>>, %arg11: memref<10000x128xf32, #tpu.memory_space<vmem_shared>>, %arg12: memref<!tpu.dma_semaphore, #tpu.memory_space<semaphore_mem>>, %arg13: memref<!tpu.dma_semaphore, #tpu.memory_space<semaphore_mem>>) attributes {dimension_semantics = [#tpu.dimension_semantics<core_parallel>, #tpu.dimension_semantics<subcore_parallel>], iteration_bounds = array<i64: 2, 16>, scalar_prefetch = 0 : i64, scratch_operands = 8 : i64, tpu.core_type = #tpu.core_type<sc_vector_subcore>, window_params = [{transform_indices = #map}, {transform_indices = #map1}, {transform_indices = #map}, {transform_indices = #map2}]} {
    %mul3A = arith.constant 2 : i32
    %mul3A_0 = arith.muli %arg1, %mul3A : i32
    %add3A = arith.addi %mul3A_0, %arg0 : i32
    "tpu.region"() ({
      %run_scoped3A = tpu.sem_alloc : memref<!tpu.dma_semaphore, #tpu.memory_space<semaphore_mem>>
      tpu.enqueue_dma source(%arg4 : memref<80x128xf32, #tpu.memory_space<hbm>>) target(%arg10 : memref<80x128xf32, #tpu.memory_space<vmem>>) target_semaphore(%run_scoped3A : memref<!tpu.dma_semaphore, #tpu.memory_space<semaphore_mem>>)
      tpu.wait_dma2 semaphore(%run_scoped3A : memref<!tpu.dma_semaphore, #tpu.memory_space<semaphore_mem>>) src(%arg4 : memref<80x128xf32, #tpu.memory_space<hbm>>) dst(%arg10 : memref<80x128xf32, #tpu.memory_space<vmem>>)
      tpu.yield
    }) : () -> ()
    %scan3A = arith.constant 0 : i32
    %scan3A_1 = arith.constant 0 : i32
    %scan3A_2 = arith.constant 8 : i32
    %scan3A_3 = arith.addi %scan3A_1, %scan3A_2 : i32
    %scan3A_4 = arith.constant 1 : i32
    scf.for %scan3A_21 = %scan3A_1 to %scan3A_3 step %scan3A_4  : i32 {
      %mul3A_22 = arith.constant 16 : i32
      %mul3A_23 = arith.muli %scan3A_21, %mul3A_22 : i32
      %add3A_24 = arith.addi %arg1, %mul3A_23 : i32
      %lt3A = arith.constant 125 : i32
      %lt3A_25 = arith.cmpi slt, %add3A_24, %lt3A : i32
      %convert_element_type3A = arith.extui %lt3A_25 : i1 to i32
      %cond3A = arith.constant 0 : i32
      %cond3A_26 = arith.cmpi ne, %convert_element_type3A, %cond3A : i32
      scf.if %cond3A_26 {
        %mul3A_27 = arith.constant 80 : i32
        %mul3A_28 = arith.muli %add3A_24, %mul3A_27 : i32
        "tpu.region"() ({
          %run_scoped3A = tpu.sem_alloc : memref<!tpu.dma_semaphore, #tpu.memory_space<semaphore_mem>>
          %dma_start3A = arith.constant 0 : i32
          %dma_start3A_29 = tpu.memref_slice %arg11[%mul3A_28, %dma_start3A] : memref<10000x128xf32, #tpu.memory_space<vmem_shared>> -> memref<80x128xf32, #tpu.memory_space<vmem_shared>>
          %dma_start3A_30 = arith.constant 0 : i32
          %dma_start3A_31 = tpu.memref_slice %arg11[%mul3A_28, %dma_start3A_30] : memref<10000x128xf32, #tpu.memory_space<vmem_shared>> -> memref<80x128xf32, #tpu.memory_space<vmem_shared>>
          tpu.enqueue_dma source(%arg10 : memref<80x128xf32, #tpu.memory_space<vmem>>) target(%dma_start3A_31 : memref<80x128xf32, #tpu.memory_space<vmem_shared>>) target_semaphore(%run_scoped3A : memref<!tpu.dma_semaphore, #tpu.memory_space<semaphore_mem>>)
          %dma_wait3A = arith.constant 0 : i32
          %dma_wait3A_32 = tpu.memref_slice %arg11[%mul3A_28, %dma_wait3A] : memref<10000x128xf32, #tpu.memory_space<vmem_shared>> -> memref<80x128xf32, #tpu.memory_space<vmem_shared>>
          %dma_wait3A_33 = arith.constant 0 : i32
          %dma_wait3A_34 = tpu.memref_slice %arg11[%mul3A_28, %dma_wait3A_33] : memref<10000x128xf32, #tpu.memory_space<vmem_shared>> -> memref<80x128xf32, #tpu.memory_space<vmem_shared>>
          tpu.wait_dma2 semaphore(%run_scoped3A : memref<!tpu.dma_semaphore, #tpu.memory_space<semaphore_mem>>) src(%arg10 : memref<80x128xf32, #tpu.memory_space<vmem>>) dst(%dma_wait3A_34 : memref<80x128xf32, #tpu.memory_space<vmem_shared>>)
          tpu.yield
        }) : () -> ()
      } else {
      }
    }
    %scan3A_5 = arith.constant 8 : i32
    %barrier3A = arith.constant 0 : index
    tpu.barrier barrier_id(%barrier3A)
    %mul3A_6 = arith.constant 5000 : i32
    %mul3A_7 = arith.muli %add3A, %mul3A_6 : i32
    "tpu.region"() ({
      %run_scoped3A = tpu.sem_alloc : memref<!tpu.dma_semaphore, #tpu.memory_space<semaphore_mem>>
      %dma_start3A = tpu.memref_slice %arg3[%mul3A_7] : memref<160000xi32, #tpu.memory_space<hbm>> -> memref<40xi32, #tpu.memory_space<hbm>>
      %dma_start3A_21 = tpu.memref_slice %arg3[%mul3A_7] : memref<160000xi32, #tpu.memory_space<hbm>> -> memref<40xi32, #tpu.memory_space<hbm>>
      tpu.enqueue_dma source(%dma_start3A_21 : memref<40xi32, #tpu.memory_space<hbm>>) target(%arg7 : memref<40xi32, #tpu.memory_space<vmem>>) target_semaphore(%run_scoped3A : memref<!tpu.dma_semaphore, #tpu.memory_space<semaphore_mem>>)
      %dma_wait3A = tpu.memref_slice %arg3[%mul3A_7] : memref<160000xi32, #tpu.memory_space<hbm>> -> memref<40xi32, #tpu.memory_space<hbm>>
      %dma_wait3A_22 = tpu.memref_slice %arg3[%mul3A_7] : memref<160000xi32, #tpu.memory_space<hbm>> -> memref<40xi32, #tpu.memory_space<hbm>>
      tpu.wait_dma2 semaphore(%run_scoped3A : memref<!tpu.dma_semaphore, #tpu.memory_space<semaphore_mem>>) src(%dma_wait3A_22 : memref<40xi32, #tpu.memory_space<hbm>>) dst(%arg7 : memref<40xi32, #tpu.memory_space<vmem>>)
      tpu.yield
    }) : () -> ()
    "tpu.region"() ({
      %run_scoped3A = tpu.sem_alloc : memref<!tpu.dma_semaphore, #tpu.memory_space<semaphore_mem>>
      %dma_start3A = arith.constant 0 : i32
      %dma_start3A_21 = tpu.memref_slice %arg2[%mul3A_7, %dma_start3A] : memref<160000x128xf32, #tpu.memory_space<hbm>> -> memref<40x128xf32, #tpu.memory_space<hbm>>
      %dma_start3A_22 = arith.constant 0 : i32
      %dma_start3A_23 = tpu.memref_slice %arg2[%mul3A_7, %dma_start3A_22] : memref<160000x128xf32, #tpu.memory_space<hbm>> -> memref<40x128xf32, #tpu.memory_space<hbm>>
      tpu.enqueue_dma source(%dma_start3A_23 : memref<40x128xf32, #tpu.memory_space<hbm>>) target(%arg6 : memref<40x128xf32, #tpu.memory_space<vmem>>) target_semaphore(%run_scoped3A : memref<!tpu.dma_semaphore, #tpu.memory_space<semaphore_mem>>)
      %dma_wait3A = arith.constant 0 : i32
      %dma_wait3A_24 = tpu.memref_slice %arg2[%mul3A_7, %dma_wait3A] : memref<160000x128xf32, #tpu.memory_space<hbm>> -> memref<40x128xf32, #tpu.memory_space<hbm>>
      %dma_wait3A_25 = arith.constant 0 : i32
      %dma_wait3A_26 = tpu.memref_slice %arg2[%mul3A_7, %dma_wait3A_25] : memref<160000x128xf32, #tpu.memory_space<hbm>> -> memref<40x128xf32, #tpu.memory_space<hbm>>
      tpu.wait_dma2 semaphore(%run_scoped3A : memref<!tpu.dma_semaphore, #tpu.memory_space<semaphore_mem>>) src(%dma_wait3A_26 : memref<40x128xf32, #tpu.memory_space<hbm>>) dst(%arg6 : memref<40x128xf32, #tpu.memory_space<vmem>>)
      tpu.yield
    }) : () -> ()
    %scan3A_8 = arith.constant 0 : i32
    %scan3A_9 = arith.constant 0 : i32
    %scan3A_10 = arith.constant 62 : i32
    %scan3A_11 = arith.addi %scan3A_9, %scan3A_10 : i32
    %scan3A_12 = arith.constant 1 : i32
    scf.for %scan3A_21 = %scan3A_9 to %scan3A_11 step %scan3A_12  : i32 {
      %mul3A_22 = arith.constant 2 : i32
      %mul3A_23 = arith.muli %mul3A_22, %scan3A_21 : i32
      %add3A_24 = arith.constant 1 : i32
      %add3A_25 = arith.addi %mul3A_23, %add3A_24 : i32
      %mul3A_26 = arith.constant 40 : i32
      %mul3A_27 = arith.muli %add3A_25, %mul3A_26 : i32
      %add3A_28 = arith.addi %mul3A_7, %mul3A_27 : i32
      %dma_start3A = arith.constant 0 : i32
      %dma_start3A_29 = tpu.memref_slice %arg2[%add3A_28, %dma_start3A] : memref<160000x128xf32, #tpu.memory_space<hbm>> -> memref<40x128xf32, #tpu.memory_space<hbm>>
      %dma_start3A_30 = arith.constant 0 : i32
      %dma_start3A_31 = tpu.memref_slice %arg2[%add3A_28, %dma_start3A_30] : memref<160000x128xf32, #tpu.memory_space<hbm>> -> memref<40x128xf32, #tpu.memory_space<hbm>>
      tpu.enqueue_dma source(%dma_start3A_31 : memref<40x128xf32, #tpu.memory_space<hbm>>) target(%arg8 : memref<40x128xf32, #tpu.memory_space<vmem>>) target_semaphore(%arg12 : memref<!tpu.dma_semaphore, #tpu.memory_space<semaphore_mem>>)
      %dma_start3A_32 = tpu.memref_slice %arg3[%add3A_28] : memref<160000xi32, #tpu.memory_space<hbm>> -> memref<40xi32, #tpu.memory_space<hbm>>
      %dma_start3A_33 = tpu.memref_slice %arg3[%add3A_28] : memref<160000xi32, #tpu.memory_space<hbm>> -> memref<40xi32, #tpu.memory_space<hbm>>
      tpu.enqueue_dma source(%dma_start3A_33 : memref<40xi32, #tpu.memory_space<hbm>>) target(%arg9 : memref<40xi32, #tpu.memory_space<vmem>>) target_semaphore(%arg13 : memref<!tpu.dma_semaphore, #tpu.memory_space<semaphore_mem>>)
      "tpu.region"() ({
        %run_scoped3A = tpu.sem_alloc : memref<!tpu.dma_semaphore, #tpu.memory_space<semaphore_mem>>
        %dma_start3A_58 = arith.constant 0 : i32
        %dma_start3A_59 = arith.constant 0 : i32
        %dma_start3A_60 = tpu.memref_slice %arg11[%dma_start3A_58, %dma_start3A_59] : memref<10000x128xf32, #tpu.memory_space<vmem_shared>> -> memref<10000x128xf32, #tpu.memory_space<vmem_shared>>
        tpu.enqueue_indirect_dma source(%arg6 : memref<40x128xf32, #tpu.memory_space<vmem>>) target(%dma_start3A_60 : memref<10000x128xf32, #tpu.memory_space<vmem_shared>>) offsets(%arg7 : memref<40xi32, #tpu.memory_space<vmem>>) semaphore(%run_scoped3A : memref<!tpu.dma_semaphore, #tpu.memory_space<semaphore_mem>>) {add = true}
        %dma_wait3A_61 = arith.constant 0 : i32
        %dma_wait3A_62 = arith.constant 0 : i32
        %dma_wait3A_63 = tpu.memref_slice %arg11[%dma_wait3A_61, %dma_wait3A_62] : memref<10000x128xf32, #tpu.memory_space<vmem_shared>> -> memref<10000x128xf32, #tpu.memory_space<vmem_shared>>
        tpu.wait_indirect_dma semaphore(%run_scoped3A : memref<!tpu.dma_semaphore, #tpu.memory_space<semaphore_mem>>) src(%arg6 : memref<40x128xf32, #tpu.memory_space<vmem>>) dst(%dma_wait3A_63 : memref<10000x128xf32, #tpu.memory_space<vmem_shared>>)
        tpu.yield
      }) : () -> ()
      %dma_wait3A = arith.constant 0 : i32
      %dma_wait3A_34 = tpu.memref_slice %arg2[%add3A_28, %dma_wait3A] : memref<160000x128xf32, #tpu.memory_space<hbm>> -> memref<40x128xf32, #tpu.memory_space<hbm>>
      %dma_wait3A_35 = arith.constant 0 : i32
      %dma_wait3A_36 = tpu.memref_slice %arg2[%add3A_28, %dma_wait3A_35] : memref<160000x128xf32, #tpu.memory_space<hbm>> -> memref<40x128xf32, #tpu.memory_space<hbm>>
      tpu.wait_dma2 semaphore(%arg12 : memref<!tpu.dma_semaphore, #tpu.memory_space<semaphore_mem>>) src(%dma_wait3A_36 : memref<40x128xf32, #tpu.memory_space<hbm>>) dst(%arg8 : memref<40x128xf32, #tpu.memory_space<vmem>>)
      %dma_wait3A_37 = tpu.memref_slice %arg3[%add3A_28] : memref<160000xi32, #tpu.memory_space<hbm>> -> memref<40xi32, #tpu.memory_space<hbm>>
      %dma_wait3A_38 = tpu.memref_slice %arg3[%add3A_28] : memref<160000xi32, #tpu.memory_space<hbm>> -> memref<40xi32, #tpu.memory_space<hbm>>
      tpu.wait_dma2 semaphore(%arg13 : memref<!tpu.dma_semaphore, #tpu.memory_space<semaphore_mem>>) src(%dma_wait3A_38 : memref<40xi32, #tpu.memory_space<hbm>>) dst(%arg9 : memref<40xi32, #tpu.memory_space<vmem>>)
      %mul3A_39 = arith.constant 2 : i32
      %mul3A_40 = arith.muli %mul3A_39, %scan3A_21 : i32
      %add3A_41 = arith.constant 2 : i32
      %add3A_42 = arith.addi %mul3A_40, %add3A_41 : i32
      %mul3A_43 = arith.constant 40 : i32
      %mul3A_44 = arith.muli %add3A_42, %mul3A_43 : i32
      %add3A_45 = arith.addi %mul3A_7, %mul3A_44 : i32
      %dma_start3A_46 = arith.constant 0 : i32
      %dma_start3A_47 = tpu.memref_slice %arg2[%add3A_45, %dma_start3A_46] : memref<160000x128xf32, #tpu.memory_space<hbm>> -> memref<40x128xf32, #tpu.memory_space<hbm>>
      %dma_start3A_48 = arith.constant 0 : i32
      %dma_start3A_49 = tpu.memref_slice %arg2[%add3A_45, %dma_start3A_48] : memref<160000x128xf32, #tpu.memory_space<hbm>> -> memref<40x128xf32, #tpu.memory_space<hbm>>
      tpu.enqueue_dma source(%dma_start3A_49 : memref<40x128xf32, #tpu.memory_space<hbm>>) target(%arg6 : memref<40x128xf32, #tpu.memory_space<vmem>>) target_semaphore(%arg12 : memref<!tpu.dma_semaphore, #tpu.memory_space<semaphore_mem>>)
      %dma_start3A_50 = tpu.memref_slice %arg3[%add3A_45] : memref<160000xi32, #tpu.memory_space<hbm>> -> memref<40xi32, #tpu.memory_space<hbm>>
      %dma_start3A_51 = tpu.memref_slice %arg3[%add3A_45] : memref<160000xi32, #tpu.memory_space<hbm>> -> memref<40xi32, #tpu.memory_space<hbm>>
      tpu.enqueue_dma source(%dma_start3A_51 : memref<40xi32, #tpu.memory_space<hbm>>) target(%arg7 : memref<40xi32, #tpu.memory_space<vmem>>) target_semaphore(%arg13 : memref<!tpu.dma_semaphore, #tpu.memory_space<semaphore_mem>>)
      "tpu.region"() ({
        %run_scoped3A = tpu.sem_alloc : memref<!tpu.dma_semaphore, #tpu.memory_space<semaphore_mem>>
        %dma_start3A_58 = arith.constant 0 : i32
        %dma_start3A_59 = arith.constant 0 : i32
        %dma_start3A_60 = tpu.memref_slice %arg11[%dma_start3A_58, %dma_start3A_59] : memref<10000x128xf32, #tpu.memory_space<vmem_shared>> -> memref<10000x128xf32, #tpu.memory_space<vmem_shared>>
        tpu.enqueue_indirect_dma source(%arg8 : memref<40x128xf32, #tpu.memory_space<vmem>>) target(%dma_start3A_60 : memref<10000x128xf32, #tpu.memory_space<vmem_shared>>) offsets(%arg9 : memref<40xi32, #tpu.memory_space<vmem>>) semaphore(%run_scoped3A : memref<!tpu.dma_semaphore, #tpu.memory_space<semaphore_mem>>) {add = true}
        %dma_wait3A_61 = arith.constant 0 : i32
        %dma_wait3A_62 = arith.constant 0 : i32
        %dma_wait3A_63 = tpu.memref_slice %arg11[%dma_wait3A_61, %dma_wait3A_62] : memref<10000x128xf32, #tpu.memory_space<vmem_shared>> -> memref<10000x128xf32, #tpu.memory_space<vmem_shared>>
        tpu.wait_indirect_dma semaphore(%run_scoped3A : memref<!tpu.dma_semaphore, #tpu.memory_space<semaphore_mem>>) src(%arg8 : memref<40x128xf32, #tpu.memory_space<vmem>>) dst(%dma_wait3A_63 : memref<10000x128xf32, #tpu.memory_space<vmem_shared>>)
        tpu.yield
      }) : () -> ()
      %dma_wait3A_52 = arith.constant 0 : i32
      %dma_wait3A_53 = tpu.memref_slice %arg2[%add3A_45, %dma_wait3A_52] : memref<160000x128xf32, #tpu.memory_space<hbm>> -> memref<40x128xf32, #tpu.memory_space<hbm>>
      %dma_wait3A_54 = arith.constant 0 : i32
      %dma_wait3A_55 = tpu.memref_slice %arg2[%add3A_45, %dma_wait3A_54] : memref<160000x128xf32, #tpu.memory_space<hbm>> -> memref<40x128xf32, #tpu.memory_space<hbm>>
      tpu.wait_dma2 semaphore(%arg12 : memref<!tpu.dma_semaphore, #tpu.memory_space<semaphore_mem>>) src(%dma_wait3A_55 : memref<40x128xf32, #tpu.memory_space<hbm>>) dst(%arg6 : memref<40x128xf32, #tpu.memory_space<vmem>>)
      %dma_wait3A_56 = tpu.memref_slice %arg3[%add3A_45] : memref<160000xi32, #tpu.memory_space<hbm>> -> memref<40xi32, #tpu.memory_space<hbm>>
      %dma_wait3A_57 = tpu.memref_slice %arg3[%add3A_45] : memref<160000xi32, #tpu.memory_space<hbm>> -> memref<40xi32, #tpu.memory_space<hbm>>
      tpu.wait_dma2 semaphore(%arg13 : memref<!tpu.dma_semaphore, #tpu.memory_space<semaphore_mem>>) src(%dma_wait3A_57 : memref<40xi32, #tpu.memory_space<hbm>>) dst(%arg7 : memref<40xi32, #tpu.memory_space<vmem>>)
    }
    %scan3A_13 = arith.constant 62 : i32
    "tpu.region"() ({
      %run_scoped3A = tpu.sem_alloc : memref<!tpu.dma_semaphore, #tpu.memory_space<semaphore_mem>>
      %dma_start3A = arith.constant 0 : i32
      %dma_start3A_21 = arith.constant 0 : i32
      %dma_start3A_22 = tpu.memref_slice %arg11[%dma_start3A, %dma_start3A_21] : memref<10000x128xf32, #tpu.memory_space<vmem_shared>> -> memref<10000x128xf32, #tpu.memory_space<vmem_shared>>
      tpu.enqueue_indirect_dma source(%arg6 : memref<40x128xf32, #tpu.memory_space<vmem>>) target(%dma_start3A_22 : memref<10000x128xf32, #tpu.memory_space<vmem_shared>>) offsets(%arg7 : memref<40xi32, #tpu.memory_space<vmem>>) semaphore(%run_scoped3A : memref<!tpu.dma_semaphore, #tpu.memory_space<semaphore_mem>>) {add = true}
      %dma_wait3A = arith.constant 0 : i32
      %dma_wait3A_23 = arith.constant 0 : i32
      %dma_wait3A_24 = tpu.memref_slice %arg11[%dma_wait3A, %dma_wait3A_23] : memref<10000x128xf32, #tpu.memory_space<vmem_shared>> -> memref<10000x128xf32, #tpu.memory_space<vmem_shared>>
      tpu.wait_indirect_dma semaphore(%run_scoped3A : memref<!tpu.dma_semaphore, #tpu.memory_space<semaphore_mem>>) src(%arg6 : memref<40x128xf32, #tpu.memory_space<vmem>>) dst(%dma_wait3A_24 : memref<10000x128xf32, #tpu.memory_space<vmem_shared>>)
      tpu.yield
    }) : () -> ()
    %barrier3A_14 = arith.constant 0 : index
    tpu.barrier barrier_id(%barrier3A_14)
    %scan3A_15 = arith.constant 0 : i32
    %scan3A_16 = arith.constant 0 : i32
    %scan3A_17 = arith.constant 8 : i32
    %scan3A_18 = arith.addi %scan3A_16, %scan3A_17 : i32
    %scan3A_19 = arith.constant 1 : i32
    scf.for %scan3A_21 = %scan3A_16 to %scan3A_18 step %scan3A_19  : i32 {
      %mul3A_22 = arith.constant 16 : i32
      %mul3A_23 = arith.muli %scan3A_21, %mul3A_22 : i32
      %add3A_24 = arith.addi %arg1, %mul3A_23 : i32
      %lt3A = arith.constant 125 : i32
      %lt3A_25 = arith.cmpi slt, %add3A_24, %lt3A : i32
      %convert_element_type3A = arith.extui %lt3A_25 : i1 to i32
      %cond3A = arith.constant 0 : i32
      %cond3A_26 = arith.cmpi ne, %convert_element_type3A, %cond3A : i32
      scf.if %cond3A_26 {
        %mul3A_27 = arith.constant 80 : i32
        %mul3A_28 = arith.muli %add3A_24, %mul3A_27 : i32
        "tpu.region"() ({
          %run_scoped3A = tpu.sem_alloc : memref<!tpu.dma_semaphore, #tpu.memory_space<semaphore_mem>>
          %dma_start3A = arith.constant 0 : i32
          %dma_start3A_31 = tpu.memref_slice %arg11[%mul3A_28, %dma_start3A] : memref<10000x128xf32, #tpu.memory_space<vmem_shared>> -> memref<80x128xf32, #tpu.memory_space<vmem_shared>>
          %dma_start3A_32 = arith.constant 0 : i32
          %dma_start3A_33 = tpu.memref_slice %arg11[%mul3A_28, %dma_start3A_32] : memref<10000x128xf32, #tpu.memory_space<vmem_shared>> -> memref<80x128xf32, #tpu.memory_space<vmem_shared>>
          tpu.enqueue_dma source(%dma_start3A_33 : memref<80x128xf32, #tpu.memory_space<vmem_shared>>) target(%arg10 : memref<80x128xf32, #tpu.memory_space<vmem>>) target_semaphore(%run_scoped3A : memref<!tpu.dma_semaphore, #tpu.memory_space<semaphore_mem>>)
          %dma_wait3A = arith.constant 0 : i32
          %dma_wait3A_34 = tpu.memref_slice %arg11[%mul3A_28, %dma_wait3A] : memref<10000x128xf32, #tpu.memory_space<vmem_shared>> -> memref<80x128xf32, #tpu.memory_space<vmem_shared>>
          %dma_wait3A_35 = arith.constant 0 : i32
          %dma_wait3A_36 = tpu.memref_slice %arg11[%mul3A_28, %dma_wait3A_35] : memref<10000x128xf32, #tpu.memory_space<vmem_shared>> -> memref<80x128xf32, #tpu.memory_space<vmem_shared>>
          tpu.wait_dma2 semaphore(%run_scoped3A : memref<!tpu.dma_semaphore, #tpu.memory_space<semaphore_mem>>) src(%dma_wait3A_36 : memref<80x128xf32, #tpu.memory_space<vmem_shared>>) dst(%arg10 : memref<80x128xf32, #tpu.memory_space<vmem>>)
          tpu.yield
        }) : () -> ()
        %mul3A_29 = arith.constant 80 : i32
        %mul3A_30 = arith.muli %add3A_24, %mul3A_29 : i32
        "tpu.region"() ({
          %run_scoped3A = tpu.sem_alloc : memref<!tpu.dma_semaphore, #tpu.memory_space<semaphore_mem>>
          %dma_start3A = arith.constant 0 : i32
          %dma_start3A_31 = tpu.memref_slice %arg5[%arg0, %mul3A_30, %dma_start3A] : memref<2x10000x128xf32, #tpu.memory_space<hbm>> -> memref<1x80x128xf32, #tpu.memory_space<hbm>>
          %dma_start3A_32 = tpu.memref_squeeze %dma_start3A_31 : memref<1x80x128xf32, #tpu.memory_space<hbm>> -> memref<80x128xf32, #tpu.memory_space<hbm>>
          %dma_start3A_33 = arith.constant 0 : i32
          %dma_start3A_34 = tpu.memref_slice %arg5[%arg0, %mul3A_30, %dma_start3A_33] : memref<2x10000x128xf32, #tpu.memory_space<hbm>> -> memref<1x80x128xf32, #tpu.memory_space<hbm>>
          %dma_start3A_35 = tpu.memref_squeeze %dma_start3A_34 : memref<1x80x128xf32, #tpu.memory_space<hbm>> -> memref<80x128xf32, #tpu.memory_space<hbm>>
          tpu.enqueue_dma source(%arg10 : memref<80x128xf32, #tpu.memory_space<vmem>>) target(%dma_start3A_35 : memref<80x128xf32, #tpu.memory_space<hbm>>) target_semaphore(%run_scoped3A : memref<!tpu.dma_semaphore, #tpu.memory_space<semaphore_mem>>)
          %dma_wait3A = arith.constant 0 : i32
          %dma_wait3A_36 = tpu.memref_slice %arg5[%arg0, %mul3A_30, %dma_wait3A] : memref<2x10000x128xf32, #tpu.memory_space<hbm>> -> memref<1x80x128xf32, #tpu.memory_space<hbm>>
          %dma_wait3A_37 = tpu.memref_squeeze %dma_wait3A_36 : memref<1x80x128xf32, #tpu.memory_space<hbm>> -> memref<80x128xf32, #tpu.memory_space<hbm>>
          %dma_wait3A_38 = arith.constant 0 : i32
          %dma_wait3A_39 = tpu.memref_slice %arg5[%arg0, %mul3A_30, %dma_wait3A_38] : memref<2x10000x128xf32, #tpu.memory_space<hbm>> -> memref<1x80x128xf32, #tpu.memory_space<hbm>>
          %dma_wait3A_40 = tpu.memref_squeeze %dma_wait3A_39 : memref<1x80x128xf32, #tpu.memory_space<hbm>> -> memref<80x128xf32, #tpu.memory_space<hbm>>
          tpu.wait_dma2 semaphore(%run_scoped3A : memref<!tpu.dma_semaphore, #tpu.memory_space<semaphore_mem>>) src(%arg10 : memref<80x128xf32, #tpu.memory_space<vmem>>) dst(%dma_wait3A_40 : memref<80x128xf32, #tpu.memory_space<hbm>>)
          tpu.yield
        }) : () -> ()
      } else {
      }
    }
    %scan3A_20 = arith.constant 8 : i32
    return
  }
}

#map = affine_map<(d0, d1) -> (0, 0, 0)>
#map1 = affine_map<(d0, d1) -> (0)>
#map2 = affine_map<(d0, d1) -> (0, 0)>
module attributes {stable_mosaic.version = 14 : i64} {
  func.func @k(%arg0: i32, %arg1: i32, %arg2: memref<2x10000x128xf32, #tpu.memory_space<hbm>>, %arg3: memref<320000xi32, #tpu.memory_space<hbm>>, %arg4: memref<160000x128xf32, #tpu.memory_space<hbm>>, %arg5: memref<160000x128xf32, #tpu.memory_space<hbm>>, %arg6: memref<80xi32, #tpu.memory_space<vmem>>, %arg7: memref<80xi32, #tpu.memory_space<vmem>>, %arg8: memref<80x128xf32, #tpu.memory_space<vmem>>, %arg9: memref<80x128xf32, #tpu.memory_space<vmem>>, %arg10: memref<80x128xf32, #tpu.memory_space<vmem>>, %arg11: memref<10000x128xf32, #tpu.memory_space<vmem_shared>>, %arg12: memref<!tpu.dma_semaphore, #tpu.memory_space<semaphore_mem>>, %arg13: memref<!tpu.dma_semaphore, #tpu.memory_space<semaphore_mem>>, %arg14: memref<!tpu.dma_semaphore, #tpu.memory_space<semaphore_mem>>) attributes {dimension_semantics = [#tpu.dimension_semantics<core_parallel>, #tpu.dimension_semantics<subcore_parallel>], iteration_bounds = array<i64: 2, 16>, scalar_prefetch = 0 : i64, scratch_operands = 9 : i64, tpu.core_type = #tpu.core_type<sc_vector_subcore>, window_params = [{transform_indices = #map}, {transform_indices = #map1}, {transform_indices = #map2}, {transform_indices = #map2}]} {
    %scan3A = arith.constant 0 : i32
    %scan3A_0 = arith.constant 0 : i32
    %scan3A_1 = arith.constant 8 : i32
    %scan3A_2 = arith.addi %scan3A_0, %scan3A_1 : i32
    %scan3A_3 = arith.constant 1 : i32
    scf.for %scan3A_12 = %scan3A_0 to %scan3A_2 step %scan3A_3  : i32 {
      %mul3A = arith.constant 16 : i32
      %mul3A_13 = arith.muli %scan3A_12, %mul3A : i32
      %add3A = arith.addi %arg1, %mul3A_13 : i32
      %lt3A = arith.constant 125 : i32
      %lt3A_14 = arith.cmpi slt, %add3A, %lt3A : i32
      %convert_element_type3A_15 = arith.extui %lt3A_14 : i1 to i32
      %cond3A_16 = arith.constant 0 : i32
      %cond3A_17 = arith.cmpi ne, %convert_element_type3A_15, %cond3A_16 : i32
      scf.if %cond3A_17 {
        %mul3A_18 = arith.constant 80 : i32
        %mul3A_19 = arith.muli %add3A, %mul3A_18 : i32
        "tpu.region"() ({
          %run_scoped3A = tpu.sem_alloc : memref<!tpu.dma_semaphore, #tpu.memory_space<semaphore_mem>>
          %dma_start3A = arith.constant 0 : i32
          %dma_start3A_22 = tpu.memref_slice %arg2[%arg0, %mul3A_19, %dma_start3A] : memref<2x10000x128xf32, #tpu.memory_space<hbm>> -> memref<1x80x128xf32, #tpu.memory_space<hbm>>
          %dma_start3A_23 = tpu.memref_squeeze %dma_start3A_22 : memref<1x80x128xf32, #tpu.memory_space<hbm>> -> memref<80x128xf32, #tpu.memory_space<hbm>>
          %dma_start3A_24 = arith.constant 0 : i32
          %dma_start3A_25 = tpu.memref_slice %arg2[%arg0, %mul3A_19, %dma_start3A_24] : memref<2x10000x128xf32, #tpu.memory_space<hbm>> -> memref<1x80x128xf32, #tpu.memory_space<hbm>>
          %dma_start3A_26 = tpu.memref_squeeze %dma_start3A_25 : memref<1x80x128xf32, #tpu.memory_space<hbm>> -> memref<80x128xf32, #tpu.memory_space<hbm>>
          tpu.enqueue_dma source(%dma_start3A_26 : memref<80x128xf32, #tpu.memory_space<hbm>>) target(%arg10 : memref<80x128xf32, #tpu.memory_space<vmem>>) target_semaphore(%run_scoped3A : memref<!tpu.dma_semaphore, #tpu.memory_space<semaphore_mem>>)
          %dma_wait3A = arith.constant 0 : i32
          %dma_wait3A_27 = tpu.memref_slice %arg2[%arg0, %mul3A_19, %dma_wait3A] : memref<2x10000x128xf32, #tpu.memory_space<hbm>> -> memref<1x80x128xf32, #tpu.memory_space<hbm>>
          %dma_wait3A_28 = tpu.memref_squeeze %dma_wait3A_27 : memref<1x80x128xf32, #tpu.memory_space<hbm>> -> memref<80x128xf32, #tpu.memory_space<hbm>>
          %dma_wait3A_29 = arith.constant 0 : i32
          %dma_wait3A_30 = tpu.memref_slice %arg2[%arg0, %mul3A_19, %dma_wait3A_29] : memref<2x10000x128xf32, #tpu.memory_space<hbm>> -> memref<1x80x128xf32, #tpu.memory_space<hbm>>
          %dma_wait3A_31 = tpu.memref_squeeze %dma_wait3A_30 : memref<1x80x128xf32, #tpu.memory_space<hbm>> -> memref<80x128xf32, #tpu.memory_space<hbm>>
          tpu.wait_dma2 semaphore(%run_scoped3A : memref<!tpu.dma_semaphore, #tpu.memory_space<semaphore_mem>>) src(%dma_wait3A_31 : memref<80x128xf32, #tpu.memory_space<hbm>>) dst(%arg10 : memref<80x128xf32, #tpu.memory_space<vmem>>)
          tpu.yield
        }) : () -> ()
        %mul3A_20 = arith.constant 80 : i32
        %mul3A_21 = arith.muli %add3A, %mul3A_20 : i32
        "tpu.region"() ({
          %run_scoped3A = tpu.sem_alloc : memref<!tpu.dma_semaphore, #tpu.memory_space<semaphore_mem>>
          %dma_start3A = arith.constant 0 : i32
          %dma_start3A_22 = tpu.memref_slice %arg11[%mul3A_21, %dma_start3A] : memref<10000x128xf32, #tpu.memory_space<vmem_shared>> -> memref<80x128xf32, #tpu.memory_space<vmem_shared>>
          %dma_start3A_23 = arith.constant 0 : i32
          %dma_start3A_24 = tpu.memref_slice %arg11[%mul3A_21, %dma_start3A_23] : memref<10000x128xf32, #tpu.memory_space<vmem_shared>> -> memref<80x128xf32, #tpu.memory_space<vmem_shared>>
          tpu.enqueue_dma source(%arg10 : memref<80x128xf32, #tpu.memory_space<vmem>>) target(%dma_start3A_24 : memref<80x128xf32, #tpu.memory_space<vmem_shared>>) target_semaphore(%run_scoped3A : memref<!tpu.dma_semaphore, #tpu.memory_space<semaphore_mem>>)
          %dma_wait3A = arith.constant 0 : i32
          %dma_wait3A_25 = tpu.memref_slice %arg11[%mul3A_21, %dma_wait3A] : memref<10000x128xf32, #tpu.memory_space<vmem_shared>> -> memref<80x128xf32, #tpu.memory_space<vmem_shared>>
          %dma_wait3A_26 = arith.constant 0 : i32
          %dma_wait3A_27 = tpu.memref_slice %arg11[%mul3A_21, %dma_wait3A_26] : memref<10000x128xf32, #tpu.memory_space<vmem_shared>> -> memref<80x128xf32, #tpu.memory_space<vmem_shared>>
          tpu.wait_dma2 semaphore(%run_scoped3A : memref<!tpu.dma_semaphore, #tpu.memory_space<semaphore_mem>>) src(%arg10 : memref<80x128xf32, #tpu.memory_space<vmem>>) dst(%dma_wait3A_27 : memref<80x128xf32, #tpu.memory_space<vmem_shared>>)
          tpu.yield
        }) : () -> ()
      } else {
      }
    }
    %scan3A_4 = arith.constant 8 : i32
    %barrier3A = arith.constant 0 : index
    tpu.barrier barrier_id(%barrier3A)
    %eq3A = arith.constant 0 : i32
    %eq3A_5 = arith.cmpi eq, %arg0, %eq3A : i32
    %convert_element_type3A = arith.extui %eq3A_5 : i1 to i32
    %cond3A = arith.constant 0 : i32
    %cond3A_6 = arith.cmpi ne, %convert_element_type3A, %cond3A : i32
    scf.if %cond3A_6 {
      %scan3A_12 = arith.constant 0 : i32
      %scan3A_13 = arith.constant 0 : i32
      %scan3A_14 = arith.constant 62 : i32
      %scan3A_15 = arith.addi %scan3A_13, %scan3A_14 : i32
      %scan3A_16 = arith.constant 1 : i32
      scf.for %scan3A_49 = %scan3A_13 to %scan3A_15 step %scan3A_16  : i32 {
        %gt3A = arith.constant 0 : i32
        %gt3A_50 = arith.cmpi sgt, %scan3A_49, %gt3A : i32
        %convert_element_type3A_51 = arith.extui %gt3A_50 : i1 to i32
        %cond3A_52 = arith.constant 0 : i32
        %cond3A_53 = arith.cmpi ne, %convert_element_type3A_51, %cond3A_52 : i32
        scf.if %cond3A_53 {
          %dma_wait3A_103 = arith.constant 0 : i32
          %dma_wait3A_104 = arith.constant 0 : i32
          %dma_wait3A_105 = tpu.memref_slice %arg4[%dma_wait3A_103, %dma_wait3A_104] : memref<160000x128xf32, #tpu.memory_space<hbm>> -> memref<80x128xf32, #tpu.memory_space<hbm>>
          %dma_wait3A_106 = arith.constant 0 : i32
          %dma_wait3A_107 = arith.constant 0 : i32
          %dma_wait3A_108 = tpu.memref_slice %arg4[%dma_wait3A_106, %dma_wait3A_107] : memref<160000x128xf32, #tpu.memory_space<hbm>> -> memref<80x128xf32, #tpu.memory_space<hbm>>
          tpu.wait_dma2 semaphore(%arg13 : memref<!tpu.dma_semaphore, #tpu.memory_space<semaphore_mem>>) src(%arg8 : memref<80x128xf32, #tpu.memory_space<vmem>>) dst(%dma_wait3A_108 : memref<80x128xf32, #tpu.memory_space<hbm>>)
        } else {
        }
        %mul3A_54 = arith.constant 10000 : i32
        %mul3A_55 = arith.muli %arg1, %mul3A_54 : i32
        %mul3A_56 = arith.constant 2 : i32
        %mul3A_57 = arith.muli %mul3A_56, %scan3A_49 : i32
        %add3A_58 = arith.constant 0 : i32
        %add3A_59 = arith.addi %mul3A_57, %add3A_58 : i32
        %mul3A_60 = arith.constant 80 : i32
        %mul3A_61 = arith.muli %add3A_59, %mul3A_60 : i32
        %add3A_62 = arith.addi %mul3A_55, %mul3A_61 : i32
        %mul3A_63 = arith.constant 160000 : i32
        %mul3A_64 = arith.muli %arg0, %mul3A_63 : i32
        %add3A_65 = arith.addi %mul3A_64, %add3A_62 : i32
        "tpu.region"() ({
          %run_scoped3A = tpu.sem_alloc : memref<!tpu.dma_semaphore, #tpu.memory_space<semaphore_mem>>
          %dma_start3A_103 = tpu.memref_slice %arg3[%add3A_65] : memref<320000xi32, #tpu.memory_space<hbm>> -> memref<80xi32, #tpu.memory_space<hbm>>
          %dma_start3A_104 = tpu.memref_slice %arg3[%add3A_65] : memref<320000xi32, #tpu.memory_space<hbm>> -> memref<80xi32, #tpu.memory_space<hbm>>
          tpu.enqueue_dma source(%dma_start3A_104 : memref<80xi32, #tpu.memory_space<hbm>>) target(%arg6 : memref<80xi32, #tpu.memory_space<vmem>>) target_semaphore(%run_scoped3A : memref<!tpu.dma_semaphore, #tpu.memory_space<semaphore_mem>>)
          %dma_wait3A_105 = tpu.memref_slice %arg3[%add3A_65] : memref<320000xi32, #tpu.memory_space<hbm>> -> memref<80xi32, #tpu.memory_space<hbm>>
          %dma_wait3A_106 = tpu.memref_slice %arg3[%add3A_65] : memref<320000xi32, #tpu.memory_space<hbm>> -> memref<80xi32, #tpu.memory_space<hbm>>
          tpu.wait_dma2 semaphore(%run_scoped3A : memref<!tpu.dma_semaphore, #tpu.memory_space<semaphore_mem>>) src(%dma_wait3A_106 : memref<80xi32, #tpu.memory_space<hbm>>) dst(%arg6 : memref<80xi32, #tpu.memory_space<vmem>>)
          tpu.yield
        }) : () -> ()
        %dma_start3A_66 = arith.constant 0 : i32
        %dma_start3A_67 = arith.constant 0 : i32
        %dma_start3A_68 = tpu.memref_slice %arg11[%dma_start3A_66, %dma_start3A_67] : memref<10000x128xf32, #tpu.memory_space<vmem_shared>> -> memref<10000x128xf32, #tpu.memory_space<vmem_shared>>
        tpu.enqueue_indirect_dma source(%dma_start3A_68 : memref<10000x128xf32, #tpu.memory_space<vmem_shared>>) target(%arg8 : memref<80x128xf32, #tpu.memory_space<vmem>>) offsets(%arg6 : memref<80xi32, #tpu.memory_space<vmem>>) semaphore(%arg12 : memref<!tpu.dma_semaphore, #tpu.memory_space<semaphore_mem>>)
        %dma_wait3A_69 = arith.constant 0 : i32
        %dma_wait3A_70 = arith.constant 0 : i32
        %dma_wait3A_71 = tpu.memref_slice %arg11[%dma_wait3A_69, %dma_wait3A_70] : memref<10000x128xf32, #tpu.memory_space<vmem_shared>> -> memref<10000x128xf32, #tpu.memory_space<vmem_shared>>
        tpu.wait_indirect_dma semaphore(%arg12 : memref<!tpu.dma_semaphore, #tpu.memory_space<semaphore_mem>>) src(%dma_wait3A_71 : memref<10000x128xf32, #tpu.memory_space<vmem_shared>>) dst(%arg8 : memref<80x128xf32, #tpu.memory_space<vmem>>)
        %dma_start3A_72 = arith.constant 0 : i32
        %dma_start3A_73 = tpu.memref_slice %arg4[%add3A_62, %dma_start3A_72] : memref<160000x128xf32, #tpu.memory_space<hbm>> -> memref<80x128xf32, #tpu.memory_space<hbm>>
        %dma_start3A_74 = arith.constant 0 : i32
        %dma_start3A_75 = tpu.memref_slice %arg4[%add3A_62, %dma_start3A_74] : memref<160000x128xf32, #tpu.memory_space<hbm>> -> memref<80x128xf32, #tpu.memory_space<hbm>>
        tpu.enqueue_dma source(%arg8 : memref<80x128xf32, #tpu.memory_space<vmem>>) target(%dma_start3A_75 : memref<80x128xf32, #tpu.memory_space<hbm>>) target_semaphore(%arg13 : memref<!tpu.dma_semaphore, #tpu.memory_space<semaphore_mem>>)
        %gt3A_76 = arith.constant 0 : i32
        %gt3A_77 = arith.cmpi sgt, %scan3A_49, %gt3A_76 : i32
        %convert_element_type3A_78 = arith.extui %gt3A_77 : i1 to i32
        %cond3A_79 = arith.constant 0 : i32
        %cond3A_80 = arith.cmpi ne, %convert_element_type3A_78, %cond3A_79 : i32
        scf.if %cond3A_80 {
          %dma_wait3A_103 = arith.constant 0 : i32
          %dma_wait3A_104 = arith.constant 0 : i32
          %dma_wait3A_105 = tpu.memref_slice %arg4[%dma_wait3A_103, %dma_wait3A_104] : memref<160000x128xf32, #tpu.memory_space<hbm>> -> memref<80x128xf32, #tpu.memory_space<hbm>>
          %dma_wait3A_106 = arith.constant 0 : i32
          %dma_wait3A_107 = arith.constant 0 : i32
          %dma_wait3A_108 = tpu.memref_slice %arg4[%dma_wait3A_106, %dma_wait3A_107] : memref<160000x128xf32, #tpu.memory_space<hbm>> -> memref<80x128xf32, #tpu.memory_space<hbm>>
          tpu.wait_dma2 semaphore(%arg14 : memref<!tpu.dma_semaphore, #tpu.memory_space<semaphore_mem>>) src(%arg9 : memref<80x128xf32, #tpu.memory_space<vmem>>) dst(%dma_wait3A_108 : memref<80x128xf32, #tpu.memory_space<hbm>>)
        } else {
        }
        %mul3A_81 = arith.constant 10000 : i32
        %mul3A_82 = arith.muli %arg1, %mul3A_81 : i32
        %mul3A_83 = arith.constant 2 : i32
        %mul3A_84 = arith.muli %mul3A_83, %scan3A_49 : i32
        %add3A_85 = arith.constant 1 : i32
        %add3A_86 = arith.addi %mul3A_84, %add3A_85 : i32
        %mul3A_87 = arith.constant 80 : i32
        %mul3A_88 = arith.muli %add3A_86, %mul3A_87 : i32
        %add3A_89 = arith.addi %mul3A_82, %mul3A_88 : i32
        %mul3A_90 = arith.constant 160000 : i32
        %mul3A_91 = arith.muli %arg0, %mul3A_90 : i32
        %add3A_92 = arith.addi %mul3A_91, %add3A_89 : i32
        "tpu.region"() ({
          %run_scoped3A = tpu.sem_alloc : memref<!tpu.dma_semaphore, #tpu.memory_space<semaphore_mem>>
          %dma_start3A_103 = tpu.memref_slice %arg3[%add3A_92] : memref<320000xi32, #tpu.memory_space<hbm>> -> memref<80xi32, #tpu.memory_space<hbm>>
          %dma_start3A_104 = tpu.memref_slice %arg3[%add3A_92] : memref<320000xi32, #tpu.memory_space<hbm>> -> memref<80xi32, #tpu.memory_space<hbm>>
          tpu.enqueue_dma source(%dma_start3A_104 : memref<80xi32, #tpu.memory_space<hbm>>) target(%arg7 : memref<80xi32, #tpu.memory_space<vmem>>) target_semaphore(%run_scoped3A : memref<!tpu.dma_semaphore, #tpu.memory_space<semaphore_mem>>)
          %dma_wait3A_105 = tpu.memref_slice %arg3[%add3A_92] : memref<320000xi32, #tpu.memory_space<hbm>> -> memref<80xi32, #tpu.memory_space<hbm>>
          %dma_wait3A_106 = tpu.memref_slice %arg3[%add3A_92] : memref<320000xi32, #tpu.memory_space<hbm>> -> memref<80xi32, #tpu.memory_space<hbm>>
          tpu.wait_dma2 semaphore(%run_scoped3A : memref<!tpu.dma_semaphore, #tpu.memory_space<semaphore_mem>>) src(%dma_wait3A_106 : memref<80xi32, #tpu.memory_space<hbm>>) dst(%arg7 : memref<80xi32, #tpu.memory_space<vmem>>)
          tpu.yield
        }) : () -> ()
        %dma_start3A_93 = arith.constant 0 : i32
        %dma_start3A_94 = arith.constant 0 : i32
        %dma_start3A_95 = tpu.memref_slice %arg11[%dma_start3A_93, %dma_start3A_94] : memref<10000x128xf32, #tpu.memory_space<vmem_shared>> -> memref<10000x128xf32, #tpu.memory_space<vmem_shared>>
        tpu.enqueue_indirect_dma source(%dma_start3A_95 : memref<10000x128xf32, #tpu.memory_space<vmem_shared>>) target(%arg9 : memref<80x128xf32, #tpu.memory_space<vmem>>) offsets(%arg7 : memref<80xi32, #tpu.memory_space<vmem>>) semaphore(%arg12 : memref<!tpu.dma_semaphore, #tpu.memory_space<semaphore_mem>>)
        %dma_wait3A_96 = arith.constant 0 : i32
        %dma_wait3A_97 = arith.constant 0 : i32
        %dma_wait3A_98 = tpu.memref_slice %arg11[%dma_wait3A_96, %dma_wait3A_97] : memref<10000x128xf32, #tpu.memory_space<vmem_shared>> -> memref<10000x128xf32, #tpu.memory_space<vmem_shared>>
        tpu.wait_indirect_dma semaphore(%arg12 : memref<!tpu.dma_semaphore, #tpu.memory_space<semaphore_mem>>) src(%dma_wait3A_98 : memref<10000x128xf32, #tpu.memory_space<vmem_shared>>) dst(%arg9 : memref<80x128xf32, #tpu.memory_space<vmem>>)
        %dma_start3A_99 = arith.constant 0 : i32
        %dma_start3A_100 = tpu.memref_slice %arg4[%add3A_89, %dma_start3A_99] : memref<160000x128xf32, #tpu.memory_space<hbm>> -> memref<80x128xf32, #tpu.memory_space<hbm>>
        %dma_start3A_101 = arith.constant 0 : i32
        %dma_start3A_102 = tpu.memref_slice %arg4[%add3A_89, %dma_start3A_101] : memref<160000x128xf32, #tpu.memory_space<hbm>> -> memref<80x128xf32, #tpu.memory_space<hbm>>
        tpu.enqueue_dma source(%arg9 : memref<80x128xf32, #tpu.memory_space<vmem>>) target(%dma_start3A_102 : memref<80x128xf32, #tpu.memory_space<hbm>>) target_semaphore(%arg14 : memref<!tpu.dma_semaphore, #tpu.memory_space<semaphore_mem>>)
      }
      %scan3A_17 = arith.constant 62 : i32
      %dma_wait3A = arith.constant 0 : i32
      %dma_wait3A_18 = arith.constant 0 : i32
      %dma_wait3A_19 = tpu.memref_slice %arg4[%dma_wait3A, %dma_wait3A_18] : memref<160000x128xf32, #tpu.memory_space<hbm>> -> memref<80x128xf32, #tpu.memory_space<hbm>>
      %dma_wait3A_20 = arith.constant 0 : i32
      %dma_wait3A_21 = arith.constant 0 : i32
      %dma_wait3A_22 = tpu.memref_slice %arg4[%dma_wait3A_20, %dma_wait3A_21] : memref<160000x128xf32, #tpu.memory_space<hbm>> -> memref<80x128xf32, #tpu.memory_space<hbm>>
      tpu.wait_dma2 semaphore(%arg13 : memref<!tpu.dma_semaphore, #tpu.memory_space<semaphore_mem>>) src(%arg8 : memref<80x128xf32, #tpu.memory_space<vmem>>) dst(%dma_wait3A_22 : memref<80x128xf32, #tpu.memory_space<hbm>>)
      %mul3A = arith.constant 10000 : i32
      %mul3A_23 = arith.muli %arg1, %mul3A : i32
      %add3A = arith.constant 9920 : i32
      %add3A_24 = arith.addi %mul3A_23, %add3A : i32
      %mul3A_25 = arith.constant 160000 : i32
      %mul3A_26 = arith.muli %arg0, %mul3A_25 : i32
      %add3A_27 = arith.addi %mul3A_26, %add3A_24 : i32
      "tpu.region"() ({
        %run_scoped3A = tpu.sem_alloc : memref<!tpu.dma_semaphore, #tpu.memory_space<semaphore_mem>>
        %dma_start3A_49 = tpu.memref_slice %arg3[%add3A_27] : memref<320000xi32, #tpu.memory_space<hbm>> -> memref<80xi32, #tpu.memory_space<hbm>>
        %dma_start3A_50 = tpu.memref_slice %arg3[%add3A_27] : memref<320000xi32, #tpu.memory_space<hbm>> -> memref<80xi32, #tpu.memory_space<hbm>>
        tpu.enqueue_dma source(%dma_start3A_50 : memref<80xi32, #tpu.memory_space<hbm>>) target(%arg6 : memref<80xi32, #tpu.memory_space<vmem>>) target_semaphore(%run_scoped3A : memref<!tpu.dma_semaphore, #tpu.memory_space<semaphore_mem>>)
        %dma_wait3A_51 = tpu.memref_slice %arg3[%add3A_27] : memref<320000xi32, #tpu.memory_space<hbm>> -> memref<80xi32, #tpu.memory_space<hbm>>
        %dma_wait3A_52 = tpu.memref_slice %arg3[%add3A_27] : memref<320000xi32, #tpu.memory_space<hbm>> -> memref<80xi32, #tpu.memory_space<hbm>>
        tpu.wait_dma2 semaphore(%run_scoped3A : memref<!tpu.dma_semaphore, #tpu.memory_space<semaphore_mem>>) src(%dma_wait3A_52 : memref<80xi32, #tpu.memory_space<hbm>>) dst(%arg6 : memref<80xi32, #tpu.memory_space<vmem>>)
        tpu.yield
      }) : () -> ()
      %dma_start3A = arith.constant 0 : i32
      %dma_start3A_28 = arith.constant 0 : i32
      %dma_start3A_29 = tpu.memref_slice %arg11[%dma_start3A, %dma_start3A_28] : memref<10000x128xf32, #tpu.memory_space<vmem_shared>> -> memref<10000x128xf32, #tpu.memory_space<vmem_shared>>
      tpu.enqueue_indirect_dma source(%dma_start3A_29 : memref<10000x128xf32, #tpu.memory_space<vmem_shared>>) target(%arg8 : memref<80x128xf32, #tpu.memory_space<vmem>>) offsets(%arg6 : memref<80xi32, #tpu.memory_space<vmem>>) semaphore(%arg12 : memref<!tpu.dma_semaphore, #tpu.memory_space<semaphore_mem>>)
      %dma_wait3A_30 = arith.constant 0 : i32
      %dma_wait3A_31 = arith.constant 0 : i32
      %dma_wait3A_32 = tpu.memref_slice %arg11[%dma_wait3A_30, %dma_wait3A_31] : memref<10000x128xf32, #tpu.memory_space<vmem_shared>> -> memref<10000x128xf32, #tpu.memory_space<vmem_shared>>
      tpu.wait_indirect_dma semaphore(%arg12 : memref<!tpu.dma_semaphore, #tpu.memory_space<semaphore_mem>>) src(%dma_wait3A_32 : memref<10000x128xf32, #tpu.memory_space<vmem_shared>>) dst(%arg8 : memref<80x128xf32, #tpu.memory_space<vmem>>)
      %dma_start3A_33 = arith.constant 0 : i32
      %dma_start3A_34 = tpu.memref_slice %arg4[%add3A_24, %dma_start3A_33] : memref<160000x128xf32, #tpu.memory_space<hbm>> -> memref<80x128xf32, #tpu.memory_space<hbm>>
      %dma_start3A_35 = arith.constant 0 : i32
      %dma_start3A_36 = tpu.memref_slice %arg4[%add3A_24, %dma_start3A_35] : memref<160000x128xf32, #tpu.memory_space<hbm>> -> memref<80x128xf32, #tpu.memory_space<hbm>>
      tpu.enqueue_dma source(%arg8 : memref<80x128xf32, #tpu.memory_space<vmem>>) target(%dma_start3A_36 : memref<80x128xf32, #tpu.memory_space<hbm>>) target_semaphore(%arg13 : memref<!tpu.dma_semaphore, #tpu.memory_space<semaphore_mem>>)
      %dma_wait3A_37 = arith.constant 0 : i32
      %dma_wait3A_38 = arith.constant 0 : i32
      %dma_wait3A_39 = tpu.memref_slice %arg4[%dma_wait3A_37, %dma_wait3A_38] : memref<160000x128xf32, #tpu.memory_space<hbm>> -> memref<80x128xf32, #tpu.memory_space<hbm>>
      %dma_wait3A_40 = arith.constant 0 : i32
      %dma_wait3A_41 = arith.constant 0 : i32
      %dma_wait3A_42 = tpu.memref_slice %arg4[%dma_wait3A_40, %dma_wait3A_41] : memref<160000x128xf32, #tpu.memory_space<hbm>> -> memref<80x128xf32, #tpu.memory_space<hbm>>
      tpu.wait_dma2 semaphore(%arg13 : memref<!tpu.dma_semaphore, #tpu.memory_space<semaphore_mem>>) src(%arg8 : memref<80x128xf32, #tpu.memory_space<vmem>>) dst(%dma_wait3A_42 : memref<80x128xf32, #tpu.memory_space<hbm>>)
      %dma_wait3A_43 = arith.constant 0 : i32
      %dma_wait3A_44 = arith.constant 0 : i32
      %dma_wait3A_45 = tpu.memref_slice %arg4[%dma_wait3A_43, %dma_wait3A_44] : memref<160000x128xf32, #tpu.memory_space<hbm>> -> memref<80x128xf32, #tpu.memory_space<hbm>>
      %dma_wait3A_46 = arith.constant 0 : i32
      %dma_wait3A_47 = arith.constant 0 : i32
      %dma_wait3A_48 = tpu.memref_slice %arg4[%dma_wait3A_46, %dma_wait3A_47] : memref<160000x128xf32, #tpu.memory_space<hbm>> -> memref<80x128xf32, #tpu.memory_space<hbm>>
      tpu.wait_dma2 semaphore(%arg14 : memref<!tpu.dma_semaphore, #tpu.memory_space<semaphore_mem>>) src(%arg9 : memref<80x128xf32, #tpu.memory_space<vmem>>) dst(%dma_wait3A_48 : memref<80x128xf32, #tpu.memory_space<hbm>>)
    } else {
    }
    %eq3A_7 = arith.constant 1 : i32
    %eq3A_8 = arith.cmpi eq, %arg0, %eq3A_7 : i32
    %convert_element_type3A_9 = arith.extui %eq3A_8 : i1 to i32
    %cond3A_10 = arith.constant 0 : i32
    %cond3A_11 = arith.cmpi ne, %convert_element_type3A_9, %cond3A_10 : i32
    scf.if %cond3A_11 {
      %scan3A_12 = arith.constant 0 : i32
      %scan3A_13 = arith.constant 0 : i32
      %scan3A_14 = arith.constant 62 : i32
      %scan3A_15 = arith.addi %scan3A_13, %scan3A_14 : i32
      %scan3A_16 = arith.constant 1 : i32
      scf.for %scan3A_49 = %scan3A_13 to %scan3A_15 step %scan3A_16  : i32 {
        %gt3A = arith.constant 0 : i32
        %gt3A_50 = arith.cmpi sgt, %scan3A_49, %gt3A : i32
        %convert_element_type3A_51 = arith.extui %gt3A_50 : i1 to i32
        %cond3A_52 = arith.constant 0 : i32
        %cond3A_53 = arith.cmpi ne, %convert_element_type3A_51, %cond3A_52 : i32
        scf.if %cond3A_53 {
          %dma_wait3A_103 = arith.constant 0 : i32
          %dma_wait3A_104 = arith.constant 0 : i32
          %dma_wait3A_105 = tpu.memref_slice %arg5[%dma_wait3A_103, %dma_wait3A_104] : memref<160000x128xf32, #tpu.memory_space<hbm>> -> memref<80x128xf32, #tpu.memory_space<hbm>>
          %dma_wait3A_106 = arith.constant 0 : i32
          %dma_wait3A_107 = arith.constant 0 : i32
          %dma_wait3A_108 = tpu.memref_slice %arg5[%dma_wait3A_106, %dma_wait3A_107] : memref<160000x128xf32, #tpu.memory_space<hbm>> -> memref<80x128xf32, #tpu.memory_space<hbm>>
          tpu.wait_dma2 semaphore(%arg13 : memref<!tpu.dma_semaphore, #tpu.memory_space<semaphore_mem>>) src(%arg8 : memref<80x128xf32, #tpu.memory_space<vmem>>) dst(%dma_wait3A_108 : memref<80x128xf32, #tpu.memory_space<hbm>>)
        } else {
        }
        %mul3A_54 = arith.constant 10000 : i32
        %mul3A_55 = arith.muli %arg1, %mul3A_54 : i32
        %mul3A_56 = arith.constant 2 : i32
        %mul3A_57 = arith.muli %mul3A_56, %scan3A_49 : i32
        %add3A_58 = arith.constant 0 : i32
        %add3A_59 = arith.addi %mul3A_57, %add3A_58 : i32
        %mul3A_60 = arith.constant 80 : i32
        %mul3A_61 = arith.muli %add3A_59, %mul3A_60 : i32
        %add3A_62 = arith.addi %mul3A_55, %mul3A_61 : i32
        %mul3A_63 = arith.constant 160000 : i32
        %mul3A_64 = arith.muli %arg0, %mul3A_63 : i32
        %add3A_65 = arith.addi %mul3A_64, %add3A_62 : i32
        "tpu.region"() ({
          %run_scoped3A = tpu.sem_alloc : memref<!tpu.dma_semaphore, #tpu.memory_space<semaphore_mem>>
          %dma_start3A_103 = tpu.memref_slice %arg3[%add3A_65] : memref<320000xi32, #tpu.memory_space<hbm>> -> memref<80xi32, #tpu.memory_space<hbm>>
          %dma_start3A_104 = tpu.memref_slice %arg3[%add3A_65] : memref<320000xi32, #tpu.memory_space<hbm>> -> memref<80xi32, #tpu.memory_space<hbm>>
          tpu.enqueue_dma source(%dma_start3A_104 : memref<80xi32, #tpu.memory_space<hbm>>) target(%arg6 : memref<80xi32, #tpu.memory_space<vmem>>) target_semaphore(%run_scoped3A : memref<!tpu.dma_semaphore, #tpu.memory_space<semaphore_mem>>)
          %dma_wait3A_105 = tpu.memref_slice %arg3[%add3A_65] : memref<320000xi32, #tpu.memory_space<hbm>> -> memref<80xi32, #tpu.memory_space<hbm>>
          %dma_wait3A_106 = tpu.memref_slice %arg3[%add3A_65] : memref<320000xi32, #tpu.memory_space<hbm>> -> memref<80xi32, #tpu.memory_space<hbm>>
          tpu.wait_dma2 semaphore(%run_scoped3A : memref<!tpu.dma_semaphore, #tpu.memory_space<semaphore_mem>>) src(%dma_wait3A_106 : memref<80xi32, #tpu.memory_space<hbm>>) dst(%arg6 : memref<80xi32, #tpu.memory_space<vmem>>)
          tpu.yield
        }) : () -> ()
        %dma_start3A_66 = arith.constant 0 : i32
        %dma_start3A_67 = arith.constant 0 : i32
        %dma_start3A_68 = tpu.memref_slice %arg11[%dma_start3A_66, %dma_start3A_67] : memref<10000x128xf32, #tpu.memory_space<vmem_shared>> -> memref<10000x128xf32, #tpu.memory_space<vmem_shared>>
        tpu.enqueue_indirect_dma source(%dma_start3A_68 : memref<10000x128xf32, #tpu.memory_space<vmem_shared>>) target(%arg8 : memref<80x128xf32, #tpu.memory_space<vmem>>) offsets(%arg6 : memref<80xi32, #tpu.memory_space<vmem>>) semaphore(%arg12 : memref<!tpu.dma_semaphore, #tpu.memory_space<semaphore_mem>>)
        %dma_wait3A_69 = arith.constant 0 : i32
        %dma_wait3A_70 = arith.constant 0 : i32
        %dma_wait3A_71 = tpu.memref_slice %arg11[%dma_wait3A_69, %dma_wait3A_70] : memref<10000x128xf32, #tpu.memory_space<vmem_shared>> -> memref<10000x128xf32, #tpu.memory_space<vmem_shared>>
        tpu.wait_indirect_dma semaphore(%arg12 : memref<!tpu.dma_semaphore, #tpu.memory_space<semaphore_mem>>) src(%dma_wait3A_71 : memref<10000x128xf32, #tpu.memory_space<vmem_shared>>) dst(%arg8 : memref<80x128xf32, #tpu.memory_space<vmem>>)
        %dma_start3A_72 = arith.constant 0 : i32
        %dma_start3A_73 = tpu.memref_slice %arg5[%add3A_62, %dma_start3A_72] : memref<160000x128xf32, #tpu.memory_space<hbm>> -> memref<80x128xf32, #tpu.memory_space<hbm>>
        %dma_start3A_74 = arith.constant 0 : i32
        %dma_start3A_75 = tpu.memref_slice %arg5[%add3A_62, %dma_start3A_74] : memref<160000x128xf32, #tpu.memory_space<hbm>> -> memref<80x128xf32, #tpu.memory_space<hbm>>
        tpu.enqueue_dma source(%arg8 : memref<80x128xf32, #tpu.memory_space<vmem>>) target(%dma_start3A_75 : memref<80x128xf32, #tpu.memory_space<hbm>>) target_semaphore(%arg13 : memref<!tpu.dma_semaphore, #tpu.memory_space<semaphore_mem>>)
        %gt3A_76 = arith.constant 0 : i32
        %gt3A_77 = arith.cmpi sgt, %scan3A_49, %gt3A_76 : i32
        %convert_element_type3A_78 = arith.extui %gt3A_77 : i1 to i32
        %cond3A_79 = arith.constant 0 : i32
        %cond3A_80 = arith.cmpi ne, %convert_element_type3A_78, %cond3A_79 : i32
        scf.if %cond3A_80 {
          %dma_wait3A_103 = arith.constant 0 : i32
          %dma_wait3A_104 = arith.constant 0 : i32
          %dma_wait3A_105 = tpu.memref_slice %arg5[%dma_wait3A_103, %dma_wait3A_104] : memref<160000x128xf32, #tpu.memory_space<hbm>> -> memref<80x128xf32, #tpu.memory_space<hbm>>
          %dma_wait3A_106 = arith.constant 0 : i32
          %dma_wait3A_107 = arith.constant 0 : i32
          %dma_wait3A_108 = tpu.memref_slice %arg5[%dma_wait3A_106, %dma_wait3A_107] : memref<160000x128xf32, #tpu.memory_space<hbm>> -> memref<80x128xf32, #tpu.memory_space<hbm>>
          tpu.wait_dma2 semaphore(%arg14 : memref<!tpu.dma_semaphore, #tpu.memory_space<semaphore_mem>>) src(%arg9 : memref<80x128xf32, #tpu.memory_space<vmem>>) dst(%dma_wait3A_108 : memref<80x128xf32, #tpu.memory_space<hbm>>)
        } else {
        }
        %mul3A_81 = arith.constant 10000 : i32
        %mul3A_82 = arith.muli %arg1, %mul3A_81 : i32
        %mul3A_83 = arith.constant 2 : i32
        %mul3A_84 = arith.muli %mul3A_83, %scan3A_49 : i32
        %add3A_85 = arith.constant 1 : i32
        %add3A_86 = arith.addi %mul3A_84, %add3A_85 : i32
        %mul3A_87 = arith.constant 80 : i32
        %mul3A_88 = arith.muli %add3A_86, %mul3A_87 : i32
        %add3A_89 = arith.addi %mul3A_82, %mul3A_88 : i32
        %mul3A_90 = arith.constant 160000 : i32
        %mul3A_91 = arith.muli %arg0, %mul3A_90 : i32
        %add3A_92 = arith.addi %mul3A_91, %add3A_89 : i32
        "tpu.region"() ({
          %run_scoped3A = tpu.sem_alloc : memref<!tpu.dma_semaphore, #tpu.memory_space<semaphore_mem>>
          %dma_start3A_103 = tpu.memref_slice %arg3[%add3A_92] : memref<320000xi32, #tpu.memory_space<hbm>> -> memref<80xi32, #tpu.memory_space<hbm>>
          %dma_start3A_104 = tpu.memref_slice %arg3[%add3A_92] : memref<320000xi32, #tpu.memory_space<hbm>> -> memref<80xi32, #tpu.memory_space<hbm>>
          tpu.enqueue_dma source(%dma_start3A_104 : memref<80xi32, #tpu.memory_space<hbm>>) target(%arg7 : memref<80xi32, #tpu.memory_space<vmem>>) target_semaphore(%run_scoped3A : memref<!tpu.dma_semaphore, #tpu.memory_space<semaphore_mem>>)
          %dma_wait3A_105 = tpu.memref_slice %arg3[%add3A_92] : memref<320000xi32, #tpu.memory_space<hbm>> -> memref<80xi32, #tpu.memory_space<hbm>>
          %dma_wait3A_106 = tpu.memref_slice %arg3[%add3A_92] : memref<320000xi32, #tpu.memory_space<hbm>> -> memref<80xi32, #tpu.memory_space<hbm>>
          tpu.wait_dma2 semaphore(%run_scoped3A : memref<!tpu.dma_semaphore, #tpu.memory_space<semaphore_mem>>) src(%dma_wait3A_106 : memref<80xi32, #tpu.memory_space<hbm>>) dst(%arg7 : memref<80xi32, #tpu.memory_space<vmem>>)
          tpu.yield
        }) : () -> ()
        %dma_start3A_93 = arith.constant 0 : i32
        %dma_start3A_94 = arith.constant 0 : i32
        %dma_start3A_95 = tpu.memref_slice %arg11[%dma_start3A_93, %dma_start3A_94] : memref<10000x128xf32, #tpu.memory_space<vmem_shared>> -> memref<10000x128xf32, #tpu.memory_space<vmem_shared>>
        tpu.enqueue_indirect_dma source(%dma_start3A_95 : memref<10000x128xf32, #tpu.memory_space<vmem_shared>>) target(%arg9 : memref<80x128xf32, #tpu.memory_space<vmem>>) offsets(%arg7 : memref<80xi32, #tpu.memory_space<vmem>>) semaphore(%arg12 : memref<!tpu.dma_semaphore, #tpu.memory_space<semaphore_mem>>)
        %dma_wait3A_96 = arith.constant 0 : i32
        %dma_wait3A_97 = arith.constant 0 : i32
        %dma_wait3A_98 = tpu.memref_slice %arg11[%dma_wait3A_96, %dma_wait3A_97] : memref<10000x128xf32, #tpu.memory_space<vmem_shared>> -> memref<10000x128xf32, #tpu.memory_space<vmem_shared>>
        tpu.wait_indirect_dma semaphore(%arg12 : memref<!tpu.dma_semaphore, #tpu.memory_space<semaphore_mem>>) src(%dma_wait3A_98 : memref<10000x128xf32, #tpu.memory_space<vmem_shared>>) dst(%arg9 : memref<80x128xf32, #tpu.memory_space<vmem>>)
        %dma_start3A_99 = arith.constant 0 : i32
        %dma_start3A_100 = tpu.memref_slice %arg5[%add3A_89, %dma_start3A_99] : memref<160000x128xf32, #tpu.memory_space<hbm>> -> memref<80x128xf32, #tpu.memory_space<hbm>>
        %dma_start3A_101 = arith.constant 0 : i32
        %dma_start3A_102 = tpu.memref_slice %arg5[%add3A_89, %dma_start3A_101] : memref<160000x128xf32, #tpu.memory_space<hbm>> -> memref<80x128xf32, #tpu.memory_space<hbm>>
        tpu.enqueue_dma source(%arg9 : memref<80x128xf32, #tpu.memory_space<vmem>>) target(%dma_start3A_102 : memref<80x128xf32, #tpu.memory_space<hbm>>) target_semaphore(%arg14 : memref<!tpu.dma_semaphore, #tpu.memory_space<semaphore_mem>>)
      }
      %scan3A_17 = arith.constant 62 : i32
      %dma_wait3A = arith.constant 0 : i32
      %dma_wait3A_18 = arith.constant 0 : i32
      %dma_wait3A_19 = tpu.memref_slice %arg5[%dma_wait3A, %dma_wait3A_18] : memref<160000x128xf32, #tpu.memory_space<hbm>> -> memref<80x128xf32, #tpu.memory_space<hbm>>
      %dma_wait3A_20 = arith.constant 0 : i32
      %dma_wait3A_21 = arith.constant 0 : i32
      %dma_wait3A_22 = tpu.memref_slice %arg5[%dma_wait3A_20, %dma_wait3A_21] : memref<160000x128xf32, #tpu.memory_space<hbm>> -> memref<80x128xf32, #tpu.memory_space<hbm>>
      tpu.wait_dma2 semaphore(%arg13 : memref<!tpu.dma_semaphore, #tpu.memory_space<semaphore_mem>>) src(%arg8 : memref<80x128xf32, #tpu.memory_space<vmem>>) dst(%dma_wait3A_22 : memref<80x128xf32, #tpu.memory_space<hbm>>)
      %mul3A = arith.constant 10000 : i32
      %mul3A_23 = arith.muli %arg1, %mul3A : i32
      %add3A = arith.constant 9920 : i32
      %add3A_24 = arith.addi %mul3A_23, %add3A : i32
      %mul3A_25 = arith.constant 160000 : i32
      %mul3A_26 = arith.muli %arg0, %mul3A_25 : i32
      %add3A_27 = arith.addi %mul3A_26, %add3A_24 : i32
      "tpu.region"() ({
        %run_scoped3A = tpu.sem_alloc : memref<!tpu.dma_semaphore, #tpu.memory_space<semaphore_mem>>
        %dma_start3A_49 = tpu.memref_slice %arg3[%add3A_27] : memref<320000xi32, #tpu.memory_space<hbm>> -> memref<80xi32, #tpu.memory_space<hbm>>
        %dma_start3A_50 = tpu.memref_slice %arg3[%add3A_27] : memref<320000xi32, #tpu.memory_space<hbm>> -> memref<80xi32, #tpu.memory_space<hbm>>
        tpu.enqueue_dma source(%dma_start3A_50 : memref<80xi32, #tpu.memory_space<hbm>>) target(%arg6 : memref<80xi32, #tpu.memory_space<vmem>>) target_semaphore(%run_scoped3A : memref<!tpu.dma_semaphore, #tpu.memory_space<semaphore_mem>>)
        %dma_wait3A_51 = tpu.memref_slice %arg3[%add3A_27] : memref<320000xi32, #tpu.memory_space<hbm>> -> memref<80xi32, #tpu.memory_space<hbm>>
        %dma_wait3A_52 = tpu.memref_slice %arg3[%add3A_27] : memref<320000xi32, #tpu.memory_space<hbm>> -> memref<80xi32, #tpu.memory_space<hbm>>
        tpu.wait_dma2 semaphore(%run_scoped3A : memref<!tpu.dma_semaphore, #tpu.memory_space<semaphore_mem>>) src(%dma_wait3A_52 : memref<80xi32, #tpu.memory_space<hbm>>) dst(%arg6 : memref<80xi32, #tpu.memory_space<vmem>>)
        tpu.yield
      }) : () -> ()
      %dma_start3A = arith.constant 0 : i32
      %dma_start3A_28 = arith.constant 0 : i32
      %dma_start3A_29 = tpu.memref_slice %arg11[%dma_start3A, %dma_start3A_28] : memref<10000x128xf32, #tpu.memory_space<vmem_shared>> -> memref<10000x128xf32, #tpu.memory_space<vmem_shared>>
      tpu.enqueue_indirect_dma source(%dma_start3A_29 : memref<10000x128xf32, #tpu.memory_space<vmem_shared>>) target(%arg8 : memref<80x128xf32, #tpu.memory_space<vmem>>) offsets(%arg6 : memref<80xi32, #tpu.memory_space<vmem>>) semaphore(%arg12 : memref<!tpu.dma_semaphore, #tpu.memory_space<semaphore_mem>>)
      %dma_wait3A_30 = arith.constant 0 : i32
      %dma_wait3A_31 = arith.constant 0 : i32
      %dma_wait3A_32 = tpu.memref_slice %arg11[%dma_wait3A_30, %dma_wait3A_31] : memref<10000x128xf32, #tpu.memory_space<vmem_shared>> -> memref<10000x128xf32, #tpu.memory_space<vmem_shared>>
      tpu.wait_indirect_dma semaphore(%arg12 : memref<!tpu.dma_semaphore, #tpu.memory_space<semaphore_mem>>) src(%dma_wait3A_32 : memref<10000x128xf32, #tpu.memory_space<vmem_shared>>) dst(%arg8 : memref<80x128xf32, #tpu.memory_space<vmem>>)
      %dma_start3A_33 = arith.constant 0 : i32
      %dma_start3A_34 = tpu.memref_slice %arg5[%add3A_24, %dma_start3A_33] : memref<160000x128xf32, #tpu.memory_space<hbm>> -> memref<80x128xf32, #tpu.memory_space<hbm>>
      %dma_start3A_35 = arith.constant 0 : i32
      %dma_start3A_36 = tpu.memref_slice %arg5[%add3A_24, %dma_start3A_35] : memref<160000x128xf32, #tpu.memory_space<hbm>> -> memref<80x128xf32, #tpu.memory_space<hbm>>
      tpu.enqueue_dma source(%arg8 : memref<80x128xf32, #tpu.memory_space<vmem>>) target(%dma_start3A_36 : memref<80x128xf32, #tpu.memory_space<hbm>>) target_semaphore(%arg13 : memref<!tpu.dma_semaphore, #tpu.memory_space<semaphore_mem>>)
      %dma_wait3A_37 = arith.constant 0 : i32
      %dma_wait3A_38 = arith.constant 0 : i32
      %dma_wait3A_39 = tpu.memref_slice %arg5[%dma_wait3A_37, %dma_wait3A_38] : memref<160000x128xf32, #tpu.memory_space<hbm>> -> memref<80x128xf32, #tpu.memory_space<hbm>>
      %dma_wait3A_40 = arith.constant 0 : i32
      %dma_wait3A_41 = arith.constant 0 : i32
      %dma_wait3A_42 = tpu.memref_slice %arg5[%dma_wait3A_40, %dma_wait3A_41] : memref<160000x128xf32, #tpu.memory_space<hbm>> -> memref<80x128xf32, #tpu.memory_space<hbm>>
      tpu.wait_dma2 semaphore(%arg13 : memref<!tpu.dma_semaphore, #tpu.memory_space<semaphore_mem>>) src(%arg8 : memref<80x128xf32, #tpu.memory_space<vmem>>) dst(%dma_wait3A_42 : memref<80x128xf32, #tpu.memory_space<hbm>>)
      %dma_wait3A_43 = arith.constant 0 : i32
      %dma_wait3A_44 = arith.constant 0 : i32
      %dma_wait3A_45 = tpu.memref_slice %arg5[%dma_wait3A_43, %dma_wait3A_44] : memref<160000x128xf32, #tpu.memory_space<hbm>> -> memref<80x128xf32, #tpu.memory_space<hbm>>
      %dma_wait3A_46 = arith.constant 0 : i32
      %dma_wait3A_47 = arith.constant 0 : i32
      %dma_wait3A_48 = tpu.memref_slice %arg5[%dma_wait3A_46, %dma_wait3A_47] : memref<160000x128xf32, #tpu.memory_space<hbm>> -> memref<80x128xf32, #tpu.memory_space<hbm>>
      tpu.wait_dma2 semaphore(%arg14 : memref<!tpu.dma_semaphore, #tpu.memory_space<semaphore_mem>>) src(%arg9 : memref<80x128xf32, #tpu.memory_space<vmem>>) dst(%dma_wait3A_48 : memref<80x128xf32, #tpu.memory_space<hbm>>)
    } else {
    }
    return
  }
}

#map = affine_map<(d0, d1) -> (0, 0)>
#map1 = affine_map<(d0, d1) -> (0)>
#map2 = affine_map<(d0, d1) -> (0, 0, 0)>
module attributes {stable_mosaic.version = 14 : i64} {
  func.func @k(%arg0: i32, %arg1: i32, %arg2: memref<160000x128xf32, #tpu.memory_space<hbm>>, %arg3: memref<160000xi32, #tpu.memory_space<hbm>>, %arg4: memref<80x128xf32, #tpu.memory_space<hbm>>, %arg5: memref<2x10000x128xf32, #tpu.memory_space<hbm>>, %arg6: memref<40x128xf32, #tpu.memory_space<vmem>>, %arg7: memref<40xi32, #tpu.memory_space<vmem>>, %arg8: memref<40x128xf32, #tpu.memory_space<vmem>>, %arg9: memref<40xi32, #tpu.memory_space<vmem>>, %arg10: memref<80x128xf32, #tpu.memory_space<vmem>>, %arg11: memref<10000x128xf32, #tpu.memory_space<vmem_shared>>, %arg12: memref<!tpu.dma_semaphore, #tpu.memory_space<semaphore_mem>>, %arg13: memref<!tpu.dma_semaphore, #tpu.memory_space<semaphore_mem>>) attributes {dimension_semantics = [#tpu.dimension_semantics<core_parallel>, #tpu.dimension_semantics<subcore_parallel>], iteration_bounds = array<i64: 2, 16>, scalar_prefetch = 0 : i64, scratch_operands = 8 : i64, tpu.core_type = #tpu.core_type<sc_vector_subcore>, window_params = [{transform_indices = #map}, {transform_indices = #map1}, {transform_indices = #map}, {transform_indices = #map2}]} {
    %mul3A = arith.constant 2 : i32
    %mul3A_0 = arith.muli %arg1, %mul3A : i32
    %add3A = arith.addi %mul3A_0, %arg0 : i32
    "tpu.region"() ({
      %run_scoped3A = tpu.sem_alloc : memref<!tpu.dma_semaphore, #tpu.memory_space<semaphore_mem>>
      tpu.enqueue_dma source(%arg4 : memref<80x128xf32, #tpu.memory_space<hbm>>) target(%arg10 : memref<80x128xf32, #tpu.memory_space<vmem>>) target_semaphore(%run_scoped3A : memref<!tpu.dma_semaphore, #tpu.memory_space<semaphore_mem>>)
      tpu.wait_dma2 semaphore(%run_scoped3A : memref<!tpu.dma_semaphore, #tpu.memory_space<semaphore_mem>>) src(%arg4 : memref<80x128xf32, #tpu.memory_space<hbm>>) dst(%arg10 : memref<80x128xf32, #tpu.memory_space<vmem>>)
      tpu.yield
    }) : () -> ()
    %scan3A = arith.constant 0 : i32
    %scan3A_1 = arith.constant 0 : i32
    %scan3A_2 = arith.constant 8 : i32
    %scan3A_3 = arith.addi %scan3A_1, %scan3A_2 : i32
    %scan3A_4 = arith.constant 1 : i32
    scf.for %scan3A_21 = %scan3A_1 to %scan3A_3 step %scan3A_4  : i32 {
      %mul3A_22 = arith.constant 16 : i32
      %mul3A_23 = arith.muli %scan3A_21, %mul3A_22 : i32
      %add3A_24 = arith.addi %arg1, %mul3A_23 : i32
      %lt3A = arith.constant 125 : i32
      %lt3A_25 = arith.cmpi slt, %add3A_24, %lt3A : i32
      %convert_element_type3A = arith.extui %lt3A_25 : i1 to i32
      %cond3A = arith.constant 0 : i32
      %cond3A_26 = arith.cmpi ne, %convert_element_type3A, %cond3A : i32
      scf.if %cond3A_26 {
        %mul3A_27 = arith.constant 80 : i32
        %mul3A_28 = arith.muli %add3A_24, %mul3A_27 : i32
        "tpu.region"() ({
          %run_scoped3A = tpu.sem_alloc : memref<!tpu.dma_semaphore, #tpu.memory_space<semaphore_mem>>
          %dma_start3A = arith.constant 0 : i32
          %dma_start3A_29 = tpu.memref_slice %arg11[%mul3A_28, %dma_start3A] : memref<10000x128xf32, #tpu.memory_space<vmem_shared>> -> memref<80x128xf32, #tpu.memory_space<vmem_shared>>
          %dma_start3A_30 = arith.constant 0 : i32
          %dma_start3A_31 = tpu.memref_slice %arg11[%mul3A_28, %dma_start3A_30] : memref<10000x128xf32, #tpu.memory_space<vmem_shared>> -> memref<80x128xf32, #tpu.memory_space<vmem_shared>>
          tpu.enqueue_dma source(%arg10 : memref<80x128xf32, #tpu.memory_space<vmem>>) target(%dma_start3A_31 : memref<80x128xf32, #tpu.memory_space<vmem_shared>>) target_semaphore(%run_scoped3A : memref<!tpu.dma_semaphore, #tpu.memory_space<semaphore_mem>>)
          %dma_wait3A = arith.constant 0 : i32
          %dma_wait3A_32 = tpu.memref_slice %arg11[%mul3A_28, %dma_wait3A] : memref<10000x128xf32, #tpu.memory_space<vmem_shared>> -> memref<80x128xf32, #tpu.memory_space<vmem_shared>>
          %dma_wait3A_33 = arith.constant 0 : i32
          %dma_wait3A_34 = tpu.memref_slice %arg11[%mul3A_28, %dma_wait3A_33] : memref<10000x128xf32, #tpu.memory_space<vmem_shared>> -> memref<80x128xf32, #tpu.memory_space<vmem_shared>>
          tpu.wait_dma2 semaphore(%run_scoped3A : memref<!tpu.dma_semaphore, #tpu.memory_space<semaphore_mem>>) src(%arg10 : memref<80x128xf32, #tpu.memory_space<vmem>>) dst(%dma_wait3A_34 : memref<80x128xf32, #tpu.memory_space<vmem_shared>>)
          tpu.yield
        }) : () -> ()
      } else {
      }
    }
    %scan3A_5 = arith.constant 8 : i32
    %barrier3A = arith.constant 0 : index
    tpu.barrier barrier_id(%barrier3A)
    %mul3A_6 = arith.constant 5000 : i32
    %mul3A_7 = arith.muli %add3A, %mul3A_6 : i32
    "tpu.region"() ({
      %run_scoped3A = tpu.sem_alloc : memref<!tpu.dma_semaphore, #tpu.memory_space<semaphore_mem>>
      %dma_start3A = tpu.memref_slice %arg3[%mul3A_7] : memref<160000xi32, #tpu.memory_space<hbm>> -> memref<40xi32, #tpu.memory_space<hbm>>
      %dma_start3A_21 = tpu.memref_slice %arg3[%mul3A_7] : memref<160000xi32, #tpu.memory_space<hbm>> -> memref<40xi32, #tpu.memory_space<hbm>>
      tpu.enqueue_dma source(%dma_start3A_21 : memref<40xi32, #tpu.memory_space<hbm>>) target(%arg7 : memref<40xi32, #tpu.memory_space<vmem>>) target_semaphore(%run_scoped3A : memref<!tpu.dma_semaphore, #tpu.memory_space<semaphore_mem>>)
      %dma_wait3A = tpu.memref_slice %arg3[%mul3A_7] : memref<160000xi32, #tpu.memory_space<hbm>> -> memref<40xi32, #tpu.memory_space<hbm>>
      %dma_wait3A_22 = tpu.memref_slice %arg3[%mul3A_7] : memref<160000xi32, #tpu.memory_space<hbm>> -> memref<40xi32, #tpu.memory_space<hbm>>
      tpu.wait_dma2 semaphore(%run_scoped3A : memref<!tpu.dma_semaphore, #tpu.memory_space<semaphore_mem>>) src(%dma_wait3A_22 : memref<40xi32, #tpu.memory_space<hbm>>) dst(%arg7 : memref<40xi32, #tpu.memory_space<vmem>>)
      tpu.yield
    }) : () -> ()
    "tpu.region"() ({
      %run_scoped3A = tpu.sem_alloc : memref<!tpu.dma_semaphore, #tpu.memory_space<semaphore_mem>>
      %dma_start3A = arith.constant 0 : i32
      %dma_start3A_21 = tpu.memref_slice %arg2[%mul3A_7, %dma_start3A] : memref<160000x128xf32, #tpu.memory_space<hbm>> -> memref<40x128xf32, #tpu.memory_space<hbm>>
      %dma_start3A_22 = arith.constant 0 : i32
      %dma_start3A_23 = tpu.memref_slice %arg2[%mul3A_7, %dma_start3A_22] : memref<160000x128xf32, #tpu.memory_space<hbm>> -> memref<40x128xf32, #tpu.memory_space<hbm>>
      tpu.enqueue_dma source(%dma_start3A_23 : memref<40x128xf32, #tpu.memory_space<hbm>>) target(%arg6 : memref<40x128xf32, #tpu.memory_space<vmem>>) target_semaphore(%run_scoped3A : memref<!tpu.dma_semaphore, #tpu.memory_space<semaphore_mem>>)
      %dma_wait3A = arith.constant 0 : i32
      %dma_wait3A_24 = tpu.memref_slice %arg2[%mul3A_7, %dma_wait3A] : memref<160000x128xf32, #tpu.memory_space<hbm>> -> memref<40x128xf32, #tpu.memory_space<hbm>>
      %dma_wait3A_25 = arith.constant 0 : i32
      %dma_wait3A_26 = tpu.memref_slice %arg2[%mul3A_7, %dma_wait3A_25] : memref<160000x128xf32, #tpu.memory_space<hbm>> -> memref<40x128xf32, #tpu.memory_space<hbm>>
      tpu.wait_dma2 semaphore(%run_scoped3A : memref<!tpu.dma_semaphore, #tpu.memory_space<semaphore_mem>>) src(%dma_wait3A_26 : memref<40x128xf32, #tpu.memory_space<hbm>>) dst(%arg6 : memref<40x128xf32, #tpu.memory_space<vmem>>)
      tpu.yield
    }) : () -> ()
    %scan3A_8 = arith.constant 0 : i32
    %scan3A_9 = arith.constant 0 : i32
    %scan3A_10 = arith.constant 62 : i32
    %scan3A_11 = arith.addi %scan3A_9, %scan3A_10 : i32
    %scan3A_12 = arith.constant 1 : i32
    scf.for %scan3A_21 = %scan3A_9 to %scan3A_11 step %scan3A_12  : i32 {
      %mul3A_22 = arith.constant 2 : i32
      %mul3A_23 = arith.muli %mul3A_22, %scan3A_21 : i32
      %add3A_24 = arith.constant 1 : i32
      %add3A_25 = arith.addi %mul3A_23, %add3A_24 : i32
      %mul3A_26 = arith.constant 40 : i32
      %mul3A_27 = arith.muli %add3A_25, %mul3A_26 : i32
      %add3A_28 = arith.addi %mul3A_7, %mul3A_27 : i32
      %dma_start3A = arith.constant 0 : i32
      %dma_start3A_29 = tpu.memref_slice %arg2[%add3A_28, %dma_start3A] : memref<160000x128xf32, #tpu.memory_space<hbm>> -> memref<40x128xf32, #tpu.memory_space<hbm>>
      %dma_start3A_30 = arith.constant 0 : i32
      %dma_start3A_31 = tpu.memref_slice %arg2[%add3A_28, %dma_start3A_30] : memref<160000x128xf32, #tpu.memory_space<hbm>> -> memref<40x128xf32, #tpu.memory_space<hbm>>
      tpu.enqueue_dma source(%dma_start3A_31 : memref<40x128xf32, #tpu.memory_space<hbm>>) target(%arg8 : memref<40x128xf32, #tpu.memory_space<vmem>>) target_semaphore(%arg12 : memref<!tpu.dma_semaphore, #tpu.memory_space<semaphore_mem>>)
      %dma_start3A_32 = tpu.memref_slice %arg3[%add3A_28] : memref<160000xi32, #tpu.memory_space<hbm>> -> memref<40xi32, #tpu.memory_space<hbm>>
      %dma_start3A_33 = tpu.memref_slice %arg3[%add3A_28] : memref<160000xi32, #tpu.memory_space<hbm>> -> memref<40xi32, #tpu.memory_space<hbm>>
      tpu.enqueue_dma source(%dma_start3A_33 : memref<40xi32, #tpu.memory_space<hbm>>) target(%arg9 : memref<40xi32, #tpu.memory_space<vmem>>) target_semaphore(%arg13 : memref<!tpu.dma_semaphore, #tpu.memory_space<semaphore_mem>>)
      "tpu.region"() ({
        %run_scoped3A = tpu.sem_alloc : memref<!tpu.dma_semaphore, #tpu.memory_space<semaphore_mem>>
        %dma_start3A_58 = arith.constant 0 : i32
        %dma_start3A_59 = arith.constant 0 : i32
        %dma_start3A_60 = tpu.memref_slice %arg11[%dma_start3A_58, %dma_start3A_59] : memref<10000x128xf32, #tpu.memory_space<vmem_shared>> -> memref<10000x128xf32, #tpu.memory_space<vmem_shared>>
        tpu.enqueue_indirect_dma source(%arg6 : memref<40x128xf32, #tpu.memory_space<vmem>>) target(%dma_start3A_60 : memref<10000x128xf32, #tpu.memory_space<vmem_shared>>) offsets(%arg7 : memref<40xi32, #tpu.memory_space<vmem>>) semaphore(%run_scoped3A : memref<!tpu.dma_semaphore, #tpu.memory_space<semaphore_mem>>) {add = true}
        %dma_wait3A_61 = arith.constant 0 : i32
        %dma_wait3A_62 = arith.constant 0 : i32
        %dma_wait3A_63 = tpu.memref_slice %arg11[%dma_wait3A_61, %dma_wait3A_62] : memref<10000x128xf32, #tpu.memory_space<vmem_shared>> -> memref<10000x128xf32, #tpu.memory_space<vmem_shared>>
        tpu.wait_indirect_dma semaphore(%run_scoped3A : memref<!tpu.dma_semaphore, #tpu.memory_space<semaphore_mem>>) src(%arg6 : memref<40x128xf32, #tpu.memory_space<vmem>>) dst(%dma_wait3A_63 : memref<10000x128xf32, #tpu.memory_space<vmem_shared>>)
        tpu.yield
      }) : () -> ()
      %dma_wait3A = arith.constant 0 : i32
      %dma_wait3A_34 = tpu.memref_slice %arg2[%add3A_28, %dma_wait3A] : memref<160000x128xf32, #tpu.memory_space<hbm>> -> memref<40x128xf32, #tpu.memory_space<hbm>>
      %dma_wait3A_35 = arith.constant 0 : i32
      %dma_wait3A_36 = tpu.memref_slice %arg2[%add3A_28, %dma_wait3A_35] : memref<160000x128xf32, #tpu.memory_space<hbm>> -> memref<40x128xf32, #tpu.memory_space<hbm>>
      tpu.wait_dma2 semaphore(%arg12 : memref<!tpu.dma_semaphore, #tpu.memory_space<semaphore_mem>>) src(%dma_wait3A_36 : memref<40x128xf32, #tpu.memory_space<hbm>>) dst(%arg8 : memref<40x128xf32, #tpu.memory_space<vmem>>)
      %dma_wait3A_37 = tpu.memref_slice %arg3[%add3A_28] : memref<160000xi32, #tpu.memory_space<hbm>> -> memref<40xi32, #tpu.memory_space<hbm>>
      %dma_wait3A_38 = tpu.memref_slice %arg3[%add3A_28] : memref<160000xi32, #tpu.memory_space<hbm>> -> memref<40xi32, #tpu.memory_space<hbm>>
      tpu.wait_dma2 semaphore(%arg13 : memref<!tpu.dma_semaphore, #tpu.memory_space<semaphore_mem>>) src(%dma_wait3A_38 : memref<40xi32, #tpu.memory_space<hbm>>) dst(%arg9 : memref<40xi32, #tpu.memory_space<vmem>>)
      %mul3A_39 = arith.constant 2 : i32
      %mul3A_40 = arith.muli %mul3A_39, %scan3A_21 : i32
      %add3A_41 = arith.constant 2 : i32
      %add3A_42 = arith.addi %mul3A_40, %add3A_41 : i32
      %mul3A_43 = arith.constant 40 : i32
      %mul3A_44 = arith.muli %add3A_42, %mul3A_43 : i32
      %add3A_45 = arith.addi %mul3A_7, %mul3A_44 : i32
      %dma_start3A_46 = arith.constant 0 : i32
      %dma_start3A_47 = tpu.memref_slice %arg2[%add3A_45, %dma_start3A_46] : memref<160000x128xf32, #tpu.memory_space<hbm>> -> memref<40x128xf32, #tpu.memory_space<hbm>>
      %dma_start3A_48 = arith.constant 0 : i32
      %dma_start3A_49 = tpu.memref_slice %arg2[%add3A_45, %dma_start3A_48] : memref<160000x128xf32, #tpu.memory_space<hbm>> -> memref<40x128xf32, #tpu.memory_space<hbm>>
      tpu.enqueue_dma source(%dma_start3A_49 : memref<40x128xf32, #tpu.memory_space<hbm>>) target(%arg6 : memref<40x128xf32, #tpu.memory_space<vmem>>) target_semaphore(%arg12 : memref<!tpu.dma_semaphore, #tpu.memory_space<semaphore_mem>>)
      %dma_start3A_50 = tpu.memref_slice %arg3[%add3A_45] : memref<160000xi32, #tpu.memory_space<hbm>> -> memref<40xi32, #tpu.memory_space<hbm>>
      %dma_start3A_51 = tpu.memref_slice %arg3[%add3A_45] : memref<160000xi32, #tpu.memory_space<hbm>> -> memref<40xi32, #tpu.memory_space<hbm>>
      tpu.enqueue_dma source(%dma_start3A_51 : memref<40xi32, #tpu.memory_space<hbm>>) target(%arg7 : memref<40xi32, #tpu.memory_space<vmem>>) target_semaphore(%arg13 : memref<!tpu.dma_semaphore, #tpu.memory_space<semaphore_mem>>)
      "tpu.region"() ({
        %run_scoped3A = tpu.sem_alloc : memref<!tpu.dma_semaphore, #tpu.memory_space<semaphore_mem>>
        %dma_start3A_58 = arith.constant 0 : i32
        %dma_start3A_59 = arith.constant 0 : i32
        %dma_start3A_60 = tpu.memref_slice %arg11[%dma_start3A_58, %dma_start3A_59] : memref<10000x128xf32, #tpu.memory_space<vmem_shared>> -> memref<10000x128xf32, #tpu.memory_space<vmem_shared>>
        tpu.enqueue_indirect_dma source(%arg8 : memref<40x128xf32, #tpu.memory_space<vmem>>) target(%dma_start3A_60 : memref<10000x128xf32, #tpu.memory_space<vmem_shared>>) offsets(%arg9 : memref<40xi32, #tpu.memory_space<vmem>>) semaphore(%run_scoped3A : memref<!tpu.dma_semaphore, #tpu.memory_space<semaphore_mem>>) {add = true}
        %dma_wait3A_61 = arith.constant 0 : i32
        %dma_wait3A_62 = arith.constant 0 : i32
        %dma_wait3A_63 = tpu.memref_slice %arg11[%dma_wait3A_61, %dma_wait3A_62] : memref<10000x128xf32, #tpu.memory_space<vmem_shared>> -> memref<10000x128xf32, #tpu.memory_space<vmem_shared>>
        tpu.wait_indirect_dma semaphore(%run_scoped3A : memref<!tpu.dma_semaphore, #tpu.memory_space<semaphore_mem>>) src(%arg8 : memref<40x128xf32, #tpu.memory_space<vmem>>) dst(%dma_wait3A_63 : memref<10000x128xf32, #tpu.memory_space<vmem_shared>>)
        tpu.yield
      }) : () -> ()
      %dma_wait3A_52 = arith.constant 0 : i32
      %dma_wait3A_53 = tpu.memref_slice %arg2[%add3A_45, %dma_wait3A_52] : memref<160000x128xf32, #tpu.memory_space<hbm>> -> memref<40x128xf32, #tpu.memory_space<hbm>>
      %dma_wait3A_54 = arith.constant 0 : i32
      %dma_wait3A_55 = tpu.memref_slice %arg2[%add3A_45, %dma_wait3A_54] : memref<160000x128xf32, #tpu.memory_space<hbm>> -> memref<40x128xf32, #tpu.memory_space<hbm>>
      tpu.wait_dma2 semaphore(%arg12 : memref<!tpu.dma_semaphore, #tpu.memory_space<semaphore_mem>>) src(%dma_wait3A_55 : memref<40x128xf32, #tpu.memory_space<hbm>>) dst(%arg6 : memref<40x128xf32, #tpu.memory_space<vmem>>)
      %dma_wait3A_56 = tpu.memref_slice %arg3[%add3A_45] : memref<160000xi32, #tpu.memory_space<hbm>> -> memref<40xi32, #tpu.memory_space<hbm>>
      %dma_wait3A_57 = tpu.memref_slice %arg3[%add3A_45] : memref<160000xi32, #tpu.memory_space<hbm>> -> memref<40xi32, #tpu.memory_space<hbm>>
      tpu.wait_dma2 semaphore(%arg13 : memref<!tpu.dma_semaphore, #tpu.memory_space<semaphore_mem>>) src(%dma_wait3A_57 : memref<40xi32, #tpu.memory_space<hbm>>) dst(%arg7 : memref<40xi32, #tpu.memory_space<vmem>>)
    }
    %scan3A_13 = arith.constant 62 : i32
    "tpu.region"() ({
      %run_scoped3A = tpu.sem_alloc : memref<!tpu.dma_semaphore, #tpu.memory_space<semaphore_mem>>
      %dma_start3A = arith.constant 0 : i32
      %dma_start3A_21 = arith.constant 0 : i32
      %dma_start3A_22 = tpu.memref_slice %arg11[%dma_start3A, %dma_start3A_21] : memref<10000x128xf32, #tpu.memory_space<vmem_shared>> -> memref<10000x128xf32, #tpu.memory_space<vmem_shared>>
      tpu.enqueue_indirect_dma source(%arg6 : memref<40x128xf32, #tpu.memory_space<vmem>>) target(%dma_start3A_22 : memref<10000x128xf32, #tpu.memory_space<vmem_shared>>) offsets(%arg7 : memref<40xi32, #tpu.memory_space<vmem>>) semaphore(%run_scoped3A : memref<!tpu.dma_semaphore, #tpu.memory_space<semaphore_mem>>) {add = true}
      %dma_wait3A = arith.constant 0 : i32
      %dma_wait3A_23 = arith.constant 0 : i32
      %dma_wait3A_24 = tpu.memref_slice %arg11[%dma_wait3A, %dma_wait3A_23] : memref<10000x128xf32, #tpu.memory_space<vmem_shared>> -> memref<10000x128xf32, #tpu.memory_space<vmem_shared>>
      tpu.wait_indirect_dma semaphore(%run_scoped3A : memref<!tpu.dma_semaphore, #tpu.memory_space<semaphore_mem>>) src(%arg6 : memref<40x128xf32, #tpu.memory_space<vmem>>) dst(%dma_wait3A_24 : memref<10000x128xf32, #tpu.memory_space<vmem_shared>>)
      tpu.yield
    }) : () -> ()
    %barrier3A_14 = arith.constant 0 : index
    tpu.barrier barrier_id(%barrier3A_14)
    %scan3A_15 = arith.constant 0 : i32
    %scan3A_16 = arith.constant 0 : i32
    %scan3A_17 = arith.constant 8 : i32
    %scan3A_18 = arith.addi %scan3A_16, %scan3A_17 : i32
    %scan3A_19 = arith.constant 1 : i32
    scf.for %scan3A_21 = %scan3A_16 to %scan3A_18 step %scan3A_19  : i32 {
      %mul3A_22 = arith.constant 16 : i32
      %mul3A_23 = arith.muli %scan3A_21, %mul3A_22 : i32
      %add3A_24 = arith.addi %arg1, %mul3A_23 : i32
      %lt3A = arith.constant 125 : i32
      %lt3A_25 = arith.cmpi slt, %add3A_24, %lt3A : i32
      %convert_element_type3A = arith.extui %lt3A_25 : i1 to i32
      %cond3A = arith.constant 0 : i32
      %cond3A_26 = arith.cmpi ne, %convert_element_type3A, %cond3A : i32
      scf.if %cond3A_26 {
        %mul3A_27 = arith.constant 80 : i32
        %mul3A_28 = arith.muli %add3A_24, %mul3A_27 : i32
        "tpu.region"() ({
          %run_scoped3A = tpu.sem_alloc : memref<!tpu.dma_semaphore, #tpu.memory_space<semaphore_mem>>
          %dma_start3A = arith.constant 0 : i32
          %dma_start3A_31 = tpu.memref_slice %arg11[%mul3A_28, %dma_start3A] : memref<10000x128xf32, #tpu.memory_space<vmem_shared>> -> memref<80x128xf32, #tpu.memory_space<vmem_shared>>
          %dma_start3A_32 = arith.constant 0 : i32
          %dma_start3A_33 = tpu.memref_slice %arg11[%mul3A_28, %dma_start3A_32] : memref<10000x128xf32, #tpu.memory_space<vmem_shared>> -> memref<80x128xf32, #tpu.memory_space<vmem_shared>>
          tpu.enqueue_dma source(%dma_start3A_33 : memref<80x128xf32, #tpu.memory_space<vmem_shared>>) target(%arg10 : memref<80x128xf32, #tpu.memory_space<vmem>>) target_semaphore(%run_scoped3A : memref<!tpu.dma_semaphore, #tpu.memory_space<semaphore_mem>>)
          %dma_wait3A = arith.constant 0 : i32
          %dma_wait3A_34 = tpu.memref_slice %arg11[%mul3A_28, %dma_wait3A] : memref<10000x128xf32, #tpu.memory_space<vmem_shared>> -> memref<80x128xf32, #tpu.memory_space<vmem_shared>>
          %dma_wait3A_35 = arith.constant 0 : i32
          %dma_wait3A_36 = tpu.memref_slice %arg11[%mul3A_28, %dma_wait3A_35] : memref<10000x128xf32, #tpu.memory_space<vmem_shared>> -> memref<80x128xf32, #tpu.memory_space<vmem_shared>>
          tpu.wait_dma2 semaphore(%run_scoped3A : memref<!tpu.dma_semaphore, #tpu.memory_space<semaphore_mem>>) src(%dma_wait3A_36 : memref<80x128xf32, #tpu.memory_space<vmem_shared>>) dst(%arg10 : memref<80x128xf32, #tpu.memory_space<vmem>>)
          tpu.yield
        }) : () -> ()
        %mul3A_29 = arith.constant 80 : i32
        %mul3A_30 = arith.muli %add3A_24, %mul3A_29 : i32
        "tpu.region"() ({
          %run_scoped3A = tpu.sem_alloc : memref<!tpu.dma_semaphore, #tpu.memory_space<semaphore_mem>>
          %dma_start3A = arith.constant 0 : i32
          %dma_start3A_31 = tpu.memref_slice %arg5[%arg0, %mul3A_30, %dma_start3A] : memref<2x10000x128xf32, #tpu.memory_space<hbm>> -> memref<1x80x128xf32, #tpu.memory_space<hbm>>
          %dma_start3A_32 = tpu.memref_squeeze %dma_start3A_31 : memref<1x80x128xf32, #tpu.memory_space<hbm>> -> memref<80x128xf32, #tpu.memory_space<hbm>>
          %dma_start3A_33 = arith.constant 0 : i32
          %dma_start3A_34 = tpu.memref_slice %arg5[%arg0, %mul3A_30, %dma_start3A_33] : memref<2x10000x128xf32, #tpu.memory_space<hbm>> -> memref<1x80x128xf32, #tpu.memory_space<hbm>>
          %dma_start3A_35 = tpu.memref_squeeze %dma_start3A_34 : memref<1x80x128xf32, #tpu.memory_space<hbm>> -> memref<80x128xf32, #tpu.memory_space<hbm>>
          tpu.enqueue_dma source(%arg10 : memref<80x128xf32, #tpu.memory_space<vmem>>) target(%dma_start3A_35 : memref<80x128xf32, #tpu.memory_space<hbm>>) target_semaphore(%run_scoped3A : memref<!tpu.dma_semaphore, #tpu.memory_space<semaphore_mem>>)
          %dma_wait3A = arith.constant 0 : i32
          %dma_wait3A_36 = tpu.memref_slice %arg5[%arg0, %mul3A_30, %dma_wait3A] : memref<2x10000x128xf32, #tpu.memory_space<hbm>> -> memref<1x80x128xf32, #tpu.memory_space<hbm>>
          %dma_wait3A_37 = tpu.memref_squeeze %dma_wait3A_36 : memref<1x80x128xf32, #tpu.memory_space<hbm>> -> memref<80x128xf32, #tpu.memory_space<hbm>>
          %dma_wait3A_38 = arith.constant 0 : i32
          %dma_wait3A_39 = tpu.memref_slice %arg5[%arg0, %mul3A_30, %dma_wait3A_38] : memref<2x10000x128xf32, #tpu.memory_space<hbm>> -> memref<1x80x128xf32, #tpu.memory_space<hbm>>
          %dma_wait3A_40 = tpu.memref_squeeze %dma_wait3A_39 : memref<1x80x128xf32, #tpu.memory_space<hbm>> -> memref<80x128xf32, #tpu.memory_space<hbm>>
          tpu.wait_dma2 semaphore(%run_scoped3A : memref<!tpu.dma_semaphore, #tpu.memory_space<semaphore_mem>>) src(%arg10 : memref<80x128xf32, #tpu.memory_space<vmem>>) dst(%dma_wait3A_40 : memref<80x128xf32, #tpu.memory_space<hbm>>)
          tpu.yield
        }) : () -> ()
      } else {
      }
    }
    %scan3A_20 = arith.constant 8 : i32
    return
  }
}

#map = affine_map<(d0, d1) -> (0, 0, 0)>
#map1 = affine_map<(d0, d1) -> (0)>
#map2 = affine_map<(d0, d1) -> (0, 0)>
module attributes {stable_mosaic.version = 14 : i64} {
  func.func @k(%arg0: i32, %arg1: i32, %arg2: memref<2x10000x128xf32, #tpu.memory_space<hbm>>, %arg3: memref<320000xi32, #tpu.memory_space<hbm>>, %arg4: memref<160000x128xf32, #tpu.memory_space<hbm>>, %arg5: memref<160000x128xf32, #tpu.memory_space<hbm>>, %arg6: memref<80xi32, #tpu.memory_space<vmem>>, %arg7: memref<80xi32, #tpu.memory_space<vmem>>, %arg8: memref<80x128xf32, #tpu.memory_space<vmem>>, %arg9: memref<80x128xf32, #tpu.memory_space<vmem>>, %arg10: memref<80x128xf32, #tpu.memory_space<vmem>>, %arg11: memref<10000x128xf32, #tpu.memory_space<vmem_shared>>, %arg12: memref<!tpu.dma_semaphore, #tpu.memory_space<semaphore_mem>>, %arg13: memref<!tpu.dma_semaphore, #tpu.memory_space<semaphore_mem>>, %arg14: memref<!tpu.dma_semaphore, #tpu.memory_space<semaphore_mem>>) attributes {dimension_semantics = [#tpu.dimension_semantics<core_parallel>, #tpu.dimension_semantics<subcore_parallel>], iteration_bounds = array<i64: 2, 16>, scalar_prefetch = 0 : i64, scratch_operands = 9 : i64, tpu.core_type = #tpu.core_type<sc_vector_subcore>, window_params = [{transform_indices = #map}, {transform_indices = #map1}, {transform_indices = #map2}, {transform_indices = #map2}]} {
    %scan3A = arith.constant 0 : i32
    %scan3A_0 = arith.constant 0 : i32
    %scan3A_1 = arith.constant 8 : i32
    %scan3A_2 = arith.addi %scan3A_0, %scan3A_1 : i32
    %scan3A_3 = arith.constant 1 : i32
    scf.for %scan3A_12 = %scan3A_0 to %scan3A_2 step %scan3A_3  : i32 {
      %mul3A = arith.constant 16 : i32
      %mul3A_13 = arith.muli %scan3A_12, %mul3A : i32
      %add3A = arith.addi %arg1, %mul3A_13 : i32
      %lt3A = arith.constant 125 : i32
      %lt3A_14 = arith.cmpi slt, %add3A, %lt3A : i32
      %convert_element_type3A_15 = arith.extui %lt3A_14 : i1 to i32
      %cond3A_16 = arith.constant 0 : i32
      %cond3A_17 = arith.cmpi ne, %convert_element_type3A_15, %cond3A_16 : i32
      scf.if %cond3A_17 {
        %mul3A_18 = arith.constant 80 : i32
        %mul3A_19 = arith.muli %add3A, %mul3A_18 : i32
        "tpu.region"() ({
          %run_scoped3A = tpu.sem_alloc : memref<!tpu.dma_semaphore, #tpu.memory_space<semaphore_mem>>
          %dma_start3A = arith.constant 0 : i32
          %dma_start3A_22 = tpu.memref_slice %arg2[%arg0, %mul3A_19, %dma_start3A] : memref<2x10000x128xf32, #tpu.memory_space<hbm>> -> memref<1x80x128xf32, #tpu.memory_space<hbm>>
          %dma_start3A_23 = tpu.memref_squeeze %dma_start3A_22 : memref<1x80x128xf32, #tpu.memory_space<hbm>> -> memref<80x128xf32, #tpu.memory_space<hbm>>
          %dma_start3A_24 = arith.constant 0 : i32
          %dma_start3A_25 = tpu.memref_slice %arg2[%arg0, %mul3A_19, %dma_start3A_24] : memref<2x10000x128xf32, #tpu.memory_space<hbm>> -> memref<1x80x128xf32, #tpu.memory_space<hbm>>
          %dma_start3A_26 = tpu.memref_squeeze %dma_start3A_25 : memref<1x80x128xf32, #tpu.memory_space<hbm>> -> memref<80x128xf32, #tpu.memory_space<hbm>>
          tpu.enqueue_dma source(%dma_start3A_26 : memref<80x128xf32, #tpu.memory_space<hbm>>) target(%arg10 : memref<80x128xf32, #tpu.memory_space<vmem>>) target_semaphore(%run_scoped3A : memref<!tpu.dma_semaphore, #tpu.memory_space<semaphore_mem>>)
          %dma_wait3A = arith.constant 0 : i32
          %dma_wait3A_27 = tpu.memref_slice %arg2[%arg0, %mul3A_19, %dma_wait3A] : memref<2x10000x128xf32, #tpu.memory_space<hbm>> -> memref<1x80x128xf32, #tpu.memory_space<hbm>>
          %dma_wait3A_28 = tpu.memref_squeeze %dma_wait3A_27 : memref<1x80x128xf32, #tpu.memory_space<hbm>> -> memref<80x128xf32, #tpu.memory_space<hbm>>
          %dma_wait3A_29 = arith.constant 0 : i32
          %dma_wait3A_30 = tpu.memref_slice %arg2[%arg0, %mul3A_19, %dma_wait3A_29] : memref<2x10000x128xf32, #tpu.memory_space<hbm>> -> memref<1x80x128xf32, #tpu.memory_space<hbm>>
          %dma_wait3A_31 = tpu.memref_squeeze %dma_wait3A_30 : memref<1x80x128xf32, #tpu.memory_space<hbm>> -> memref<80x128xf32, #tpu.memory_space<hbm>>
          tpu.wait_dma2 semaphore(%run_scoped3A : memref<!tpu.dma_semaphore, #tpu.memory_space<semaphore_mem>>) src(%dma_wait3A_31 : memref<80x128xf32, #tpu.memory_space<hbm>>) dst(%arg10 : memref<80x128xf32, #tpu.memory_space<vmem>>)
          tpu.yield
        }) : () -> ()
        %mul3A_20 = arith.constant 80 : i32
        %mul3A_21 = arith.muli %add3A, %mul3A_20 : i32
        "tpu.region"() ({
          %run_scoped3A = tpu.sem_alloc : memref<!tpu.dma_semaphore, #tpu.memory_space<semaphore_mem>>
          %dma_start3A = arith.constant 0 : i32
          %dma_start3A_22 = tpu.memref_slice %arg11[%mul3A_21, %dma_start3A] : memref<10000x128xf32, #tpu.memory_space<vmem_shared>> -> memref<80x128xf32, #tpu.memory_space<vmem_shared>>
          %dma_start3A_23 = arith.constant 0 : i32
          %dma_start3A_24 = tpu.memref_slice %arg11[%mul3A_21, %dma_start3A_23] : memref<10000x128xf32, #tpu.memory_space<vmem_shared>> -> memref<80x128xf32, #tpu.memory_space<vmem_shared>>
          tpu.enqueue_dma source(%arg10 : memref<80x128xf32, #tpu.memory_space<vmem>>) target(%dma_start3A_24 : memref<80x128xf32, #tpu.memory_space<vmem_shared>>) target_semaphore(%run_scoped3A : memref<!tpu.dma_semaphore, #tpu.memory_space<semaphore_mem>>)
          %dma_wait3A = arith.constant 0 : i32
          %dma_wait3A_25 = tpu.memref_slice %arg11[%mul3A_21, %dma_wait3A] : memref<10000x128xf32, #tpu.memory_space<vmem_shared>> -> memref<80x128xf32, #tpu.memory_space<vmem_shared>>
          %dma_wait3A_26 = arith.constant 0 : i32
          %dma_wait3A_27 = tpu.memref_slice %arg11[%mul3A_21, %dma_wait3A_26] : memref<10000x128xf32, #tpu.memory_space<vmem_shared>> -> memref<80x128xf32, #tpu.memory_space<vmem_shared>>
          tpu.wait_dma2 semaphore(%run_scoped3A : memref<!tpu.dma_semaphore, #tpu.memory_space<semaphore_mem>>) src(%arg10 : memref<80x128xf32, #tpu.memory_space<vmem>>) dst(%dma_wait3A_27 : memref<80x128xf32, #tpu.memory_space<vmem_shared>>)
          tpu.yield
        }) : () -> ()
      } else {
      }
    }
    %scan3A_4 = arith.constant 8 : i32
    %barrier3A = arith.constant 0 : index
    tpu.barrier barrier_id(%barrier3A)
    %eq3A = arith.constant 0 : i32
    %eq3A_5 = arith.cmpi eq, %arg0, %eq3A : i32
    %convert_element_type3A = arith.extui %eq3A_5 : i1 to i32
    %cond3A = arith.constant 0 : i32
    %cond3A_6 = arith.cmpi ne, %convert_element_type3A, %cond3A : i32
    scf.if %cond3A_6 {
      %scan3A_12 = arith.constant 0 : i32
      %scan3A_13 = arith.constant 0 : i32
      %scan3A_14 = arith.constant 62 : i32
      %scan3A_15 = arith.addi %scan3A_13, %scan3A_14 : i32
      %scan3A_16 = arith.constant 1 : i32
      scf.for %scan3A_49 = %scan3A_13 to %scan3A_15 step %scan3A_16  : i32 {
        %gt3A = arith.constant 0 : i32
        %gt3A_50 = arith.cmpi sgt, %scan3A_49, %gt3A : i32
        %convert_element_type3A_51 = arith.extui %gt3A_50 : i1 to i32
        %cond3A_52 = arith.constant 0 : i32
        %cond3A_53 = arith.cmpi ne, %convert_element_type3A_51, %cond3A_52 : i32
        scf.if %cond3A_53 {
          %dma_wait3A_103 = arith.constant 0 : i32
          %dma_wait3A_104 = arith.constant 0 : i32
          %dma_wait3A_105 = tpu.memref_slice %arg4[%dma_wait3A_103, %dma_wait3A_104] : memref<160000x128xf32, #tpu.memory_space<hbm>> -> memref<80x128xf32, #tpu.memory_space<hbm>>
          %dma_wait3A_106 = arith.constant 0 : i32
          %dma_wait3A_107 = arith.constant 0 : i32
          %dma_wait3A_108 = tpu.memref_slice %arg4[%dma_wait3A_106, %dma_wait3A_107] : memref<160000x128xf32, #tpu.memory_space<hbm>> -> memref<80x128xf32, #tpu.memory_space<hbm>>
          tpu.wait_dma2 semaphore(%arg13 : memref<!tpu.dma_semaphore, #tpu.memory_space<semaphore_mem>>) src(%arg8 : memref<80x128xf32, #tpu.memory_space<vmem>>) dst(%dma_wait3A_108 : memref<80x128xf32, #tpu.memory_space<hbm>>)
        } else {
        }
        %mul3A_54 = arith.constant 10000 : i32
        %mul3A_55 = arith.muli %arg1, %mul3A_54 : i32
        %mul3A_56 = arith.constant 2 : i32
        %mul3A_57 = arith.muli %mul3A_56, %scan3A_49 : i32
        %add3A_58 = arith.constant 0 : i32
        %add3A_59 = arith.addi %mul3A_57, %add3A_58 : i32
        %mul3A_60 = arith.constant 80 : i32
        %mul3A_61 = arith.muli %add3A_59, %mul3A_60 : i32
        %add3A_62 = arith.addi %mul3A_55, %mul3A_61 : i32
        %mul3A_63 = arith.constant 160000 : i32
        %mul3A_64 = arith.muli %arg0, %mul3A_63 : i32
        %add3A_65 = arith.addi %mul3A_64, %add3A_62 : i32
        "tpu.region"() ({
          %run_scoped3A = tpu.sem_alloc : memref<!tpu.dma_semaphore, #tpu.memory_space<semaphore_mem>>
          %dma_start3A_103 = tpu.memref_slice %arg3[%add3A_65] : memref<320000xi32, #tpu.memory_space<hbm>> -> memref<80xi32, #tpu.memory_space<hbm>>
          %dma_start3A_104 = tpu.memref_slice %arg3[%add3A_65] : memref<320000xi32, #tpu.memory_space<hbm>> -> memref<80xi32, #tpu.memory_space<hbm>>
          tpu.enqueue_dma source(%dma_start3A_104 : memref<80xi32, #tpu.memory_space<hbm>>) target(%arg6 : memref<80xi32, #tpu.memory_space<vmem>>) target_semaphore(%run_scoped3A : memref<!tpu.dma_semaphore, #tpu.memory_space<semaphore_mem>>)
          %dma_wait3A_105 = tpu.memref_slice %arg3[%add3A_65] : memref<320000xi32, #tpu.memory_space<hbm>> -> memref<80xi32, #tpu.memory_space<hbm>>
          %dma_wait3A_106 = tpu.memref_slice %arg3[%add3A_65] : memref<320000xi32, #tpu.memory_space<hbm>> -> memref<80xi32, #tpu.memory_space<hbm>>
          tpu.wait_dma2 semaphore(%run_scoped3A : memref<!tpu.dma_semaphore, #tpu.memory_space<semaphore_mem>>) src(%dma_wait3A_106 : memref<80xi32, #tpu.memory_space<hbm>>) dst(%arg6 : memref<80xi32, #tpu.memory_space<vmem>>)
          tpu.yield
        }) : () -> ()
        %dma_start3A_66 = arith.constant 0 : i32
        %dma_start3A_67 = arith.constant 0 : i32
        %dma_start3A_68 = tpu.memref_slice %arg11[%dma_start3A_66, %dma_start3A_67] : memref<10000x128xf32, #tpu.memory_space<vmem_shared>> -> memref<10000x128xf32, #tpu.memory_space<vmem_shared>>
        tpu.enqueue_indirect_dma source(%dma_start3A_68 : memref<10000x128xf32, #tpu.memory_space<vmem_shared>>) target(%arg8 : memref<80x128xf32, #tpu.memory_space<vmem>>) offsets(%arg6 : memref<80xi32, #tpu.memory_space<vmem>>) semaphore(%arg12 : memref<!tpu.dma_semaphore, #tpu.memory_space<semaphore_mem>>)
        %dma_wait3A_69 = arith.constant 0 : i32
        %dma_wait3A_70 = arith.constant 0 : i32
        %dma_wait3A_71 = tpu.memref_slice %arg11[%dma_wait3A_69, %dma_wait3A_70] : memref<10000x128xf32, #tpu.memory_space<vmem_shared>> -> memref<10000x128xf32, #tpu.memory_space<vmem_shared>>
        tpu.wait_indirect_dma semaphore(%arg12 : memref<!tpu.dma_semaphore, #tpu.memory_space<semaphore_mem>>) src(%dma_wait3A_71 : memref<10000x128xf32, #tpu.memory_space<vmem_shared>>) dst(%arg8 : memref<80x128xf32, #tpu.memory_space<vmem>>)
        %dma_start3A_72 = arith.constant 0 : i32
        %dma_start3A_73 = tpu.memref_slice %arg4[%add3A_62, %dma_start3A_72] : memref<160000x128xf32, #tpu.memory_space<hbm>> -> memref<80x128xf32, #tpu.memory_space<hbm>>
        %dma_start3A_74 = arith.constant 0 : i32
        %dma_start3A_75 = tpu.memref_slice %arg4[%add3A_62, %dma_start3A_74] : memref<160000x128xf32, #tpu.memory_space<hbm>> -> memref<80x128xf32, #tpu.memory_space<hbm>>
        tpu.enqueue_dma source(%arg8 : memref<80x128xf32, #tpu.memory_space<vmem>>) target(%dma_start3A_75 : memref<80x128xf32, #tpu.memory_space<hbm>>) target_semaphore(%arg13 : memref<!tpu.dma_semaphore, #tpu.memory_space<semaphore_mem>>)
        %gt3A_76 = arith.constant 0 : i32
        %gt3A_77 = arith.cmpi sgt, %scan3A_49, %gt3A_76 : i32
        %convert_element_type3A_78 = arith.extui %gt3A_77 : i1 to i32
        %cond3A_79 = arith.constant 0 : i32
        %cond3A_80 = arith.cmpi ne, %convert_element_type3A_78, %cond3A_79 : i32
        scf.if %cond3A_80 {
          %dma_wait3A_103 = arith.constant 0 : i32
          %dma_wait3A_104 = arith.constant 0 : i32
          %dma_wait3A_105 = tpu.memref_slice %arg4[%dma_wait3A_103, %dma_wait3A_104] : memref<160000x128xf32, #tpu.memory_space<hbm>> -> memref<80x128xf32, #tpu.memory_space<hbm>>
          %dma_wait3A_106 = arith.constant 0 : i32
          %dma_wait3A_107 = arith.constant 0 : i32
          %dma_wait3A_108 = tpu.memref_slice %arg4[%dma_wait3A_106, %dma_wait3A_107] : memref<160000x128xf32, #tpu.memory_space<hbm>> -> memref<80x128xf32, #tpu.memory_space<hbm>>
          tpu.wait_dma2 semaphore(%arg14 : memref<!tpu.dma_semaphore, #tpu.memory_space<semaphore_mem>>) src(%arg9 : memref<80x128xf32, #tpu.memory_space<vmem>>) dst(%dma_wait3A_108 : memref<80x128xf32, #tpu.memory_space<hbm>>)
        } else {
        }
        %mul3A_81 = arith.constant 10000 : i32
        %mul3A_82 = arith.muli %arg1, %mul3A_81 : i32
        %mul3A_83 = arith.constant 2 : i32
        %mul3A_84 = arith.muli %mul3A_83, %scan3A_49 : i32
        %add3A_85 = arith.constant 1 : i32
        %add3A_86 = arith.addi %mul3A_84, %add3A_85 : i32
        %mul3A_87 = arith.constant 80 : i32
        %mul3A_88 = arith.muli %add3A_86, %mul3A_87 : i32
        %add3A_89 = arith.addi %mul3A_82, %mul3A_88 : i32
        %mul3A_90 = arith.constant 160000 : i32
        %mul3A_91 = arith.muli %arg0, %mul3A_90 : i32
        %add3A_92 = arith.addi %mul3A_91, %add3A_89 : i32
        "tpu.region"() ({
          %run_scoped3A = tpu.sem_alloc : memref<!tpu.dma_semaphore, #tpu.memory_space<semaphore_mem>>
          %dma_start3A_103 = tpu.memref_slice %arg3[%add3A_92] : memref<320000xi32, #tpu.memory_space<hbm>> -> memref<80xi32, #tpu.memory_space<hbm>>
          %dma_start3A_104 = tpu.memref_slice %arg3[%add3A_92] : memref<320000xi32, #tpu.memory_space<hbm>> -> memref<80xi32, #tpu.memory_space<hbm>>
          tpu.enqueue_dma source(%dma_start3A_104 : memref<80xi32, #tpu.memory_space<hbm>>) target(%arg7 : memref<80xi32, #tpu.memory_space<vmem>>) target_semaphore(%run_scoped3A : memref<!tpu.dma_semaphore, #tpu.memory_space<semaphore_mem>>)
          %dma_wait3A_105 = tpu.memref_slice %arg3[%add3A_92] : memref<320000xi32, #tpu.memory_space<hbm>> -> memref<80xi32, #tpu.memory_space<hbm>>
          %dma_wait3A_106 = tpu.memref_slice %arg3[%add3A_92] : memref<320000xi32, #tpu.memory_space<hbm>> -> memref<80xi32, #tpu.memory_space<hbm>>
          tpu.wait_dma2 semaphore(%run_scoped3A : memref<!tpu.dma_semaphore, #tpu.memory_space<semaphore_mem>>) src(%dma_wait3A_106 : memref<80xi32, #tpu.memory_space<hbm>>) dst(%arg7 : memref<80xi32, #tpu.memory_space<vmem>>)
          tpu.yield
        }) : () -> ()
        %dma_start3A_93 = arith.constant 0 : i32
        %dma_start3A_94 = arith.constant 0 : i32
        %dma_start3A_95 = tpu.memref_slice %arg11[%dma_start3A_93, %dma_start3A_94] : memref<10000x128xf32, #tpu.memory_space<vmem_shared>> -> memref<10000x128xf32, #tpu.memory_space<vmem_shared>>
        tpu.enqueue_indirect_dma source(%dma_start3A_95 : memref<10000x128xf32, #tpu.memory_space<vmem_shared>>) target(%arg9 : memref<80x128xf32, #tpu.memory_space<vmem>>) offsets(%arg7 : memref<80xi32, #tpu.memory_space<vmem>>) semaphore(%arg12 : memref<!tpu.dma_semaphore, #tpu.memory_space<semaphore_mem>>)
        %dma_wait3A_96 = arith.constant 0 : i32
        %dma_wait3A_97 = arith.constant 0 : i32
        %dma_wait3A_98 = tpu.memref_slice %arg11[%dma_wait3A_96, %dma_wait3A_97] : memref<10000x128xf32, #tpu.memory_space<vmem_shared>> -> memref<10000x128xf32, #tpu.memory_space<vmem_shared>>
        tpu.wait_indirect_dma semaphore(%arg12 : memref<!tpu.dma_semaphore, #tpu.memory_space<semaphore_mem>>) src(%dma_wait3A_98 : memref<10000x128xf32, #tpu.memory_space<vmem_shared>>) dst(%arg9 : memref<80x128xf32, #tpu.memory_space<vmem>>)
        %dma_start3A_99 = arith.constant 0 : i32
        %dma_start3A_100 = tpu.memref_slice %arg4[%add3A_89, %dma_start3A_99] : memref<160000x128xf32, #tpu.memory_space<hbm>> -> memref<80x128xf32, #tpu.memory_space<hbm>>
        %dma_start3A_101 = arith.constant 0 : i32
        %dma_start3A_102 = tpu.memref_slice %arg4[%add3A_89, %dma_start3A_101] : memref<160000x128xf32, #tpu.memory_space<hbm>> -> memref<80x128xf32, #tpu.memory_space<hbm>>
        tpu.enqueue_dma source(%arg9 : memref<80x128xf32, #tpu.memory_space<vmem>>) target(%dma_start3A_102 : memref<80x128xf32, #tpu.memory_space<hbm>>) target_semaphore(%arg14 : memref<!tpu.dma_semaphore, #tpu.memory_space<semaphore_mem>>)
      }
      %scan3A_17 = arith.constant 62 : i32
      %dma_wait3A = arith.constant 0 : i32
      %dma_wait3A_18 = arith.constant 0 : i32
      %dma_wait3A_19 = tpu.memref_slice %arg4[%dma_wait3A, %dma_wait3A_18] : memref<160000x128xf32, #tpu.memory_space<hbm>> -> memref<80x128xf32, #tpu.memory_space<hbm>>
      %dma_wait3A_20 = arith.constant 0 : i32
      %dma_wait3A_21 = arith.constant 0 : i32
      %dma_wait3A_22 = tpu.memref_slice %arg4[%dma_wait3A_20, %dma_wait3A_21] : memref<160000x128xf32, #tpu.memory_space<hbm>> -> memref<80x128xf32, #tpu.memory_space<hbm>>
      tpu.wait_dma2 semaphore(%arg13 : memref<!tpu.dma_semaphore, #tpu.memory_space<semaphore_mem>>) src(%arg8 : memref<80x128xf32, #tpu.memory_space<vmem>>) dst(%dma_wait3A_22 : memref<80x128xf32, #tpu.memory_space<hbm>>)
      %mul3A = arith.constant 10000 : i32
      %mul3A_23 = arith.muli %arg1, %mul3A : i32
      %add3A = arith.constant 9920 : i32
      %add3A_24 = arith.addi %mul3A_23, %add3A : i32
      %mul3A_25 = arith.constant 160000 : i32
      %mul3A_26 = arith.muli %arg0, %mul3A_25 : i32
      %add3A_27 = arith.addi %mul3A_26, %add3A_24 : i32
      "tpu.region"() ({
        %run_scoped3A = tpu.sem_alloc : memref<!tpu.dma_semaphore, #tpu.memory_space<semaphore_mem>>
        %dma_start3A_49 = tpu.memref_slice %arg3[%add3A_27] : memref<320000xi32, #tpu.memory_space<hbm>> -> memref<80xi32, #tpu.memory_space<hbm>>
        %dma_start3A_50 = tpu.memref_slice %arg3[%add3A_27] : memref<320000xi32, #tpu.memory_space<hbm>> -> memref<80xi32, #tpu.memory_space<hbm>>
        tpu.enqueue_dma source(%dma_start3A_50 : memref<80xi32, #tpu.memory_space<hbm>>) target(%arg6 : memref<80xi32, #tpu.memory_space<vmem>>) target_semaphore(%run_scoped3A : memref<!tpu.dma_semaphore, #tpu.memory_space<semaphore_mem>>)
        %dma_wait3A_51 = tpu.memref_slice %arg3[%add3A_27] : memref<320000xi32, #tpu.memory_space<hbm>> -> memref<80xi32, #tpu.memory_space<hbm>>
        %dma_wait3A_52 = tpu.memref_slice %arg3[%add3A_27] : memref<320000xi32, #tpu.memory_space<hbm>> -> memref<80xi32, #tpu.memory_space<hbm>>
        tpu.wait_dma2 semaphore(%run_scoped3A : memref<!tpu.dma_semaphore, #tpu.memory_space<semaphore_mem>>) src(%dma_wait3A_52 : memref<80xi32, #tpu.memory_space<hbm>>) dst(%arg6 : memref<80xi32, #tpu.memory_space<vmem>>)
        tpu.yield
      }) : () -> ()
      %dma_start3A = arith.constant 0 : i32
      %dma_start3A_28 = arith.constant 0 : i32
      %dma_start3A_29 = tpu.memref_slice %arg11[%dma_start3A, %dma_start3A_28] : memref<10000x128xf32, #tpu.memory_space<vmem_shared>> -> memref<10000x128xf32, #tpu.memory_space<vmem_shared>>
      tpu.enqueue_indirect_dma source(%dma_start3A_29 : memref<10000x128xf32, #tpu.memory_space<vmem_shared>>) target(%arg8 : memref<80x128xf32, #tpu.memory_space<vmem>>) offsets(%arg6 : memref<80xi32, #tpu.memory_space<vmem>>) semaphore(%arg12 : memref<!tpu.dma_semaphore, #tpu.memory_space<semaphore_mem>>)
      %dma_wait3A_30 = arith.constant 0 : i32
      %dma_wait3A_31 = arith.constant 0 : i32
      %dma_wait3A_32 = tpu.memref_slice %arg11[%dma_wait3A_30, %dma_wait3A_31] : memref<10000x128xf32, #tpu.memory_space<vmem_shared>> -> memref<10000x128xf32, #tpu.memory_space<vmem_shared>>
      tpu.wait_indirect_dma semaphore(%arg12 : memref<!tpu.dma_semaphore, #tpu.memory_space<semaphore_mem>>) src(%dma_wait3A_32 : memref<10000x128xf32, #tpu.memory_space<vmem_shared>>) dst(%arg8 : memref<80x128xf32, #tpu.memory_space<vmem>>)
      %dma_start3A_33 = arith.constant 0 : i32
      %dma_start3A_34 = tpu.memref_slice %arg4[%add3A_24, %dma_start3A_33] : memref<160000x128xf32, #tpu.memory_space<hbm>> -> memref<80x128xf32, #tpu.memory_space<hbm>>
      %dma_start3A_35 = arith.constant 0 : i32
      %dma_start3A_36 = tpu.memref_slice %arg4[%add3A_24, %dma_start3A_35] : memref<160000x128xf32, #tpu.memory_space<hbm>> -> memref<80x128xf32, #tpu.memory_space<hbm>>
      tpu.enqueue_dma source(%arg8 : memref<80x128xf32, #tpu.memory_space<vmem>>) target(%dma_start3A_36 : memref<80x128xf32, #tpu.memory_space<hbm>>) target_semaphore(%arg13 : memref<!tpu.dma_semaphore, #tpu.memory_space<semaphore_mem>>)
      %dma_wait3A_37 = arith.constant 0 : i32
      %dma_wait3A_38 = arith.constant 0 : i32
      %dma_wait3A_39 = tpu.memref_slice %arg4[%dma_wait3A_37, %dma_wait3A_38] : memref<160000x128xf32, #tpu.memory_space<hbm>> -> memref<80x128xf32, #tpu.memory_space<hbm>>
      %dma_wait3A_40 = arith.constant 0 : i32
      %dma_wait3A_41 = arith.constant 0 : i32
      %dma_wait3A_42 = tpu.memref_slice %arg4[%dma_wait3A_40, %dma_wait3A_41] : memref<160000x128xf32, #tpu.memory_space<hbm>> -> memref<80x128xf32, #tpu.memory_space<hbm>>
      tpu.wait_dma2 semaphore(%arg13 : memref<!tpu.dma_semaphore, #tpu.memory_space<semaphore_mem>>) src(%arg8 : memref<80x128xf32, #tpu.memory_space<vmem>>) dst(%dma_wait3A_42 : memref<80x128xf32, #tpu.memory_space<hbm>>)
      %dma_wait3A_43 = arith.constant 0 : i32
      %dma_wait3A_44 = arith.constant 0 : i32
      %dma_wait3A_45 = tpu.memref_slice %arg4[%dma_wait3A_43, %dma_wait3A_44] : memref<160000x128xf32, #tpu.memory_space<hbm>> -> memref<80x128xf32, #tpu.memory_space<hbm>>
      %dma_wait3A_46 = arith.constant 0 : i32
      %dma_wait3A_47 = arith.constant 0 : i32
      %dma_wait3A_48 = tpu.memref_slice %arg4[%dma_wait3A_46, %dma_wait3A_47] : memref<160000x128xf32, #tpu.memory_space<hbm>> -> memref<80x128xf32, #tpu.memory_space<hbm>>
      tpu.wait_dma2 semaphore(%arg14 : memref<!tpu.dma_semaphore, #tpu.memory_space<semaphore_mem>>) src(%arg9 : memref<80x128xf32, #tpu.memory_space<vmem>>) dst(%dma_wait3A_48 : memref<80x128xf32, #tpu.memory_space<hbm>>)
    } else {
    }
    %eq3A_7 = arith.constant 1 : i32
    %eq3A_8 = arith.cmpi eq, %arg0, %eq3A_7 : i32
    %convert_element_type3A_9 = arith.extui %eq3A_8 : i1 to i32
    %cond3A_10 = arith.constant 0 : i32
    %cond3A_11 = arith.cmpi ne, %convert_element_type3A_9, %cond3A_10 : i32
    scf.if %cond3A_11 {
      %scan3A_12 = arith.constant 0 : i32
      %scan3A_13 = arith.constant 0 : i32
      %scan3A_14 = arith.constant 62 : i32
      %scan3A_15 = arith.addi %scan3A_13, %scan3A_14 : i32
      %scan3A_16 = arith.constant 1 : i32
      scf.for %scan3A_49 = %scan3A_13 to %scan3A_15 step %scan3A_16  : i32 {
        %gt3A = arith.constant 0 : i32
        %gt3A_50 = arith.cmpi sgt, %scan3A_49, %gt3A : i32
        %convert_element_type3A_51 = arith.extui %gt3A_50 : i1 to i32
        %cond3A_52 = arith.constant 0 : i32
        %cond3A_53 = arith.cmpi ne, %convert_element_type3A_51, %cond3A_52 : i32
        scf.if %cond3A_53 {
          %dma_wait3A_103 = arith.constant 0 : i32
          %dma_wait3A_104 = arith.constant 0 : i32
          %dma_wait3A_105 = tpu.memref_slice %arg5[%dma_wait3A_103, %dma_wait3A_104] : memref<160000x128xf32, #tpu.memory_space<hbm>> -> memref<80x128xf32, #tpu.memory_space<hbm>>
          %dma_wait3A_106 = arith.constant 0 : i32
          %dma_wait3A_107 = arith.constant 0 : i32
          %dma_wait3A_108 = tpu.memref_slice %arg5[%dma_wait3A_106, %dma_wait3A_107] : memref<160000x128xf32, #tpu.memory_space<hbm>> -> memref<80x128xf32, #tpu.memory_space<hbm>>
          tpu.wait_dma2 semaphore(%arg13 : memref<!tpu.dma_semaphore, #tpu.memory_space<semaphore_mem>>) src(%arg8 : memref<80x128xf32, #tpu.memory_space<vmem>>) dst(%dma_wait3A_108 : memref<80x128xf32, #tpu.memory_space<hbm>>)
        } else {
        }
        %mul3A_54 = arith.constant 10000 : i32
        %mul3A_55 = arith.muli %arg1, %mul3A_54 : i32
        %mul3A_56 = arith.constant 2 : i32
        %mul3A_57 = arith.muli %mul3A_56, %scan3A_49 : i32
        %add3A_58 = arith.constant 0 : i32
        %add3A_59 = arith.addi %mul3A_57, %add3A_58 : i32
        %mul3A_60 = arith.constant 80 : i32
        %mul3A_61 = arith.muli %add3A_59, %mul3A_60 : i32
        %add3A_62 = arith.addi %mul3A_55, %mul3A_61 : i32
        %mul3A_63 = arith.constant 160000 : i32
        %mul3A_64 = arith.muli %arg0, %mul3A_63 : i32
        %add3A_65 = arith.addi %mul3A_64, %add3A_62 : i32
        "tpu.region"() ({
          %run_scoped3A = tpu.sem_alloc : memref<!tpu.dma_semaphore, #tpu.memory_space<semaphore_mem>>
          %dma_start3A_103 = tpu.memref_slice %arg3[%add3A_65] : memref<320000xi32, #tpu.memory_space<hbm>> -> memref<80xi32, #tpu.memory_space<hbm>>
          %dma_start3A_104 = tpu.memref_slice %arg3[%add3A_65] : memref<320000xi32, #tpu.memory_space<hbm>> -> memref<80xi32, #tpu.memory_space<hbm>>
          tpu.enqueue_dma source(%dma_start3A_104 : memref<80xi32, #tpu.memory_space<hbm>>) target(%arg6 : memref<80xi32, #tpu.memory_space<vmem>>) target_semaphore(%run_scoped3A : memref<!tpu.dma_semaphore, #tpu.memory_space<semaphore_mem>>)
          %dma_wait3A_105 = tpu.memref_slice %arg3[%add3A_65] : memref<320000xi32, #tpu.memory_space<hbm>> -> memref<80xi32, #tpu.memory_space<hbm>>
          %dma_wait3A_106 = tpu.memref_slice %arg3[%add3A_65] : memref<320000xi32, #tpu.memory_space<hbm>> -> memref<80xi32, #tpu.memory_space<hbm>>
          tpu.wait_dma2 semaphore(%run_scoped3A : memref<!tpu.dma_semaphore, #tpu.memory_space<semaphore_mem>>) src(%dma_wait3A_106 : memref<80xi32, #tpu.memory_space<hbm>>) dst(%arg6 : memref<80xi32, #tpu.memory_space<vmem>>)
          tpu.yield
        }) : () -> ()
        %dma_start3A_66 = arith.constant 0 : i32
        %dma_start3A_67 = arith.constant 0 : i32
        %dma_start3A_68 = tpu.memref_slice %arg11[%dma_start3A_66, %dma_start3A_67] : memref<10000x128xf32, #tpu.memory_space<vmem_shared>> -> memref<10000x128xf32, #tpu.memory_space<vmem_shared>>
        tpu.enqueue_indirect_dma source(%dma_start3A_68 : memref<10000x128xf32, #tpu.memory_space<vmem_shared>>) target(%arg8 : memref<80x128xf32, #tpu.memory_space<vmem>>) offsets(%arg6 : memref<80xi32, #tpu.memory_space<vmem>>) semaphore(%arg12 : memref<!tpu.dma_semaphore, #tpu.memory_space<semaphore_mem>>)
        %dma_wait3A_69 = arith.constant 0 : i32
        %dma_wait3A_70 = arith.constant 0 : i32
        %dma_wait3A_71 = tpu.memref_slice %arg11[%dma_wait3A_69, %dma_wait3A_70] : memref<10000x128xf32, #tpu.memory_space<vmem_shared>> -> memref<10000x128xf32, #tpu.memory_space<vmem_shared>>
        tpu.wait_indirect_dma semaphore(%arg12 : memref<!tpu.dma_semaphore, #tpu.memory_space<semaphore_mem>>) src(%dma_wait3A_71 : memref<10000x128xf32, #tpu.memory_space<vmem_shared>>) dst(%arg8 : memref<80x128xf32, #tpu.memory_space<vmem>>)
        %dma_start3A_72 = arith.constant 0 : i32
        %dma_start3A_73 = tpu.memref_slice %arg5[%add3A_62, %dma_start3A_72] : memref<160000x128xf32, #tpu.memory_space<hbm>> -> memref<80x128xf32, #tpu.memory_space<hbm>>
        %dma_start3A_74 = arith.constant 0 : i32
        %dma_start3A_75 = tpu.memref_slice %arg5[%add3A_62, %dma_start3A_74] : memref<160000x128xf32, #tpu.memory_space<hbm>> -> memref<80x128xf32, #tpu.memory_space<hbm>>
        tpu.enqueue_dma source(%arg8 : memref<80x128xf32, #tpu.memory_space<vmem>>) target(%dma_start3A_75 : memref<80x128xf32, #tpu.memory_space<hbm>>) target_semaphore(%arg13 : memref<!tpu.dma_semaphore, #tpu.memory_space<semaphore_mem>>)
        %gt3A_76 = arith.constant 0 : i32
        %gt3A_77 = arith.cmpi sgt, %scan3A_49, %gt3A_76 : i32
        %convert_element_type3A_78 = arith.extui %gt3A_77 : i1 to i32
        %cond3A_79 = arith.constant 0 : i32
        %cond3A_80 = arith.cmpi ne, %convert_element_type3A_78, %cond3A_79 : i32
        scf.if %cond3A_80 {
          %dma_wait3A_103 = arith.constant 0 : i32
          %dma_wait3A_104 = arith.constant 0 : i32
          %dma_wait3A_105 = tpu.memref_slice %arg5[%dma_wait3A_103, %dma_wait3A_104] : memref<160000x128xf32, #tpu.memory_space<hbm>> -> memref<80x128xf32, #tpu.memory_space<hbm>>
          %dma_wait3A_106 = arith.constant 0 : i32
          %dma_wait3A_107 = arith.constant 0 : i32
          %dma_wait3A_108 = tpu.memref_slice %arg5[%dma_wait3A_106, %dma_wait3A_107] : memref<160000x128xf32, #tpu.memory_space<hbm>> -> memref<80x128xf32, #tpu.memory_space<hbm>>
          tpu.wait_dma2 semaphore(%arg14 : memref<!tpu.dma_semaphore, #tpu.memory_space<semaphore_mem>>) src(%arg9 : memref<80x128xf32, #tpu.memory_space<vmem>>) dst(%dma_wait3A_108 : memref<80x128xf32, #tpu.memory_space<hbm>>)
        } else {
        }
        %mul3A_81 = arith.constant 10000 : i32
        %mul3A_82 = arith.muli %arg1, %mul3A_81 : i32
        %mul3A_83 = arith.constant 2 : i32
        %mul3A_84 = arith.muli %mul3A_83, %scan3A_49 : i32
        %add3A_85 = arith.constant 1 : i32
        %add3A_86 = arith.addi %mul3A_84, %add3A_85 : i32
        %mul3A_87 = arith.constant 80 : i32
        %mul3A_88 = arith.muli %add3A_86, %mul3A_87 : i32
        %add3A_89 = arith.addi %mul3A_82, %mul3A_88 : i32
        %mul3A_90 = arith.constant 160000 : i32
        %mul3A_91 = arith.muli %arg0, %mul3A_90 : i32
        %add3A_92 = arith.addi %mul3A_91, %add3A_89 : i32
        "tpu.region"() ({
          %run_scoped3A = tpu.sem_alloc : memref<!tpu.dma_semaphore, #tpu.memory_space<semaphore_mem>>
          %dma_start3A_103 = tpu.memref_slice %arg3[%add3A_92] : memref<320000xi32, #tpu.memory_space<hbm>> -> memref<80xi32, #tpu.memory_space<hbm>>
          %dma_start3A_104 = tpu.memref_slice %arg3[%add3A_92] : memref<320000xi32, #tpu.memory_space<hbm>> -> memref<80xi32, #tpu.memory_space<hbm>>
          tpu.enqueue_dma source(%dma_start3A_104 : memref<80xi32, #tpu.memory_space<hbm>>) target(%arg7 : memref<80xi32, #tpu.memory_space<vmem>>) target_semaphore(%run_scoped3A : memref<!tpu.dma_semaphore, #tpu.memory_space<semaphore_mem>>)
          %dma_wait3A_105 = tpu.memref_slice %arg3[%add3A_92] : memref<320000xi32, #tpu.memory_space<hbm>> -> memref<80xi32, #tpu.memory_space<hbm>>
          %dma_wait3A_106 = tpu.memref_slice %arg3[%add3A_92] : memref<320000xi32, #tpu.memory_space<hbm>> -> memref<80xi32, #tpu.memory_space<hbm>>
          tpu.wait_dma2 semaphore(%run_scoped3A : memref<!tpu.dma_semaphore, #tpu.memory_space<semaphore_mem>>) src(%dma_wait3A_106 : memref<80xi32, #tpu.memory_space<hbm>>) dst(%arg7 : memref<80xi32, #tpu.memory_space<vmem>>)
          tpu.yield
        }) : () -> ()
        %dma_start3A_93 = arith.constant 0 : i32
        %dma_start3A_94 = arith.constant 0 : i32
        %dma_start3A_95 = tpu.memref_slice %arg11[%dma_start3A_93, %dma_start3A_94] : memref<10000x128xf32, #tpu.memory_space<vmem_shared>> -> memref<10000x128xf32, #tpu.memory_space<vmem_shared>>
        tpu.enqueue_indirect_dma source(%dma_start3A_95 : memref<10000x128xf32, #tpu.memory_space<vmem_shared>>) target(%arg9 : memref<80x128xf32, #tpu.memory_space<vmem>>) offsets(%arg7 : memref<80xi32, #tpu.memory_space<vmem>>) semaphore(%arg12 : memref<!tpu.dma_semaphore, #tpu.memory_space<semaphore_mem>>)
        %dma_wait3A_96 = arith.constant 0 : i32
        %dma_wait3A_97 = arith.constant 0 : i32
        %dma_wait3A_98 = tpu.memref_slice %arg11[%dma_wait3A_96, %dma_wait3A_97] : memref<10000x128xf32, #tpu.memory_space<vmem_shared>> -> memref<10000x128xf32, #tpu.memory_space<vmem_shared>>
        tpu.wait_indirect_dma semaphore(%arg12 : memref<!tpu.dma_semaphore, #tpu.memory_space<semaphore_mem>>) src(%dma_wait3A_98 : memref<10000x128xf32, #tpu.memory_space<vmem_shared>>) dst(%arg9 : memref<80x128xf32, #tpu.memory_space<vmem>>)
        %dma_start3A_99 = arith.constant 0 : i32
        %dma_start3A_100 = tpu.memref_slice %arg5[%add3A_89, %dma_start3A_99] : memref<160000x128xf32, #tpu.memory_space<hbm>> -> memref<80x128xf32, #tpu.memory_space<hbm>>
        %dma_start3A_101 = arith.constant 0 : i32
        %dma_start3A_102 = tpu.memref_slice %arg5[%add3A_89, %dma_start3A_101] : memref<160000x128xf32, #tpu.memory_space<hbm>> -> memref<80x128xf32, #tpu.memory_space<hbm>>
        tpu.enqueue_dma source(%arg9 : memref<80x128xf32, #tpu.memory_space<vmem>>) target(%dma_start3A_102 : memref<80x128xf32, #tpu.memory_space<hbm>>) target_semaphore(%arg14 : memref<!tpu.dma_semaphore, #tpu.memory_space<semaphore_mem>>)
      }
      %scan3A_17 = arith.constant 62 : i32
      %dma_wait3A = arith.constant 0 : i32
      %dma_wait3A_18 = arith.constant 0 : i32
      %dma_wait3A_19 = tpu.memref_slice %arg5[%dma_wait3A, %dma_wait3A_18] : memref<160000x128xf32, #tpu.memory_space<hbm>> -> memref<80x128xf32, #tpu.memory_space<hbm>>
      %dma_wait3A_20 = arith.constant 0 : i32
      %dma_wait3A_21 = arith.constant 0 : i32
      %dma_wait3A_22 = tpu.memref_slice %arg5[%dma_wait3A_20, %dma_wait3A_21] : memref<160000x128xf32, #tpu.memory_space<hbm>> -> memref<80x128xf32, #tpu.memory_space<hbm>>
      tpu.wait_dma2 semaphore(%arg13 : memref<!tpu.dma_semaphore, #tpu.memory_space<semaphore_mem>>) src(%arg8 : memref<80x128xf32, #tpu.memory_space<vmem>>) dst(%dma_wait3A_22 : memref<80x128xf32, #tpu.memory_space<hbm>>)
      %mul3A = arith.constant 10000 : i32
      %mul3A_23 = arith.muli %arg1, %mul3A : i32
      %add3A = arith.constant 9920 : i32
      %add3A_24 = arith.addi %mul3A_23, %add3A : i32
      %mul3A_25 = arith.constant 160000 : i32
      %mul3A_26 = arith.muli %arg0, %mul3A_25 : i32
      %add3A_27 = arith.addi %mul3A_26, %add3A_24 : i32
      "tpu.region"() ({
        %run_scoped3A = tpu.sem_alloc : memref<!tpu.dma_semaphore, #tpu.memory_space<semaphore_mem>>
        %dma_start3A_49 = tpu.memref_slice %arg3[%add3A_27] : memref<320000xi32, #tpu.memory_space<hbm>> -> memref<80xi32, #tpu.memory_space<hbm>>
        %dma_start3A_50 = tpu.memref_slice %arg3[%add3A_27] : memref<320000xi32, #tpu.memory_space<hbm>> -> memref<80xi32, #tpu.memory_space<hbm>>
        tpu.enqueue_dma source(%dma_start3A_50 : memref<80xi32, #tpu.memory_space<hbm>>) target(%arg6 : memref<80xi32, #tpu.memory_space<vmem>>) target_semaphore(%run_scoped3A : memref<!tpu.dma_semaphore, #tpu.memory_space<semaphore_mem>>)
        %dma_wait3A_51 = tpu.memref_slice %arg3[%add3A_27] : memref<320000xi32, #tpu.memory_space<hbm>> -> memref<80xi32, #tpu.memory_space<hbm>>
        %dma_wait3A_52 = tpu.memref_slice %arg3[%add3A_27] : memref<320000xi32, #tpu.memory_space<hbm>> -> memref<80xi32, #tpu.memory_space<hbm>>
        tpu.wait_dma2 semaphore(%run_scoped3A : memref<!tpu.dma_semaphore, #tpu.memory_space<semaphore_mem>>) src(%dma_wait3A_52 : memref<80xi32, #tpu.memory_space<hbm>>) dst(%arg6 : memref<80xi32, #tpu.memory_space<vmem>>)
        tpu.yield
      }) : () -> ()
      %dma_start3A = arith.constant 0 : i32
      %dma_start3A_28 = arith.constant 0 : i32
      %dma_start3A_29 = tpu.memref_slice %arg11[%dma_start3A, %dma_start3A_28] : memref<10000x128xf32, #tpu.memory_space<vmem_shared>> -> memref<10000x128xf32, #tpu.memory_space<vmem_shared>>
      tpu.enqueue_indirect_dma source(%dma_start3A_29 : memref<10000x128xf32, #tpu.memory_space<vmem_shared>>) target(%arg8 : memref<80x128xf32, #tpu.memory_space<vmem>>) offsets(%arg6 : memref<80xi32, #tpu.memory_space<vmem>>) semaphore(%arg12 : memref<!tpu.dma_semaphore, #tpu.memory_space<semaphore_mem>>)
      %dma_wait3A_30 = arith.constant 0 : i32
      %dma_wait3A_31 = arith.constant 0 : i32
      %dma_wait3A_32 = tpu.memref_slice %arg11[%dma_wait3A_30, %dma_wait3A_31] : memref<10000x128xf32, #tpu.memory_space<vmem_shared>> -> memref<10000x128xf32, #tpu.memory_space<vmem_shared>>
      tpu.wait_indirect_dma semaphore(%arg12 : memref<!tpu.dma_semaphore, #tpu.memory_space<semaphore_mem>>) src(%dma_wait3A_32 : memref<10000x128xf32, #tpu.memory_space<vmem_shared>>) dst(%arg8 : memref<80x128xf32, #tpu.memory_space<vmem>>)
      %dma_start3A_33 = arith.constant 0 : i32
      %dma_start3A_34 = tpu.memref_slice %arg5[%add3A_24, %dma_start3A_33] : memref<160000x128xf32, #tpu.memory_space<hbm>> -> memref<80x128xf32, #tpu.memory_space<hbm>>
      %dma_start3A_35 = arith.constant 0 : i32
      %dma_start3A_36 = tpu.memref_slice %arg5[%add3A_24, %dma_start3A_35] : memref<160000x128xf32, #tpu.memory_space<hbm>> -> memref<80x128xf32, #tpu.memory_space<hbm>>
      tpu.enqueue_dma source(%arg8 : memref<80x128xf32, #tpu.memory_space<vmem>>) target(%dma_start3A_36 : memref<80x128xf32, #tpu.memory_space<hbm>>) target_semaphore(%arg13 : memref<!tpu.dma_semaphore, #tpu.memory_space<semaphore_mem>>)
      %dma_wait3A_37 = arith.constant 0 : i32
      %dma_wait3A_38 = arith.constant 0 : i32
      %dma_wait3A_39 = tpu.memref_slice %arg5[%dma_wait3A_37, %dma_wait3A_38] : memref<160000x128xf32, #tpu.memory_space<hbm>> -> memref<80x128xf32, #tpu.memory_space<hbm>>
      %dma_wait3A_40 = arith.constant 0 : i32
      %dma_wait3A_41 = arith.constant 0 : i32
      %dma_wait3A_42 = tpu.memref_slice %arg5[%dma_wait3A_40, %dma_wait3A_41] : memref<160000x128xf32, #tpu.memory_space<hbm>> -> memref<80x128xf32, #tpu.memory_space<hbm>>
      tpu.wait_dma2 semaphore(%arg13 : memref<!tpu.dma_semaphore, #tpu.memory_space<semaphore_mem>>) src(%arg8 : memref<80x128xf32, #tpu.memory_space<vmem>>) dst(%dma_wait3A_42 : memref<80x128xf32, #tpu.memory_space<hbm>>)
      %dma_wait3A_43 = arith.constant 0 : i32
      %dma_wait3A_44 = arith.constant 0 : i32
      %dma_wait3A_45 = tpu.memref_slice %arg5[%dma_wait3A_43, %dma_wait3A_44] : memref<160000x128xf32, #tpu.memory_space<hbm>> -> memref<80x128xf32, #tpu.memory_space<hbm>>
      %dma_wait3A_46 = arith.constant 0 : i32
      %dma_wait3A_47 = arith.constant 0 : i32
      %dma_wait3A_48 = tpu.memref_slice %arg5[%dma_wait3A_46, %dma_wait3A_47] : memref<160000x128xf32, #tpu.memory_space<hbm>> -> memref<80x128xf32, #tpu.memory_space<hbm>>
      tpu.wait_dma2 semaphore(%arg14 : memref<!tpu.dma_semaphore, #tpu.memory_space<semaphore_mem>>) src(%arg9 : memref<80x128xf32, #tpu.memory_space<vmem>>) dst(%dma_wait3A_48 : memref<80x128xf32, #tpu.memory_space<hbm>>)
    } else {
    }
    return
  }
}

module attributes {stable_mosaic.version = 14 : i64} {
  func.func @_mlp_ln_kernel(%arg0: i32, %arg1: memref<2000x4xf32, #tpu.memory_space<vmem>>, %arg2: memref<4x128xf32, #tpu.memory_space<vmem>>, %arg3: memref<1x128xf32, #tpu.memory_space<vmem>>, %arg4: memref<128x128xf32, #tpu.memory_space<vmem>>, %arg5: memref<1x128xf32, #tpu.memory_space<vmem>>, %arg6: memref<128x128xf32, #tpu.memory_space<vmem>>, %arg7: memref<1x128xf32, #tpu.memory_space<vmem>>, %arg8: memref<1x128xf32, #tpu.memory_space<vmem>>, %arg9: memref<1x128xf32, #tpu.memory_space<vmem>>, %arg10: memref<2000x128xf32, #tpu.memory_space<vmem>>) attributes {dimension_semantics = [#tpu.dimension_semantics<arbitrary>], iteration_bounds = array<i64: 160>, scalar_prefetch = 0 : i64, scratch_operands = 0 : i64, tpu.core_type = #tpu.core_type<tc>, window_params = [{transform_indices = @transform_0, window_bounds = array<i64: 2000, 4>}, {pipeline_mode = #tpu.pipeline_mode<synchronous>, transform_indices = @transform_1, window_bounds = array<i64: 4, 128>}, {pipeline_mode = #tpu.pipeline_mode<synchronous>, transform_indices = @transform_2, window_bounds = array<i64: 1, 128>}, {pipeline_mode = #tpu.pipeline_mode<synchronous>, transform_indices = @transform_3, window_bounds = array<i64: 128, 128>}, {pipeline_mode = #tpu.pipeline_mode<synchronous>, transform_indices = @transform_4, window_bounds = array<i64: 1, 128>}, {pipeline_mode = #tpu.pipeline_mode<synchronous>, transform_indices = @transform_5, window_bounds = array<i64: 128, 128>}, {pipeline_mode = #tpu.pipeline_mode<synchronous>, transform_indices = @transform_6, window_bounds = array<i64: 1, 128>}, {pipeline_mode = #tpu.pipeline_mode<synchronous>, transform_indices = @transform_7, window_bounds = array<i64: 1, 128>}, {pipeline_mode = #tpu.pipeline_mode<synchronous>, transform_indices = @transform_8, window_bounds = array<i64: 1, 128>}, {transform_indices = @transform_9, window_bounds = array<i64: 2000, 128>}]} {
    %get3A = arith.constant 0 : index
    %get3A_0 = arith.constant 0 : index
    %get3A_1 = vector.load %arg1[%get3A, %get3A_0] : memref<2000x4xf32, #tpu.memory_space<vmem>>, vector<2000x4xf32>
    %get3A_2 = arith.constant 0 : index
    %get3A_3 = arith.constant 0 : index
    %get3A_4 = vector.load %arg2[%get3A_2, %get3A_3] : memref<4x128xf32, #tpu.memory_space<vmem>>, vector<4x128xf32>
    %convert_element_type3A = arith.truncf %get3A_1 : vector<2000x4xf32> to vector<2000x4xbf16>
    %convert_element_type3A_5 = arith.truncf %get3A_4 : vector<4x128xf32> to vector<4x128xbf16>
    %dot_general3A = arith.constant dense<0.000000e+00> : vector<2000x128xf32>
    %dot_general3A_6 = tpu.matmul %convert_element_type3A, %convert_element_type3A_5, %dot_general3A {dimension_numbers = #tpu.dot_dimension_numbers<[1], [0], [0], [1], [0, 0, 1, 1], [], []>, transpose_lhs_hint = false} : vector<2000x4xbf16>, vector<4x128xbf16>, vector<2000x128xf32> -> vector<2000x128xf32>
    %get3A_7 = arith.constant 0 : index
    %get3A_8 = arith.constant 0 : index
    %get3A_9 = vector.load %arg3[%get3A_7, %get3A_8] : memref<1x128xf32, #tpu.memory_space<vmem>>, vector<1x128xf32>
    %add3A = vector.broadcast %get3A_9 : vector<1x128xf32> to vector<2000x128xf32>
    %add3A_10 = arith.addf %dot_general3A_6, %add3A : vector<2000x128xf32>
    %max3A = arith.constant 0.000000e+00 : f32
    %max3A_11 = vector.broadcast %max3A : f32 to vector<2000x128xf32>
    %max3A_12 = arith.maximumf %add3A_10, %max3A_11 : vector<2000x128xf32>
    %get3A_13 = arith.constant 0 : index
    %get3A_14 = arith.constant 0 : index
    %get3A_15 = vector.load %arg4[%get3A_13, %get3A_14] : memref<128x128xf32, #tpu.memory_space<vmem>>, vector<128x128xf32>
    %convert_element_type3A_16 = arith.truncf %max3A_12 : vector<2000x128xf32> to vector<2000x128xbf16>
    %convert_element_type3A_17 = arith.truncf %get3A_15 : vector<128x128xf32> to vector<128x128xbf16>
    %dot_general3A_18 = arith.constant dense<0.000000e+00> : vector<2000x128xf32>
    %dot_general3A_19 = tpu.matmul %convert_element_type3A_16, %convert_element_type3A_17, %dot_general3A_18 {dimension_numbers = #tpu.dot_dimension_numbers<[1], [0], [0], [1], [0, 0, 1, 1], [], []>, transpose_lhs_hint = false} : vector<2000x128xbf16>, vector<128x128xbf16>, vector<2000x128xf32> -> vector<2000x128xf32>
    %get3A_20 = arith.constant 0 : index
    %get3A_21 = arith.constant 0 : index
    %get3A_22 = vector.load %arg5[%get3A_20, %get3A_21] : memref<1x128xf32, #tpu.memory_space<vmem>>, vector<1x128xf32>
    %add3A_23 = vector.broadcast %get3A_22 : vector<1x128xf32> to vector<2000x128xf32>
    %add3A_24 = arith.addf %dot_general3A_19, %add3A_23 : vector<2000x128xf32>
    %max3A_25 = arith.constant 0.000000e+00 : f32
    %max3A_26 = vector.broadcast %max3A_25 : f32 to vector<2000x128xf32>
    %max3A_27 = arith.maximumf %add3A_24, %max3A_26 : vector<2000x128xf32>
    %get3A_28 = arith.constant 0 : index
    %get3A_29 = arith.constant 0 : index
    %get3A_30 = vector.load %arg6[%get3A_28, %get3A_29] : memref<128x128xf32, #tpu.memory_space<vmem>>, vector<128x128xf32>
    %convert_element_type3A_31 = arith.truncf %max3A_27 : vector<2000x128xf32> to vector<2000x128xbf16>
    %convert_element_type3A_32 = arith.truncf %get3A_30 : vector<128x128xf32> to vector<128x128xbf16>
    %dot_general3A_33 = arith.constant dense<0.000000e+00> : vector<2000x128xf32>
    %dot_general3A_34 = tpu.matmul %convert_element_type3A_31, %convert_element_type3A_32, %dot_general3A_33 {dimension_numbers = #tpu.dot_dimension_numbers<[1], [0], [0], [1], [0, 0, 1, 1], [], []>, transpose_lhs_hint = false} : vector<2000x128xbf16>, vector<128x128xbf16>, vector<2000x128xf32> -> vector<2000x128xf32>
    %get3A_35 = arith.constant 0 : index
    %get3A_36 = arith.constant 0 : index
    %get3A_37 = vector.load %arg7[%get3A_35, %get3A_36] : memref<1x128xf32, #tpu.memory_space<vmem>>, vector<1x128xf32>
    %add3A_38 = vector.broadcast %get3A_37 : vector<1x128xf32> to vector<2000x128xf32>
    %add3A_39 = arith.addf %dot_general3A_34, %add3A_38 : vector<2000x128xf32>
    %get3A_40 = arith.constant 0 : index
    %get3A_41 = arith.constant 0 : index
    %get3A_42 = vector.load %arg8[%get3A_40, %get3A_41] : memref<1x128xf32, #tpu.memory_space<vmem>>, vector<1x128xf32>
    %get3A_43 = arith.constant 0 : index
    %get3A_44 = arith.constant 0 : index
    %get3A_45 = vector.load %arg9[%get3A_43, %get3A_44] : memref<1x128xf32, #tpu.memory_space<vmem>>, vector<1x128xf32>
    %reduce_sum3A = arith.constant dense<0.000000e+00> : vector<2000xf32>
    %reduce_sum3A_46 = vector.multi_reduction <add>, %add3A_39, %reduce_sum3A [1] : vector<2000x128xf32> to vector<2000xf32>
    %broadcast_in_dim3A = vector.shape_cast %reduce_sum3A_46 : vector<2000xf32> to vector<2000x1xf32>
    %div3A = arith.constant 1.280000e+02 : f32
    %div3A_47 = vector.broadcast %div3A : f32 to vector<2000x1xf32>
    %div3A_48 = arith.divf %broadcast_in_dim3A, %div3A_47 : vector<2000x1xf32>
    %sub3A = vector.broadcast %div3A_48 : vector<2000x1xf32> to vector<2000x128xf32>
    %sub3A_49 = arith.subf %add3A_39, %sub3A : vector<2000x128xf32>
    %mul3A = arith.mulf %sub3A_49, %sub3A_49 : vector<2000x128xf32>
    %reduce_sum3A_50 = arith.constant dense<0.000000e+00> : vector<2000xf32>
    %reduce_sum3A_51 = vector.multi_reduction <add>, %mul3A, %reduce_sum3A_50 [1] : vector<2000x128xf32> to vector<2000xf32>
    %broadcast_in_dim3A_52 = vector.shape_cast %reduce_sum3A_51 : vector<2000xf32> to vector<2000x1xf32>
    %div3A_53 = arith.constant 1.280000e+02 : f32
    %div3A_54 = vector.broadcast %div3A_53 : f32 to vector<2000x1xf32>
    %div3A_55 = arith.divf %broadcast_in_dim3A_52, %div3A_54 : vector<2000x1xf32>
    %add3A_56 = arith.constant 9.99999974E-6 : f32
    %add3A_57 = vector.broadcast %add3A_56 : f32 to vector<2000x1xf32>
    %add3A_58 = arith.addf %div3A_55, %add3A_57 : vector<2000x1xf32>
    %sqrt3A = math.sqrt %add3A_58 : vector<2000x1xf32>
    %div3A_59 = vector.broadcast %sqrt3A : vector<2000x1xf32> to vector<2000x128xf32>
    %div3A_60 = arith.divf %sub3A_49, %div3A_59 : vector<2000x128xf32>
    %mul3A_61 = vector.broadcast %get3A_42 : vector<1x128xf32> to vector<2000x128xf32>
    %mul3A_62 = arith.mulf %div3A_60, %mul3A_61 : vector<2000x128xf32>
    %add3A_63 = vector.broadcast %get3A_45 : vector<1x128xf32> to vector<2000x128xf32>
    %add3A_64 = arith.addf %mul3A_62, %add3A_63 : vector<2000x128xf32>
    %swap3A = arith.constant 0 : index
    %swap3A_65 = arith.constant 0 : index
    %swap3A_66 = vector.load %arg10[%swap3A, %swap3A_65] : memref<2000x128xf32, #tpu.memory_space<vmem>>, vector<2000x128xf32>
    tpu.vector_store %arg10[%swap3A, %swap3A_65], %add3A_64 {strides = array<i32>} : memref<2000x128xf32, #tpu.memory_space<vmem>>, vector<2000x128xf32>,
    return
  }
  func.func @transform_0(%arg0: i32) -> (i32, i32) {
    %c0_i32 = arith.constant 0 : i32
    %c0_i32_0 = arith.constant 0 : i32
    return %arg0, %c0_i32 : i32, i32
  }
  func.func @transform_1(%arg0: i32) -> (i32, i32) {
    %c0_i32 = arith.constant 0 : i32
    %c0_i32_0 = arith.constant 0 : i32
    %c0_i32_1 = arith.constant 0 : i32
    return %c0_i32, %c0_i32_0 : i32, i32
  }
  func.func @transform_2(%arg0: i32) -> (i32, i32) {
    %c0_i32 = arith.constant 0 : i32
    %c0_i32_0 = arith.constant 0 : i32
    %c0_i32_1 = arith.constant 0 : i32
    return %c0_i32, %c0_i32_0 : i32, i32
  }
  func.func @transform_3(%arg0: i32) -> (i32, i32) {
    %c0_i32 = arith.constant 0 : i32
    %c0_i32_0 = arith.constant 0 : i32
    %c0_i32_1 = arith.constant 0 : i32
    return %c0_i32, %c0_i32_0 : i32, i32
  }
  func.func @transform_4(%arg0: i32) -> (i32, i32) {
    %c0_i32 = arith.constant 0 : i32
    %c0_i32_0 = arith.constant 0 : i32
    %c0_i32_1 = arith.constant 0 : i32
    return %c0_i32, %c0_i32_0 : i32, i32
  }
  func.func @transform_5(%arg0: i32) -> (i32, i32) {
    %c0_i32 = arith.constant 0 : i32
    %c0_i32_0 = arith.constant 0 : i32
    %c0_i32_1 = arith.constant 0 : i32
    return %c0_i32, %c0_i32_0 : i32, i32
  }
  func.func @transform_6(%arg0: i32) -> (i32, i32) {
    %c0_i32 = arith.constant 0 : i32
    %c0_i32_0 = arith.constant 0 : i32
    %c0_i32_1 = arith.constant 0 : i32
    return %c0_i32, %c0_i32_0 : i32, i32
  }
  func.func @transform_7(%arg0: i32) -> (i32, i32) {
    %c0_i32 = arith.constant 0 : i32
    %c0_i32_0 = arith.constant 0 : i32
    %c0_i32_1 = arith.constant 0 : i32
    return %c0_i32, %c0_i32_0 : i32, i32
  }
  func.func @transform_8(%arg0: i32) -> (i32, i32) {
    %c0_i32 = arith.constant 0 : i32
    %c0_i32_0 = arith.constant 0 : i32
    %c0_i32_1 = arith.constant 0 : i32
    return %c0_i32, %c0_i32_0 : i32, i32
  }
  func.func @transform_9(%arg0: i32) -> (i32, i32) {
    %c0_i32 = arith.constant 0 : i32
    %c0_i32_0 = arith.constant 0 : i32
    return %arg0, %c0_i32 : i32, i32
  }
}

module attributes {stable_mosaic.version = 14 : i64} {
  func.func @_mlp_ln_kernel(%arg0: i32, %arg1: memref<2000x12xf32, #tpu.memory_space<vmem>>, %arg2: memref<12x128xf32, #tpu.memory_space<vmem>>, %arg3: memref<1x128xf32, #tpu.memory_space<vmem>>, %arg4: memref<128x128xf32, #tpu.memory_space<vmem>>, %arg5: memref<1x128xf32, #tpu.memory_space<vmem>>, %arg6: memref<128x128xf32, #tpu.memory_space<vmem>>, %arg7: memref<1x128xf32, #tpu.memory_space<vmem>>, %arg8: memref<1x128xf32, #tpu.memory_space<vmem>>, %arg9: memref<1x128xf32, #tpu.memory_space<vmem>>, %arg10: memref<2000x128xf32, #tpu.memory_space<vmem>>) attributes {dimension_semantics = [#tpu.dimension_semantics<arbitrary>], iteration_bounds = array<i64: 5>, scalar_prefetch = 0 : i64, scratch_operands = 0 : i64, tpu.core_type = #tpu.core_type<tc>, window_params = [{transform_indices = @transform_0, window_bounds = array<i64: 2000, 12>}, {pipeline_mode = #tpu.pipeline_mode<synchronous>, transform_indices = @transform_1, window_bounds = array<i64: 12, 128>}, {pipeline_mode = #tpu.pipeline_mode<synchronous>, transform_indices = @transform_2, window_bounds = array<i64: 1, 128>}, {pipeline_mode = #tpu.pipeline_mode<synchronous>, transform_indices = @transform_3, window_bounds = array<i64: 128, 128>}, {pipeline_mode = #tpu.pipeline_mode<synchronous>, transform_indices = @transform_4, window_bounds = array<i64: 1, 128>}, {pipeline_mode = #tpu.pipeline_mode<synchronous>, transform_indices = @transform_5, window_bounds = array<i64: 128, 128>}, {pipeline_mode = #tpu.pipeline_mode<synchronous>, transform_indices = @transform_6, window_bounds = array<i64: 1, 128>}, {pipeline_mode = #tpu.pipeline_mode<synchronous>, transform_indices = @transform_7, window_bounds = array<i64: 1, 128>}, {pipeline_mode = #tpu.pipeline_mode<synchronous>, transform_indices = @transform_8, window_bounds = array<i64: 1, 128>}, {transform_indices = @transform_9, window_bounds = array<i64: 2000, 128>}]} {
    %get3A = arith.constant 0 : index
    %get3A_0 = arith.constant 0 : index
    %get3A_1 = vector.load %arg1[%get3A, %get3A_0] : memref<2000x12xf32, #tpu.memory_space<vmem>>, vector<2000x12xf32>
    %get3A_2 = arith.constant 0 : index
    %get3A_3 = arith.constant 0 : index
    %get3A_4 = vector.load %arg2[%get3A_2, %get3A_3] : memref<12x128xf32, #tpu.memory_space<vmem>>, vector<12x128xf32>
    %convert_element_type3A = arith.truncf %get3A_1 : vector<2000x12xf32> to vector<2000x12xbf16>
    %convert_element_type3A_5 = arith.truncf %get3A_4 : vector<12x128xf32> to vector<12x128xbf16>
    %dot_general3A = arith.constant dense<0.000000e+00> : vector<2000x128xf32>
    %dot_general3A_6 = tpu.matmul %convert_element_type3A, %convert_element_type3A_5, %dot_general3A {dimension_numbers = #tpu.dot_dimension_numbers<[1], [0], [0], [1], [0, 0, 1, 1], [], []>, transpose_lhs_hint = false} : vector<2000x12xbf16>, vector<12x128xbf16>, vector<2000x128xf32> -> vector<2000x128xf32>
    %get3A_7 = arith.constant 0 : index
    %get3A_8 = arith.constant 0 : index
    %get3A_9 = vector.load %arg3[%get3A_7, %get3A_8] : memref<1x128xf32, #tpu.memory_space<vmem>>, vector<1x128xf32>
    %add3A = vector.broadcast %get3A_9 : vector<1x128xf32> to vector<2000x128xf32>
    %add3A_10 = arith.addf %dot_general3A_6, %add3A : vector<2000x128xf32>
    %max3A = arith.constant 0.000000e+00 : f32
    %max3A_11 = vector.broadcast %max3A : f32 to vector<2000x128xf32>
    %max3A_12 = arith.maximumf %add3A_10, %max3A_11 : vector<2000x128xf32>
    %get3A_13 = arith.constant 0 : index
    %get3A_14 = arith.constant 0 : index
    %get3A_15 = vector.load %arg4[%get3A_13, %get3A_14] : memref<128x128xf32, #tpu.memory_space<vmem>>, vector<128x128xf32>
    %convert_element_type3A_16 = arith.truncf %max3A_12 : vector<2000x128xf32> to vector<2000x128xbf16>
    %convert_element_type3A_17 = arith.truncf %get3A_15 : vector<128x128xf32> to vector<128x128xbf16>
    %dot_general3A_18 = arith.constant dense<0.000000e+00> : vector<2000x128xf32>
    %dot_general3A_19 = tpu.matmul %convert_element_type3A_16, %convert_element_type3A_17, %dot_general3A_18 {dimension_numbers = #tpu.dot_dimension_numbers<[1], [0], [0], [1], [0, 0, 1, 1], [], []>, transpose_lhs_hint = false} : vector<2000x128xbf16>, vector<128x128xbf16>, vector<2000x128xf32> -> vector<2000x128xf32>
    %get3A_20 = arith.constant 0 : index
    %get3A_21 = arith.constant 0 : index
    %get3A_22 = vector.load %arg5[%get3A_20, %get3A_21] : memref<1x128xf32, #tpu.memory_space<vmem>>, vector<1x128xf32>
    %add3A_23 = vector.broadcast %get3A_22 : vector<1x128xf32> to vector<2000x128xf32>
    %add3A_24 = arith.addf %dot_general3A_19, %add3A_23 : vector<2000x128xf32>
    %max3A_25 = arith.constant 0.000000e+00 : f32
    %max3A_26 = vector.broadcast %max3A_25 : f32 to vector<2000x128xf32>
    %max3A_27 = arith.maximumf %add3A_24, %max3A_26 : vector<2000x128xf32>
    %get3A_28 = arith.constant 0 : index
    %get3A_29 = arith.constant 0 : index
    %get3A_30 = vector.load %arg6[%get3A_28, %get3A_29] : memref<128x128xf32, #tpu.memory_space<vmem>>, vector<128x128xf32>
    %convert_element_type3A_31 = arith.truncf %max3A_27 : vector<2000x128xf32> to vector<2000x128xbf16>
    %convert_element_type3A_32 = arith.truncf %get3A_30 : vector<128x128xf32> to vector<128x128xbf16>
    %dot_general3A_33 = arith.constant dense<0.000000e+00> : vector<2000x128xf32>
    %dot_general3A_34 = tpu.matmul %convert_element_type3A_31, %convert_element_type3A_32, %dot_general3A_33 {dimension_numbers = #tpu.dot_dimension_numbers<[1], [0], [0], [1], [0, 0, 1, 1], [], []>, transpose_lhs_hint = false} : vector<2000x128xbf16>, vector<128x128xbf16>, vector<2000x128xf32> -> vector<2000x128xf32>
    %get3A_35 = arith.constant 0 : index
    %get3A_36 = arith.constant 0 : index
    %get3A_37 = vector.load %arg7[%get3A_35, %get3A_36] : memref<1x128xf32, #tpu.memory_space<vmem>>, vector<1x128xf32>
    %add3A_38 = vector.broadcast %get3A_37 : vector<1x128xf32> to vector<2000x128xf32>
    %add3A_39 = arith.addf %dot_general3A_34, %add3A_38 : vector<2000x128xf32>
    %get3A_40 = arith.constant 0 : index
    %get3A_41 = arith.constant 0 : index
    %get3A_42 = vector.load %arg8[%get3A_40, %get3A_41] : memref<1x128xf32, #tpu.memory_space<vmem>>, vector<1x128xf32>
    %get3A_43 = arith.constant 0 : index
    %get3A_44 = arith.constant 0 : index
    %get3A_45 = vector.load %arg9[%get3A_43, %get3A_44] : memref<1x128xf32, #tpu.memory_space<vmem>>, vector<1x128xf32>
    %reduce_sum3A = arith.constant dense<0.000000e+00> : vector<2000xf32>
    %reduce_sum3A_46 = vector.multi_reduction <add>, %add3A_39, %reduce_sum3A [1] : vector<2000x128xf32> to vector<2000xf32>
    %broadcast_in_dim3A = vector.shape_cast %reduce_sum3A_46 : vector<2000xf32> to vector<2000x1xf32>
    %div3A = arith.constant 1.280000e+02 : f32
    %div3A_47 = vector.broadcast %div3A : f32 to vector<2000x1xf32>
    %div3A_48 = arith.divf %broadcast_in_dim3A, %div3A_47 : vector<2000x1xf32>
    %sub3A = vector.broadcast %div3A_48 : vector<2000x1xf32> to vector<2000x128xf32>
    %sub3A_49 = arith.subf %add3A_39, %sub3A : vector<2000x128xf32>
    %mul3A = arith.mulf %sub3A_49, %sub3A_49 : vector<2000x128xf32>
    %reduce_sum3A_50 = arith.constant dense<0.000000e+00> : vector<2000xf32>
    %reduce_sum3A_51 = vector.multi_reduction <add>, %mul3A, %reduce_sum3A_50 [1] : vector<2000x128xf32> to vector<2000xf32>
    %broadcast_in_dim3A_52 = vector.shape_cast %reduce_sum3A_51 : vector<2000xf32> to vector<2000x1xf32>
    %div3A_53 = arith.constant 1.280000e+02 : f32
    %div3A_54 = vector.broadcast %div3A_53 : f32 to vector<2000x1xf32>
    %div3A_55 = arith.divf %broadcast_in_dim3A_52, %div3A_54 : vector<2000x1xf32>
    %add3A_56 = arith.constant 9.99999974E-6 : f32
    %add3A_57 = vector.broadcast %add3A_56 : f32 to vector<2000x1xf32>
    %add3A_58 = arith.addf %div3A_55, %add3A_57 : vector<2000x1xf32>
    %sqrt3A = math.sqrt %add3A_58 : vector<2000x1xf32>
    %div3A_59 = vector.broadcast %sqrt3A : vector<2000x1xf32> to vector<2000x128xf32>
    %div3A_60 = arith.divf %sub3A_49, %div3A_59 : vector<2000x128xf32>
    %mul3A_61 = vector.broadcast %get3A_42 : vector<1x128xf32> to vector<2000x128xf32>
    %mul3A_62 = arith.mulf %div3A_60, %mul3A_61 : vector<2000x128xf32>
    %add3A_63 = vector.broadcast %get3A_45 : vector<1x128xf32> to vector<2000x128xf32>
    %add3A_64 = arith.addf %mul3A_62, %add3A_63 : vector<2000x128xf32>
    %swap3A = arith.constant 0 : index
    %swap3A_65 = arith.constant 0 : index
    %swap3A_66 = vector.load %arg10[%swap3A, %swap3A_65] : memref<2000x128xf32, #tpu.memory_space<vmem>>, vector<2000x128xf32>
    tpu.vector_store %arg10[%swap3A, %swap3A_65], %add3A_64 {strides = array<i32>} : memref<2000x128xf32, #tpu.memory_space<vmem>>, vector<2000x128xf32>,
    return
  }
  func.func @transform_0(%arg0: i32) -> (i32, i32) {
    %c0_i32 = arith.constant 0 : i32
    %c0_i32_0 = arith.constant 0 : i32
    return %arg0, %c0_i32 : i32, i32
  }
  func.func @transform_1(%arg0: i32) -> (i32, i32) {
    %c0_i32 = arith.constant 0 : i32
    %c0_i32_0 = arith.constant 0 : i32
    %c0_i32_1 = arith.constant 0 : i32
    return %c0_i32, %c0_i32_0 : i32, i32
  }
  func.func @transform_2(%arg0: i32) -> (i32, i32) {
    %c0_i32 = arith.constant 0 : i32
    %c0_i32_0 = arith.constant 0 : i32
    %c0_i32_1 = arith.constant 0 : i32
    return %c0_i32, %c0_i32_0 : i32, i32
  }
  func.func @transform_3(%arg0: i32) -> (i32, i32) {
    %c0_i32 = arith.constant 0 : i32
    %c0_i32_0 = arith.constant 0 : i32
    %c0_i32_1 = arith.constant 0 : i32
    return %c0_i32, %c0_i32_0 : i32, i32
  }
  func.func @transform_4(%arg0: i32) -> (i32, i32) {
    %c0_i32 = arith.constant 0 : i32
    %c0_i32_0 = arith.constant 0 : i32
    %c0_i32_1 = arith.constant 0 : i32
    return %c0_i32, %c0_i32_0 : i32, i32
  }
  func.func @transform_5(%arg0: i32) -> (i32, i32) {
    %c0_i32 = arith.constant 0 : i32
    %c0_i32_0 = arith.constant 0 : i32
    %c0_i32_1 = arith.constant 0 : i32
    return %c0_i32, %c0_i32_0 : i32, i32
  }
  func.func @transform_6(%arg0: i32) -> (i32, i32) {
    %c0_i32 = arith.constant 0 : i32
    %c0_i32_0 = arith.constant 0 : i32
    %c0_i32_1 = arith.constant 0 : i32
    return %c0_i32, %c0_i32_0 : i32, i32
  }
  func.func @transform_7(%arg0: i32) -> (i32, i32) {
    %c0_i32 = arith.constant 0 : i32
    %c0_i32_0 = arith.constant 0 : i32
    %c0_i32_1 = arith.constant 0 : i32
    return %c0_i32, %c0_i32_0 : i32, i32
  }
  func.func @transform_8(%arg0: i32) -> (i32, i32) {
    %c0_i32 = arith.constant 0 : i32
    %c0_i32_0 = arith.constant 0 : i32
    %c0_i32_1 = arith.constant 0 : i32
    return %c0_i32, %c0_i32_0 : i32, i32
  }
  func.func @transform_9(%arg0: i32) -> (i32, i32) {
    %c0_i32 = arith.constant 0 : i32
    %c0_i32_0 = arith.constant 0 : i32
    return %arg0, %c0_i32 : i32, i32
  }
}

module attributes {stable_mosaic.version = 14 : i64} {
  func.func @_pre_proj_kernel(%arg0: i32, %arg1: i32, %arg2: memref<2000x128xf32, #tpu.memory_space<vmem>>, %arg3: memref<1x128x128xf32, #tpu.memory_space<vmem>>, %arg4: memref<1x2000x128xf32, #tpu.memory_space<vmem>>) attributes {dimension_semantics = [#tpu.dimension_semantics<arbitrary>, #tpu.dimension_semantics<arbitrary>], iteration_bounds = array<i64: 2, 5>, scalar_prefetch = 0 : i64, scratch_operands = 0 : i64, tpu.core_type = #tpu.core_type<tc>, window_params = [{transform_indices = @transform_0, window_bounds = array<i64: 2000, 128>}, {transform_indices = @transform_1, window_bounds = array<i64: 1, 128, 128>}, {transform_indices = @transform_2, window_bounds = array<i64: 1, 2000, 128>}]} {
    %get3A = arith.constant 0 : index
    %get3A_0 = arith.constant 0 : index
    %get3A_1 = vector.load %arg2[%get3A, %get3A_0] : memref<2000x128xf32, #tpu.memory_space<vmem>>, vector<2000x128xf32>
    %get3A_2 = arith.constant 0 : index
    %get3A_3 = arith.constant 0 : index
    %get3A_4 = arith.constant 0 : index
    %get3A_5 = vector.load %arg3[%get3A_2, %get3A_3, %get3A_4] : memref<1x128x128xf32, #tpu.memory_space<vmem>>, vector<1x128x128xf32>
    %get3A_6 = vector.shape_cast %get3A_5 : vector<1x128x128xf32> to vector<128x128xf32>
    %convert_element_type3A = arith.truncf %get3A_1 : vector<2000x128xf32> to vector<2000x128xbf16>
    %convert_element_type3A_7 = arith.truncf %get3A_6 : vector<128x128xf32> to vector<128x128xbf16>
    %dot_general3A = arith.constant dense<0.000000e+00> : vector<2000x128xf32>
    %dot_general3A_8 = tpu.matmul %convert_element_type3A, %convert_element_type3A_7, %dot_general3A {dimension_numbers = #tpu.dot_dimension_numbers<[1], [0], [0], [1], [0, 0, 1, 1], [], []>, transpose_lhs_hint = false} : vector<2000x128xbf16>, vector<128x128xbf16>, vector<2000x128xf32> -> vector<2000x128xf32>
    %swap3A = arith.constant 0 : index
    %swap3A_9 = arith.constant 0 : index
    %swap3A_10 = arith.constant 0 : index
    %swap3A_11 = vector.load %arg4[%swap3A, %swap3A_9, %swap3A_10] : memref<1x2000x128xf32, #tpu.memory_space<vmem>>, vector<1x2000x128xf32>
    %swap3A_12 = vector.shape_cast %swap3A_11 : vector<1x2000x128xf32> to vector<2000x128xf32>
    %swap3A_13 = vector.shape_cast %dot_general3A_8 : vector<2000x128xf32> to vector<1x2000x128xf32>
    tpu.vector_store %arg4[%swap3A, %swap3A_9, %swap3A_10], %swap3A_13 {strides = array<i32>} : memref<1x2000x128xf32, #tpu.memory_space<vmem>>, vector<1x2000x128xf32>,
    return
  }
  func.func @transform_0(%arg0: i32, %arg1: i32) -> (i32, i32) {
    %c0_i32 = arith.constant 0 : i32
    %c0_i32_0 = arith.constant 0 : i32
    return %arg1, %c0_i32 : i32, i32
  }
  func.func @transform_1(%arg0: i32, %arg1: i32) -> (i32, i32, i32) {
    %c0_i32 = arith.constant 0 : i32
    %c0_i32_0 = arith.constant 0 : i32
    %c0_i32_1 = arith.constant 0 : i32
    return %arg0, %c0_i32, %c0_i32_0 : i32, i32, i32
  }
  func.func @transform_2(%arg0: i32, %arg1: i32) -> (i32, i32, i32) {
    %c0_i32 = arith.constant 0 : i32
    %c0_i32_0 = arith.constant 0 : i32
    return %arg0, %arg1, %c0_i32 : i32, i32, i32
  }
}

module attributes {stable_mosaic.version = 14 : i64} {
  func.func @_edge_mlp_kernel(%arg0: i32, %arg1: memref<2000x128xf32, #tpu.memory_space<vmem>>, %arg2: memref<2000x128xf32, #tpu.memory_space<vmem>>, %arg3: memref<2000x128xf32, #tpu.memory_space<vmem>>, %arg4: memref<128x128xf32, #tpu.memory_space<vmem>>, %arg5: memref<1x128xf32, #tpu.memory_space<vmem>>, %arg6: memref<128x128xf32, #tpu.memory_space<vmem>>, %arg7: memref<1x128xf32, #tpu.memory_space<vmem>>, %arg8: memref<128x128xf32, #tpu.memory_space<vmem>>, %arg9: memref<1x128xf32, #tpu.memory_space<vmem>>, %arg10: memref<1x128xf32, #tpu.memory_space<vmem>>, %arg11: memref<1x128xf32, #tpu.memory_space<vmem>>, %arg12: memref<2000x128xf32, #tpu.memory_space<vmem>>, %arg13: memref<2000x128xf32, #tpu.memory_space<vmem>>) attributes {dimension_semantics = [#tpu.dimension_semantics<arbitrary>], iteration_bounds = array<i64: 80>, scalar_prefetch = 0 : i64, scratch_operands = 0 : i64, tpu.core_type = #tpu.core_type<tc>, window_params = [{transform_indices = @transform_0, window_bounds = array<i64: 2000, 128>}, {transform_indices = @transform_1, window_bounds = array<i64: 2000, 128>}, {transform_indices = @transform_2, window_bounds = array<i64: 2000, 128>}, {pipeline_mode = #tpu.pipeline_mode<synchronous>, transform_indices = @transform_3, window_bounds = array<i64: 128, 128>}, {pipeline_mode = #tpu.pipeline_mode<synchronous>, transform_indices = @transform_4, window_bounds = array<i64: 1, 128>}, {pipeline_mode = #tpu.pipeline_mode<synchronous>, transform_indices = @transform_5, window_bounds = array<i64: 128, 128>}, {pipeline_mode = #tpu.pipeline_mode<synchronous>, transform_indices = @transform_6, window_bounds = array<i64: 1, 128>}, {pipeline_mode = #tpu.pipeline_mode<synchronous>, transform_indices = @transform_7, window_bounds = array<i64: 128, 128>}, {pipeline_mode = #tpu.pipeline_mode<synchronous>, transform_indices = @transform_8, window_bounds = array<i64: 1, 128>}, {pipeline_mode = #tpu.pipeline_mode<synchronous>, transform_indices = @transform_9, window_bounds = array<i64: 1, 128>}, {pipeline_mode = #tpu.pipeline_mode<synchronous>, transform_indices = @transform_10, window_bounds = array<i64: 1, 128>}, {transform_indices = @transform_11, window_bounds = array<i64: 2000, 128>}, {transform_indices = @transform_12, window_bounds = array<i64: 2000, 128>}]} {
    %get3A = arith.constant 0 : index
    %get3A_0 = arith.constant 0 : index
    %get3A_1 = vector.load %arg1[%get3A, %get3A_0] : memref<2000x128xf32, #tpu.memory_space<vmem>>, vector<2000x128xf32>
    %get3A_2 = arith.constant 0 : index
    %get3A_3 = arith.constant 0 : index
    %get3A_4 = vector.load %arg4[%get3A_2, %get3A_3] : memref<128x128xf32, #tpu.memory_space<vmem>>, vector<128x128xf32>
    %convert_element_type3A = arith.truncf %get3A_1 : vector<2000x128xf32> to vector<2000x128xbf16>
    %convert_element_type3A_5 = arith.truncf %get3A_4 : vector<128x128xf32> to vector<128x128xbf16>
    %dot_general3A = arith.constant dense<0.000000e+00> : vector<2000x128xf32>
    %dot_general3A_6 = tpu.matmul %convert_element_type3A, %convert_element_type3A_5, %dot_general3A {dimension_numbers = #tpu.dot_dimension_numbers<[1], [0], [0], [1], [0, 0, 1, 1], [], []>, transpose_lhs_hint = false} : vector<2000x128xbf16>, vector<128x128xbf16>, vector<2000x128xf32> -> vector<2000x128xf32>
    %get3A_7 = arith.constant 0 : index
    %get3A_8 = arith.constant 0 : index
    %get3A_9 = vector.load %arg2[%get3A_7, %get3A_8] : memref<2000x128xf32, #tpu.memory_space<vmem>>, vector<2000x128xf32>
    %add3A = arith.addf %dot_general3A_6, %get3A_9 : vector<2000x128xf32>
    %get3A_10 = arith.constant 0 : index
    %get3A_11 = arith.constant 0 : index
    %get3A_12 = vector.load %arg3[%get3A_10, %get3A_11] : memref<2000x128xf32, #tpu.memory_space<vmem>>, vector<2000x128xf32>
    %add3A_13 = arith.addf %add3A, %get3A_12 : vector<2000x128xf32>
    %get3A_14 = arith.constant 0 : index
    %get3A_15 = arith.constant 0 : index
    %get3A_16 = vector.load %arg5[%get3A_14, %get3A_15] : memref<1x128xf32, #tpu.memory_space<vmem>>, vector<1x128xf32>
    %add3A_17 = vector.broadcast %get3A_16 : vector<1x128xf32> to vector<2000x128xf32>
    %add3A_18 = arith.addf %add3A_13, %add3A_17 : vector<2000x128xf32>
    %max3A = arith.constant 0.000000e+00 : f32
    %max3A_19 = vector.broadcast %max3A : f32 to vector<2000x128xf32>
    %max3A_20 = arith.maximumf %add3A_18, %max3A_19 : vector<2000x128xf32>
    %get3A_21 = arith.constant 0 : index
    %get3A_22 = arith.constant 0 : index
    %get3A_23 = vector.load %arg6[%get3A_21, %get3A_22] : memref<128x128xf32, #tpu.memory_space<vmem>>, vector<128x128xf32>
    %convert_element_type3A_24 = arith.truncf %max3A_20 : vector<2000x128xf32> to vector<2000x128xbf16>
    %convert_element_type3A_25 = arith.truncf %get3A_23 : vector<128x128xf32> to vector<128x128xbf16>
    %dot_general3A_26 = arith.constant dense<0.000000e+00> : vector<2000x128xf32>
    %dot_general3A_27 = tpu.matmul %convert_element_type3A_24, %convert_element_type3A_25, %dot_general3A_26 {dimension_numbers = #tpu.dot_dimension_numbers<[1], [0], [0], [1], [0, 0, 1, 1], [], []>, transpose_lhs_hint = false} : vector<2000x128xbf16>, vector<128x128xbf16>, vector<2000x128xf32> -> vector<2000x128xf32>
    %get3A_28 = arith.constant 0 : index
    %get3A_29 = arith.constant 0 : index
    %get3A_30 = vector.load %arg7[%get3A_28, %get3A_29] : memref<1x128xf32, #tpu.memory_space<vmem>>, vector<1x128xf32>
    %add3A_31 = vector.broadcast %get3A_30 : vector<1x128xf32> to vector<2000x128xf32>
    %add3A_32 = arith.addf %dot_general3A_27, %add3A_31 : vector<2000x128xf32>
    %max3A_33 = arith.constant 0.000000e+00 : f32
    %max3A_34 = vector.broadcast %max3A_33 : f32 to vector<2000x128xf32>
    %max3A_35 = arith.maximumf %add3A_32, %max3A_34 : vector<2000x128xf32>
    %get3A_36 = arith.constant 0 : index
    %get3A_37 = arith.constant 0 : index
    %get3A_38 = vector.load %arg8[%get3A_36, %get3A_37] : memref<128x128xf32, #tpu.memory_space<vmem>>, vector<128x128xf32>
    %convert_element_type3A_39 = arith.truncf %max3A_35 : vector<2000x128xf32> to vector<2000x128xbf16>
    %convert_element_type3A_40 = arith.truncf %get3A_38 : vector<128x128xf32> to vector<128x128xbf16>
    %dot_general3A_41 = arith.constant dense<0.000000e+00> : vector<2000x128xf32>
    %dot_general3A_42 = tpu.matmul %convert_element_type3A_39, %convert_element_type3A_40, %dot_general3A_41 {dimension_numbers = #tpu.dot_dimension_numbers<[1], [0], [0], [1], [0, 0, 1, 1], [], []>, transpose_lhs_hint = false} : vector<2000x128xbf16>, vector<128x128xbf16>, vector<2000x128xf32> -> vector<2000x128xf32>
    %get3A_43 = arith.constant 0 : index
    %get3A_44 = arith.constant 0 : index
    %get3A_45 = vector.load %arg9[%get3A_43, %get3A_44] : memref<1x128xf32, #tpu.memory_space<vmem>>, vector<1x128xf32>
    %add3A_46 = vector.broadcast %get3A_45 : vector<1x128xf32> to vector<2000x128xf32>
    %add3A_47 = arith.addf %dot_general3A_42, %add3A_46 : vector<2000x128xf32>
    %get3A_48 = arith.constant 0 : index
    %get3A_49 = arith.constant 0 : index
    %get3A_50 = vector.load %arg10[%get3A_48, %get3A_49] : memref<1x128xf32, #tpu.memory_space<vmem>>, vector<1x128xf32>
    %get3A_51 = arith.constant 0 : index
    %get3A_52 = arith.constant 0 : index
    %get3A_53 = vector.load %arg11[%get3A_51, %get3A_52] : memref<1x128xf32, #tpu.memory_space<vmem>>, vector<1x128xf32>
    %reduce_sum3A = arith.constant dense<0.000000e+00> : vector<2000xf32>
    %reduce_sum3A_54 = vector.multi_reduction <add>, %add3A_47, %reduce_sum3A [1] : vector<2000x128xf32> to vector<2000xf32>
    %broadcast_in_dim3A = vector.shape_cast %reduce_sum3A_54 : vector<2000xf32> to vector<2000x1xf32>
    %div3A = arith.constant 1.280000e+02 : f32
    %div3A_55 = vector.broadcast %div3A : f32 to vector<2000x1xf32>
    %div3A_56 = arith.divf %broadcast_in_dim3A, %div3A_55 : vector<2000x1xf32>
    %sub3A = vector.broadcast %div3A_56 : vector<2000x1xf32> to vector<2000x128xf32>
    %sub3A_57 = arith.subf %add3A_47, %sub3A : vector<2000x128xf32>
    %mul3A = arith.mulf %sub3A_57, %sub3A_57 : vector<2000x128xf32>
    %reduce_sum3A_58 = arith.constant dense<0.000000e+00> : vector<2000xf32>
    %reduce_sum3A_59 = vector.multi_reduction <add>, %mul3A, %reduce_sum3A_58 [1] : vector<2000x128xf32> to vector<2000xf32>
    %broadcast_in_dim3A_60 = vector.shape_cast %reduce_sum3A_59 : vector<2000xf32> to vector<2000x1xf32>
    %div3A_61 = arith.constant 1.280000e+02 : f32
    %div3A_62 = vector.broadcast %div3A_61 : f32 to vector<2000x1xf32>
    %div3A_63 = arith.divf %broadcast_in_dim3A_60, %div3A_62 : vector<2000x1xf32>
    %add3A_64 = arith.constant 9.99999974E-6 : f32
    %add3A_65 = vector.broadcast %add3A_64 : f32 to vector<2000x1xf32>
    %add3A_66 = arith.addf %div3A_63, %add3A_65 : vector<2000x1xf32>
    %sqrt3A = math.sqrt %add3A_66 : vector<2000x1xf32>
    %div3A_67 = vector.broadcast %sqrt3A : vector<2000x1xf32> to vector<2000x128xf32>
    %div3A_68 = arith.divf %sub3A_57, %div3A_67 : vector<2000x128xf32>
    %mul3A_69 = vector.broadcast %get3A_50 : vector<1x128xf32> to vector<2000x128xf32>
    %mul3A_70 = arith.mulf %div3A_68, %mul3A_69 : vector<2000x128xf32>
    %add3A_71 = vector.broadcast %get3A_53 : vector<1x128xf32> to vector<2000x128xf32>
    %add3A_72 = arith.addf %mul3A_70, %add3A_71 : vector<2000x128xf32>
    %swap3A = arith.constant 0 : index
    %swap3A_73 = arith.constant 0 : index
    %swap3A_74 = vector.load %arg13[%swap3A, %swap3A_73] : memref<2000x128xf32, #tpu.memory_space<vmem>>, vector<2000x128xf32>
    tpu.vector_store %arg13[%swap3A, %swap3A_73], %add3A_72 {strides = array<i32>} : memref<2000x128xf32, #tpu.memory_space<vmem>>, vector<2000x128xf32>,
    %add3A_75 = arith.addf %get3A_1, %add3A_72 : vector<2000x128xf32>
    %swap3A_76 = arith.constant 0 : index
    %swap3A_77 = arith.constant 0 : index
    %swap3A_78 = vector.load %arg12[%swap3A_76, %swap3A_77] : memref<2000x128xf32, #tpu.memory_space<vmem>>, vector<2000x128xf32>
    tpu.vector_store %arg12[%swap3A_76, %swap3A_77], %add3A_75 {strides = array<i32>} : memref<2000x128xf32, #tpu.memory_space<vmem>>, vector<2000x128xf32>,
    return
  }
  func.func @transform_0(%arg0: i32) -> (i32, i32) {
    %c0_i32 = arith.constant 0 : i32
    %c0_i32_0 = arith.constant 0 : i32
    return %arg0, %c0_i32 : i32, i32
  }
  func.func @transform_1(%arg0: i32) -> (i32, i32) {
    %c0_i32 = arith.constant 0 : i32
    %c0_i32_0 = arith.constant 0 : i32
    return %arg0, %c0_i32 : i32, i32
  }
  func.func @transform_2(%arg0: i32) -> (i32, i32) {
    %c0_i32 = arith.constant 0 : i32
    %c0_i32_0 = arith.constant 0 : i32
    return %arg0, %c0_i32 : i32, i32
  }
  func.func @transform_3(%arg0: i32) -> (i32, i32) {
    %c0_i32 = arith.constant 0 : i32
    %c0_i32_0 = arith.constant 0 : i32
    %c0_i32_1 = arith.constant 0 : i32
    return %c0_i32, %c0_i32_0 : i32, i32
  }
  func.func @transform_4(%arg0: i32) -> (i32, i32) {
    %c0_i32 = arith.constant 0 : i32
    %c0_i32_0 = arith.constant 0 : i32
    %c0_i32_1 = arith.constant 0 : i32
    return %c0_i32, %c0_i32_0 : i32, i32
  }
  func.func @transform_5(%arg0: i32) -> (i32, i32) {
    %c0_i32 = arith.constant 0 : i32
    %c0_i32_0 = arith.constant 0 : i32
    %c0_i32_1 = arith.constant 0 : i32
    return %c0_i32, %c0_i32_0 : i32, i32
  }
  func.func @transform_6(%arg0: i32) -> (i32, i32) {
    %c0_i32 = arith.constant 0 : i32
    %c0_i32_0 = arith.constant 0 : i32
    %c0_i32_1 = arith.constant 0 : i32
    return %c0_i32, %c0_i32_0 : i32, i32
  }
  func.func @transform_7(%arg0: i32) -> (i32, i32) {
    %c0_i32 = arith.constant 0 : i32
    %c0_i32_0 = arith.constant 0 : i32
    %c0_i32_1 = arith.constant 0 : i32
    return %c0_i32, %c0_i32_0 : i32, i32
  }
  func.func @transform_8(%arg0: i32) -> (i32, i32) {
    %c0_i32 = arith.constant 0 : i32
    %c0_i32_0 = arith.constant 0 : i32
    %c0_i32_1 = arith.constant 0 : i32
    return %c0_i32, %c0_i32_0 : i32, i32
  }
  func.func @transform_9(%arg0: i32) -> (i32, i32) {
    %c0_i32 = arith.constant 0 : i32
    %c0_i32_0 = arith.constant 0 : i32
    %c0_i32_1 = arith.constant 0 : i32
    return %c0_i32, %c0_i32_0 : i32, i32
  }
  func.func @transform_10(%arg0: i32) -> (i32, i32) {
    %c0_i32 = arith.constant 0 : i32
    %c0_i32_0 = arith.constant 0 : i32
    %c0_i32_1 = arith.constant 0 : i32
    return %c0_i32, %c0_i32_0 : i32, i32
  }
  func.func @transform_11(%arg0: i32) -> (i32, i32) {
    %c0_i32 = arith.constant 0 : i32
    %c0_i32_0 = arith.constant 0 : i32
    return %arg0, %c0_i32 : i32, i32
  }
  func.func @transform_12(%arg0: i32) -> (i32, i32) {
    %c0_i32 = arith.constant 0 : i32
    %c0_i32_0 = arith.constant 0 : i32
    return %arg0, %c0_i32 : i32, i32
  }
}

module attributes {stable_mosaic.version = 14 : i64} {
  func.func @_node_mlp_kernel(%arg0: i32, %arg1: memref<2000x128xf32, #tpu.memory_space<vmem>>, %arg2: memref<2x2000x128xf32, #tpu.memory_space<vmem>>, %arg3: memref<2x2000x128xf32, #tpu.memory_space<vmem>>, %arg4: memref<256x128xf32, #tpu.memory_space<vmem>>, %arg5: memref<1x128xf32, #tpu.memory_space<vmem>>, %arg6: memref<128x128xf32, #tpu.memory_space<vmem>>, %arg7: memref<1x128xf32, #tpu.memory_space<vmem>>, %arg8: memref<128x128xf32, #tpu.memory_space<vmem>>, %arg9: memref<1x128xf32, #tpu.memory_space<vmem>>, %arg10: memref<1x128xf32, #tpu.memory_space<vmem>>, %arg11: memref<1x128xf32, #tpu.memory_space<vmem>>, %arg12: memref<2000x128xf32, #tpu.memory_space<vmem>>) attributes {dimension_semantics = [#tpu.dimension_semantics<arbitrary>], iteration_bounds = array<i64: 5>, scalar_prefetch = 0 : i64, scratch_operands = 0 : i64, tpu.core_type = #tpu.core_type<tc>, window_params = [{transform_indices = @transform_0, window_bounds = array<i64: 2000, 128>}, {transform_indices = @transform_1, window_bounds = array<i64: 2, 2000, 128>}, {transform_indices = @transform_2, window_bounds = array<i64: 2, 2000, 128>}, {pipeline_mode = #tpu.pipeline_mode<synchronous>, transform_indices = @transform_3, window_bounds = array<i64: 256, 128>}, {pipeline_mode = #tpu.pipeline_mode<synchronous>, transform_indices = @transform_4, window_bounds = array<i64: 1, 128>}, {pipeline_mode = #tpu.pipeline_mode<synchronous>, transform_indices = @transform_5, window_bounds = array<i64: 128, 128>}, {pipeline_mode = #tpu.pipeline_mode<synchronous>, transform_indices = @transform_6, window_bounds = array<i64: 1, 128>}, {pipeline_mode = #tpu.pipeline_mode<synchronous>, transform_indices = @transform_7, window_bounds = array<i64: 128, 128>}, {pipeline_mode = #tpu.pipeline_mode<synchronous>, transform_indices = @transform_8, window_bounds = array<i64: 1, 128>}, {pipeline_mode = #tpu.pipeline_mode<synchronous>, transform_indices = @transform_9, window_bounds = array<i64: 1, 128>}, {pipeline_mode = #tpu.pipeline_mode<synchronous>, transform_indices = @transform_10, window_bounds = array<i64: 1, 128>}, {transform_indices = @transform_11, window_bounds = array<i64: 2000, 128>}]} {
    %get3A = arith.constant 0 : index
    %get3A_0 = arith.constant 0 : index
    %get3A_1 = vector.load %arg1[%get3A, %get3A_0] : memref<2000x128xf32, #tpu.memory_space<vmem>>, vector<2000x128xf32>
    %get3A_2 = arith.constant 0 : index
    %get3A_3 = arith.constant 0 : index
    %get3A_4 = arith.constant 0 : index
    %get3A_5 = vector.load %arg2[%get3A_2, %get3A_3, %get3A_4] : memref<2x2000x128xf32, #tpu.memory_space<vmem>>, vector<1x2000x128xf32>
    %get3A_6 = vector.shape_cast %get3A_5 : vector<1x2000x128xf32> to vector<2000x128xf32>
    %get3A_7 = arith.constant 1 : index
    %get3A_8 = arith.constant 0 : index
    %get3A_9 = arith.constant 0 : index
    %get3A_10 = vector.load %arg2[%get3A_7, %get3A_8, %get3A_9] : memref<2x2000x128xf32, #tpu.memory_space<vmem>>, vector<1x2000x128xf32>
    %get3A_11 = vector.shape_cast %get3A_10 : vector<1x2000x128xf32> to vector<2000x128xf32>
    %add3A = arith.addf %get3A_6, %get3A_11 : vector<2000x128xf32>
    %get3A_12 = arith.constant 0 : index
    %get3A_13 = arith.constant 0 : index
    %get3A_14 = arith.constant 0 : index
    %get3A_15 = vector.load %arg3[%get3A_12, %get3A_13, %get3A_14] : memref<2x2000x128xf32, #tpu.memory_space<vmem>>, vector<1x2000x128xf32>
    %get3A_16 = vector.shape_cast %get3A_15 : vector<1x2000x128xf32> to vector<2000x128xf32>
    %add3A_17 = arith.addf %add3A, %get3A_16 : vector<2000x128xf32>
    %get3A_18 = arith.constant 1 : index
    %get3A_19 = arith.constant 0 : index
    %get3A_20 = arith.constant 0 : index
    %get3A_21 = vector.load %arg3[%get3A_18, %get3A_19, %get3A_20] : memref<2x2000x128xf32, #tpu.memory_space<vmem>>, vector<1x2000x128xf32>
    %get3A_22 = vector.shape_cast %get3A_21 : vector<1x2000x128xf32> to vector<2000x128xf32>
    %add3A_23 = arith.addf %add3A_17, %get3A_22 : vector<2000x128xf32>
    %concatenate3A = tpu.concatenate %get3A_1, %add3A_23 in 1 : vector<2000x128xf32>, vector<2000x128xf32> -> vector<2000x256xf32>
    %get3A_24 = arith.constant 0 : index
    %get3A_25 = arith.constant 0 : index
    %get3A_26 = vector.load %arg4[%get3A_24, %get3A_25] : memref<256x128xf32, #tpu.memory_space<vmem>>, vector<256x128xf32>
    %convert_element_type3A = arith.truncf %concatenate3A : vector<2000x256xf32> to vector<2000x256xbf16>
    %convert_element_type3A_27 = arith.truncf %get3A_26 : vector<256x128xf32> to vector<256x128xbf16>
    %dot_general3A = arith.constant dense<0.000000e+00> : vector<2000x128xf32>
    %dot_general3A_28 = tpu.matmul %convert_element_type3A, %convert_element_type3A_27, %dot_general3A {dimension_numbers = #tpu.dot_dimension_numbers<[1], [0], [0], [1], [0, 0, 1, 1], [], []>, transpose_lhs_hint = false} : vector<2000x256xbf16>, vector<256x128xbf16>, vector<2000x128xf32> -> vector<2000x128xf32>
    %get3A_29 = arith.constant 0 : index
    %get3A_30 = arith.constant 0 : index
    %get3A_31 = vector.load %arg5[%get3A_29, %get3A_30] : memref<1x128xf32, #tpu.memory_space<vmem>>, vector<1x128xf32>
    %add3A_32 = vector.broadcast %get3A_31 : vector<1x128xf32> to vector<2000x128xf32>
    %add3A_33 = arith.addf %dot_general3A_28, %add3A_32 : vector<2000x128xf32>
    %max3A = arith.constant 0.000000e+00 : f32
    %max3A_34 = vector.broadcast %max3A : f32 to vector<2000x128xf32>
    %max3A_35 = arith.maximumf %add3A_33, %max3A_34 : vector<2000x128xf32>
    %get3A_36 = arith.constant 0 : index
    %get3A_37 = arith.constant 0 : index
    %get3A_38 = vector.load %arg6[%get3A_36, %get3A_37] : memref<128x128xf32, #tpu.memory_space<vmem>>, vector<128x128xf32>
    %convert_element_type3A_39 = arith.truncf %max3A_35 : vector<2000x128xf32> to vector<2000x128xbf16>
    %convert_element_type3A_40 = arith.truncf %get3A_38 : vector<128x128xf32> to vector<128x128xbf16>
    %dot_general3A_41 = arith.constant dense<0.000000e+00> : vector<2000x128xf32>
    %dot_general3A_42 = tpu.matmul %convert_element_type3A_39, %convert_element_type3A_40, %dot_general3A_41 {dimension_numbers = #tpu.dot_dimension_numbers<[1], [0], [0], [1], [0, 0, 1, 1], [], []>, transpose_lhs_hint = false} : vector<2000x128xbf16>, vector<128x128xbf16>, vector<2000x128xf32> -> vector<2000x128xf32>
    %get3A_43 = arith.constant 0 : index
    %get3A_44 = arith.constant 0 : index
    %get3A_45 = vector.load %arg7[%get3A_43, %get3A_44] : memref<1x128xf32, #tpu.memory_space<vmem>>, vector<1x128xf32>
    %add3A_46 = vector.broadcast %get3A_45 : vector<1x128xf32> to vector<2000x128xf32>
    %add3A_47 = arith.addf %dot_general3A_42, %add3A_46 : vector<2000x128xf32>
    %max3A_48 = arith.constant 0.000000e+00 : f32
    %max3A_49 = vector.broadcast %max3A_48 : f32 to vector<2000x128xf32>
    %max3A_50 = arith.maximumf %add3A_47, %max3A_49 : vector<2000x128xf32>
    %get3A_51 = arith.constant 0 : index
    %get3A_52 = arith.constant 0 : index
    %get3A_53 = vector.load %arg8[%get3A_51, %get3A_52] : memref<128x128xf32, #tpu.memory_space<vmem>>, vector<128x128xf32>
    %convert_element_type3A_54 = arith.truncf %max3A_50 : vector<2000x128xf32> to vector<2000x128xbf16>
    %convert_element_type3A_55 = arith.truncf %get3A_53 : vector<128x128xf32> to vector<128x128xbf16>
    %dot_general3A_56 = arith.constant dense<0.000000e+00> : vector<2000x128xf32>
    %dot_general3A_57 = tpu.matmul %convert_element_type3A_54, %convert_element_type3A_55, %dot_general3A_56 {dimension_numbers = #tpu.dot_dimension_numbers<[1], [0], [0], [1], [0, 0, 1, 1], [], []>, transpose_lhs_hint = false} : vector<2000x128xbf16>, vector<128x128xbf16>, vector<2000x128xf32> -> vector<2000x128xf32>
    %get3A_58 = arith.constant 0 : index
    %get3A_59 = arith.constant 0 : index
    %get3A_60 = vector.load %arg9[%get3A_58, %get3A_59] : memref<1x128xf32, #tpu.memory_space<vmem>>, vector<1x128xf32>
    %add3A_61 = vector.broadcast %get3A_60 : vector<1x128xf32> to vector<2000x128xf32>
    %add3A_62 = arith.addf %dot_general3A_57, %add3A_61 : vector<2000x128xf32>
    %get3A_63 = arith.constant 0 : index
    %get3A_64 = arith.constant 0 : index
    %get3A_65 = vector.load %arg10[%get3A_63, %get3A_64] : memref<1x128xf32, #tpu.memory_space<vmem>>, vector<1x128xf32>
    %get3A_66 = arith.constant 0 : index
    %get3A_67 = arith.constant 0 : index
    %get3A_68 = vector.load %arg11[%get3A_66, %get3A_67] : memref<1x128xf32, #tpu.memory_space<vmem>>, vector<1x128xf32>
    %reduce_sum3A = arith.constant dense<0.000000e+00> : vector<2000xf32>
    %reduce_sum3A_69 = vector.multi_reduction <add>, %add3A_62, %reduce_sum3A [1] : vector<2000x128xf32> to vector<2000xf32>
    %broadcast_in_dim3A = vector.shape_cast %reduce_sum3A_69 : vector<2000xf32> to vector<2000x1xf32>
    %div3A = arith.constant 1.280000e+02 : f32
    %div3A_70 = vector.broadcast %div3A : f32 to vector<2000x1xf32>
    %div3A_71 = arith.divf %broadcast_in_dim3A, %div3A_70 : vector<2000x1xf32>
    %sub3A = vector.broadcast %div3A_71 : vector<2000x1xf32> to vector<2000x128xf32>
    %sub3A_72 = arith.subf %add3A_62, %sub3A : vector<2000x128xf32>
    %mul3A = arith.mulf %sub3A_72, %sub3A_72 : vector<2000x128xf32>
    %reduce_sum3A_73 = arith.constant dense<0.000000e+00> : vector<2000xf32>
    %reduce_sum3A_74 = vector.multi_reduction <add>, %mul3A, %reduce_sum3A_73 [1] : vector<2000x128xf32> to vector<2000xf32>
    %broadcast_in_dim3A_75 = vector.shape_cast %reduce_sum3A_74 : vector<2000xf32> to vector<2000x1xf32>
    %div3A_76 = arith.constant 1.280000e+02 : f32
    %div3A_77 = vector.broadcast %div3A_76 : f32 to vector<2000x1xf32>
    %div3A_78 = arith.divf %broadcast_in_dim3A_75, %div3A_77 : vector<2000x1xf32>
    %add3A_79 = arith.constant 9.99999974E-6 : f32
    %add3A_80 = vector.broadcast %add3A_79 : f32 to vector<2000x1xf32>
    %add3A_81 = arith.addf %div3A_78, %add3A_80 : vector<2000x1xf32>
    %sqrt3A = math.sqrt %add3A_81 : vector<2000x1xf32>
    %div3A_82 = vector.broadcast %sqrt3A : vector<2000x1xf32> to vector<2000x128xf32>
    %div3A_83 = arith.divf %sub3A_72, %div3A_82 : vector<2000x128xf32>
    %mul3A_84 = vector.broadcast %get3A_65 : vector<1x128xf32> to vector<2000x128xf32>
    %mul3A_85 = arith.mulf %div3A_83, %mul3A_84 : vector<2000x128xf32>
    %add3A_86 = vector.broadcast %get3A_68 : vector<1x128xf32> to vector<2000x128xf32>
    %add3A_87 = arith.addf %mul3A_85, %add3A_86 : vector<2000x128xf32>
    %add3A_88 = arith.addf %get3A_1, %add3A_87 : vector<2000x128xf32>
    %swap3A = arith.constant 0 : index
    %swap3A_89 = arith.constant 0 : index
    %swap3A_90 = vector.load %arg12[%swap3A, %swap3A_89] : memref<2000x128xf32, #tpu.memory_space<vmem>>, vector<2000x128xf32>
    tpu.vector_store %arg12[%swap3A, %swap3A_89], %add3A_88 {strides = array<i32>} : memref<2000x128xf32, #tpu.memory_space<vmem>>, vector<2000x128xf32>,
    return
  }
  func.func @transform_0(%arg0: i32) -> (i32, i32) {
    %c0_i32 = arith.constant 0 : i32
    %c0_i32_0 = arith.constant 0 : i32
    return %arg0, %c0_i32 : i32, i32
  }
  func.func @transform_1(%arg0: i32) -> (i32, i32, i32) {
    %c0_i32 = arith.constant 0 : i32
    %c0_i32_0 = arith.constant 0 : i32
    %c0_i32_1 = arith.constant 0 : i32
    return %c0_i32, %arg0, %c0_i32_0 : i32, i32, i32
  }
  func.func @transform_2(%arg0: i32) -> (i32, i32, i32) {
    %c0_i32 = arith.constant 0 : i32
    %c0_i32_0 = arith.constant 0 : i32
    %c0_i32_1 = arith.constant 0 : i32
    return %c0_i32, %arg0, %c0_i32_0 : i32, i32, i32
  }
  func.func @transform_3(%arg0: i32) -> (i32, i32) {
    %c0_i32 = arith.constant 0 : i32
    %c0_i32_0 = arith.constant 0 : i32
    %c0_i32_1 = arith.constant 0 : i32
    return %c0_i32, %c0_i32_0 : i32, i32
  }
  func.func @transform_4(%arg0: i32) -> (i32, i32) {
    %c0_i32 = arith.constant 0 : i32
    %c0_i32_0 = arith.constant 0 : i32
    %c0_i32_1 = arith.constant 0 : i32
    return %c0_i32, %c0_i32_0 : i32, i32
  }
  func.func @transform_5(%arg0: i32) -> (i32, i32) {
    %c0_i32 = arith.constant 0 : i32
    %c0_i32_0 = arith.constant 0 : i32
    %c0_i32_1 = arith.constant 0 : i32
    return %c0_i32, %c0_i32_0 : i32, i32
  }
  func.func @transform_6(%arg0: i32) -> (i32, i32) {
    %c0_i32 = arith.constant 0 : i32
    %c0_i32_0 = arith.constant 0 : i32
    %c0_i32_1 = arith.constant 0 : i32
    return %c0_i32, %c0_i32_0 : i32, i32
  }
  func.func @transform_7(%arg0: i32) -> (i32, i32) {
    %c0_i32 = arith.constant 0 : i32
    %c0_i32_0 = arith.constant 0 : i32
    %c0_i32_1 = arith.constant 0 : i32
    return %c0_i32, %c0_i32_0 : i32, i32
  }
  func.func @transform_8(%arg0: i32) -> (i32, i32) {
    %c0_i32 = arith.constant 0 : i32
    %c0_i32_0 = arith.constant 0 : i32
    %c0_i32_1 = arith.constant 0 : i32
    return %c0_i32, %c0_i32_0 : i32, i32
  }
  func.func @transform_9(%arg0: i32) -> (i32, i32) {
    %c0_i32 = arith.constant 0 : i32
    %c0_i32_0 = arith.constant 0 : i32
    %c0_i32_1 = arith.constant 0 : i32
    return %c0_i32, %c0_i32_0 : i32, i32
  }
  func.func @transform_10(%arg0: i32) -> (i32, i32) {
    %c0_i32 = arith.constant 0 : i32
    %c0_i32_0 = arith.constant 0 : i32
    %c0_i32_1 = arith.constant 0 : i32
    return %c0_i32, %c0_i32_0 : i32, i32
  }
  func.func @transform_11(%arg0: i32) -> (i32, i32) {
    %c0_i32 = arith.constant 0 : i32
    %c0_i32_0 = arith.constant 0 : i32
    return %arg0, %c0_i32 : i32, i32
  }
}

module attributes {stable_mosaic.version = 14 : i64} {
  func.func @_dec_kernel(%arg0: i32, %arg1: memref<2000x128xf32, #tpu.memory_space<vmem>>, %arg2: memref<128x128xf32, #tpu.memory_space<vmem>>, %arg3: memref<1x128xf32, #tpu.memory_space<vmem>>, %arg4: memref<128x128xf32, #tpu.memory_space<vmem>>, %arg5: memref<1x128xf32, #tpu.memory_space<vmem>>, %arg6: memref<128x3xf32, #tpu.memory_space<vmem>>, %arg7: memref<1x3xf32, #tpu.memory_space<vmem>>, %arg8: memref<2000x3xf32, #tpu.memory_space<vmem>>) attributes {dimension_semantics = [#tpu.dimension_semantics<arbitrary>], iteration_bounds = array<i64: 5>, scalar_prefetch = 0 : i64, scratch_operands = 0 : i64, tpu.core_type = #tpu.core_type<tc>, window_params = [{transform_indices = @transform_0, window_bounds = array<i64: 2000, 128>}, {pipeline_mode = #tpu.pipeline_mode<synchronous>, transform_indices = @transform_1, window_bounds = array<i64: 128, 128>}, {pipeline_mode = #tpu.pipeline_mode<synchronous>, transform_indices = @transform_2, window_bounds = array<i64: 1, 128>}, {pipeline_mode = #tpu.pipeline_mode<synchronous>, transform_indices = @transform_3, window_bounds = array<i64: 128, 128>}, {pipeline_mode = #tpu.pipeline_mode<synchronous>, transform_indices = @transform_4, window_bounds = array<i64: 1, 128>}, {pipeline_mode = #tpu.pipeline_mode<synchronous>, transform_indices = @transform_5, window_bounds = array<i64: 128, 3>}, {pipeline_mode = #tpu.pipeline_mode<synchronous>, transform_indices = @transform_6, window_bounds = array<i64: 1, 3>}, {transform_indices = @transform_7, window_bounds = array<i64: 2000, 3>}]} {
    %get3A = arith.constant 0 : index
    %get3A_0 = arith.constant 0 : index
    %get3A_1 = vector.load %arg1[%get3A, %get3A_0] : memref<2000x128xf32, #tpu.memory_space<vmem>>, vector<2000x128xf32>
    %get3A_2 = arith.constant 0 : index
    %get3A_3 = arith.constant 0 : index
    %get3A_4 = vector.load %arg2[%get3A_2, %get3A_3] : memref<128x128xf32, #tpu.memory_space<vmem>>, vector<128x128xf32>
    %convert_element_type3A = arith.truncf %get3A_1 : vector<2000x128xf32> to vector<2000x128xbf16>
    %convert_element_type3A_5 = arith.truncf %get3A_4 : vector<128x128xf32> to vector<128x128xbf16>
    %dot_general3A = arith.constant dense<0.000000e+00> : vector<2000x128xf32>
    %dot_general3A_6 = tpu.matmul %convert_element_type3A, %convert_element_type3A_5, %dot_general3A {dimension_numbers = #tpu.dot_dimension_numbers<[1], [0], [0], [1], [0, 0, 1, 1], [], []>, transpose_lhs_hint = false} : vector<2000x128xbf16>, vector<128x128xbf16>, vector<2000x128xf32> -> vector<2000x128xf32>
    %get3A_7 = arith.constant 0 : index
    %get3A_8 = arith.constant 0 : index
    %get3A_9 = vector.load %arg3[%get3A_7, %get3A_8] : memref<1x128xf32, #tpu.memory_space<vmem>>, vector<1x128xf32>
    %add3A = vector.broadcast %get3A_9 : vector<1x128xf32> to vector<2000x128xf32>
    %add3A_10 = arith.addf %dot_general3A_6, %add3A : vector<2000x128xf32>
    %max3A = arith.constant 0.000000e+00 : f32
    %max3A_11 = vector.broadcast %max3A : f32 to vector<2000x128xf32>
    %max3A_12 = arith.maximumf %add3A_10, %max3A_11 : vector<2000x128xf32>
    %get3A_13 = arith.constant 0 : index
    %get3A_14 = arith.constant 0 : index
    %get3A_15 = vector.load %arg4[%get3A_13, %get3A_14] : memref<128x128xf32, #tpu.memory_space<vmem>>, vector<128x128xf32>
    %convert_element_type3A_16 = arith.truncf %max3A_12 : vector<2000x128xf32> to vector<2000x128xbf16>
    %convert_element_type3A_17 = arith.truncf %get3A_15 : vector<128x128xf32> to vector<128x128xbf16>
    %dot_general3A_18 = arith.constant dense<0.000000e+00> : vector<2000x128xf32>
    %dot_general3A_19 = tpu.matmul %convert_element_type3A_16, %convert_element_type3A_17, %dot_general3A_18 {dimension_numbers = #tpu.dot_dimension_numbers<[1], [0], [0], [1], [0, 0, 1, 1], [], []>, transpose_lhs_hint = false} : vector<2000x128xbf16>, vector<128x128xbf16>, vector<2000x128xf32> -> vector<2000x128xf32>
    %get3A_20 = arith.constant 0 : index
    %get3A_21 = arith.constant 0 : index
    %get3A_22 = vector.load %arg5[%get3A_20, %get3A_21] : memref<1x128xf32, #tpu.memory_space<vmem>>, vector<1x128xf32>
    %add3A_23 = vector.broadcast %get3A_22 : vector<1x128xf32> to vector<2000x128xf32>
    %add3A_24 = arith.addf %dot_general3A_19, %add3A_23 : vector<2000x128xf32>
    %max3A_25 = arith.constant 0.000000e+00 : f32
    %max3A_26 = vector.broadcast %max3A_25 : f32 to vector<2000x128xf32>
    %max3A_27 = arith.maximumf %add3A_24, %max3A_26 : vector<2000x128xf32>
    %get3A_28 = arith.constant 0 : index
    %get3A_29 = arith.constant 0 : index
    %get3A_30 = vector.load %arg6[%get3A_28, %get3A_29] : memref<128x3xf32, #tpu.memory_space<vmem>>, vector<128x3xf32>
    %convert_element_type3A_31 = arith.truncf %max3A_27 : vector<2000x128xf32> to vector<2000x128xbf16>
    %convert_element_type3A_32 = arith.truncf %get3A_30 : vector<128x3xf32> to vector<128x3xbf16>
    %dot_general3A_33 = arith.constant dense<0.000000e+00> : vector<2000x3xf32>
    %dot_general3A_34 = tpu.matmul %convert_element_type3A_31, %convert_element_type3A_32, %dot_general3A_33 {dimension_numbers = #tpu.dot_dimension_numbers<[1], [0], [0], [1], [0, 0, 1, 1], [], []>, transpose_lhs_hint = false} : vector<2000x128xbf16>, vector<128x3xbf16>, vector<2000x3xf32> -> vector<2000x3xf32>
    %get3A_35 = arith.constant 0 : index
    %get3A_36 = arith.constant 0 : index
    %get3A_37 = vector.load %arg7[%get3A_35, %get3A_36] : memref<1x3xf32, #tpu.memory_space<vmem>>, vector<1x3xf32>
    %add3A_38 = vector.broadcast %get3A_37 : vector<1x3xf32> to vector<2000x3xf32>
    %add3A_39 = arith.addf %dot_general3A_34, %add3A_38 : vector<2000x3xf32>
    %swap3A = arith.constant 0 : index
    %swap3A_40 = arith.constant 0 : index
    %swap3A_41 = vector.load %arg8[%swap3A, %swap3A_40] : memref<2000x3xf32, #tpu.memory_space<vmem>>, vector<2000x3xf32>
    tpu.vector_store %arg8[%swap3A, %swap3A_40], %add3A_39 {strides = array<i32>} : memref<2000x3xf32, #tpu.memory_space<vmem>>, vector<2000x3xf32>,
    return
  }
  func.func @transform_0(%arg0: i32) -> (i32, i32) {
    %c0_i32 = arith.constant 0 : i32
    %c0_i32_0 = arith.constant 0 : i32
    return %arg0, %c0_i32 : i32, i32
  }
  func.func @transform_1(%arg0: i32) -> (i32, i32) {
    %c0_i32 = arith.constant 0 : i32
    %c0_i32_0 = arith.constant 0 : i32
    %c0_i32_1 = arith.constant 0 : i32
    return %c0_i32, %c0_i32_0 : i32, i32
  }
  func.func @transform_2(%arg0: i32) -> (i32, i32) {
    %c0_i32 = arith.constant 0 : i32
    %c0_i32_0 = arith.constant 0 : i32
    %c0_i32_1 = arith.constant 0 : i32
    return %c0_i32, %c0_i32_0 : i32, i32
  }
  func.func @transform_3(%arg0: i32) -> (i32, i32) {
    %c0_i32 = arith.constant 0 : i32
    %c0_i32_0 = arith.constant 0 : i32
    %c0_i32_1 = arith.constant 0 : i32
    return %c0_i32, %c0_i32_0 : i32, i32
  }
  func.func @transform_4(%arg0: i32) -> (i32, i32) {
    %c0_i32 = arith.constant 0 : i32
    %c0_i32_0 = arith.constant 0 : i32
    %c0_i32_1 = arith.constant 0 : i32
    return %c0_i32, %c0_i32_0 : i32, i32
  }
  func.func @transform_5(%arg0: i32) -> (i32, i32) {
    %c0_i32 = arith.constant 0 : i32
    %c0_i32_0 = arith.constant 0 : i32
    %c0_i32_1 = arith.constant 0 : i32
    return %c0_i32, %c0_i32_0 : i32, i32
  }
  func.func @transform_6(%arg0: i32) -> (i32, i32) {
    %c0_i32 = arith.constant 0 : i32
    %c0_i32_0 = arith.constant 0 : i32
    %c0_i32_1 = arith.constant 0 : i32
    return %c0_i32, %c0_i32_0 : i32, i32
  }
  func.func @transform_7(%arg0: i32) -> (i32, i32) {
    %c0_i32 = arith.constant 0 : i32
    %c0_i32_0 = arith.constant 0 : i32
    return %arg0, %c0_i32 : i32, i32
  }
}

</mosaic_0001>

<sc_bundles>
// kernel: closed_call.32.cloned.1.call-start
scs
__scs_entry_jumppad:
0x0: {  	(pc) =	sbr.rel $0x88, $3  }
0x1: {  	(tag) =	ssettag $0x0;
	lr =	simm.s32 $0x1  }
0x2: {  	[smem:$0x3E98] =	sst lr;
	_ =	strace $0xD0000000  }
0x3: {  	_ = 	snop  }
0x4: {  	_ = 	snop  }
0x5: {  	_ = 	snop  }
0x6: {  	_ = 	snop  }
0x7: {  	_ = 	snop  }
__scs_overlays_trampoline_lowered:
0x8: {  	[smem:$0x3EA7] =	sst s0  }
0x9: {  	[smem:$0x3EA8] =	sst s1  }
0xa: {  	[smem:$0x3EA9] =	sst s2  }
0xb: {  	[smem:$0x3EAA] =	sst s3  }
0xc: {  	[smem:$0x3EAB] =	sst s4  }
0xd: {  	[smem:$0x3EAC] =	sst s5  }
0xe: {  	[smem:$0x3EAD] =	sst s6  }
0xf: {  	[smem:$0x3EAE] =	sst s7  }
0x10: {  	[smem:$0x3EAF] =	sst s8  }
0x11: {  	[smem:$0x3EB0] =	sst s9;
	s0 =	simm.s32 @!p0 $0x0  }
0x12: {  	s1 =	sld [smem:$0x3E96];
	s0 =	simm.s32 @p0 $0x1  }
0x13: {  	[smem:$0x3EB1] =	sst s0;
	s0 =	simm.s32 @!p1 $0x0  }
0x14: {  	s2 =	sld [smem:$0x3E95];
	s0 =	simm.s32 @p1 $0x1  }
0x15: {  	[smem:$0x3EB2] =	sst s0;
	s0 =	simm.s32 @!p2 $0x0  }
0x16: {  	s3 =	sld [smem:$0x3FDB];
	s0 =	simm.s32 @p2 $0x1  }
0x17: {  	s4 =	simm.s32 $0x1BF5;
	[smem:$0x3EB4] =	sst s0  }
0x18: {  	s0 =	sld [smem:$0x3E97];
	_ =	swait.ge [sflag:s4], $0x0  }
0x19: {  	s7 =	sld [smem:$0x3E98]  }
0x1a: {  	s8 =	sadd.s32 $0xFFFFE003, lr  }
0x1b: {  	s9 =	sadd.s32 $0xFFFFFEF7, lr;
	s5 =	simm.s32 $0xFFFFFFFF;
	p2 =	slt.u32 s8, $0xFFFFF086  }
0x1c: {  	p1 =	slt.u32 s9, $0xF7A;
	s5 =	simm.s32 @!p2 $0x0  }
0x1d: {  	s5 =	simm.s32 @p1 $0x1;
	p0 =	seq.s32 s7, s2  }
0x1e: {  	s7 =	smul.u32 @!p0 $0xF7A, s2;
	p2 =	seq.s32 @!p0 s5, $0x0  }
0x1f: {  	s9 =	smul.u32 $0xF7A, s1;
	s8 =	simm.s32 @!p0 $0x1BF5;
	p2 =	por !p2, p0  }
0x20: {  	[sflag:s8] =	ssyncset.s32 @!p0 $0xFFFFF086;
	s6 =	sadd.s32 @!p0 s3, s7;
	s7 =	simm.s32 @!p0 $0x108  }
0x21: {  	s3 =	sadd.s32 s3, s9;
	s6 =	sadd.s32 @!p0 $0x88, s6;
	s7 =	simm.s32 @p2 $0x1082  }
0x22: {  	[simem:s7], [sflag:s8] =	dma.local @!p0 [hbm:s6], $0xF7A  }
0x23: {  	s9 =	sor.u32 $0xD0000000, s2;
	s6 =	simm.s32 $0x108;
	_ =	swait.ge @!p0 [sflag:s8], $0x0  }
0x24: {  	s3 =	sadd.s32 $0x88, s3;
	s6 =	simm.s32 @!p1 $0x1082;
	[sflag:s4] =	ssyncset.s32 $0xFFFFF086  }
0x25: {  	[simem:s6], [sflag:s4] =	dma.local [hbm:s3], $0xF7A  }
0x26: {  	[smem:$0x3E98] =	sst s1;
	(tag) =	ssettag s2;
	_ =	strace s9  }
0x27: {  	s1 =	sld [smem:$0x3EA8]  }
0x28: {  	s2 =	sld [smem:$0x3EA9]  }
0x29: {  	s4 =	sld [smem:$0x3EAB]  }
0x2a: {  	p0 =	seq.s32 s5, $0x0;
	s5 =	sld [smem:$0x3EAC]  }
0x2b: {  	s6 =	sld [smem:$0x3EAD]  }
0x2c: {  	s7 =	sld [smem:$0x3EAE]  }
0x2d: {  	s3 =	simm.s32 $0x108;
	s8 =	sld [smem:$0x3EAF]  }
0x2e: {  	s3 =	simm.s32 @!p0 $0x1082;
	s9 =	sld [smem:$0x3EB0]  }
0x2f: {  	lr =	sadd.s32 s0, s3;
	s0 =	sld [smem:$0x3EA7]  }
0x30: {  	s3 =	sld [smem:$0x3EAA]  }
0x31: {  	[smem:$0x3EB3] =	sst s10  }
0x32: {  	s10 =	sld [smem:$0x3EB1];
	_ =	sdelay $0x3  }
0x33: {  	p0 =	seq.s32 s10, $0x1;
	s10 =	sld [smem:$0x3EB3];
	_ =	sdelay $0x3  }
0x34: {  	[smem:$0x3EB3] =	sst s10  }
0x35: {  	s10 =	sld [smem:$0x3EB2];
	_ =	sdelay $0x3  }
0x36: {  	p1 =	seq.s32 s10, $0x1;
	s10 =	sld [smem:$0x3EB3];
	_ =	sdelay $0x3  }
0x37: {  	[smem:$0x3EB3] =	sst s10  }
0x38: {  	s10 =	sld [smem:$0x3EB4]  }
0x39: {  	_ = 	snop;
	(pc) =	sbr.ind lr, $3  }
0x3a: {  	_ = 	snop  }
0x3b: {  	_ = 	snop  }
0x3c: {  	p2 =	seq.s32 s10, $0x1;
	s10 =	sld [smem:$0x3EB3]  }
0x3d: {  	_ =	shalt  }
0x3e: {  	_ =	shalt  }
0x3f: {  	_ =	shalt  }
0x40: {  	_ =	shalt  }
0x41: {  	_ =	shalt  }
0x42: {  	_ =	shalt  }
0x43: {  	_ =	shalt  }
0x44: {  	_ =	shalt  }
0x45: {  	_ =	shalt  }
0x46: {  	_ =	shalt  }
0x47: {  	_ =	shalt  }
0x48: {  	_ =	shalt  }
0x49: {  	_ =	shalt  }
0x4a: {  	_ =	shalt  }
0x4b: {  	_ =	shalt  }
0x4c: {  	_ =	shalt  }
0x4d: {  	_ =	shalt  }
0x4e: {  	_ =	shalt  }
0x4f: {  	_ =	shalt  }
0x50: {  	_ =	shalt  }
0x51: {  	_ =	shalt  }
0x52: {  	_ =	shalt  }
0x53: {  	_ =	shalt  }
0x54: {  	_ =	shalt  }
0x55: {  	_ =	shalt  }
0x56: {  	_ =	shalt  }
0x57: {  	_ =	shalt  }
0x58: {  	_ =	shalt  }
0x59: {  	_ =	shalt  }
0x5a: {  	_ =	shalt  }
0x5b: {  	_ =	shalt  }
0x5c: {  	_ =	shalt  }
0x5d: {  	_ =	shalt  }
0x5e: {  	_ =	shalt  }
0x5f: {  	_ =	shalt  }
0x60: {  	_ =	shalt  }
0x61: {  	_ =	shalt  }
0x62: {  	_ =	shalt  }
0x63: {  	_ =	shalt  }
0x64: {  	_ =	shalt  }
0x65: {  	_ =	shalt  }
0x66: {  	_ =	shalt  }
0x67: {  	_ =	shalt  }
0x68: {  	_ =	shalt  }
0x69: {  	_ =	shalt  }
0x6a: {  	_ =	shalt  }
0x6b: {  	_ =	shalt  }
0x6c: {  	_ =	shalt  }
0x6d: {  	_ =	shalt  }
0x6e: {  	_ =	shalt  }
0x6f: {  	_ =	shalt  }
0x70: {  	_ =	shalt  }
0x71: {  	_ =	shalt  }
0x72: {  	_ =	shalt  }
0x73: {  	_ =	shalt  }
0x74: {  	_ =	shalt  }
0x75: {  	_ =	shalt  }
0x76: {  	_ =	shalt  }
0x77: {  	_ =	shalt  }
0x78: {  	_ =	shalt  }
0x79: {  	_ =	shalt  }
0x7a: {  	_ =	shalt  }
0x7b: {  	_ =	shalt  }
0x7c: {  	_ =	shalt  }
0x7d: {  	_ =	shalt  }
0x7e: {  	_ =	shalt  }
0x7f: {  	_ =	shalt  }
0x80: {  	_ =	shalt  }
0x81: {  	_ =	shalt  }
0x82: {  	_ =	shalt  }
0x83: {  	_ =	shalt  }
0x84: {  	_ =	shalt  }
0x85: {  	_ =	shalt  }
0x86: {  	_ =	shalt  }
0x87: {  	_ =	shalt  }
.Lfunc_end0:
.L_simem_size_0:
called_computation_lowered:
.L_overlay_start_0:
0x88: {  	s2 =	sld [smem:$0x3FD9]  }
0x89: {  	s3 =	sld [smem:$0x3FFE];
	_ =	sdelay $0x1  }
0x8a: {  	s1 =	srdreg.scid  }
0x8b: {  	s0 =	sand.u32 $0x1, s1  }
0x8c: {  	s17 =	sshll.u32 s0, $0xA;
	s2 =	sadd.s32 s3, s2  }
0x8d: {  	s2 =	sadd.s32 s2, s17  }
0x8e: {  	[smem:$0x3EBF] =	sst s2  }
0x8f: {  	_ = 	snop  }
0x90: {  	(tm) =	ssettm $0x1  }
0x91: {  	s18 =	sld [smem:$0x3FFB];
	_ =	sdelay $0x3  }
0x92: {  	_ =	strace s18  }
0x93: {  	s2 =	sld [smem:$0x3FFC];
	_ =	sdelay $0x3  }
0x94: {  	_ =	strace s2  }
0x95: {  	s2 =	sld [smem:$0x3FFD];
	_ =	sdelay $0x3  }
0x96: {  	_ =	strace s2  }
0x97: {  	_ =	strace $0x8FFFFFFF  }
0x98: {  	s19 =	sld [smem:$0x3FDB];
	_ =	sdelay $0x1  }
0x99: {  	s20 =	simm.s32 $_scs_section_size  }
0x9a: {  	s4 =	simm.s32 $_size__tile_overlayer_lowered;
	s5 =	simm.s32 $_tile_overlayer_lowered  }
0x9b: {  	s6 =	simm.s32 $0x1BFF;
	s21 =	sshll.u32 s5, $0x1;
	s3 =	sadd.s32 s20, s19  }
0x9c: {  	s22 =	simm.s32 $0x0;
	s4 =	sshll.u32 s4, $0x1;
	s5 =	sadd.s32 s21, s3  }
0x9d: {  	[timem:s22], [sflag:s6] =	dma.local [hbm:s5], s4  }
0x9e: {  	_ =	swait.ge [sflag:s6], s4  }
0x9f: {  	s4 =	ssub.s32 $0x0, s4;
	[sflag:s6] =	ssyncset.done $0x0  }
0xa0: {  	[sflag:s6] =	ssyncadd.s32 s4;
	_ =	sdelay $0x1  }
0xa1: {  	s23 =	simm.s32 $0x1B8B  }
0xa2: {  	_ =	swait.ge [sflag:s23], $0x1  }
0xa3: {  	[sflag:s23] =	ssyncset.done $0x0  }
0xa4: {  	[sflag:s23] =	ssyncadd.s32 $0xFFFFFFFF  }
0xa5: {  	s4 =	sld [smem:$0x0]  }
0xa6: {  	s5 =	sand.u32 $0xFFFFFFFE, s1  }
0xa7: {  	p0 =	sne.s32 s1, s5  }
0xa8: {  	s5 =	sshll.u32 @p0 s5, $0xE  }
0xa9: {  	s5 =	sadd.s32 @p0 $0x11B8D, s5;
	s6 =	sshll.u32 @p0 s4, $0x11  }
0xaa: {  	s5 =	sor.u32 @p0 s6, s5  }
0xab: {  	[sflag:s5] =	ssyncadd.remote.s32 @p0 $0x1;
	_ =	sdelay $0x1  }
0xac: {  	s5 =	simm.s32 @p0 $0x1B8D  }
0xad: {  	_ =	swait.eq @p0 [sflag:s5], $0x1  }
0xae: {  	[sflag:s5] =	ssyncadd.s32 @p0 $0xFFFFFFFF  }
0xaf: {  	s6 =	sshll.u32 @!p0 s1, $0xE  }
0xb0: {  	s6 =	sor.u32 @!p0 $0x4000, s6;
	s5 =	simm.s32 @!p0 $0x1B8D  }
0xb1: {  	s4 =	sshll.u32 @!p0 s4, $0x11;
	s6 =	sadd.s32 @!p0 $0x11B8D, s6;
	_ =	swait.eq @!p0 [sflag:s5], $0x1  }
0xb2: {  	s4 =	sor.u32 @!p0 s4, s6;
	[sflag:s5] =	ssyncadd.s32 @!p0 $0xFFFFFFFF  }
0xb3: {  	s25 =	simm.s32 $0x1B8E;
	s24 =	sld [smem:$0x3FFE];
	[sflag:s4] =	ssyncadd.remote.s32 @!p0 $0x1  }
0xb4: {  	s26 =	simm.s32 $execute0_lowered;
	[smem:$0x3FD2] =	sst s25  }
0xb5: {  	s5 =	sshll.u32 s26, $0x1;
	_ =	strace $0x80000046;
	[dreg:$0x1] =	wrdreg $0xFFFFFFFF  }
0xb6: {  	s28 =	simm.s32 $_size_execute0_lowered;
	s3 =	sadd.s32 s3, s5;
	[dreg:$0x0] =	wrdreg $0x0  }
0xb7: {  	s5 =	sshll.u32 s28, $0x1;
	[dreg:$0x2] =	wrdreg s3  }
0xb8: {  	[dreg:$0x3] =	wrdreg s5  }
0xb9: {  	[dreg:$0x4] =	wrdreg $0xC0  }
0xba: {  	_ =	task [dreg:s22], $0x5FFFF  }
0xbb: {  	[dreg:$0x1] =	wrdreg $0xFFFFFFFF  }
0xbc: {  	[dreg:$0x0] =	wrdreg $0x60  }
0xbd: {  	[dreg:$0x2] =	wrdreg s24  }
0xbe: {  	[dreg:$0x3] =	wrdreg $0x79000  }
0xbf: {  	[dreg:$0x4] =	wrdreg $0x9  }
0xc0: {  	_ =	task.clear_ibuf [dreg:s22], $0x5FFFF;
	_ =	strace $0x90000046  }
0xc1: {  	s29 =	simm.s32 $0x9;
	_ =	strace $0x80000048  }
0xc2: {  	_ =	swait.ge [sflag:s29], $0x1  }
0xc3: {  	[sflag:s29] =	ssyncadd.s32 $0xFFFFFFFF  }
0xc4: {  	_ =	strace $0x90000048  }
0xc5: {  	_ =	sfence  }
0xc6: {  	s30 =	sld [smem:$0x0];
	_ =	sdelay $0x2  }
0xc7: {  	s31 =	sshll.u32 s1, $0xD;
	s1 =	sshrl.u32 s1, $0x2  }
0xc8: {  	s4 =	sand.u32 $0x4000, s31;
	s1 =	sadd.s32 s1, s30  }
0xc9: {  	s0 =	sor.u32 s4, s0;
	s1 =	sshll.u32 s1, $0x11  }
0xca: {  	s0 =	sor.u32 s1, s0  }
0xcb: {  	s0 =	sadd.s32 $0x8F2B, s0  }
0xcc: {  	[sflag:s0] =	ssyncadd.remote.s32 $0x1  }
0xcd: {  	_ =	sfence.sel $0xFFFF  }
0xce: {  	[dreg:$0x0] =	wrdreg $0xFFFFFFFF;
	(pc) =	sbr.abs _section_cstart, $3  }
0xcf: {  	[dreg:$0x1] =	wrdreg $0xFFFFFFFF  }
0xd0: {  	_ =	task.clear_ibuf [dreg:s22], $0x2FFFF;
	_ =	strace $0x9FFFFFFF  }
0xd1: {  	(tm) =	ssettm $0x7FFFFFFF  }
tec
execute0_lowered:
.L_overlay_start_1:
0x0: {  	(tag) =	ssettag $0x1  }
0x1: {  	s2 =	rddreg [dreg:$0x0]  }
0x2: {  	s1 =	srdreg.scid;
	s26 =	stileid.u32  }
0x3: {  	s0 =	simm.s32 $0x0;
	s4 =	sand.u32 $0x1, s1;
	s1 =	smul.u32 $0x2710, s26  }
0x4: {  	s29 =	simm.s32 $0x5;
	s31 =	simm.s32 $0x4;
	s10 =	smul.u32 $0x2800, s26  }
0x5: {  	s30 =	simm.s32 $0x80;
	s11 =	sor.u32 $0x10, s26;
	s6 =	smul.u32 $0x138800, s4  }
0x6: {  	[smem:$0x7FF] =	sst s0;
	s12 =	sor.u32 $0x20, s26;
	s21 =	smul.u32 $0x2800, s11  }
0x7: {  	s3 =	sadd.s32 $0x582C00, s2;
	s16 =	sor.u32 $0x30, s26;
	s22 =	smul.u32 $0x2800, s12  }
0x8: {  	s5 =	sadd.s32 $0xAB2E00, s2;
	s17 =	sor.u32 $0x40, s26;
	s13 =	smul.u32 $0x2800, s16  }
0x9: {  	s7 =	sadd.s32 $0xD23E00, s2;
	s23 =	sor.u32 $0x50, s26;
	s15 =	smul.u32 $0x2800, s17  }
0xa: {  	s24 =	sor.u32 $0x60, s26;
	s25 =	sor.u32 $0x70, s26;
	s18 =	smul.u32 $0x2800, s23  }
0xb: {  	s8 =	ssub.s32 $0x2, s4;
	p0 =	seq.s32 s4, $0x1;
	s19 =	smul.u32 $0x2800, s24  }
0xc: {  	s20 =	smul.u32 $0x2800, s25;
	s9 =	sshrl.u32 s8, $0x1;
	s14 =	sadd.s32 $0x26C0, s1  }
0xd: {  	p1 =	sgt.u32 s25, $0x7C;
	s8 =	ssub.s32 s8, s9;
	[dreg:$0x3] =	wrdreg s14  }
0xe: {  	s14 =	sshll.u32 s14, $0x4;
	s10 =	sadd.s32 s6, s10;
	s9 =	sadd.s32 s6, s21  }
0xf: {  	s4 =	sadd.s32 s6, s22;
	s13 =	sadd.s32 s6, s13;
	s15 =	sadd.s32 s6, s15  }
0x10: {  	s18 =	sadd.s32 s6, s18;
	s19 =	sadd.s32 s6, s19;
	s6 =	sadd.s32 s6, s20  }
0x11: {  	s20 =	smul.u32 $0x27100, s26;
	s10 =	sshrl.u32 s10, $0x3;
	s9 =	sshrl.u32 s9, $0x3  }
0x12: {  	s22 =	sshrl.u32 s15, $0x3;
	s15 =	sshrl.u32 s19, $0x3;
	s19 =	sadd.s32 s5, s14  }
0x13: {  	s21 =	sshrl.u32 s13, $0x3;
	s13 =	sshrl.u32 s18, $0x3;
	[dreg:$0xc] =	wrdreg s19  }
0x14: {  	s10 =	sadd.s32 s3, s10;
	s18 =	sadd.s32 s3, s15;
	s15 =	rddreg [dreg:$0x1]  }
0x15: {  	s4 =	sshrl.u32 s4, $0x3;
	s9 =	sadd.s32 s3, s9;
	[dreg:$0x4] =	wrdreg s10  }
0x16: {  	s6 =	sshrl.u32 s6, $0x3;
	s4 =	sadd.s32 s3, s4;
	[dreg:$0x5] =	wrdreg s9  }
0x17: {  	s14 =	sadd.s32 s5, s20;
	s19 =	smax.u32 s8, $0x1;
	[dreg:$0x6] =	wrdreg s4  }
0x18: {  	s9 =	sadd.s32 s3, s21;
	s10 =	sadd.s32 s3, s22;
	s21 =	smul.u32 $0xA000, s26  }
0x19: {  	s4 =	sadd.s32 s3, s13;
	[dreg:$0xa] =	wrdreg s18;
	s22 =	smul.u32 $0xA000, s11  }
0x1a: {  	s3 =	sadd.s32 s3, s6;
	s11 =	smul.u32 $0xA000, s23;
	[dreg:$0x7] =	wrdreg s9  }
0x1b: {  	s13 =	sadd.s32 s7, s20;
	[dreg:$0x8] =	wrdreg s10;
	s9 =	smul.u32 $0xA000, s16  }
0x1c: {  	s18 =	sadd.s32 $0x21000, s2;
	[dreg:$0x9] =	wrdreg s4;
	s10 =	smul.u32 $0xA000, s17  }
0x1d: {  	[dreg:$0xb] =	wrdreg s3;
	s3 =	sadd.s32 $0x50, s1;
	s16 =	smul.u32 $0xA000, s24  }
0x1e: {  	s17 =	smul.u32 $0xA000, s25;
	s20 =	sshll.u32 s3, $0x4;
	s6 =	sshrl.u32 s21, $0x2  }
0x1f: {  	s8 =	sshrl.u32 s3, $0x3;
	s3 =	simm.s32 $0x2900;
	s5 =	sadd.s32 s5, s20  }
0x20: {  	s4 =	sadd.s32 s7, s20;
	s7 =	smul.u32 $0xA000, s12;
	s20 =	sadd.s32 s6, s15  }
0x21: {  	s2 =	sshrl.u32 s9, $0x2;
	s12 =	sshrl.u32 s10, $0x2;
	[dreg:$0xd] =	wrdreg s5  }
0x22: {  	s6 =	smul.u32 $0x4E2, s26;
	[dreg:$0xe] =	wrdreg s4;
	s4 =	sshrl.u32 s22, $0x2  }
0x23: {  	s23 =	sadd.s32 s2, s15;
	s24 =	sadd.s32 s12, s15;
	s12 =	sadd.s32 $0x26C00, s13  }
0x24: {  	s2 =	simm.s32 $0x1;
	_ =	strace $0x80000047;
	s5 =	sshrl.u32 s7, $0x2  }
0x25: {  	s21 =	sadd.s32 s4, s15;
	s4 =	sshrl.u32 s11, $0x2;
	s7 =	sadd.s32 $0x297C0, s1  }
0x26: {  	s1 =	sshrl.u32 s1, $0x3;
	s9 =	sadd.s32 s6, s18;
	s11 =	sadd.s32 s18, s8  }
0x27: {  	[dreg:$0x12] =	wrdreg s12;
	s12 =	simm.s32 $0x50;
	s6 =	simm.s32 $0x0  }
0x28: {  	s22 =	sadd.s32 s5, s15;
	s25 =	sadd.s32 s4, s15;
	s4 =	sshrl.u32 s16, $0x2  }
0x29: {  	s5 =	sshrl.u32 s17, $0x2;
	[dreg:$0xf] =	wrdreg s7;
	s10 =	sadd.s32 s18, s1  }
.Ltmp0:
0x2a: {  	[dreg:$0x11] =	wrdreg s11;
	s11 =	sadd.s32 $0x1E, s9;
	(pc) =	sbr.rel .LBB2_1-.Ltmp0, $4  }
0x2b: {  	s1 =	sadd.s32 $0x4E3E, s9;
	s26 =	sadd.s32 s4, s15;
	s28 =	sadd.s32 s5, s15  }
0x2c: {  	s16 =	sadd.s32 $0x4E20, s10;
	[dreg:$0x10] =	wrdreg s10;
	s17 =	sadd.s32 $0x4E2A, s10  }
0x2d: {  	s4 =	simm.s32 $0x2;
	s5 =	simm.s32 $0x3;
	[dreg:$0x13] =	wrdreg s16  }
0x2e: {  	[dreg:$0x14] =	wrdreg s17;
	s17 =	simm.s32 $0x5100;
	s16 =	simm.s32 $0x100  }
.LBB2_7:
0x2f: {  	[hbm4b:s9+s0] =	stream.linear.scatter [tilespmem:s3], [sflag:$0x3], $0x2800, $0x38;
	[tilespmem:$0x1B180] =	vst v63  }
0x30: {  	s8 =	rddreg [dreg:$0xf]  }
0x31: {  	s7 =	rddreg [dreg:$0x12]  }
.LBB2_8:
0x32: {  	_ =	swait.ge [sflag:s4], $0x2800  }
0x33: {  	s8 =	sshrl.u32 s8, $0x3;
	[sflag:s4] =	ssyncset.done $0x0  }
0x34: {  	s8 =	sadd.s32 s18, s8;
	[sflag:s4] =	ssyncadd.s32 $0xFFFFD800  }
0x35: {  	[tilespmem:s0], [sflag:$0x4] =	stream.linear.gather [hbm4b:s8+s0], $0x50, $0x38;
	[tilespmem:$0x1B180] =	vst v63  }
0x36: {  	_ =	swait.ge [sflag:s31], $0x50  }
0x37: {  	[sflag:s31] =	ssyncset.done $0x0  }
0x38: {  	[sflag:s31] =	ssyncadd.s32 $0xFFFFFFB0  }
0x39: {  	[tilespmem:s16], [sflag:$0x1] =	stream.indirect.gather [spmem:s15], $0x80, s0, s12, $0xb8;
	[tilespmem:$0x1B180] =	vst v63  }
0x3a: {  	_ =	swait.ge [sflag:s2], $0x2800  }
0x3b: {  	[sflag:s2] =	ssyncset.done $0x0  }
0x3c: {  	s6 =	sadd.s32 $0x1, s6;
	[sflag:s2] =	ssyncadd.s32 $0xFFFFD800  }
0x3d: {  	[hbm4b:s7+s0] =	stream.linear.scatter [tilespmem:s16], [sflag:$0x2], $0x2800, $0x38;
	[tilespmem:$0x1B180] =	vst v63  }
0x3e: {  	p2 =	sne.s32 s6, s19;
	_ =	swait.ge [sflag:s4], $0x2800  }
.Ltmp1:
0x3f: {  	[sflag:s4] =	ssyncset.done $0x0;
	(pc) =	sbr.rel @!p2 .LBB2_9-.Ltmp1, $4  }
0x40: {  	[sflag:s4] =	ssyncadd.s32 $0xFFFFD800  }
0x41: {  	_ =	swait.ge [sflag:s5], $0x2800  }
0x42: {  	[sflag:s5] =	ssyncset.done $0x0  }
0x43: {  	[sflag:s5] =	ssyncadd.s32 $0xFFFFD800  }
.LBB2_1:
0x44: {  	s7 =	rddreg [dreg:$0x4]  }
0x45: {  	[tilespmem:s17], [sflag:$0x5] =	stream.linear.gather [hbm4b:s7+s0], $0x2800, $0x38;
	[tilespmem:$0x1B180] =	vst v63  }
0x46: {  	_ =	swait.ge [sflag:s29], $0x2800  }
0x47: {  	[sflag:s29] =	ssyncset.done $0x0  }
0x48: {  	[sflag:s29] =	ssyncadd.s32 $0xFFFFD800  }
0x49: {  	[spmem:s20] =	stream.linear.scatter [tilespmem:s17], [sflag:$0x4], $0x2800, $0x38;
	[tilespmem:$0x1B180] =	vst v63  }
0x4a: {  	_ =	swait.ge [sflag:s31], $0x2800  }
0x4b: {  	[sflag:s31] =	ssyncset.done $0x0  }
0x4c: {  	s8 =	rddreg [dreg:$0x5];
	[sflag:s31] =	ssyncadd.s32 $0xFFFFD800  }
0x4d: {  	[tilespmem:s17], [sflag:$0x5] =	stream.linear.gather [hbm4b:s8+s0], $0x2800, $0x38;
	[tilespmem:$0x1B180] =	vst v63  }
0x4e: {  	_ =	swait.ge [sflag:s29], $0x2800  }
0x4f: {  	[sflag:s29] =	ssyncset.done $0x0  }
0x50: {  	[sflag:s29] =	ssyncadd.s32 $0xFFFFD800  }
0x51: {  	[spmem:s21] =	stream.linear.scatter [tilespmem:s17], [sflag:$0x4], $0x2800, $0x38;
	[tilespmem:$0x1B180] =	vst v63  }
0x52: {  	_ =	swait.ge [sflag:s31], $0x2800  }
0x53: {  	[sflag:s31] =	ssyncset.done $0x0  }
0x54: {  	s9 =	rddreg [dreg:$0x6];
	[sflag:s31] =	ssyncadd.s32 $0xFFFFD800  }
0x55: {  	[tilespmem:s17], [sflag:$0x5] =	stream.linear.gather [hbm4b:s9+s0], $0x2800, $0x38;
	[tilespmem:$0x1B180] =	vst v63  }
0x56: {  	_ =	swait.ge [sflag:s29], $0x2800  }
0x57: {  	[sflag:s29] =	ssyncset.done $0x0  }
0x58: {  	[sflag:s29] =	ssyncadd.s32 $0xFFFFD800  }
0x59: {  	[spmem:s22] =	stream.linear.scatter [tilespmem:s17], [sflag:$0x4], $0x2800, $0x38;
	[tilespmem:$0x1B180] =	vst v63  }
0x5a: {  	_ =	swait.ge [sflag:s31], $0x2800  }
0x5b: {  	[sflag:s31] =	ssyncset.done $0x0  }
0x5c: {  	s10 =	rddreg [dreg:$0x7];
	[sflag:s31] =	ssyncadd.s32 $0xFFFFD800  }
0x5d: {  	[tilespmem:s17], [sflag:$0x5] =	stream.linear.gather [hbm4b:s10+s0], $0x2800, $0x38;
	[tilespmem:$0x1B180] =	vst v63  }
0x5e: {  	_ =	swait.ge [sflag:s29], $0x2800  }
0x5f: {  	[sflag:s29] =	ssyncset.done $0x0  }
0x60: {  	[sflag:s29] =	ssyncadd.s32 $0xFFFFD800  }
0x61: {  	[spmem:s23] =	stream.linear.scatter [tilespmem:s17], [sflag:$0x4], $0x2800, $0x38;
	[tilespmem:$0x1B180] =	vst v63  }
0x62: {  	_ =	swait.ge [sflag:s31], $0x2800  }
0x63: {  	[sflag:s31] =	ssyncset.done $0x0  }
0x64: {  	s8 =	rddreg [dreg:$0x8];
	[sflag:s31] =	ssyncadd.s32 $0xFFFFD800  }
0x65: {  	[tilespmem:s17], [sflag:$0x5] =	stream.linear.gather [hbm4b:s8+s0], $0x2800, $0x38;
	[tilespmem:$0x1B180] =	vst v63  }
0x66: {  	_ =	swait.ge [sflag:s29], $0x2800  }
0x67: {  	[sflag:s29] =	ssyncset.done $0x0  }
0x68: {  	[sflag:s29] =	ssyncadd.s32 $0xFFFFD800  }
0x69: {  	[spmem:s24] =	stream.linear.scatter [tilespmem:s17], [sflag:$0x4], $0x2800, $0x38;
	[tilespmem:$0x1B180] =	vst v63  }
0x6a: {  	_ =	swait.ge [sflag:s31], $0x2800  }
0x6b: {  	[sflag:s31] =	ssyncset.done $0x0  }
0x6c: {  	s9 =	rddreg [dreg:$0x9];
	[sflag:s31] =	ssyncadd.s32 $0xFFFFD800  }
0x6d: {  	[tilespmem:s17], [sflag:$0x5] =	stream.linear.gather [hbm4b:s9+s0], $0x2800, $0x38;
	[tilespmem:$0x1B180] =	vst v63  }
0x6e: {  	_ =	swait.ge [sflag:s29], $0x2800  }
0x6f: {  	[sflag:s29] =	ssyncset.done $0x0  }
0x70: {  	[sflag:s29] =	ssyncadd.s32 $0xFFFFD800  }
0x71: {  	[spmem:s25] =	stream.linear.scatter [tilespmem:s17], [sflag:$0x4], $0x2800, $0x38;
	[tilespmem:$0x1B180] =	vst v63  }
0x72: {  	_ =	swait.ge [sflag:s31], $0x2800  }
0x73: {  	[sflag:s31] =	ssyncset.done $0x0  }
0x74: {  	s10 =	rddreg [dreg:$0xa];
	[sflag:s31] =	ssyncadd.s32 $0xFFFFD800  }
0x75: {  	[tilespmem:s17], [sflag:$0x5] =	stream.linear.gather [hbm4b:s10+s0], $0x2800, $0x38;
	[tilespmem:$0x1B180] =	vst v63  }
0x76: {  	_ =	swait.ge [sflag:s29], $0x2800  }
0x77: {  	[sflag:s29] =	ssyncset.done $0x0  }
0x78: {  	[sflag:s29] =	ssyncadd.s32 $0xFFFFD800  }
0x79: {  	[spmem:s26] =	stream.linear.scatter [tilespmem:s17], [sflag:$0x4], $0x2800, $0x38;
	[tilespmem:$0x1B180] =	vst v63  }
0x7a: {  	_ =	swait.ge [sflag:s31], $0x2800  }
0x7b: {  	s7 =	simm.s32 @!p1 $0x0;
	[sflag:s31] =	ssyncset.done $0x0  }
0x7c: {  	s8 =	simm.s32 @!p1 $0x5100;
	s9 =	rddreg [dreg:$0xb];
	[sflag:s31] =	ssyncadd.s32 $0xFFFFD800  }
0x7d: {  	[tilespmem:s8], [sflag:$0x5] =	stream.linear.gather @!p1 [hbm4b:s9+s7], $0x2800, $0x38;
	[tilespmem:$0x1B180] =	vst v63  }
0x7e: {  	s7 =	simm.s32 @!p1 $0x5  }
0x7f: {  	_ =	swait.ge @!p1 [sflag:s7], $0x2800  }
0x80: {  	[sflag:s7] =	ssyncset.done @!p1 $0x0  }
0x81: {  	[sflag:s7] =	ssyncadd.s32 @!p1 $0xFFFFD800;
	s7 =	simm.s32 @!p1 $0x4  }
0x82: {  	[spmem:s28] =	stream.linear.scatter @!p1 [tilespmem:s8], [sflag:$0x4], $0x2800, $0x38;
	[tilespmem:$0x1B180] =	vst v63  }
.Ltmp2:
0x83: {  	_ =	swait.ge @!p1 [sflag:s7], $0x2800;
	(pc) =	sbr.rel @!p0 .LBB2_2-.Ltmp2, $4  }
0x84: {  	[sflag:s7] =	ssyncset.done @!p1 $0x0  }
0x85: {  	[sflag:s7] =	ssyncadd.s32 @!p1 $0xFFFFD800  }
0x86: {  	[bflag:$0x0] =	sbarrier.arrive $0xFFFF  }
0x87: {  	s7 =	simm.s32 $0x0  }
0x88: {  	s8 =	rddreg [dreg:$0x13]  }
0x89: {  	[tilespmem:s7], [sflag:$0x4] =	stream.linear.gather [hbm4b:s8+s7], $0x50, $0x38;
	[tilespmem:$0x1B180] =	vst v63  }
0x8a: {  	_ =	swait.ge [sflag:s31], $0x50  }
0x8b: {  	[sflag:s31] =	ssyncset.done $0x0  }
0x8c: {  	[sflag:s31] =	ssyncadd.s32 $0xFFFFFFB0  }
0x8d: {  	[tilespmem:s16], [sflag:$0x1] =	stream.indirect.gather [spmem:s15], $0x80, s7, s12, $0xb8;
	[tilespmem:$0x1B180] =	vst v63  }
0x8e: {  	_ =	swait.ge [sflag:s2], $0x2800  }
0x8f: {  	[sflag:s2] =	ssyncset.done $0x0  }
0x90: {  	[sflag:s2] =	ssyncadd.s32 $0xFFFFD800  }
0x91: {  	[hbm4b:s13+s7] =	stream.linear.scatter [tilespmem:s16], [sflag:$0x2], $0x2800, $0x38;
	[tilespmem:$0x1B180] =	vst v63  }
0x92: {  	s9 =	rddreg [dreg:$0x14]  }
0x93: {  	[tilespmem:s30], [sflag:$0x4] =	stream.linear.gather [hbm4b:s9+s7], $0x50, $0x38;
	[tilespmem:$0x1B180] =	vst v63  }
0x94: {  	_ =	swait.ge [sflag:s31], $0x50  }
0x95: {  	[sflag:s31] =	ssyncset.done $0x0  }
0x96: {  	[sflag:s31] =	ssyncadd.s32 $0xFFFFFFB0  }
0x97: {  	[tilespmem:s3], [sflag:$0x1] =	stream.indirect.gather [spmem:s15], $0x80, s30, s12, $0xb8;
	[tilespmem:$0x1B180] =	vst v63  }
0x98: {  	_ =	swait.ge [sflag:s2], $0x2800  }
0x99: {  	[sflag:s2] =	ssyncset.done $0x0  }
0x9a: {  	s10 =	rddreg [dreg:$0xe];
	[sflag:s2] =	ssyncadd.s32 $0xFFFFD800  }
0x9b: {  	[hbm4b:s10+s7] =	stream.linear.scatter [tilespmem:s3], [sflag:$0x3], $0x2800, $0x38;
	[tilespmem:$0x1B180] =	vst v63  }
0x9c: {  	_ =	swait.ge [sflag:s4], $0x2800  }
0x9d: {  	[sflag:s4] =	ssyncset.done $0x0  }
0x9e: {  	s8 =	sadd.s32 $0xFFFFFFF6, s1;
	[sflag:s4] =	ssyncadd.s32 $0xFFFFD800  }
0x9f: {  	[tilespmem:s0], [sflag:$0x4] =	stream.linear.gather [hbm4b:s8+s0], $0x50, $0x38;
	[tilespmem:$0x1B180] =	vst v63  }
0xa0: {  	_ =	swait.ge [sflag:s31], $0x50  }
0xa1: {  	[sflag:s31] =	ssyncset.done $0x0  }
0xa2: {  	[sflag:s31] =	ssyncadd.s32 $0xFFFFFFB0  }
0xa3: {  	[tilespmem:s16], [sflag:$0x1] =	stream.indirect.gather [spmem:s15], $0x80, s0, s12, $0xb8;
	[tilespmem:$0x1B180] =	vst v63  }
0xa4: {  	_ =	swait.ge [sflag:s2], $0x2800  }
0xa5: {  	s9 =	sadd.s32 $0x0, s13;
	[sflag:s2] =	ssyncset.done $0x0  }
0xa6: {  	s10 =	sadd.s32 $0xA00, s9;
	[sflag:s2] =	ssyncadd.s32 $0xFFFFD800  }
0xa7: {  	[hbm4b:s10+s0] =	stream.linear.scatter [tilespmem:s16], [sflag:$0x2], $0x2800, $0x38;
	[tilespmem:$0x1B180] =	vst v63  }
0xa8: {  	_ =	swait.ge [sflag:s5], $0x2800  }
0xa9: {  	[sflag:s5] =	ssyncset.done $0x0  }
0xaa: {  	[sflag:s5] =	ssyncadd.s32 $0xFFFFD800  }
0xab: {  	[tilespmem:s30], [sflag:$0x4] =	stream.linear.gather [hbm4b:s1+s0], $0x50, $0x38;
	[tilespmem:$0x1B180] =	vst v63  }
0xac: {  	_ =	swait.ge [sflag:s31], $0x50  }
0xad: {  	[sflag:s31] =	ssyncset.done $0x0  }
0xae: {  	[sflag:s31] =	ssyncadd.s32 $0xFFFFFFB0  }
0xaf: {  	[tilespmem:s3], [sflag:$0x1] =	stream.indirect.gather [spmem:s15], $0x80, s30, s12, $0xb8;
	[tilespmem:$0x1B180] =	vst v63  }
0xb0: {  	_ =	swait.ge [sflag:s2], $0x2800  }
0xb1: {  	s7 =	simm.s32 $0xA00;
	[sflag:s2] =	ssyncset.done $0x0  }
0xb2: {  	s9 =	sadd.s32 $0xF00, s9;
	s8 =	sadd.s32 $0x14, s1;
	[sflag:s2] =	ssyncadd.s32 $0xFFFFD800  }
.LBB2_6:
0xb3: {  	[hbm4b:s9+s0] =	stream.linear.scatter [tilespmem:s3], [sflag:$0x3], $0x2800, $0x38;
	[tilespmem:$0x1B180] =	vst v63  }
0xb4: {  	s9 =	smov.u32 s7  }
0xb5: {  	p2 =	sne.s32 s7, $0x25800;
	s7 =	sadd.s32 $0xA00, s7;
	_ =	swait.ge [sflag:s4], $0x2800  }
0xb6: {  	[sflag:s4] =	ssyncset.done $0x0  }
0xb7: {  	s10 =	sadd.s32 $0xFFFFFFF6, s8;
	[sflag:s4] =	ssyncadd.s32 $0xFFFFD800  }
0xb8: {  	[tilespmem:s0], [sflag:$0x4] =	stream.linear.gather [hbm4b:s10+s0], $0x50, $0x38;
	[tilespmem:$0x1B180] =	vst v63  }
0xb9: {  	_ =	swait.ge [sflag:s31], $0x50  }
0xba: {  	[sflag:s31] =	ssyncset.done $0x0  }
0xbb: {  	[sflag:s31] =	ssyncadd.s32 $0xFFFFFFB0  }
0xbc: {  	[tilespmem:s16], [sflag:$0x1] =	stream.indirect.gather [spmem:s15], $0x80, s0, s12, $0xb8;
	[tilespmem:$0x1B180] =	vst v63  }
0xbd: {  	_ =	swait.ge [sflag:s2], $0x2800  }
0xbe: {  	s9 =	sadd.s32 s9, s13;
	[sflag:s2] =	ssyncset.done $0x0  }
0xbf: {  	s10 =	sadd.s32 $0xA00, s9;
	[sflag:s2] =	ssyncadd.s32 $0xFFFFD800  }
0xc0: {  	[hbm4b:s10+s0] =	stream.linear.scatter [tilespmem:s16], [sflag:$0x2], $0x2800, $0x38;
	[tilespmem:$0x1B180] =	vst v63  }
0xc1: {  	_ =	swait.ge [sflag:s5], $0x2800  }
0xc2: {  	[sflag:s5] =	ssyncset.done $0x0  }
0xc3: {  	[sflag:s5] =	ssyncadd.s32 $0xFFFFD800  }
0xc4: {  	[tilespmem:s30], [sflag:$0x4] =	stream.linear.gather [hbm4b:s8+s0], $0x50, $0x38;
	[tilespmem:$0x1B180] =	vst v63  }
0xc5: {  	_ =	swait.ge [sflag:s31], $0x50  }
0xc6: {  	[sflag:s31] =	ssyncset.done $0x0  }
.Ltmp3:
0xc7: {  	[sflag:s31] =	ssyncadd.s32 $0xFFFFFFB0;
	(pc) =	sbr.rel @p2 .LBB2_6-.Ltmp3, $4  }
0xc8: {  	[tilespmem:s3], [sflag:$0x1] =	stream.indirect.gather [spmem:s15], $0x80, s30, s12, $0xb8;
	[tilespmem:$0x1B180] =	vst v63  }
0xc9: {  	_ =	swait.ge [sflag:s2], $0x2800  }
0xca: {  	[sflag:s2] =	ssyncset.done $0x0  }
0xcb: {  	s9 =	sadd.s32 $0xF00, s9;
	s8 =	sadd.s32 $0x14, s8;
	[sflag:s2] =	ssyncadd.s32 $0xFFFFD800  }
.Ltmp4:
0xcc: {  	_ = 	snop;
	(pc) =	sbr.rel .LBB2_7-.Ltmp4, $1  }
0xcd: {  	_ =	sdelay $0x3  }
.LBB2_2:
0xce: {  	s8 =	rddreg [dreg:$0x10]  }
0xcf: {  	[tilespmem:s7], [sflag:$0x4] =	stream.linear.gather [hbm4b:s8+s7], $0x50, $0x38;
	[tilespmem:$0x1B180] =	vst v63  }
0xd0: {  	_ =	swait.ge [sflag:s31], $0x50  }
0xd1: {  	[sflag:s31] =	ssyncset.done $0x0  }
0xd2: {  	[sflag:s31] =	ssyncadd.s32 $0xFFFFFFB0  }
0xd3: {  	[tilespmem:s16], [sflag:$0x1] =	stream.indirect.gather [spmem:s15], $0x80, s7, s12, $0xb8;
	[tilespmem:$0x1B180] =	vst v63  }
0xd4: {  	_ =	swait.ge [sflag:s2], $0x2800  }
0xd5: {  	[sflag:s2] =	ssyncset.done $0x0  }
0xd6: {  	[sflag:s2] =	ssyncadd.s32 $0xFFFFD800  }
0xd7: {  	[hbm4b:s14+s7] =	stream.linear.scatter [tilespmem:s16], [sflag:$0x2], $0x2800, $0x38;
	[tilespmem:$0x1B180] =	vst v63  }
0xd8: {  	s9 =	rddreg [dreg:$0x11]  }
0xd9: {  	[tilespmem:s30], [sflag:$0x4] =	stream.linear.gather [hbm4b:s9+s7], $0x50, $0x38;
	[tilespmem:$0x1B180] =	vst v63  }
0xda: {  	_ =	swait.ge [sflag:s31], $0x50  }
0xdb: {  	[sflag:s31] =	ssyncset.done $0x0  }
0xdc: {  	[sflag:s31] =	ssyncadd.s32 $0xFFFFFFB0  }
0xdd: {  	[tilespmem:s3], [sflag:$0x1] =	stream.indirect.gather [spmem:s15], $0x80, s30, s12, $0xb8;
	[tilespmem:$0x1B180] =	vst v63  }
0xde: {  	_ =	swait.ge [sflag:s2], $0x2800  }
0xdf: {  	[sflag:s2] =	ssyncset.done $0x0  }
0xe0: {  	s10 =	rddreg [dreg:$0xd];
	[sflag:s2] =	ssyncadd.s32 $0xFFFFD800  }
0xe1: {  	[hbm4b:s10+s7] =	stream.linear.scatter [tilespmem:s3], [sflag:$0x3], $0x2800, $0x38;
	[tilespmem:$0x1B180] =	vst v63  }
0xe2: {  	_ =	swait.ge [sflag:s4], $0x2800  }
0xe3: {  	[sflag:s4] =	ssyncset.done $0x0  }
0xe4: {  	s8 =	sadd.s32 $0xFFFFFFF6, s11;
	[sflag:s4] =	ssyncadd.s32 $0xFFFFD800  }
0xe5: {  	[tilespmem:s0], [sflag:$0x4] =	stream.linear.gather [hbm4b:s8+s0], $0x50, $0x38;
	[tilespmem:$0x1B180] =	vst v63  }
0xe6: {  	_ =	swait.ge [sflag:s31], $0x50  }
0xe7: {  	[sflag:s31] =	ssyncset.done $0x0  }
0xe8: {  	[sflag:s31] =	ssyncadd.s32 $0xFFFFFFB0  }
0xe9: {  	[tilespmem:s16], [sflag:$0x1] =	stream.indirect.gather [spmem:s15], $0x80, s0, s12, $0xb8;
	[tilespmem:$0x1B180] =	vst v63  }
0xea: {  	_ =	swait.ge [sflag:s2], $0x2800  }
0xeb: {  	s9 =	sadd.s32 $0x0, s14;
	[sflag:s2] =	ssyncset.done $0x0  }
0xec: {  	s10 =	sadd.s32 $0xA00, s9;
	[sflag:s2] =	ssyncadd.s32 $0xFFFFD800  }
0xed: {  	[hbm4b:s10+s0] =	stream.linear.scatter [tilespmem:s16], [sflag:$0x2], $0x2800, $0x38;
	[tilespmem:$0x1B180] =	vst v63  }
0xee: {  	_ =	swait.ge [sflag:s5], $0x2800  }
0xef: {  	[sflag:s5] =	ssyncset.done $0x0  }
0xf0: {  	[sflag:s5] =	ssyncadd.s32 $0xFFFFD800  }
0xf1: {  	[tilespmem:s30], [sflag:$0x4] =	stream.linear.gather [hbm4b:s11+s0], $0x50, $0x38;
	[tilespmem:$0x1B180] =	vst v63  }
0xf2: {  	_ =	swait.ge [sflag:s31], $0x50  }
0xf3: {  	[sflag:s31] =	ssyncset.done $0x0  }
0xf4: {  	[sflag:s31] =	ssyncadd.s32 $0xFFFFFFB0  }
0xf5: {  	[tilespmem:s3], [sflag:$0x1] =	stream.indirect.gather [spmem:s15], $0x80, s30, s12, $0xb8;
	[tilespmem:$0x1B180] =	vst v63  }
0xf6: {  	_ =	swait.ge [sflag:s2], $0x2800  }
0xf7: {  	s7 =	simm.s32 $0xA00;
	[sflag:s2] =	ssyncset.done $0x0  }
0xf8: {  	s9 =	sadd.s32 $0xF00, s9;
	s8 =	sadd.s32 $0x14, s11;
	[sflag:s2] =	ssyncadd.s32 $0xFFFFD800  }
.LBB2_3:
0xf9: {  	[hbm4b:s9+s0] =	stream.linear.scatter [tilespmem:s3], [sflag:$0x3], $0x2800, $0x38;
	[tilespmem:$0x1B180] =	vst v63  }
0xfa: {  	s9 =	smov.u32 s7  }
0xfb: {  	p2 =	seq.s32 s7, $0x25800;
	s7 =	sadd.s32 $0xA00, s7;
	_ =	swait.ge [sflag:s4], $0x2800  }
0xfc: {  	[sflag:s4] =	ssyncset.done $0x0  }
0xfd: {  	s10 =	sadd.s32 $0xFFFFFFF6, s8;
	[sflag:s4] =	ssyncadd.s32 $0xFFFFD800  }
0xfe: {  	[tilespmem:s0], [sflag:$0x4] =	stream.linear.gather [hbm4b:s10+s0], $0x50, $0x38;
	[tilespmem:$0x1B180] =	vst v63  }
0xff: {  	_ =	swait.ge [sflag:s31], $0x50  }
0x100: {  	[sflag:s31] =	ssyncset.done $0x0  }
0x101: {  	[sflag:s31] =	ssyncadd.s32 $0xFFFFFFB0  }
0x102: {  	[tilespmem:s16], [sflag:$0x1] =	stream.indirect.gather [spmem:s15], $0x80, s0, s12, $0xb8;
	[tilespmem:$0x1B180] =	vst v63  }
0x103: {  	_ =	swait.ge [sflag:s2], $0x2800  }
0x104: {  	s9 =	sadd.s32 s9, s14;
	[sflag:s2] =	ssyncset.done $0x0  }
0x105: {  	s10 =	sadd.s32 $0xA00, s9;
	[sflag:s2] =	ssyncadd.s32 $0xFFFFD800  }
0x106: {  	[hbm4b:s10+s0] =	stream.linear.scatter [tilespmem:s16], [sflag:$0x2], $0x2800, $0x38;
	[tilespmem:$0x1B180] =	vst v63  }
0x107: {  	_ =	swait.ge [sflag:s5], $0x2800  }
0x108: {  	[sflag:s5] =	ssyncset.done $0x0  }
0x109: {  	[sflag:s5] =	ssyncadd.s32 $0xFFFFD800  }
0x10a: {  	[tilespmem:s30], [sflag:$0x4] =	stream.linear.gather [hbm4b:s8+s0], $0x50, $0x38;
	[tilespmem:$0x1B180] =	vst v63  }
0x10b: {  	_ =	swait.ge [sflag:s31], $0x50  }
0x10c: {  	[sflag:s31] =	ssyncset.done $0x0  }
.Ltmp5:
0x10d: {  	[sflag:s31] =	ssyncadd.s32 $0xFFFFFFB0;
	(pc) =	sbr.rel @!p2 .LBB2_3-.Ltmp5, $4  }
0x10e: {  	[tilespmem:s3], [sflag:$0x1] =	stream.indirect.gather [spmem:s15], $0x80, s30, s12, $0xb8;
	[tilespmem:$0x1B180] =	vst v63  }
0x10f: {  	_ =	swait.ge [sflag:s2], $0x2800  }
0x110: {  	[sflag:s2] =	ssyncset.done $0x0  }
0x111: {  	s9 =	sadd.s32 $0xF00, s9;
	s8 =	sadd.s32 $0x14, s8;
	[sflag:s2] =	ssyncadd.s32 $0xFFFFD800  }
.Ltmp6:
0x112: {  	(pc) =	sbr.rel .LBB2_8-.Ltmp6, $4  }
0x113: {  	_ = 	snop  }
0x114: {  	[hbm4b:s9+s0] =	stream.linear.scatter [tilespmem:s3], [sflag:$0x3], $0x2800, $0x38;
	[tilespmem:$0x1B180] =	vst v63  }
0x115: {  	s8 =	rddreg [dreg:$0x3]  }
0x116: {  	s7 =	rddreg [dreg:$0xc]  }
.LBB2_9:
0x117: {  	_ =	sfence.sel $0x180000  }
0x118: {  	[bflag:$0x0] =	sbarrier.arrive $0xFFFF  }
0x119: {  	_ =	strace $0x90000047  }
0x11a: {  	s0 =	stileid.u32;
	[bflag:$0x2] =	sbarrier.arrive $0xFFFF  }
0x11b: {  	p0 =	sne.s32 s0, $0x0;
	s0 =	rddreg [dreg:$0x2]  }
0x11c: {  	s0 =	sadd.s32 @!p0 $0x100000, s0  }
0x11d: {  	[sflag:s0] =	ssyncadd.tile.s32 @!p0 $0x1;
	_ =	shalt  }
.Lfunc_end2:
_tile_overlayer_lowered:
.L_overlay_start_2:
0x11e: {  	(tag) =	ssettag $0x2  }
0x11f: {  	s0 =	rddreg [dreg:$0x0];
	s2 =	stileid.u32  }
0x120: {  	s1 =	rddreg [dreg:$0x1];
	p0 =	sne.s32 s2, $0x0  }
0x121: {  	s3 =	rddreg [dreg:$0x2];
	[bflag:$0x3] =	sbarrier.arrive $0xFFFF;
	s2 =	simm.s32 @!p0 $0x1C04  }
0x122: {  	[timem:s3], [sflag:s2] =	dma.local @!p0 [hbm:s0], s1  }
0x123: {  	s0 =	simm.s32 @!p0 $0x4  }
0x124: {  	_ =	swait.ge @!p0 [sflag:s0], s1  }
0x125: {  	s1 =	ssub.s32 @!p0 $0x0, s1;
	[sflag:s0] =	ssyncset.done @!p0 $0x0  }
0x126: {  	[sflag:s0] =	ssyncadd.s32 @!p0 s1  }
0x127: {  	[bflag:$0x3] =	sbarrier.arrive $0xFFFF  }
0x128: {  	_ =	shalt  }

// kernel: closed_call.35.cloned.1.call-start
scs
__scs_entry_jumppad:
0x0: {  	(pc) =	sbr.rel $0x88, $3  }
0x1: {  	(tag) =	ssettag $0x0;
	lr =	simm.s32 $0x1  }
0x2: {  	[smem:$0x3E98] =	sst lr;
	_ =	strace $0xD0000000  }
0x3: {  	_ = 	snop  }
0x4: {  	_ = 	snop  }
0x5: {  	_ = 	snop  }
0x6: {  	_ = 	snop  }
0x7: {  	_ = 	snop  }
__scs_overlays_trampoline_lowered:
0x8: {  	[smem:$0x3EA7] =	sst s0  }
0x9: {  	[smem:$0x3EA8] =	sst s1  }
0xa: {  	[smem:$0x3EA9] =	sst s2  }
0xb: {  	[smem:$0x3EAA] =	sst s3  }
0xc: {  	[smem:$0x3EAB] =	sst s4  }
0xd: {  	[smem:$0x3EAC] =	sst s5  }
0xe: {  	[smem:$0x3EAD] =	sst s6  }
0xf: {  	[smem:$0x3EAE] =	sst s7  }
0x10: {  	[smem:$0x3EAF] =	sst s8  }
0x11: {  	[smem:$0x3EB0] =	sst s9;
	s0 =	simm.s32 @!p0 $0x0  }
0x12: {  	s1 =	sld [smem:$0x3E96];
	s0 =	simm.s32 @p0 $0x1  }
0x13: {  	[smem:$0x3EB1] =	sst s0;
	s0 =	simm.s32 @!p1 $0x0  }
0x14: {  	s2 =	sld [smem:$0x3E95];
	s0 =	simm.s32 @p1 $0x1  }
0x15: {  	[smem:$0x3EB2] =	sst s0;
	s0 =	simm.s32 @!p2 $0x0  }
0x16: {  	s3 =	sld [smem:$0x3FDB];
	s0 =	simm.s32 @p2 $0x1  }
0x17: {  	s4 =	simm.s32 $0x1BF5;
	[smem:$0x3EB4] =	sst s0  }
0x18: {  	s0 =	sld [smem:$0x3E97];
	_ =	swait.ge [sflag:s4], $0x0  }
0x19: {  	s7 =	sld [smem:$0x3E98]  }
0x1a: {  	s8 =	sadd.s32 $0xFFFFE003, lr  }
0x1b: {  	s9 =	sadd.s32 $0xFFFFFEF7, lr;
	s5 =	simm.s32 $0xFFFFFFFF;
	p2 =	slt.u32 s8, $0xFFFFF086  }
0x1c: {  	p1 =	slt.u32 s9, $0xF7A;
	s5 =	simm.s32 @!p2 $0x0  }
0x1d: {  	s5 =	simm.s32 @p1 $0x1;
	p0 =	seq.s32 s7, s2  }
0x1e: {  	s7 =	smul.u32 @!p0 $0xF7A, s2;
	p2 =	seq.s32 @!p0 s5, $0x0  }
0x1f: {  	s9 =	smul.u32 $0xF7A, s1;
	s8 =	simm.s32 @!p0 $0x1BF5;
	p2 =	por !p2, p0  }
0x20: {  	[sflag:s8] =	ssyncset.s32 @!p0 $0xFFFFF086;
	s6 =	sadd.s32 @!p0 s3, s7;
	s7 =	simm.s32 @!p0 $0x108  }
0x21: {  	s3 =	sadd.s32 s3, s9;
	s6 =	sadd.s32 @!p0 $0x88, s6;
	s7 =	simm.s32 @p2 $0x1082  }
0x22: {  	[simem:s7], [sflag:s8] =	dma.local @!p0 [hbm:s6], $0xF7A  }
0x23: {  	s9 =	sor.u32 $0xD0000000, s2;
	s6 =	simm.s32 $0x108;
	_ =	swait.ge @!p0 [sflag:s8], $0x0  }
0x24: {  	s3 =	sadd.s32 $0x88, s3;
	s6 =	simm.s32 @!p1 $0x1082;
	[sflag:s4] =	ssyncset.s32 $0xFFFFF086  }
0x25: {  	[simem:s6], [sflag:s4] =	dma.local [hbm:s3], $0xF7A  }
0x26: {  	[smem:$0x3E98] =	sst s1;
	(tag) =	ssettag s2;
	_ =	strace s9  }
0x27: {  	s1 =	sld [smem:$0x3EA8]  }
0x28: {  	s2 =	sld [smem:$0x3EA9]  }
0x29: {  	s4 =	sld [smem:$0x3EAB]  }
0x2a: {  	p0 =	seq.s32 s5, $0x0;
	s5 =	sld [smem:$0x3EAC]  }
0x2b: {  	s6 =	sld [smem:$0x3EAD]  }
0x2c: {  	s7 =	sld [smem:$0x3EAE]  }
0x2d: {  	s3 =	simm.s32 $0x108;
	s8 =	sld [smem:$0x3EAF]  }
0x2e: {  	s3 =	simm.s32 @!p0 $0x1082;
	s9 =	sld [smem:$0x3EB0]  }
0x2f: {  	lr =	sadd.s32 s0, s3;
	s0 =	sld [smem:$0x3EA7]  }
0x30: {  	s3 =	sld [smem:$0x3EAA]  }
0x31: {  	[smem:$0x3EB3] =	sst s10  }
0x32: {  	s10 =	sld [smem:$0x3EB1];
	_ =	sdelay $0x3  }
0x33: {  	p0 =	seq.s32 s10, $0x1;
	s10 =	sld [smem:$0x3EB3];
	_ =	sdelay $0x3  }
0x34: {  	[smem:$0x3EB3] =	sst s10  }
0x35: {  	s10 =	sld [smem:$0x3EB2];
	_ =	sdelay $0x3  }
0x36: {  	p1 =	seq.s32 s10, $0x1;
	s10 =	sld [smem:$0x3EB3];
	_ =	sdelay $0x3  }
0x37: {  	[smem:$0x3EB3] =	sst s10  }
0x38: {  	s10 =	sld [smem:$0x3EB4]  }
0x39: {  	_ = 	snop;
	(pc) =	sbr.ind lr, $3  }
0x3a: {  	_ = 	snop  }
0x3b: {  	_ = 	snop  }
0x3c: {  	p2 =	seq.s32 s10, $0x1;
	s10 =	sld [smem:$0x3EB3]  }
0x3d: {  	_ =	shalt  }
0x3e: {  	_ =	shalt  }
0x3f: {  	_ =	shalt  }
0x40: {  	_ =	shalt  }
0x41: {  	_ =	shalt  }
0x42: {  	_ =	shalt  }
0x43: {  	_ =	shalt  }
0x44: {  	_ =	shalt  }
0x45: {  	_ =	shalt  }
0x46: {  	_ =	shalt  }
0x47: {  	_ =	shalt  }
0x48: {  	_ =	shalt  }
0x49: {  	_ =	shalt  }
0x4a: {  	_ =	shalt  }
0x4b: {  	_ =	shalt  }
0x4c: {  	_ =	shalt  }
0x4d: {  	_ =	shalt  }
0x4e: {  	_ =	shalt  }
0x4f: {  	_ =	shalt  }
0x50: {  	_ =	shalt  }
0x51: {  	_ =	shalt  }
0x52: {  	_ =	shalt  }
0x53: {  	_ =	shalt  }
0x54: {  	_ =	shalt  }
0x55: {  	_ =	shalt  }
0x56: {  	_ =	shalt  }
0x57: {  	_ =	shalt  }
0x58: {  	_ =	shalt  }
0x59: {  	_ =	shalt  }
0x5a: {  	_ =	shalt  }
0x5b: {  	_ =	shalt  }
0x5c: {  	_ =	shalt  }
0x5d: {  	_ =	shalt  }
0x5e: {  	_ =	shalt  }
0x5f: {  	_ =	shalt  }
0x60: {  	_ =	shalt  }
0x61: {  	_ =	shalt  }
0x62: {  	_ =	shalt  }
0x63: {  	_ =	shalt  }
0x64: {  	_ =	shalt  }
0x65: {  	_ =	shalt  }
0x66: {  	_ =	shalt  }
0x67: {  	_ =	shalt  }
0x68: {  	_ =	shalt  }
0x69: {  	_ =	shalt  }
0x6a: {  	_ =	shalt  }
0x6b: {  	_ =	shalt  }
0x6c: {  	_ =	shalt  }
0x6d: {  	_ =	shalt  }
0x6e: {  	_ =	shalt  }
0x6f: {  	_ =	shalt  }
0x70: {  	_ =	shalt  }
0x71: {  	_ =	shalt  }
0x72: {  	_ =	shalt  }
0x73: {  	_ =	shalt  }
0x74: {  	_ =	shalt  }
0x75: {  	_ =	shalt  }
0x76: {  	_ =	shalt  }
0x77: {  	_ =	shalt  }
0x78: {  	_ =	shalt  }
0x79: {  	_ =	shalt  }
0x7a: {  	_ =	shalt  }
0x7b: {  	_ =	shalt  }
0x7c: {  	_ =	shalt  }
0x7d: {  	_ =	shalt  }
0x7e: {  	_ =	shalt  }
0x7f: {  	_ =	shalt  }
0x80: {  	_ =	shalt  }
0x81: {  	_ =	shalt  }
0x82: {  	_ =	shalt  }
0x83: {  	_ =	shalt  }
0x84: {  	_ =	shalt  }
0x85: {  	_ =	shalt  }
0x86: {  	_ =	shalt  }
0x87: {  	_ =	shalt  }
.Lfunc_end0:
.L_simem_size_0:
called_computation.1_lowered:
.L_overlay_start_0:
0x88: {  	s2 =	sld [smem:$0x3FD9]  }
0x89: {  	s3 =	sld [smem:$0x3FFE];
	_ =	sdelay $0x1  }
0x8a: {  	s1 =	srdreg.scid  }
0x8b: {  	s0 =	sand.u32 $0x1, s1  }
0x8c: {  	s17 =	sshll.u32 s0, $0xA;
	s2 =	sadd.s32 s3, s2  }
0x8d: {  	s2 =	sadd.s32 s2, s17  }
0x8e: {  	[smem:$0x3EBF] =	sst s2  }
0x8f: {  	_ = 	snop  }
0x90: {  	(tm) =	ssettm $0x1  }
0x91: {  	s18 =	sld [smem:$0x3FFB];
	_ =	sdelay $0x3  }
0x92: {  	_ =	strace s18  }
0x93: {  	s2 =	sld [smem:$0x3FFC];
	_ =	sdelay $0x3  }
0x94: {  	_ =	strace s2  }
0x95: {  	s2 =	sld [smem:$0x3FFD];
	_ =	sdelay $0x3  }
0x96: {  	_ =	strace s2  }
0x97: {  	_ =	strace $0x8FFFFFFF  }
0x98: {  	s19 =	sld [smem:$0x3FDB];
	_ =	sdelay $0x1  }
0x99: {  	s20 =	simm.s32 $_scs_section_size  }
0x9a: {  	s4 =	simm.s32 $_size__tile_overlayer_lowered;
	s5 =	simm.s32 $_tile_overlayer_lowered  }
0x9b: {  	s6 =	simm.s32 $0x1BFF;
	s21 =	sshll.u32 s5, $0x1;
	s3 =	sadd.s32 s20, s19  }
0x9c: {  	s22 =	simm.s32 $0x0;
	s4 =	sshll.u32 s4, $0x1;
	s5 =	sadd.s32 s21, s3  }
0x9d: {  	[timem:s22], [sflag:s6] =	dma.local [hbm:s5], s4  }
0x9e: {  	_ =	swait.ge [sflag:s6], s4  }
0x9f: {  	s4 =	ssub.s32 $0x0, s4;
	[sflag:s6] =	ssyncset.done $0x0  }
0xa0: {  	[sflag:s6] =	ssyncadd.s32 s4;
	_ =	sdelay $0x1  }
0xa1: {  	s23 =	simm.s32 $0x1B8B  }
0xa2: {  	_ =	swait.ge [sflag:s23], $0x1  }
0xa3: {  	[sflag:s23] =	ssyncset.done $0x0  }
0xa4: {  	[sflag:s23] =	ssyncadd.s32 $0xFFFFFFFF  }
0xa5: {  	s4 =	sld [smem:$0x0]  }
0xa6: {  	s5 =	sand.u32 $0xFFFFFFFE, s1  }
0xa7: {  	p0 =	sne.s32 s1, s5  }
0xa8: {  	s5 =	sshll.u32 @p0 s5, $0xE  }
0xa9: {  	s5 =	sadd.s32 @p0 $0x11B8D, s5;
	s6 =	sshll.u32 @p0 s4, $0x11  }
0xaa: {  	s5 =	sor.u32 @p0 s6, s5  }
0xab: {  	[sflag:s5] =	ssyncadd.remote.s32 @p0 $0x1;
	_ =	sdelay $0x1  }
0xac: {  	s5 =	simm.s32 @p0 $0x1B8D  }
0xad: {  	_ =	swait.eq @p0 [sflag:s5], $0x1  }
0xae: {  	[sflag:s5] =	ssyncadd.s32 @p0 $0xFFFFFFFF  }
0xaf: {  	s6 =	sshll.u32 @!p0 s1, $0xE  }
0xb0: {  	s6 =	sor.u32 @!p0 $0x4000, s6;
	s5 =	simm.s32 @!p0 $0x1B8D  }
0xb1: {  	s4 =	sshll.u32 @!p0 s4, $0x11;
	s6 =	sadd.s32 @!p0 $0x11B8D, s6;
	_ =	swait.eq @!p0 [sflag:s5], $0x1  }
0xb2: {  	s4 =	sor.u32 @!p0 s4, s6;
	[sflag:s5] =	ssyncadd.s32 @!p0 $0xFFFFFFFF  }
0xb3: {  	s25 =	simm.s32 $0x1B8E;
	s24 =	sld [smem:$0x3FFE];
	[sflag:s4] =	ssyncadd.remote.s32 @!p0 $0x1  }
0xb4: {  	s26 =	simm.s32 $execute0_lowered;
	[smem:$0x3FD2] =	sst s25  }
0xb5: {  	s5 =	sshll.u32 s26, $0x1;
	_ =	strace $0x80000049;
	[dreg:$0x1] =	wrdreg $0xFFFFFFFF  }
0xb6: {  	s28 =	simm.s32 $_size_execute0_lowered;
	s3 =	sadd.s32 s3, s5;
	[dreg:$0x0] =	wrdreg $0x0  }
0xb7: {  	s5 =	sshll.u32 s28, $0x1;
	[dreg:$0x2] =	wrdreg s3  }
0xb8: {  	[dreg:$0x3] =	wrdreg s5  }
0xb9: {  	[dreg:$0x4] =	wrdreg $0xC0  }
0xba: {  	_ =	task [dreg:s22], $0x5FFFF  }
0xbb: {  	[dreg:$0x1] =	wrdreg $0xFFFFFFFF  }
0xbc: {  	[dreg:$0x0] =	wrdreg $0x60  }
0xbd: {  	[dreg:$0x2] =	wrdreg s24  }
0xbe: {  	[dreg:$0x3] =	wrdreg $0x51000  }
0xbf: {  	[dreg:$0x4] =	wrdreg $0x9  }
0xc0: {  	_ =	task.clear_ibuf [dreg:s22], $0x5FFFF;
	_ =	strace $0x90000049  }
0xc1: {  	s29 =	simm.s32 $0x9;
	_ =	strace $0x8000004B  }
0xc2: {  	_ =	swait.ge [sflag:s29], $0x1  }
0xc3: {  	[sflag:s29] =	ssyncadd.s32 $0xFFFFFFFF  }
0xc4: {  	_ =	strace $0x9000004B  }
0xc5: {  	_ =	sfence  }
0xc6: {  	s30 =	sld [smem:$0x0];
	_ =	sdelay $0x2  }
0xc7: {  	s31 =	sshll.u32 s1, $0xD;
	s1 =	sshrl.u32 s1, $0x2  }
0xc8: {  	s4 =	sand.u32 $0x4000, s31;
	s1 =	sadd.s32 s1, s30  }
0xc9: {  	s0 =	sor.u32 s4, s0;
	s1 =	sshll.u32 s1, $0x11  }
0xca: {  	s0 =	sor.u32 s1, s0  }
0xcb: {  	s0 =	sadd.s32 $0x8F2B, s0  }
0xcc: {  	[sflag:s0] =	ssyncadd.remote.s32 $0x1  }
0xcd: {  	_ =	sfence.sel $0xFFFF  }
0xce: {  	[dreg:$0x0] =	wrdreg $0xFFFFFFFF;
	(pc) =	sbr.abs _section_cstart, $3  }
0xcf: {  	[dreg:$0x1] =	wrdreg $0xFFFFFFFF  }
0xd0: {  	_ =	task.clear_ibuf [dreg:s22], $0x2FFFF;
	_ =	strace $0x9FFFFFFF  }
0xd1: {  	(tm) =	ssettm $0x7FFFFFFF  }
tec
execute0_lowered:
.L_overlay_start_1:
0x0: {  	(tag) =	ssettag $0x1  }
0x1: {  	s0 =	rddreg [dreg:$0x0];
	s2 =	srdreg.scid  }
0x2: {  	s20 =	stileid.u32;
	s1 =	rddreg [dreg:$0x1]  }
0x3: {  	s29 =	simm.s32 $0x2900;
	s30 =	simm.s32 $0x3;
	s31 =	simm.s32 $0x1400  }
0x4: {  	s5 =	sand.u32 $0x1, s2;
	s3 =	sshll.u32 s20, $0x1;
	s13 =	smul.u32 $0x2800, s20  }
0x5: {  	s2 =	simm.s32 $0x0;
	s11 =	sor.u32 $0x10, s20;
	s10 =	smul.u32 $0x138800, s5  }
0x6: {  	s7 =	sadd.s32 $0xFE3600, s0;
	s12 =	sor.u32 $0x20, s20;
	s14 =	smul.u32 $0x2800, s11  }
0x7: {  	s18 =	sor.u32 $0x30, s20;
	s19 =	sor.u32 $0x40, s20;
	s15 =	smul.u32 $0x2800, s12  }
0x8: {  	s21 =	sor.u32 $0x70, s20;
	s4 =	ssub.s32 $0x2, s5;
	s16 =	smul.u32 $0x2800, s18  }
0x9: {  	s6 =	sor.u32 s5, s3;
	s3 =	sor.u32 $0x60, s20;
	s24 =	smul.u32 $0x2800, s19  }
0xa: {  	[smem:$0x7FF] =	sst s2;
	s25 =	sshrl.u32 s4, $0x1;
	s8 =	smul.u32 $0x13880, s6  }
0xb: {  	p0 =	sgt.u32 s21, $0x7C;
	s6 =	smul.u32 $0x1388, s6;
	s9 =	ssub.s32 s4, s25  }
0xc: {  	s4 =	sor.u32 $0x50, s20;
	s13 =	sadd.s32 s10, s13;
	s14 =	sadd.s32 s10, s14  }
0xd: {  	s22 =	sadd.s32 s10, s15;
	s23 =	sadd.s32 s10, s16;
	s16 =	smul.u32 $0x2800, s3  }
0xe: {  	s3 =	smul.u32 $0xA000, s3;
	s13 =	sshrl.u32 s13, $0x3;
	s26 =	sshrl.u32 s14, $0x3  }
0xf: {  	s14 =	sshrl.u32 s22, $0x3;
	s15 =	sshrl.u32 s23, $0x3;
	s17 =	smul.u32 $0x2800, s4  }
0x10: {  	s6 =	sshrl.u32 s6, $0x3;
	s4 =	smul.u32 $0xA000, s4;
	s13 =	sadd.s32 s7, s13  }
0x11: {  	s25 =	sadd.s32 s7, s14;
	s14 =	sadd.s32 s10, s24;
	s23 =	sadd.s32 s10, s16  }
0x12: {  	s24 =	smul.u32 $0x27100, s20;
	[dreg:$0x3] =	wrdreg s13;
	s13 =	sadd.s32 s7, s26  }
0x13: {  	s26 =	sadd.s32 s7, s15;
	s15 =	sadd.s32 s10, s17;
	s17 =	smul.u32 $0x2800, s21  }
0x14: {  	s16 =	smax.u32 s9, $0x1;
	[dreg:$0x5] =	wrdreg s25;
	s25 =	smul.u32 $0x13880, s5  }
0x15: {  	s5 =	smul.u32 $0x1388, s5;
	s4 =	sshrl.u32 s4, $0x2;
	[dreg:$0x4] =	wrdreg s13  }
0x16: {  	[dreg:$0x6] =	wrdreg s26;
	s13 =	sshrl.u32 s14, $0x3;
	s14 =	sshrl.u32 s15, $0x3  }
0x17: {  	s26 =	sadd.s32 $0x841E00, s0;
	s15 =	smul.u32 $0xA000, s20;
	s13 =	sadd.s32 s7, s13  }
0x18: {  	s22 =	sadd.s32 s7, s14;
	s10 =	sadd.s32 s10, s17;
	[dreg:$0x7] =	wrdreg s13  }
0x19: {  	s8 =	sadd.s32 s26, s8;
	[dreg:$0x8] =	wrdreg s22;
	s13 =	sshrl.u32 s23, $0x3  }
0x1a: {  	s10 =	sshrl.u32 s10, $0x3;
	[dreg:$0xb] =	wrdreg s8;
	s23 =	smul.u32 $0xA000, s12  }
0x1b: {  	s13 =	sadd.s32 s7, s13;
	s7 =	sadd.s32 s7, s10;
	s10 =	smul.u32 $0x2710, s20  }
0x1c: {  	s22 =	sshrl.u32 s15, $0x2;
	s12 =	sshrl.u32 s3, $0x2;
	s20 =	smul.u32 $0xA000, s11  }
0x1d: {  	s3 =	simm.s32 $0x28;
	s11 =	smul.u32 $0xA000, s21;
	[dreg:$0x9] =	wrdreg s13  }
0x1e: {  	[dreg:$0xa] =	wrdreg s7;
	s7 =	sadd.s32 s24, s26;
	s24 =	smul.u32 $0xA000, s18  }
0x1f: {  	s13 =	sadd.s32 $0x1C000, s0;
	s0 =	sadd.s32 $0xF94E00, s0;
	s26 =	smul.u32 $0xA000, s19  }
0x20: {  	s7 =	sadd.s32 s25, s7;
	_ =	strace $0x8000004A;
	s5 =	sadd.s32 s5, s10  }
0x21: {  	[dreg:$0xc] =	wrdreg s0;
	s17 =	sadd.s32 s13, s6;
	s0 =	sshrl.u32 s20, $0x2  }
0x22: {  	s25 =	sshrl.u32 s23, $0x2;
	s23 =	sadd.s32 s12, s1;
	s14 =	sshrl.u32 s11, $0x2  }
0x23: {  	s11 =	simm.s32 $0x1480;
	s6 =	simm.s32 $0x4;
	[dreg:$0xd] =	wrdreg s17  }
0x24: {  	s17 =	sadd.s32 s22, s1;
	s18 =	sadd.s32 s0, s1;
	s19 =	sadd.s32 s25, s1  }
0x25: {  	s9 =	sshrl.u32 s24, $0x2;
	s10 =	sshrl.u32 s26, $0x2;
	s22 =	sadd.s32 s4, s1  }
0x26: {  	s15 =	sadd.s32 $0x28, s5;
	s24 =	sadd.s32 s14, s1;
	s25 =	sadd.s32 $0x500, s7  }
0x27: {  	s0 =	simm.s32 $0x2880;
	s4 =	simm.s32 $0x1;
	s7 =	simm.s32 $0x0  }
0x28: {  	s20 =	sadd.s32 s9, s1;
	s21 =	sadd.s32 s10, s1;
	s26 =	sshrl.u32 s15, $0x3  }
0x29: {  	s9 =	sadd.s32 $0x50, s5;
	s5 =	simm.s32 $0x2;
	s28 =	sadd.s32 s26, s13  }
.LBB2_1:
0x2a: {  	s8 =	rddreg [dreg:$0xc]  }
0x2b: {  	[tilespmem:s29], [sflag:$0x3] =	stream.linear.gather [hbm4b:s8+s2], $0x2800, $0x38;
	[tilespmem:$0x18980] =	vst v63  }
0x2c: {  	_ =	swait.ge [sflag:s30], $0x2800  }
0x2d: {  	[sflag:s30] =	ssyncset.done $0x0  }
0x2e: {  	[sflag:s30] =	ssyncadd.s32 $0xFFFFD800  }
0x2f: {  	[spmem:s17] =	stream.linear.scatter [tilespmem:s29], [sflag:$0x3], $0x2800, $0x38;
	[tilespmem:$0x18980] =	vst v63  }
0x30: {  	_ =	swait.ge [sflag:s30], $0x2800  }
0x31: {  	[sflag:s30] =	ssyncset.done $0x0  }
0x32: {  	[sflag:s30] =	ssyncadd.s32 $0xFFFFD800  }
0x33: {  	[spmem:s18] =	stream.linear.scatter [tilespmem:s29], [sflag:$0x3], $0x2800, $0x38;
	[tilespmem:$0x18980] =	vst v63  }
0x34: {  	_ =	swait.ge [sflag:s30], $0x2800  }
0x35: {  	[sflag:s30] =	ssyncset.done $0x0  }
0x36: {  	[sflag:s30] =	ssyncadd.s32 $0xFFFFD800  }
0x37: {  	[spmem:s19] =	stream.linear.scatter [tilespmem:s29], [sflag:$0x3], $0x2800, $0x38;
	[tilespmem:$0x18980] =	vst v63  }
0x38: {  	_ =	swait.ge [sflag:s30], $0x2800  }
0x39: {  	[sflag:s30] =	ssyncset.done $0x0  }
0x3a: {  	[sflag:s30] =	ssyncadd.s32 $0xFFFFD800  }
0x3b: {  	[spmem:s20] =	stream.linear.scatter [tilespmem:s29], [sflag:$0x3], $0x2800, $0x38;
	[tilespmem:$0x18980] =	vst v63  }
0x3c: {  	_ =	swait.ge [sflag:s30], $0x2800  }
0x3d: {  	[sflag:s30] =	ssyncset.done $0x0  }
0x3e: {  	[sflag:s30] =	ssyncadd.s32 $0xFFFFD800  }
0x3f: {  	[spmem:s21] =	stream.linear.scatter [tilespmem:s29], [sflag:$0x3], $0x2800, $0x38;
	[tilespmem:$0x18980] =	vst v63  }
0x40: {  	_ =	swait.ge [sflag:s30], $0x2800  }
0x41: {  	[sflag:s30] =	ssyncset.done $0x0  }
0x42: {  	[sflag:s30] =	ssyncadd.s32 $0xFFFFD800  }
0x43: {  	[spmem:s22] =	stream.linear.scatter [tilespmem:s29], [sflag:$0x3], $0x2800, $0x38;
	[tilespmem:$0x18980] =	vst v63  }
0x44: {  	_ =	swait.ge [sflag:s30], $0x2800  }
0x45: {  	[sflag:s30] =	ssyncset.done $0x0  }
0x46: {  	[sflag:s30] =	ssyncadd.s32 $0xFFFFD800  }
0x47: {  	[spmem:s23] =	stream.linear.scatter [tilespmem:s29], [sflag:$0x3], $0x2800, $0x38;
	[tilespmem:$0x18980] =	vst v63  }
0x48: {  	_ =	swait.ge [sflag:s30], $0x2800  }
0x49: {  	[sflag:s30] =	ssyncset.done $0x0  }
0x4a: {  	s8 =	simm.s32 @!p0 $0x2900;
	[sflag:s30] =	ssyncadd.s32 $0xFFFFD800  }
0x4b: {  	[spmem:s24] =	stream.linear.scatter @!p0 [tilespmem:s8], [sflag:$0x3], $0x2800, $0x38;
	[tilespmem:$0x18980] =	vst v63  }
0x4c: {  	s8 =	simm.s32 @!p0 $0x3  }
0x4d: {  	_ =	swait.ge @!p0 [sflag:s8], $0x2800  }
0x4e: {  	[sflag:s8] =	ssyncset.done @!p0 $0x0  }
0x4f: {  	[sflag:s8] =	ssyncadd.s32 @!p0 $0xFFFFD800  }
0x50: {  	[bflag:$0x0] =	sbarrier.arrive $0xFFFF  }
0x51: {  	s10 =	rddreg [dreg:$0xd]  }
0x52: {  	[tilespmem:s31], [sflag:$0x3] =	stream.linear.gather [hbm4b:s10+s2], $0x28, $0x38;
	[tilespmem:$0x18980] =	vst v63  }
0x53: {  	_ =	swait.ge [sflag:s30], $0x28  }
0x54: {  	[sflag:s30] =	ssyncset.done $0x0  }
0x55: {  	s12 =	rddreg [dreg:$0xb];
	[sflag:s30] =	ssyncadd.s32 $0xFFFFFFD8  }
0x56: {  	[tilespmem:s2], [sflag:$0x3] =	stream.linear.gather [hbm4b:s12+s2], $0x1400, $0x38;
	[tilespmem:$0x18980] =	vst v63  }
0x57: {  	_ =	swait.ge [sflag:s30], $0x1400  }
0x58: {  	[sflag:s30] =	ssyncset.done $0x0  }
0x59: {  	s14 =	sadd.s32 $0xFFFFFD80, s25;
	[sflag:s30] =	ssyncadd.s32 $0xFFFFEC00  }
0x5a: {  	[tilespmem:s11], [sflag:$0x1] =	stream.linear.gather [hbm4b:s14+s2], $0x1400, $0x38;
	[tilespmem:$0x18980] =	vst v63  }
0x5b: {  	s15 =	sadd.s32 $0x0, s28  }
0x5c: {  	[tilespmem:s0], [sflag:$0x2] =	stream.linear.gather [hbm4b:s15+s2], $0x28, $0x38;
	[tilespmem:$0x18980] =	vst v63  }
0x5d: {  	_ = 	snop  }
0x5e: {  	[spmem:s1] =	stream.indirect.scatter.add.f32 [tilespmem:s2], [sflag:$0x3], $0x80, s31, s3, $0xb8;
	[tilespmem:$0x18980] =	vst v63  }
0x5f: {  	_ =	swait.ge [sflag:s30], $0x1400  }
0x60: {  	[sflag:s30] =	ssyncset.done $0x0  }
0x61: {  	[sflag:s30] =	ssyncadd.s32 $0xFFFFEC00  }
0x62: {  	_ =	swait.ge [sflag:s4], $0x1400  }
0x63: {  	[sflag:s4] =	ssyncset.done $0x0  }
0x64: {  	[sflag:s4] =	ssyncadd.s32 $0xFFFFEC00  }
0x65: {  	_ =	swait.ge [sflag:s5], $0x28  }
0x66: {  	[sflag:s5] =	ssyncset.done $0x0  }
0x67: {  	s26 =	sshrl.u32 s9, $0x3;
	[sflag:s5] =	ssyncadd.s32 $0xFFFFFFD8  }
0x68: {  	[tilespmem:s2], [sflag:$0x1] =	stream.linear.gather [hbm4b:s25+s2], $0x1400, $0x38;
	[tilespmem:$0x18980] =	vst v63  }
0x69: {  	s8 =	sadd.s32 s13, s26  }
0x6a: {  	[tilespmem:s31], [sflag:$0x2] =	stream.linear.gather [hbm4b:s8+s2], $0x28, $0x38;
	[tilespmem:$0x18980] =	vst v63  }
0x6b: {  	_ = 	snop  }
0x6c: {  	[spmem:s1] =	stream.indirect.scatter.add.f32 [tilespmem:s11], [sflag:$0x3], $0x80, s0, s3, $0xb8;
	[tilespmem:$0x18980] =	vst v63  }
0x6d: {  	_ =	swait.ge [sflag:s30], $0x1400  }
0x6e: {  	[sflag:s30] =	ssyncset.done $0x0  }
0x6f: {  	[sflag:s30] =	ssyncadd.s32 $0xFFFFEC00  }
0x70: {  	_ =	swait.ge [sflag:s4], $0x1400  }
0x71: {  	[sflag:s4] =	ssyncset.done $0x0  }
0x72: {  	[sflag:s4] =	ssyncadd.s32 $0xFFFFEC00  }
0x73: {  	s26 =	smov.u32 s9;
	s10 =	simm.s32 $0xA;
	_ =	swait.ge [sflag:s5], $0x28  }
0x74: {  	s12 =	simm.s32 $0x14;
	s8 =	sadd.s32 $0x500, s25;
	[sflag:s5] =	ssyncset.done $0x0  }
.LBB2_2:
0x75: {  	s14 =	sadd.s32 $0xFFFFFD80, s8  }
0x76: {  	[sflag:s5] =	ssyncadd.s32 $0xFFFFFFD8;
	s26 =	sadd.s32 $0x50, s26;
	s15 =	smov.u32 s12  }
0x77: {  	[tilespmem:s11], [sflag:$0x1] =	stream.linear.gather [hbm4b:s14+s2], $0x1400, $0x38;
	[tilespmem:$0x18980] =	vst v63  }
0x78: {  	p1 =	sne.s32 s12, $0x262;
	s12 =	sadd.s32 $0xA, s12;
	s10 =	sadd.s32 s10, s28  }
0x79: {  	[tilespmem:s0], [sflag:$0x2] =	stream.linear.gather [hbm4b:s10+s2], $0x28, $0x38;
	[tilespmem:$0x18980] =	vst v63  }
0x7a: {  	s10 =	smov.u32 s15  }
0x7b: {  	[spmem:s1] =	stream.indirect.scatter.add.f32 [tilespmem:s2], [sflag:$0x3], $0x80, s31, s3, $0xb8;
	[tilespmem:$0x18980] =	vst v63  }
0x7c: {  	_ =	swait.ge [sflag:s30], $0x1400  }
0x7d: {  	[sflag:s30] =	ssyncset.done $0x0  }
0x7e: {  	[sflag:s30] =	ssyncadd.s32 $0xFFFFEC00  }
0x7f: {  	_ =	swait.ge [sflag:s4], $0x1400  }
0x80: {  	[sflag:s4] =	ssyncset.done $0x0  }
0x81: {  	[sflag:s4] =	ssyncadd.s32 $0xFFFFEC00  }
0x82: {  	_ =	swait.ge [sflag:s5], $0x28  }
0x83: {  	[sflag:s5] =	ssyncset.done $0x0  }
0x84: {  	s14 =	sshrl.u32 s26, $0x3;
	[sflag:s5] =	ssyncadd.s32 $0xFFFFFFD8  }
0x85: {  	[tilespmem:s2], [sflag:$0x1] =	stream.linear.gather [hbm4b:s8+s2], $0x1400, $0x38;
	[tilespmem:$0x18980] =	vst v63  }
0x86: {  	s14 =	sadd.s32 s13, s14  }
0x87: {  	[tilespmem:s31], [sflag:$0x2] =	stream.linear.gather [hbm4b:s14+s2], $0x28, $0x38;
	[tilespmem:$0x18980] =	vst v63  }
0x88: {  	_ = 	snop  }
0x89: {  	[spmem:s1] =	stream.indirect.scatter.add.f32 [tilespmem:s11], [sflag:$0x3], $0x80, s0, s3, $0xb8;
	[tilespmem:$0x18980] =	vst v63  }
0x8a: {  	_ =	swait.ge [sflag:s30], $0x1400  }
0x8b: {  	[sflag:s30] =	ssyncset.done $0x0  }
0x8c: {  	[sflag:s30] =	ssyncadd.s32 $0xFFFFEC00  }
.Ltmp0:
0x8d: {  	_ =	swait.ge [sflag:s4], $0x1400;
	(pc) =	sbr.rel @p1 .LBB2_2-.Ltmp0, $4  }
0x8e: {  	[sflag:s4] =	ssyncset.done $0x0  }
0x8f: {  	[sflag:s4] =	ssyncadd.s32 $0xFFFFEC00  }
0x90: {  	_ =	swait.ge [sflag:s5], $0x28  }
0x91: {  	s8 =	sadd.s32 $0x500, s8;
	[sflag:s5] =	ssyncset.done $0x0  }
0x92: {  	s12 =	sadd.s32 $0xFFFFFD80, s8;
	[sflag:s5] =	ssyncadd.s32 $0xFFFFFFD8  }
0x93: {  	[tilespmem:s11], [sflag:$0x1] =	stream.linear.gather [hbm4b:s12+s2], $0x1400, $0x38;
	[tilespmem:$0x18980] =	vst v63  }
0x94: {  	s10 =	sadd.s32 s10, s28  }
0x95: {  	[tilespmem:s0], [sflag:$0x2] =	stream.linear.gather [hbm4b:s10+s2], $0x28, $0x38;
	[tilespmem:$0x18980] =	vst v63  }
0x96: {  	_ = 	snop  }
0x97: {  	[spmem:s1] =	stream.indirect.scatter.add.f32 [tilespmem:s2], [sflag:$0x3], $0x80, s31, s3, $0xb8;
	[tilespmem:$0x18980] =	vst v63  }
0x98: {  	_ =	swait.ge [sflag:s30], $0x1400  }
0x99: {  	[sflag:s30] =	ssyncset.done $0x0  }
0x9a: {  	[sflag:s30] =	ssyncadd.s32 $0xFFFFEC00  }
0x9b: {  	_ =	swait.ge [sflag:s4], $0x1400  }
0x9c: {  	[sflag:s4] =	ssyncset.done $0x0  }
0x9d: {  	[sflag:s4] =	ssyncadd.s32 $0xFFFFEC00  }
0x9e: {  	_ =	swait.ge [sflag:s5], $0x28  }
0x9f: {  	s12 =	sadd.s32 $0x50, s26;
	[sflag:s5] =	ssyncset.done $0x0  }
0xa0: {  	s10 =	sshrl.u32 s12, $0x3;
	[sflag:s5] =	ssyncadd.s32 $0xFFFFFFD8  }
0xa1: {  	[tilespmem:s2], [sflag:$0x1] =	stream.linear.gather [hbm4b:s8+s2], $0x1400, $0x38;
	[tilespmem:$0x18980] =	vst v63  }
0xa2: {  	s14 =	sadd.s32 s13, s10  }
0xa3: {  	[tilespmem:s31], [sflag:$0x2] =	stream.linear.gather [hbm4b:s14+s2], $0x28, $0x38;
	[tilespmem:$0x18980] =	vst v63  }
0xa4: {  	_ = 	snop  }
0xa5: {  	[spmem:s1] =	stream.indirect.scatter.add.f32 [tilespmem:s11], [sflag:$0x3], $0x80, s0, s3, $0xb8;
	[tilespmem:$0x18980] =	vst v63  }
0xa6: {  	_ =	swait.ge [sflag:s30], $0x1400  }
0xa7: {  	[sflag:s30] =	ssyncset.done $0x0  }
0xa8: {  	[sflag:s30] =	ssyncadd.s32 $0xFFFFEC00  }
0xa9: {  	_ =	swait.ge [sflag:s4], $0x1400  }
0xaa: {  	[sflag:s4] =	ssyncset.done $0x0  }
0xab: {  	[sflag:s4] =	ssyncadd.s32 $0xFFFFEC00  }
0xac: {  	_ =	swait.ge [sflag:s5], $0x28  }
0xad: {  	[sflag:s5] =	ssyncset.done $0x0  }
0xae: {  	[sflag:s5] =	ssyncadd.s32 $0xFFFFFFD8  }
0xaf: {  	[spmem:s1] =	stream.indirect.scatter.add.f32 [tilespmem:s2], [sflag:$0x3], $0x80, s31, s3, $0xb8;
	[tilespmem:$0x18980] =	vst v63  }
0xb0: {  	_ =	swait.ge [sflag:s30], $0x1400  }
0xb1: {  	[sflag:s30] =	ssyncset.done $0x0  }
0xb2: {  	[sflag:s30] =	ssyncadd.s32 $0xFFFFEC00  }
0xb3: {  	[bflag:$0x0] =	sbarrier.arrive $0xFFFF  }
0xb4: {  	[tilespmem:s29], [sflag:$0x4] =	stream.linear.gather [spmem:s17], $0x2800, $0x38;
	[tilespmem:$0x18980] =	vst v63  }
0xb5: {  	_ =	swait.ge [sflag:s6], $0x2800  }
0xb6: {  	[sflag:s6] =	ssyncset.done $0x0  }
0xb7: {  	s15 =	rddreg [dreg:$0x3];
	[sflag:s6] =	ssyncadd.s32 $0xFFFFD800  }
0xb8: {  	[hbm4b:s15+s2] =	stream.linear.scatter [tilespmem:s29], [sflag:$0x3], $0x2800, $0x38;
	[tilespmem:$0x18980] =	vst v63  }
0xb9: {  	_ =	swait.ge [sflag:s30], $0x2800  }
0xba: {  	[sflag:s30] =	ssyncset.done $0x0  }
0xbb: {  	[sflag:s30] =	ssyncadd.s32 $0xFFFFD800  }
0xbc: {  	[tilespmem:s29], [sflag:$0x4] =	stream.linear.gather [spmem:s18], $0x2800, $0x38;
	[tilespmem:$0x18980] =	vst v63  }
0xbd: {  	_ =	swait.ge [sflag:s6], $0x2800  }
0xbe: {  	[sflag:s6] =	ssyncset.done $0x0  }
0xbf: {  	s26 =	rddreg [dreg:$0x4];
	[sflag:s6] =	ssyncadd.s32 $0xFFFFD800  }
0xc0: {  	[hbm4b:s26+s2] =	stream.linear.scatter [tilespmem:s29], [sflag:$0x3], $0x2800, $0x38;
	[tilespmem:$0x18980] =	vst v63  }
0xc1: {  	_ =	swait.ge [sflag:s30], $0x2800  }
0xc2: {  	[sflag:s30] =	ssyncset.done $0x0  }
0xc3: {  	[sflag:s30] =	ssyncadd.s32 $0xFFFFD800  }
0xc4: {  	[tilespmem:s29], [sflag:$0x4] =	stream.linear.gather [spmem:s19], $0x2800, $0x38;
	[tilespmem:$0x18980] =	vst v63  }
0xc5: {  	_ =	swait.ge [sflag:s6], $0x2800  }
0xc6: {  	[sflag:s6] =	ssyncset.done $0x0  }
0xc7: {  	s10 =	rddreg [dreg:$0x5];
	[sflag:s6] =	ssyncadd.s32 $0xFFFFD800  }
0xc8: {  	[hbm4b:s10+s2] =	stream.linear.scatter [tilespmem:s29], [sflag:$0x3], $0x2800, $0x38;
	[tilespmem:$0x18980] =	vst v63  }
0xc9: {  	_ =	swait.ge [sflag:s30], $0x2800  }
0xca: {  	[sflag:s30] =	ssyncset.done $0x0  }
0xcb: {  	[sflag:s30] =	ssyncadd.s32 $0xFFFFD800  }
0xcc: {  	[tilespmem:s29], [sflag:$0x4] =	stream.linear.gather [spmem:s20], $0x2800, $0x38;
	[tilespmem:$0x18980] =	vst v63  }
0xcd: {  	_ =	swait.ge [sflag:s6], $0x2800  }
0xce: {  	[sflag:s6] =	ssyncset.done $0x0  }
0xcf: {  	s12 =	rddreg [dreg:$0x6];
	[sflag:s6] =	ssyncadd.s32 $0xFFFFD800  }
0xd0: {  	[hbm4b:s12+s2] =	stream.linear.scatter [tilespmem:s29], [sflag:$0x3], $0x2800, $0x38;
	[tilespmem:$0x18980] =	vst v63  }
0xd1: {  	_ =	swait.ge [sflag:s30], $0x2800  }
0xd2: {  	[sflag:s30] =	ssyncset.done $0x0  }
0xd3: {  	[sflag:s30] =	ssyncadd.s32 $0xFFFFD800  }
0xd4: {  	[tilespmem:s29], [sflag:$0x4] =	stream.linear.gather [spmem:s21], $0x2800, $0x38;
	[tilespmem:$0x18980] =	vst v63  }
0xd5: {  	_ =	swait.ge [sflag:s6], $0x2800  }
0xd6: {  	[sflag:s6] =	ssyncset.done $0x0  }
0xd7: {  	s14 =	rddreg [dreg:$0x7];
	[sflag:s6] =	ssyncadd.s32 $0xFFFFD800  }
0xd8: {  	[hbm4b:s14+s2] =	stream.linear.scatter [tilespmem:s29], [sflag:$0x3], $0x2800, $0x38;
	[tilespmem:$0x18980] =	vst v63  }
0xd9: {  	_ =	swait.ge [sflag:s30], $0x2800  }
0xda: {  	[sflag:s30] =	ssyncset.done $0x0  }
0xdb: {  	[sflag:s30] =	ssyncadd.s32 $0xFFFFD800  }
0xdc: {  	[tilespmem:s29], [sflag:$0x4] =	stream.linear.gather [spmem:s22], $0x2800, $0x38;
	[tilespmem:$0x18980] =	vst v63  }
0xdd: {  	_ =	swait.ge [sflag:s6], $0x2800  }
0xde: {  	[sflag:s6] =	ssyncset.done $0x0  }
0xdf: {  	s15 =	rddreg [dreg:$0x8];
	[sflag:s6] =	ssyncadd.s32 $0xFFFFD800  }
0xe0: {  	[hbm4b:s15+s2] =	stream.linear.scatter [tilespmem:s29], [sflag:$0x3], $0x2800, $0x38;
	[tilespmem:$0x18980] =	vst v63  }
0xe1: {  	_ =	swait.ge [sflag:s30], $0x2800  }
0xe2: {  	[sflag:s30] =	ssyncset.done $0x0  }
0xe3: {  	[sflag:s30] =	ssyncadd.s32 $0xFFFFD800  }
0xe4: {  	[tilespmem:s29], [sflag:$0x4] =	stream.linear.gather [spmem:s23], $0x2800, $0x38;
	[tilespmem:$0x18980] =	vst v63  }
0xe5: {  	_ =	swait.ge [sflag:s6], $0x2800  }
0xe6: {  	[sflag:s6] =	ssyncset.done $0x0  }
0xe7: {  	s26 =	rddreg [dreg:$0x9];
	[sflag:s6] =	ssyncadd.s32 $0xFFFFD800  }
0xe8: {  	[hbm4b:s26+s2] =	stream.linear.scatter [tilespmem:s29], [sflag:$0x3], $0x2800, $0x38;
	[tilespmem:$0x18980] =	vst v63  }
0xe9: {  	_ =	swait.ge [sflag:s30], $0x2800  }
0xea: {  	[sflag:s30] =	ssyncset.done $0x0  }
0xeb: {  	s8 =	simm.s32 @!p0 $0x2900;
	s10 =	simm.s32 @!p0 $0x4;
	[sflag:s30] =	ssyncadd.s32 $0xFFFFD800  }
0xec: {  	[tilespmem:s8], [sflag:$0x4] =	stream.linear.gather @!p0 [spmem:s24], $0x2800, $0x38;
	[tilespmem:$0x18980] =	vst v63  }
0xed: {  	s7 =	sadd.s32 $0x1, s7;
	_ =	swait.ge @!p0 [sflag:s10], $0x2800  }
0xee: {  	p1 =	sne.s32 s7, s16;
	[sflag:s10] =	ssyncset.done @!p0 $0x0  }
0xef: {  	s12 =	rddreg [dreg:$0xa];
	[sflag:s10] =	ssyncadd.s32 @!p0 $0xFFFFD800;
	s10 =	simm.s32 @!p0 $0x0  }
0xf0: {  	[hbm4b:s12+s10] =	stream.linear.scatter @!p0 [tilespmem:s8], [sflag:$0x3], $0x2800, $0x38;
	[tilespmem:$0x18980] =	vst v63  }
.Ltmp1:
0xf1: {  	_ = 	snop;
	(pc) =	sbr.rel @p1 .LBB2_1-.Ltmp1, $4  }
0xf2: {  	s8 =	simm.s32 @!p0 $0x3  }
0xf3: {  	_ =	swait.ge @!p0 [sflag:s8], $0x2800  }
0xf4: {  	[sflag:s8] =	ssyncset.done @!p0 $0x0  }
0xf5: {  	[sflag:s8] =	ssyncadd.s32 @!p0 $0xFFFFD800  }
0xf6: {  	_ =	sfence.sel $0x180000  }
0xf7: {  	[bflag:$0x0] =	sbarrier.arrive $0xFFFF  }
0xf8: {  	_ =	strace $0x9000004A  }
0xf9: {  	s0 =	stileid.u32;
	[bflag:$0x2] =	sbarrier.arrive $0xFFFF  }
0xfa: {  	p0 =	sne.s32 s0, $0x0;
	s0 =	rddreg [dreg:$0x2]  }
0xfb: {  	s0 =	sadd.s32 @!p0 $0x100000, s0  }
0xfc: {  	[sflag:s0] =	ssyncadd.tile.s32 @!p0 $0x1;
	_ =	shalt  }
.Lfunc_end2:
_tile_overlayer_lowered:
.L_overlay_start_2:
0xfd: {  	(tag) =	ssettag $0x2  }
0xfe: {  	s0 =	rddreg [dreg:$0x0];
	s2 =	stileid.u32  }
0xff: {  	s1 =	rddreg [dreg:$0x1];
	p0 =	sne.s32 s2, $0x0  }
0x100: {  	s3 =	rddreg [dreg:$0x2];
	[bflag:$0x3] =	sbarrier.arrive $0xFFFF;
	s2 =	simm.s32 @!p0 $0x1C03  }
0x101: {  	[timem:s3], [sflag:s2] =	dma.local @!p0 [hbm:s0], s1  }
0x102: {  	s0 =	simm.s32 @!p0 $0x3  }
0x103: {  	_ =	swait.ge @!p0 [sflag:s0], s1  }
0x104: {  	s1 =	ssub.s32 @!p0 $0x0, s1;
	[sflag:s0] =	ssyncset.done @!p0 $0x0  }
0x105: {  	[sflag:s0] =	ssyncadd.s32 @!p0 s1  }
0x106: {  	[bflag:$0x3] =	sbarrier.arrive $0xFFFF  }
0x107: {  	_ =	shalt  }

// kernel: closed_call.38.cloned.1.call-start
scs
__scs_entry_jumppad:
0x0: {  	(pc) =	sbr.rel $0x88, $3  }
0x1: {  	(tag) =	ssettag $0x0;
	lr =	simm.s32 $0x1  }
0x2: {  	[smem:$0x3E98] =	sst lr;
	_ =	strace $0xD0000000  }
0x3: {  	_ = 	snop  }
0x4: {  	_ = 	snop  }
0x5: {  	_ = 	snop  }
0x6: {  	_ = 	snop  }
0x7: {  	_ = 	snop  }
__scs_overlays_trampoline_lowered:
0x8: {  	[smem:$0x3EA7] =	sst s0  }
0x9: {  	[smem:$0x3EA8] =	sst s1  }
0xa: {  	[smem:$0x3EA9] =	sst s2  }
0xb: {  	[smem:$0x3EAA] =	sst s3  }
0xc: {  	[smem:$0x3EAB] =	sst s4  }
0xd: {  	[smem:$0x3EAC] =	sst s5  }
0xe: {  	[smem:$0x3EAD] =	sst s6  }
0xf: {  	[smem:$0x3EAE] =	sst s7  }
0x10: {  	[smem:$0x3EAF] =	sst s8  }
0x11: {  	[smem:$0x3EB0] =	sst s9;
	s0 =	simm.s32 @!p0 $0x0  }
0x12: {  	s1 =	sld [smem:$0x3E96];
	s0 =	simm.s32 @p0 $0x1  }
0x13: {  	[smem:$0x3EB1] =	sst s0;
	s0 =	simm.s32 @!p1 $0x0  }
0x14: {  	s2 =	sld [smem:$0x3E95];
	s0 =	simm.s32 @p1 $0x1  }
0x15: {  	[smem:$0x3EB2] =	sst s0;
	s0 =	simm.s32 @!p2 $0x0  }
0x16: {  	s3 =	sld [smem:$0x3FDB];
	s0 =	simm.s32 @p2 $0x1  }
0x17: {  	s4 =	simm.s32 $0x1BF5;
	[smem:$0x3EB4] =	sst s0  }
0x18: {  	s0 =	sld [smem:$0x3E97];
	_ =	swait.ge [sflag:s4], $0x0  }
0x19: {  	s7 =	sld [smem:$0x3E98]  }
0x1a: {  	s8 =	sadd.s32 $0xFFFFE003, lr  }
0x1b: {  	s9 =	sadd.s32 $0xFFFFFEF7, lr;
	s5 =	simm.s32 $0xFFFFFFFF;
	p2 =	slt.u32 s8, $0xFFFFF086  }
0x1c: {  	p1 =	slt.u32 s9, $0xF7A;
	s5 =	simm.s32 @!p2 $0x0  }
0x1d: {  	s5 =	simm.s32 @p1 $0x1;
	p0 =	seq.s32 s7, s2  }
0x1e: {  	s7 =	smul.u32 @!p0 $0xF7A, s2;
	p2 =	seq.s32 @!p0 s5, $0x0  }
0x1f: {  	s9 =	smul.u32 $0xF7A, s1;
	s8 =	simm.s32 @!p0 $0x1BF5;
	p2 =	por !p2, p0  }
0x20: {  	[sflag:s8] =	ssyncset.s32 @!p0 $0xFFFFF086;
	s6 =	sadd.s32 @!p0 s3, s7;
	s7 =	simm.s32 @!p0 $0x108  }
0x21: {  	s3 =	sadd.s32 s3, s9;
	s6 =	sadd.s32 @!p0 $0x88, s6;
	s7 =	simm.s32 @p2 $0x1082  }
0x22: {  	[simem:s7], [sflag:s8] =	dma.local @!p0 [hbm:s6], $0xF7A  }
0x23: {  	s9 =	sor.u32 $0xD0000000, s2;
	s6 =	simm.s32 $0x108;
	_ =	swait.ge @!p0 [sflag:s8], $0x0  }
0x24: {  	s3 =	sadd.s32 $0x88, s3;
	s6 =	simm.s32 @!p1 $0x1082;
	[sflag:s4] =	ssyncset.s32 $0xFFFFF086  }
0x25: {  	[simem:s6], [sflag:s4] =	dma.local [hbm:s3], $0xF7A  }
0x26: {  	[smem:$0x3E98] =	sst s1;
	(tag) =	ssettag s2;
	_ =	strace s9  }
0x27: {  	s1 =	sld [smem:$0x3EA8]  }
0x28: {  	s2 =	sld [smem:$0x3EA9]  }
0x29: {  	s4 =	sld [smem:$0x3EAB]  }
0x2a: {  	p0 =	seq.s32 s5, $0x0;
	s5 =	sld [smem:$0x3EAC]  }
0x2b: {  	s6 =	sld [smem:$0x3EAD]  }
0x2c: {  	s7 =	sld [smem:$0x3EAE]  }
0x2d: {  	s3 =	simm.s32 $0x108;
	s8 =	sld [smem:$0x3EAF]  }
0x2e: {  	s3 =	simm.s32 @!p0 $0x1082;
	s9 =	sld [smem:$0x3EB0]  }
0x2f: {  	lr =	sadd.s32 s0, s3;
	s0 =	sld [smem:$0x3EA7]  }
0x30: {  	s3 =	sld [smem:$0x3EAA]  }
0x31: {  	[smem:$0x3EB3] =	sst s10  }
0x32: {  	s10 =	sld [smem:$0x3EB1];
	_ =	sdelay $0x3  }
0x33: {  	p0 =	seq.s32 s10, $0x1;
	s10 =	sld [smem:$0x3EB3];
	_ =	sdelay $0x3  }
0x34: {  	[smem:$0x3EB3] =	sst s10  }
0x35: {  	s10 =	sld [smem:$0x3EB2];
	_ =	sdelay $0x3  }
0x36: {  	p1 =	seq.s32 s10, $0x1;
	s10 =	sld [smem:$0x3EB3];
	_ =	sdelay $0x3  }
0x37: {  	[smem:$0x3EB3] =	sst s10  }
0x38: {  	s10 =	sld [smem:$0x3EB4]  }
0x39: {  	_ = 	snop;
	(pc) =	sbr.ind lr, $3  }
0x3a: {  	_ = 	snop  }
0x3b: {  	_ = 	snop  }
0x3c: {  	p2 =	seq.s32 s10, $0x1;
	s10 =	sld [smem:$0x3EB3]  }
0x3d: {  	_ =	shalt  }
0x3e: {  	_ =	shalt  }
0x3f: {  	_ =	shalt  }
0x40: {  	_ =	shalt  }
0x41: {  	_ =	shalt  }
0x42: {  	_ =	shalt  }
0x43: {  	_ =	shalt  }
0x44: {  	_ =	shalt  }
0x45: {  	_ =	shalt  }
0x46: {  	_ =	shalt  }
0x47: {  	_ =	shalt  }
0x48: {  	_ =	shalt  }
0x49: {  	_ =	shalt  }
0x4a: {  	_ =	shalt  }
0x4b: {  	_ =	shalt  }
0x4c: {  	_ =	shalt  }
0x4d: {  	_ =	shalt  }
0x4e: {  	_ =	shalt  }
0x4f: {  	_ =	shalt  }
0x50: {  	_ =	shalt  }
0x51: {  	_ =	shalt  }
0x52: {  	_ =	shalt  }
0x53: {  	_ =	shalt  }
0x54: {  	_ =	shalt  }
0x55: {  	_ =	shalt  }
0x56: {  	_ =	shalt  }
0x57: {  	_ =	shalt  }
0x58: {  	_ =	shalt  }
0x59: {  	_ =	shalt  }
0x5a: {  	_ =	shalt  }
0x5b: {  	_ =	shalt  }
0x5c: {  	_ =	shalt  }
0x5d: {  	_ =	shalt  }
0x5e: {  	_ =	shalt  }
0x5f: {  	_ =	shalt  }
0x60: {  	_ =	shalt  }
0x61: {  	_ =	shalt  }
0x62: {  	_ =	shalt  }
0x63: {  	_ =	shalt  }
0x64: {  	_ =	shalt  }
0x65: {  	_ =	shalt  }
0x66: {  	_ =	shalt  }
0x67: {  	_ =	shalt  }
0x68: {  	_ =	shalt  }
0x69: {  	_ =	shalt  }
0x6a: {  	_ =	shalt  }
0x6b: {  	_ =	shalt  }
0x6c: {  	_ =	shalt  }
0x6d: {  	_ =	shalt  }
0x6e: {  	_ =	shalt  }
0x6f: {  	_ =	shalt  }
0x70: {  	_ =	shalt  }
0x71: {  	_ =	shalt  }
0x72: {  	_ =	shalt  }
0x73: {  	_ =	shalt  }
0x74: {  	_ =	shalt  }
0x75: {  	_ =	shalt  }
0x76: {  	_ =	shalt  }
0x77: {  	_ =	shalt  }
0x78: {  	_ =	shalt  }
0x79: {  	_ =	shalt  }
0x7a: {  	_ =	shalt  }
0x7b: {  	_ =	shalt  }
0x7c: {  	_ =	shalt  }
0x7d: {  	_ =	shalt  }
0x7e: {  	_ =	shalt  }
0x7f: {  	_ =	shalt  }
0x80: {  	_ =	shalt  }
0x81: {  	_ =	shalt  }
0x82: {  	_ =	shalt  }
0x83: {  	_ =	shalt  }
0x84: {  	_ =	shalt  }
0x85: {  	_ =	shalt  }
0x86: {  	_ =	shalt  }
0x87: {  	_ =	shalt  }
.Lfunc_end0:
.L_simem_size_0:
called_computation.2_lowered:
.L_overlay_start_0:
0x88: {  	s2 =	sld [smem:$0x3FD9]  }
0x89: {  	s3 =	sld [smem:$0x3FFE];
	_ =	sdelay $0x1  }
0x8a: {  	s1 =	srdreg.scid  }
0x8b: {  	s0 =	sand.u32 $0x1, s1  }
0x8c: {  	s16 =	sshll.u32 s0, $0xA;
	s2 =	sadd.s32 s3, s2  }
0x8d: {  	s2 =	sadd.s32 s2, s16  }
0x8e: {  	[smem:$0x3EBF] =	sst s2  }
0x8f: {  	_ = 	snop  }
0x90: {  	(tm) =	ssettm $0x1  }
0x91: {  	s17 =	sld [smem:$0x3FFB];
	_ =	sdelay $0x3  }
0x92: {  	_ =	strace s17  }
0x93: {  	s2 =	sld [smem:$0x3FFC];
	_ =	sdelay $0x3  }
0x94: {  	_ =	strace s2  }
0x95: {  	s2 =	sld [smem:$0x3FFD];
	_ =	sdelay $0x3  }
0x96: {  	_ =	strace s2  }
0x97: {  	_ =	strace $0x8FFFFFFF  }
0x98: {  	s18 =	sld [smem:$0x3FDB];
	_ =	sdelay $0x1  }
0x99: {  	s19 =	simm.s32 $_scs_section_size  }
0x9a: {  	s4 =	simm.s32 $_size__tile_overlayer_lowered;
	s5 =	simm.s32 $_tile_overlayer_lowered  }
0x9b: {  	s22 =	simm.s32 $0x1BFF;
	s21 =	sshll.u32 s5, $0x1;
	s2 =	sadd.s32 s19, s18  }
0x9c: {  	s6 =	simm.s32 $0x0;
	s20 =	sshll.u32 s4, $0x1;
	s4 =	sadd.s32 s21, s2  }
0x9d: {  	[timem:s6], [sflag:s22] =	dma.local [hbm:s4], s20  }
0x9e: {  	_ =	swait.ge [sflag:s22], s20  }
0x9f: {  	s3 =	ssub.s32 $0x0, s20;
	[sflag:s22] =	ssyncset.done $0x0  }
0xa0: {  	[sflag:s22] =	ssyncadd.s32 s3;
	_ =	sdelay $0x1  }
0xa1: {  	s23 =	simm.s32 $0x1B8B  }
0xa2: {  	_ =	swait.ge [sflag:s23], $0x1  }
0xa3: {  	[sflag:s23] =	ssyncset.done $0x0  }
0xa4: {  	s25 =	simm.s32 $0x1B8E;
	s24 =	sld [smem:$0x3FFE];
	[sflag:s23] =	ssyncadd.s32 $0xFFFFFFFF  }
0xa5: {  	s26 =	simm.s32 $execute0_lowered;
	[smem:$0x3FD2] =	sst s25  }
0xa6: {  	s4 =	sshll.u32 s26, $0x1;
	_ =	strace $0x8000004C;
	[dreg:$0x1] =	wrdreg $0xFFFFFFFF  }
0xa7: {  	s28 =	simm.s32 $_size_execute0_lowered;
	s2 =	sadd.s32 s2, s4;
	[dreg:$0x0] =	wrdreg $0x0  }
0xa8: {  	s4 =	sshll.u32 s28, $0x1;
	[dreg:$0x2] =	wrdreg s2  }
0xa9: {  	[dreg:$0x3] =	wrdreg s4  }
0xaa: {  	[dreg:$0x4] =	wrdreg $0xC0  }
0xab: {  	_ =	task [dreg:s6], $0x5FFFF  }
0xac: {  	[dreg:$0x1] =	wrdreg $0xFFFFFFFF  }
0xad: {  	[dreg:$0x0] =	wrdreg $0x60  }
0xae: {  	[dreg:$0x2] =	wrdreg s24  }
0xaf: {  	[dreg:$0x3] =	wrdreg $0x79000  }
0xb0: {  	[dreg:$0x4] =	wrdreg $0xA  }
0xb1: {  	_ =	task.clear_ibuf [dreg:s6], $0x5FFFF;
	_ =	strace $0x9000004C  }
0xb2: {  	s29 =	simm.s32 $0xA;
	_ =	strace $0x8000004E  }
0xb3: {  	_ =	swait.ge [sflag:s29], $0x1  }
0xb4: {  	[sflag:s29] =	ssyncadd.s32 $0xFFFFFFFF  }
0xb5: {  	_ =	strace $0x9000004E  }
0xb6: {  	_ =	sfence  }
0xb7: {  	s30 =	sld [smem:$0x0];
	_ =	sdelay $0x2  }
0xb8: {  	s31 =	sshll.u32 s1, $0xD;
	s1 =	sshrl.u32 s1, $0x2  }
0xb9: {  	s3 =	sand.u32 $0x4000, s31;
	s1 =	sadd.s32 s1, s30  }
0xba: {  	s0 =	sor.u32 s3, s0;
	s1 =	sshll.u32 s1, $0x11  }
0xbb: {  	s0 =	sor.u32 s1, s0  }
0xbc: {  	s0 =	sadd.s32 $0x8F2B, s0  }
0xbd: {  	[sflag:s0] =	ssyncadd.remote.s32 $0x1  }
0xbe: {  	_ =	sfence.sel $0xFFFF  }
0xbf: {  	[dreg:$0x0] =	wrdreg $0xFFFFFFFF;
	(pc) =	sbr.abs _section_cstart, $3  }
0xc0: {  	[dreg:$0x1] =	wrdreg $0xFFFFFFFF  }
0xc1: {  	_ =	task.clear_ibuf [dreg:s6], $0x2FFFF;
	_ =	strace $0x9FFFFFFF  }
0xc2: {  	(tm) =	ssettm $0x7FFFFFFF  }
0xc3: {  	_ =	shalt  }
tec
execute0_lowered:
.L_overlay_start_1:
0x0: {  	(tag) =	ssettag $0x1  }
0x1: {  	s2 =	rddreg [dreg:$0x0]  }
0x2: {  	s1 =	srdreg.scid;
	s26 =	stileid.u32  }
0x3: {  	s0 =	simm.s32 $0x0;
	s4 =	sand.u32 $0x1, s1;
	s1 =	smul.u32 $0x2710, s26  }
0x4: {  	s29 =	simm.s32 $0x5;
	s31 =	simm.s32 $0x4;
	s10 =	smul.u32 $0x2800, s26  }
0x5: {  	s30 =	simm.s32 $0x80;
	s11 =	sor.u32 $0x10, s26;
	s6 =	smul.u32 $0x138800, s4  }
0x6: {  	[smem:$0x7FF] =	sst s0;
	s12 =	sor.u32 $0x20, s26;
	s21 =	smul.u32 $0x2800, s11  }
0x7: {  	s3 =	sadd.s32 $0x582C00, s2;
	s16 =	sor.u32 $0x30, s26;
	s22 =	smul.u32 $0x2800, s12  }
0x8: {  	s5 =	sadd.s32 $0x5D0E00, s2;
	s17 =	sor.u32 $0x40, s26;
	s13 =	smul.u32 $0x2800, s16  }
0x9: {  	s7 =	sadd.s32 $0x841E00, s2;
	s23 =	sor.u32 $0x50, s26;
	s15 =	smul.u32 $0x2800, s17  }
0xa: {  	s24 =	sor.u32 $0x60, s26;
	s25 =	sor.u32 $0x70, s26;
	s18 =	smul.u32 $0x2800, s23  }
0xb: {  	s8 =	ssub.s32 $0x2, s4;
	p0 =	seq.s32 s4, $0x1;
	s19 =	smul.u32 $0x2800, s24  }
0xc: {  	s20 =	smul.u32 $0x2800, s25;
	s9 =	sshrl.u32 s8, $0x1;
	s14 =	sadd.s32 $0x26C0, s1  }
0xd: {  	p1 =	sgt.u32 s25, $0x7C;
	s8 =	ssub.s32 s8, s9;
	[dreg:$0x3] =	wrdreg s14  }
0xe: {  	s14 =	sshll.u32 s14, $0x4;
	s10 =	sadd.s32 s6, s10;
	s9 =	sadd.s32 s6, s21  }
0xf: {  	s4 =	sadd.s32 s6, s22;
	s13 =	sadd.s32 s6, s13;
	s15 =	sadd.s32 s6, s15  }
0x10: {  	s18 =	sadd.s32 s6, s18;
	s19 =	sadd.s32 s6, s19;
	s6 =	sadd.s32 s6, s20  }
0x11: {  	s20 =	smul.u32 $0x27100, s26;
	s10 =	sshrl.u32 s10, $0x3;
	s9 =	sshrl.u32 s9, $0x3  }
0x12: {  	s22 =	sshrl.u32 s15, $0x3;
	s15 =	sshrl.u32 s19, $0x3;
	s19 =	sadd.s32 s5, s14  }
0x13: {  	s21 =	sshrl.u32 s13, $0x3;
	s13 =	sshrl.u32 s18, $0x3;
	[dreg:$0xc] =	wrdreg s19  }
0x14: {  	s10 =	sadd.s32 s3, s10;
	s18 =	sadd.s32 s3, s15;
	s15 =	rddreg [dreg:$0x1]  }
0x15: {  	s4 =	sshrl.u32 s4, $0x3;
	s9 =	sadd.s32 s3, s9;
	[dreg:$0x4] =	wrdreg s10  }
0x16: {  	s6 =	sshrl.u32 s6, $0x3;
	s4 =	sadd.s32 s3, s4;
	[dreg:$0x5] =	wrdreg s9  }
0x17: {  	s14 =	sadd.s32 s5, s20;
	s19 =	smax.u32 s8, $0x1;
	[dreg:$0x6] =	wrdreg s4  }
0x18: {  	s9 =	sadd.s32 s3, s21;
	s10 =	sadd.s32 s3, s22;
	s21 =	smul.u32 $0xA000, s26  }
0x19: {  	s4 =	sadd.s32 s3, s13;
	[dreg:$0xa] =	wrdreg s18;
	s22 =	smul.u32 $0xA000, s11  }
0x1a: {  	s3 =	sadd.s32 s3, s6;
	s11 =	smul.u32 $0xA000, s23;
	[dreg:$0x7] =	wrdreg s9  }
0x1b: {  	s13 =	sadd.s32 s7, s20;
	[dreg:$0x8] =	wrdreg s10;
	s9 =	smul.u32 $0xA000, s16  }
0x1c: {  	s18 =	sadd.s32 $0x2AE00, s2;
	[dreg:$0x9] =	wrdreg s4;
	s10 =	smul.u32 $0xA000, s17  }
0x1d: {  	[dreg:$0xb] =	wrdreg s3;
	s3 =	sadd.s32 $0x50, s1;
	s16 =	smul.u32 $0xA000, s24  }
0x1e: {  	s17 =	smul.u32 $0xA000, s25;
	s20 =	sshll.u32 s3, $0x4;
	s6 =	sshrl.u32 s21, $0x2  }
0x1f: {  	s8 =	sshrl.u32 s3, $0x3;
	s3 =	simm.s32 $0x2900;
	s5 =	sadd.s32 s5, s20  }
0x20: {  	s4 =	sadd.s32 s7, s20;
	s7 =	smul.u32 $0xA000, s12;
	s20 =	sadd.s32 s6, s15  }
0x21: {  	s2 =	sshrl.u32 s9, $0x2;
	s12 =	sshrl.u32 s10, $0x2;
	[dreg:$0xd] =	wrdreg s5  }
0x22: {  	s6 =	smul.u32 $0x4E2, s26;
	[dreg:$0xe] =	wrdreg s4;
	s4 =	sshrl.u32 s22, $0x2  }
0x23: {  	s23 =	sadd.s32 s2, s15;
	s24 =	sadd.s32 s12, s15;
	s12 =	sadd.s32 $0x26C00, s13  }
0x24: {  	s2 =	simm.s32 $0x1;
	_ =	strace $0x8000004D;
	s5 =	sshrl.u32 s7, $0x2  }
0x25: {  	s21 =	sadd.s32 s4, s15;
	s4 =	sshrl.u32 s11, $0x2;
	s7 =	sadd.s32 $0x297C0, s1  }
0x26: {  	s1 =	sshrl.u32 s1, $0x3;
	s9 =	sadd.s32 s6, s18;
	s11 =	sadd.s32 s18, s8  }
0x27: {  	[dreg:$0x12] =	wrdreg s12;
	s12 =	simm.s32 $0x50;
	s6 =	simm.s32 $0x0  }
0x28: {  	s22 =	sadd.s32 s5, s15;
	s25 =	sadd.s32 s4, s15;
	s4 =	sshrl.u32 s16, $0x2  }
0x29: {  	s5 =	sshrl.u32 s17, $0x2;
	[dreg:$0xf] =	wrdreg s7;
	s10 =	sadd.s32 s18, s1  }
.Ltmp0:
0x2a: {  	[dreg:$0x11] =	wrdreg s11;
	s11 =	sadd.s32 $0x1E, s9;
	(pc) =	sbr.rel .LBB2_1-.Ltmp0, $4  }
0x2b: {  	s1 =	sadd.s32 $0x4E3E, s9;
	s26 =	sadd.s32 s4, s15;
	s28 =	sadd.s32 s5, s15  }
0x2c: {  	s16 =	sadd.s32 $0x4E20, s10;
	[dreg:$0x10] =	wrdreg s10;
	s17 =	sadd.s32 $0x4E2A, s10  }
0x2d: {  	s4 =	simm.s32 $0x2;
	s5 =	simm.s32 $0x3;
	[dreg:$0x13] =	wrdreg s16  }
0x2e: {  	[dreg:$0x14] =	wrdreg s17;
	s17 =	simm.s32 $0x5100;
	s16 =	simm.s32 $0x100  }
.LBB2_7:
0x2f: {  	[hbm4b:s9+s0] =	stream.linear.scatter [tilespmem:s3], [sflag:$0x3], $0x2800, $0x38;
	[tilespmem:$0x1B180] =	vst v63  }
0x30: {  	s8 =	rddreg [dreg:$0xf]  }
0x31: {  	s7 =	rddreg [dreg:$0x12]  }
.LBB2_8:
0x32: {  	_ =	swait.ge [sflag:s4], $0x2800  }
0x33: {  	s8 =	sshrl.u32 s8, $0x3;
	[sflag:s4] =	ssyncset.done $0x0  }
0x34: {  	s8 =	sadd.s32 s18, s8;
	[sflag:s4] =	ssyncadd.s32 $0xFFFFD800  }
0x35: {  	[tilespmem:s0], [sflag:$0x4] =	stream.linear.gather [hbm4b:s8+s0], $0x50, $0x38;
	[tilespmem:$0x1B180] =	vst v63  }
0x36: {  	_ =	swait.ge [sflag:s31], $0x50  }
0x37: {  	[sflag:s31] =	ssyncset.done $0x0  }
0x38: {  	[sflag:s31] =	ssyncadd.s32 $0xFFFFFFB0  }
0x39: {  	[tilespmem:s16], [sflag:$0x1] =	stream.indirect.gather [spmem:s15], $0x80, s0, s12, $0xb8;
	[tilespmem:$0x1B180] =	vst v63  }
0x3a: {  	_ =	swait.ge [sflag:s2], $0x2800  }
0x3b: {  	[sflag:s2] =	ssyncset.done $0x0  }
0x3c: {  	s6 =	sadd.s32 $0x1, s6;
	[sflag:s2] =	ssyncadd.s32 $0xFFFFD800  }
0x3d: {  	[hbm4b:s7+s0] =	stream.linear.scatter [tilespmem:s16], [sflag:$0x2], $0x2800, $0x38;
	[tilespmem:$0x1B180] =	vst v63  }
0x3e: {  	p2 =	sne.s32 s6, s19;
	_ =	swait.ge [sflag:s4], $0x2800  }
.Ltmp1:
0x3f: {  	[sflag:s4] =	ssyncset.done $0x0;
	(pc) =	sbr.rel @!p2 .LBB2_9-.Ltmp1, $4  }
0x40: {  	[sflag:s4] =	ssyncadd.s32 $0xFFFFD800  }
0x41: {  	_ =	swait.ge [sflag:s5], $0x2800  }
0x42: {  	[sflag:s5] =	ssyncset.done $0x0  }
0x43: {  	[sflag:s5] =	ssyncadd.s32 $0xFFFFD800  }
.LBB2_1:
0x44: {  	s7 =	rddreg [dreg:$0x4]  }
0x45: {  	[tilespmem:s17], [sflag:$0x5] =	stream.linear.gather [hbm4b:s7+s0], $0x2800, $0x38;
	[tilespmem:$0x1B180] =	vst v63  }
0x46: {  	_ =	swait.ge [sflag:s29], $0x2800  }
0x47: {  	[sflag:s29] =	ssyncset.done $0x0  }
0x48: {  	[sflag:s29] =	ssyncadd.s32 $0xFFFFD800  }
0x49: {  	[spmem:s20] =	stream.linear.scatter [tilespmem:s17], [sflag:$0x4], $0x2800, $0x38;
	[tilespmem:$0x1B180] =	vst v63  }
0x4a: {  	_ =	swait.ge [sflag:s31], $0x2800  }
0x4b: {  	[sflag:s31] =	ssyncset.done $0x0  }
0x4c: {  	s8 =	rddreg [dreg:$0x5];
	[sflag:s31] =	ssyncadd.s32 $0xFFFFD800  }
0x4d: {  	[tilespmem:s17], [sflag:$0x5] =	stream.linear.gather [hbm4b:s8+s0], $0x2800, $0x38;
	[tilespmem:$0x1B180] =	vst v63  }
0x4e: {  	_ =	swait.ge [sflag:s29], $0x2800  }
0x4f: {  	[sflag:s29] =	ssyncset.done $0x0  }
0x50: {  	[sflag:s29] =	ssyncadd.s32 $0xFFFFD800  }
0x51: {  	[spmem:s21] =	stream.linear.scatter [tilespmem:s17], [sflag:$0x4], $0x2800, $0x38;
	[tilespmem:$0x1B180] =	vst v63  }
0x52: {  	_ =	swait.ge [sflag:s31], $0x2800  }
0x53: {  	[sflag:s31] =	ssyncset.done $0x0  }
0x54: {  	s9 =	rddreg [dreg:$0x6];
	[sflag:s31] =	ssyncadd.s32 $0xFFFFD800  }
0x55: {  	[tilespmem:s17], [sflag:$0x5] =	stream.linear.gather [hbm4b:s9+s0], $0x2800, $0x38;
	[tilespmem:$0x1B180] =	vst v63  }
0x56: {  	_ =	swait.ge [sflag:s29], $0x2800  }
0x57: {  	[sflag:s29] =	ssyncset.done $0x0  }
0x58: {  	[sflag:s29] =	ssyncadd.s32 $0xFFFFD800  }
0x59: {  	[spmem:s22] =	stream.linear.scatter [tilespmem:s17], [sflag:$0x4], $0x2800, $0x38;
	[tilespmem:$0x1B180] =	vst v63  }
0x5a: {  	_ =	swait.ge [sflag:s31], $0x2800  }
0x5b: {  	[sflag:s31] =	ssyncset.done $0x0  }
0x5c: {  	s10 =	rddreg [dreg:$0x7];
	[sflag:s31] =	ssyncadd.s32 $0xFFFFD800  }
0x5d: {  	[tilespmem:s17], [sflag:$0x5] =	stream.linear.gather [hbm4b:s10+s0], $0x2800, $0x38;
	[tilespmem:$0x1B180] =	vst v63  }
0x5e: {  	_ =	swait.ge [sflag:s29], $0x2800  }
0x5f: {  	[sflag:s29] =	ssyncset.done $0x0  }
0x60: {  	[sflag:s29] =	ssyncadd.s32 $0xFFFFD800  }
0x61: {  	[spmem:s23] =	stream.linear.scatter [tilespmem:s17], [sflag:$0x4], $0x2800, $0x38;
	[tilespmem:$0x1B180] =	vst v63  }
0x62: {  	_ =	swait.ge [sflag:s31], $0x2800  }
0x63: {  	[sflag:s31] =	ssyncset.done $0x0  }
0x64: {  	s8 =	rddreg [dreg:$0x8];
	[sflag:s31] =	ssyncadd.s32 $0xFFFFD800  }
0x65: {  	[tilespmem:s17], [sflag:$0x5] =	stream.linear.gather [hbm4b:s8+s0], $0x2800, $0x38;
	[tilespmem:$0x1B180] =	vst v63  }
0x66: {  	_ =	swait.ge [sflag:s29], $0x2800  }
0x67: {  	[sflag:s29] =	ssyncset.done $0x0  }
0x68: {  	[sflag:s29] =	ssyncadd.s32 $0xFFFFD800  }
0x69: {  	[spmem:s24] =	stream.linear.scatter [tilespmem:s17], [sflag:$0x4], $0x2800, $0x38;
	[tilespmem:$0x1B180] =	vst v63  }
0x6a: {  	_ =	swait.ge [sflag:s31], $0x2800  }
0x6b: {  	[sflag:s31] =	ssyncset.done $0x0  }
0x6c: {  	s9 =	rddreg [dreg:$0x9];
	[sflag:s31] =	ssyncadd.s32 $0xFFFFD800  }
0x6d: {  	[tilespmem:s17], [sflag:$0x5] =	stream.linear.gather [hbm4b:s9+s0], $0x2800, $0x38;
	[tilespmem:$0x1B180] =	vst v63  }
0x6e: {  	_ =	swait.ge [sflag:s29], $0x2800  }
0x6f: {  	[sflag:s29] =	ssyncset.done $0x0  }
0x70: {  	[sflag:s29] =	ssyncadd.s32 $0xFFFFD800  }
0x71: {  	[spmem:s25] =	stream.linear.scatter [tilespmem:s17], [sflag:$0x4], $0x2800, $0x38;
	[tilespmem:$0x1B180] =	vst v63  }
0x72: {  	_ =	swait.ge [sflag:s31], $0x2800  }
0x73: {  	[sflag:s31] =	ssyncset.done $0x0  }
0x74: {  	s10 =	rddreg [dreg:$0xa];
	[sflag:s31] =	ssyncadd.s32 $0xFFFFD800  }
0x75: {  	[tilespmem:s17], [sflag:$0x5] =	stream.linear.gather [hbm4b:s10+s0], $0x2800, $0x38;
	[tilespmem:$0x1B180] =	vst v63  }
0x76: {  	_ =	swait.ge [sflag:s29], $0x2800  }
0x77: {  	[sflag:s29] =	ssyncset.done $0x0  }
0x78: {  	[sflag:s29] =	ssyncadd.s32 $0xFFFFD800  }
0x79: {  	[spmem:s26] =	stream.linear.scatter [tilespmem:s17], [sflag:$0x4], $0x2800, $0x38;
	[tilespmem:$0x1B180] =	vst v63  }
0x7a: {  	_ =	swait.ge [sflag:s31], $0x2800  }
0x7b: {  	s7 =	simm.s32 @!p1 $0x0;
	[sflag:s31] =	ssyncset.done $0x0  }
0x7c: {  	s8 =	simm.s32 @!p1 $0x5100;
	s9 =	rddreg [dreg:$0xb];
	[sflag:s31] =	ssyncadd.s32 $0xFFFFD800  }
0x7d: {  	[tilespmem:s8], [sflag:$0x5] =	stream.linear.gather @!p1 [hbm4b:s9+s7], $0x2800, $0x38;
	[tilespmem:$0x1B180] =	vst v63  }
0x7e: {  	s7 =	simm.s32 @!p1 $0x5  }
0x7f: {  	_ =	swait.ge @!p1 [sflag:s7], $0x2800  }
0x80: {  	[sflag:s7] =	ssyncset.done @!p1 $0x0  }
0x81: {  	[sflag:s7] =	ssyncadd.s32 @!p1 $0xFFFFD800;
	s7 =	simm.s32 @!p1 $0x4  }
0x82: {  	[spmem:s28] =	stream.linear.scatter @!p1 [tilespmem:s8], [sflag:$0x4], $0x2800, $0x38;
	[tilespmem:$0x1B180] =	vst v63  }
.Ltmp2:
0x83: {  	_ =	swait.ge @!p1 [sflag:s7], $0x2800;
	(pc) =	sbr.rel @!p0 .LBB2_2-.Ltmp2, $4  }
0x84: {  	[sflag:s7] =	ssyncset.done @!p1 $0x0  }
0x85: {  	[sflag:s7] =	ssyncadd.s32 @!p1 $0xFFFFD800  }
0x86: {  	[bflag:$0x0] =	sbarrier.arrive $0xFFFF  }
0x87: {  	s7 =	simm.s32 $0x0  }
0x88: {  	s8 =	rddreg [dreg:$0x13]  }
0x89: {  	[tilespmem:s7], [sflag:$0x4] =	stream.linear.gather [hbm4b:s8+s7], $0x50, $0x38;
	[tilespmem:$0x1B180] =	vst v63  }
0x8a: {  	_ =	swait.ge [sflag:s31], $0x50  }
0x8b: {  	[sflag:s31] =	ssyncset.done $0x0  }
0x8c: {  	[sflag:s31] =	ssyncadd.s32 $0xFFFFFFB0  }
0x8d: {  	[tilespmem:s16], [sflag:$0x1] =	stream.indirect.gather [spmem:s15], $0x80, s7, s12, $0xb8;
	[tilespmem:$0x1B180] =	vst v63  }
0x8e: {  	_ =	swait.ge [sflag:s2], $0x2800  }
0x8f: {  	[sflag:s2] =	ssyncset.done $0x0  }
0x90: {  	[sflag:s2] =	ssyncadd.s32 $0xFFFFD800  }
0x91: {  	[hbm4b:s13+s7] =	stream.linear.scatter [tilespmem:s16], [sflag:$0x2], $0x2800, $0x38;
	[tilespmem:$0x1B180] =	vst v63  }
0x92: {  	s9 =	rddreg [dreg:$0x14]  }
0x93: {  	[tilespmem:s30], [sflag:$0x4] =	stream.linear.gather [hbm4b:s9+s7], $0x50, $0x38;
	[tilespmem:$0x1B180] =	vst v63  }
0x94: {  	_ =	swait.ge [sflag:s31], $0x50  }
0x95: {  	[sflag:s31] =	ssyncset.done $0x0  }
0x96: {  	[sflag:s31] =	ssyncadd.s32 $0xFFFFFFB0  }
0x97: {  	[tilespmem:s3], [sflag:$0x1] =	stream.indirect.gather [spmem:s15], $0x80, s30, s12, $0xb8;
	[tilespmem:$0x1B180] =	vst v63  }
0x98: {  	_ =	swait.ge [sflag:s2], $0x2800  }
0x99: {  	[sflag:s2] =	ssyncset.done $0x0  }
0x9a: {  	s10 =	rddreg [dreg:$0xe];
	[sflag:s2] =	ssyncadd.s32 $0xFFFFD800  }
0x9b: {  	[hbm4b:s10+s7] =	stream.linear.scatter [tilespmem:s3], [sflag:$0x3], $0x2800, $0x38;
	[tilespmem:$0x1B180] =	vst v63  }
0x9c: {  	_ =	swait.ge [sflag:s4], $0x2800  }
0x9d: {  	[sflag:s4] =	ssyncset.done $0x0  }
0x9e: {  	s8 =	sadd.s32 $0xFFFFFFF6, s1;
	[sflag:s4] =	ssyncadd.s32 $0xFFFFD800  }
0x9f: {  	[tilespmem:s0], [sflag:$0x4] =	stream.linear.gather [hbm4b:s8+s0], $0x50, $0x38;
	[tilespmem:$0x1B180] =	vst v63  }
0xa0: {  	_ =	swait.ge [sflag:s31], $0x50  }
0xa1: {  	[sflag:s31] =	ssyncset.done $0x0  }
0xa2: {  	[sflag:s31] =	ssyncadd.s32 $0xFFFFFFB0  }
0xa3: {  	[tilespmem:s16], [sflag:$0x1] =	stream.indirect.gather [spmem:s15], $0x80, s0, s12, $0xb8;
	[tilespmem:$0x1B180] =	vst v63  }
0xa4: {  	_ =	swait.ge [sflag:s2], $0x2800  }
0xa5: {  	s9 =	sadd.s32 $0x0, s13;
	[sflag:s2] =	ssyncset.done $0x0  }
0xa6: {  	s10 =	sadd.s32 $0xA00, s9;
	[sflag:s2] =	ssyncadd.s32 $0xFFFFD800  }
0xa7: {  	[hbm4b:s10+s0] =	stream.linear.scatter [tilespmem:s16], [sflag:$0x2], $0x2800, $0x38;
	[tilespmem:$0x1B180] =	vst v63  }
0xa8: {  	_ =	swait.ge [sflag:s5], $0x2800  }
0xa9: {  	[sflag:s5] =	ssyncset.done $0x0  }
0xaa: {  	[sflag:s5] =	ssyncadd.s32 $0xFFFFD800  }
0xab: {  	[tilespmem:s30], [sflag:$0x4] =	stream.linear.gather [hbm4b:s1+s0], $0x50, $0x38;
	[tilespmem:$0x1B180] =	vst v63  }
0xac: {  	_ =	swait.ge [sflag:s31], $0x50  }
0xad: {  	[sflag:s31] =	ssyncset.done $0x0  }
0xae: {  	[sflag:s31] =	ssyncadd.s32 $0xFFFFFFB0  }
0xaf: {  	[tilespmem:s3], [sflag:$0x1] =	stream.indirect.gather [spmem:s15], $0x80, s30, s12, $0xb8;
	[tilespmem:$0x1B180] =	vst v63  }
0xb0: {  	_ =	swait.ge [sflag:s2], $0x2800  }
0xb1: {  	s7 =	simm.s32 $0xA00;
	[sflag:s2] =	ssyncset.done $0x0  }
0xb2: {  	s9 =	sadd.s32 $0xF00, s9;
	s8 =	sadd.s32 $0x14, s1;
	[sflag:s2] =	ssyncadd.s32 $0xFFFFD800  }
.LBB2_6:
0xb3: {  	[hbm4b:s9+s0] =	stream.linear.scatter [tilespmem:s3], [sflag:$0x3], $0x2800, $0x38;
	[tilespmem:$0x1B180] =	vst v63  }
0xb4: {  	s9 =	smov.u32 s7  }
0xb5: {  	p2 =	sne.s32 s7, $0x25800;
	s7 =	sadd.s32 $0xA00, s7;
	_ =	swait.ge [sflag:s4], $0x2800  }
0xb6: {  	[sflag:s4] =	ssyncset.done $0x0  }
0xb7: {  	s10 =	sadd.s32 $0xFFFFFFF6, s8;
	[sflag:s4] =	ssyncadd.s32 $0xFFFFD800  }
0xb8: {  	[tilespmem:s0], [sflag:$0x4] =	stream.linear.gather [hbm4b:s10+s0], $0x50, $0x38;
	[tilespmem:$0x1B180] =	vst v63  }
0xb9: {  	_ =	swait.ge [sflag:s31], $0x50  }
0xba: {  	[sflag:s31] =	ssyncset.done $0x0  }
0xbb: {  	[sflag:s31] =	ssyncadd.s32 $0xFFFFFFB0  }
0xbc: {  	[tilespmem:s16], [sflag:$0x1] =	stream.indirect.gather [spmem:s15], $0x80, s0, s12, $0xb8;
	[tilespmem:$0x1B180] =	vst v63  }
0xbd: {  	_ =	swait.ge [sflag:s2], $0x2800  }
0xbe: {  	s9 =	sadd.s32 s9, s13;
	[sflag:s2] =	ssyncset.done $0x0  }
0xbf: {  	s10 =	sadd.s32 $0xA00, s9;
	[sflag:s2] =	ssyncadd.s32 $0xFFFFD800  }
0xc0: {  	[hbm4b:s10+s0] =	stream.linear.scatter [tilespmem:s16], [sflag:$0x2], $0x2800, $0x38;
	[tilespmem:$0x1B180] =	vst v63  }
0xc1: {  	_ =	swait.ge [sflag:s5], $0x2800  }
0xc2: {  	[sflag:s5] =	ssyncset.done $0x0  }
0xc3: {  	[sflag:s5] =	ssyncadd.s32 $0xFFFFD800  }
0xc4: {  	[tilespmem:s30], [sflag:$0x4] =	stream.linear.gather [hbm4b:s8+s0], $0x50, $0x38;
	[tilespmem:$0x1B180] =	vst v63  }
0xc5: {  	_ =	swait.ge [sflag:s31], $0x50  }
0xc6: {  	[sflag:s31] =	ssyncset.done $0x0  }
.Ltmp3:
0xc7: {  	[sflag:s31] =	ssyncadd.s32 $0xFFFFFFB0;
	(pc) =	sbr.rel @p2 .LBB2_6-.Ltmp3, $4  }
0xc8: {  	[tilespmem:s3], [sflag:$0x1] =	stream.indirect.gather [spmem:s15], $0x80, s30, s12, $0xb8;
	[tilespmem:$0x1B180] =	vst v63  }
0xc9: {  	_ =	swait.ge [sflag:s2], $0x2800  }
0xca: {  	[sflag:s2] =	ssyncset.done $0x0  }
0xcb: {  	s9 =	sadd.s32 $0xF00, s9;
	s8 =	sadd.s32 $0x14, s8;
	[sflag:s2] =	ssyncadd.s32 $0xFFFFD800  }
.Ltmp4:
0xcc: {  	_ = 	snop;
	(pc) =	sbr.rel .LBB2_7-.Ltmp4, $1  }
0xcd: {  	_ =	sdelay $0x3  }
.LBB2_2:
0xce: {  	s8 =	rddreg [dreg:$0x10]  }
0xcf: {  	[tilespmem:s7], [sflag:$0x4] =	stream.linear.gather [hbm4b:s8+s7], $0x50, $0x38;
	[tilespmem:$0x1B180] =	vst v63  }
0xd0: {  	_ =	swait.ge [sflag:s31], $0x50  }
0xd1: {  	[sflag:s31] =	ssyncset.done $0x0  }
0xd2: {  	[sflag:s31] =	ssyncadd.s32 $0xFFFFFFB0  }
0xd3: {  	[tilespmem:s16], [sflag:$0x1] =	stream.indirect.gather [spmem:s15], $0x80, s7, s12, $0xb8;
	[tilespmem:$0x1B180] =	vst v63  }
0xd4: {  	_ =	swait.ge [sflag:s2], $0x2800  }
0xd5: {  	[sflag:s2] =	ssyncset.done $0x0  }
0xd6: {  	[sflag:s2] =	ssyncadd.s32 $0xFFFFD800  }
0xd7: {  	[hbm4b:s14+s7] =	stream.linear.scatter [tilespmem:s16], [sflag:$0x2], $0x2800, $0x38;
	[tilespmem:$0x1B180] =	vst v63  }
0xd8: {  	s9 =	rddreg [dreg:$0x11]  }
0xd9: {  	[tilespmem:s30], [sflag:$0x4] =	stream.linear.gather [hbm4b:s9+s7], $0x50, $0x38;
	[tilespmem:$0x1B180] =	vst v63  }
0xda: {  	_ =	swait.ge [sflag:s31], $0x50  }
0xdb: {  	[sflag:s31] =	ssyncset.done $0x0  }
0xdc: {  	[sflag:s31] =	ssyncadd.s32 $0xFFFFFFB0  }
0xdd: {  	[tilespmem:s3], [sflag:$0x1] =	stream.indirect.gather [spmem:s15], $0x80, s30, s12, $0xb8;
	[tilespmem:$0x1B180] =	vst v63  }
0xde: {  	_ =	swait.ge [sflag:s2], $0x2800  }
0xdf: {  	[sflag:s2] =	ssyncset.done $0x0  }
0xe0: {  	s10 =	rddreg [dreg:$0xd];
	[sflag:s2] =	ssyncadd.s32 $0xFFFFD800  }
0xe1: {  	[hbm4b:s10+s7] =	stream.linear.scatter [tilespmem:s3], [sflag:$0x3], $0x2800, $0x38;
	[tilespmem:$0x1B180] =	vst v63  }
0xe2: {  	_ =	swait.ge [sflag:s4], $0x2800  }
0xe3: {  	[sflag:s4] =	ssyncset.done $0x0  }
0xe4: {  	s8 =	sadd.s32 $0xFFFFFFF6, s11;
	[sflag:s4] =	ssyncadd.s32 $0xFFFFD800  }
0xe5: {  	[tilespmem:s0], [sflag:$0x4] =	stream.linear.gather [hbm4b:s8+s0], $0x50, $0x38;
	[tilespmem:$0x1B180] =	vst v63  }
0xe6: {  	_ =	swait.ge [sflag:s31], $0x50  }
0xe7: {  	[sflag:s31] =	ssyncset.done $0x0  }
0xe8: {  	[sflag:s31] =	ssyncadd.s32 $0xFFFFFFB0  }
0xe9: {  	[tilespmem:s16], [sflag:$0x1] =	stream.indirect.gather [spmem:s15], $0x80, s0, s12, $0xb8;
	[tilespmem:$0x1B180] =	vst v63  }
0xea: {  	_ =	swait.ge [sflag:s2], $0x2800  }
0xeb: {  	s9 =	sadd.s32 $0x0, s14;
	[sflag:s2] =	ssyncset.done $0x0  }
0xec: {  	s10 =	sadd.s32 $0xA00, s9;
	[sflag:s2] =	ssyncadd.s32 $0xFFFFD800  }
0xed: {  	[hbm4b:s10+s0] =	stream.linear.scatter [tilespmem:s16], [sflag:$0x2], $0x2800, $0x38;
	[tilespmem:$0x1B180] =	vst v63  }
0xee: {  	_ =	swait.ge [sflag:s5], $0x2800  }
0xef: {  	[sflag:s5] =	ssyncset.done $0x0  }
0xf0: {  	[sflag:s5] =	ssyncadd.s32 $0xFFFFD800  }
0xf1: {  	[tilespmem:s30], [sflag:$0x4] =	stream.linear.gather [hbm4b:s11+s0], $0x50, $0x38;
	[tilespmem:$0x1B180] =	vst v63  }
0xf2: {  	_ =	swait.ge [sflag:s31], $0x50  }
0xf3: {  	[sflag:s31] =	ssyncset.done $0x0  }
0xf4: {  	[sflag:s31] =	ssyncadd.s32 $0xFFFFFFB0  }
0xf5: {  	[tilespmem:s3], [sflag:$0x1] =	stream.indirect.gather [spmem:s15], $0x80, s30, s12, $0xb8;
	[tilespmem:$0x1B180] =	vst v63  }
0xf6: {  	_ =	swait.ge [sflag:s2], $0x2800  }
0xf7: {  	s7 =	simm.s32 $0xA00;
	[sflag:s2] =	ssyncset.done $0x0  }
0xf8: {  	s9 =	sadd.s32 $0xF00, s9;
	s8 =	sadd.s32 $0x14, s11;
	[sflag:s2] =	ssyncadd.s32 $0xFFFFD800  }
.LBB2_3:
0xf9: {  	[hbm4b:s9+s0] =	stream.linear.scatter [tilespmem:s3], [sflag:$0x3], $0x2800, $0x38;
	[tilespmem:$0x1B180] =	vst v63  }
0xfa: {  	s9 =	smov.u32 s7  }
0xfb: {  	p2 =	seq.s32 s7, $0x25800;
	s7 =	sadd.s32 $0xA00, s7;
	_ =	swait.ge [sflag:s4], $0x2800  }
0xfc: {  	[sflag:s4] =	ssyncset.done $0x0  }
0xfd: {  	s10 =	sadd.s32 $0xFFFFFFF6, s8;
	[sflag:s4] =	ssyncadd.s32 $0xFFFFD800  }
0xfe: {  	[tilespmem:s0], [sflag:$0x4] =	stream.linear.gather [hbm4b:s10+s0], $0x50, $0x38;
	[tilespmem:$0x1B180] =	vst v63  }
0xff: {  	_ =	swait.ge [sflag:s31], $0x50  }
0x100: {  	[sflag:s31] =	ssyncset.done $0x0  }
0x101: {  	[sflag:s31] =	ssyncadd.s32 $0xFFFFFFB0  }
0x102: {  	[tilespmem:s16], [sflag:$0x1] =	stream.indirect.gather [spmem:s15], $0x80, s0, s12, $0xb8;
	[tilespmem:$0x1B180] =	vst v63  }
0x103: {  	_ =	swait.ge [sflag:s2], $0x2800  }
0x104: {  	s9 =	sadd.s32 s9, s14;
	[sflag:s2] =	ssyncset.done $0x0  }
0x105: {  	s10 =	sadd.s32 $0xA00, s9;
	[sflag:s2] =	ssyncadd.s32 $0xFFFFD800  }
0x106: {  	[hbm4b:s10+s0] =	stream.linear.scatter [tilespmem:s16], [sflag:$0x2], $0x2800, $0x38;
	[tilespmem:$0x1B180] =	vst v63  }
0x107: {  	_ =	swait.ge [sflag:s5], $0x2800  }
0x108: {  	[sflag:s5] =	ssyncset.done $0x0  }
0x109: {  	[sflag:s5] =	ssyncadd.s32 $0xFFFFD800  }
0x10a: {  	[tilespmem:s30], [sflag:$0x4] =	stream.linear.gather [hbm4b:s8+s0], $0x50, $0x38;
	[tilespmem:$0x1B180] =	vst v63  }
0x10b: {  	_ =	swait.ge [sflag:s31], $0x50  }
0x10c: {  	[sflag:s31] =	ssyncset.done $0x0  }
.Ltmp5:
0x10d: {  	[sflag:s31] =	ssyncadd.s32 $0xFFFFFFB0;
	(pc) =	sbr.rel @!p2 .LBB2_3-.Ltmp5, $4  }
0x10e: {  	[tilespmem:s3], [sflag:$0x1] =	stream.indirect.gather [spmem:s15], $0x80, s30, s12, $0xb8;
	[tilespmem:$0x1B180] =	vst v63  }
0x10f: {  	_ =	swait.ge [sflag:s2], $0x2800  }
0x110: {  	[sflag:s2] =	ssyncset.done $0x0  }
0x111: {  	s9 =	sadd.s32 $0xF00, s9;
	s8 =	sadd.s32 $0x14, s8;
	[sflag:s2] =	ssyncadd.s32 $0xFFFFD800  }
.Ltmp6:
0x112: {  	(pc) =	sbr.rel .LBB2_8-.Ltmp6, $4  }
0x113: {  	_ = 	snop  }
0x114: {  	[hbm4b:s9+s0] =	stream.linear.scatter [tilespmem:s3], [sflag:$0x3], $0x2800, $0x38;
	[tilespmem:$0x1B180] =	vst v63  }
0x115: {  	s8 =	rddreg [dreg:$0x3]  }
0x116: {  	s7 =	rddreg [dreg:$0xc]  }
.LBB2_9:
0x117: {  	_ =	sfence.sel $0x180000  }
0x118: {  	[bflag:$0x0] =	sbarrier.arrive $0xFFFF  }
0x119: {  	_ =	strace $0x9000004D  }
0x11a: {  	s0 =	stileid.u32;
	[bflag:$0x2] =	sbarrier.arrive $0xFFFF  }
0x11b: {  	p0 =	sne.s32 s0, $0x0;
	s0 =	rddreg [dreg:$0x2]  }
0x11c: {  	s0 =	sadd.s32 @!p0 $0x100000, s0  }
0x11d: {  	[sflag:s0] =	ssyncadd.tile.s32 @!p0 $0x1;
	_ =	shalt  }
.Lfunc_end2:
_tile_overlayer_lowered:
.L_overlay_start_2:
0x11e: {  	(tag) =	ssettag $0x2  }
0x11f: {  	s0 =	rddreg [dreg:$0x0];
	s2 =	stileid.u32  }
0x120: {  	s1 =	rddreg [dreg:$0x1];
	p0 =	sne.s32 s2, $0x0  }
0x121: {  	s3 =	rddreg [dreg:$0x2];
	[bflag:$0x3] =	sbarrier.arrive $0xFFFF;
	s2 =	simm.s32 @!p0 $0x1C04  }
0x122: {  	[timem:s3], [sflag:s2] =	dma.local @!p0 [hbm:s0], s1  }
0x123: {  	s0 =	simm.s32 @!p0 $0x4  }
0x124: {  	_ =	swait.ge @!p0 [sflag:s0], s1  }
0x125: {  	s1 =	ssub.s32 @!p0 $0x0, s1;
	[sflag:s0] =	ssyncset.done @!p0 $0x0  }
0x126: {  	[sflag:s0] =	ssyncadd.s32 @!p0 s1  }
0x127: {  	[bflag:$0x3] =	sbarrier.arrive $0xFFFF  }
0x128: {  	_ =	shalt  }

// kernel: closed_call.41.cloned.1.call-start
scs
__scs_entry_jumppad:
0x0: {  	(pc) =	sbr.rel $0x88, $3  }
0x1: {  	(tag) =	ssettag $0x0;
	lr =	simm.s32 $0x1  }
0x2: {  	[smem:$0x3E98] =	sst lr;
	_ =	strace $0xD0000000  }
0x3: {  	_ = 	snop  }
0x4: {  	_ = 	snop  }
0x5: {  	_ = 	snop  }
0x6: {  	_ = 	snop  }
0x7: {  	_ = 	snop  }
__scs_overlays_trampoline_lowered:
0x8: {  	[smem:$0x3EA7] =	sst s0  }
0x9: {  	[smem:$0x3EA8] =	sst s1  }
0xa: {  	[smem:$0x3EA9] =	sst s2  }
0xb: {  	[smem:$0x3EAA] =	sst s3  }
0xc: {  	[smem:$0x3EAB] =	sst s4  }
0xd: {  	[smem:$0x3EAC] =	sst s5  }
0xe: {  	[smem:$0x3EAD] =	sst s6  }
0xf: {  	[smem:$0x3EAE] =	sst s7  }
0x10: {  	[smem:$0x3EAF] =	sst s8  }
0x11: {  	[smem:$0x3EB0] =	sst s9;
	s0 =	simm.s32 @!p0 $0x0  }
0x12: {  	s1 =	sld [smem:$0x3E96];
	s0 =	simm.s32 @p0 $0x1  }
0x13: {  	[smem:$0x3EB1] =	sst s0;
	s0 =	simm.s32 @!p1 $0x0  }
0x14: {  	s2 =	sld [smem:$0x3E95];
	s0 =	simm.s32 @p1 $0x1  }
0x15: {  	[smem:$0x3EB2] =	sst s0;
	s0 =	simm.s32 @!p2 $0x0  }
0x16: {  	s3 =	sld [smem:$0x3FDB];
	s0 =	simm.s32 @p2 $0x1  }
0x17: {  	s4 =	simm.s32 $0x1BF5;
	[smem:$0x3EB4] =	sst s0  }
0x18: {  	s0 =	sld [smem:$0x3E97];
	_ =	swait.ge [sflag:s4], $0x0  }
0x19: {  	s7 =	sld [smem:$0x3E98]  }
0x1a: {  	s8 =	sadd.s32 $0xFFFFE003, lr  }
0x1b: {  	s9 =	sadd.s32 $0xFFFFFEF7, lr;
	s5 =	simm.s32 $0xFFFFFFFF;
	p2 =	slt.u32 s8, $0xFFFFF086  }
0x1c: {  	p1 =	slt.u32 s9, $0xF7A;
	s5 =	simm.s32 @!p2 $0x0  }
0x1d: {  	s5 =	simm.s32 @p1 $0x1;
	p0 =	seq.s32 s7, s2  }
0x1e: {  	s7 =	smul.u32 @!p0 $0xF7A, s2;
	p2 =	seq.s32 @!p0 s5, $0x0  }
0x1f: {  	s9 =	smul.u32 $0xF7A, s1;
	s8 =	simm.s32 @!p0 $0x1BF5;
	p2 =	por !p2, p0  }
0x20: {  	[sflag:s8] =	ssyncset.s32 @!p0 $0xFFFFF086;
	s6 =	sadd.s32 @!p0 s3, s7;
	s7 =	simm.s32 @!p0 $0x108  }
0x21: {  	s3 =	sadd.s32 s3, s9;
	s6 =	sadd.s32 @!p0 $0x88, s6;
	s7 =	simm.s32 @p2 $0x1082  }
0x22: {  	[simem:s7], [sflag:s8] =	dma.local @!p0 [hbm:s6], $0xF7A  }
0x23: {  	s9 =	sor.u32 $0xD0000000, s2;
	s6 =	simm.s32 $0x108;
	_ =	swait.ge @!p0 [sflag:s8], $0x0  }
0x24: {  	s3 =	sadd.s32 $0x88, s3;
	s6 =	simm.s32 @!p1 $0x1082;
	[sflag:s4] =	ssyncset.s32 $0xFFFFF086  }
0x25: {  	[simem:s6], [sflag:s4] =	dma.local [hbm:s3], $0xF7A  }
0x26: {  	[smem:$0x3E98] =	sst s1;
	(tag) =	ssettag s2;
	_ =	strace s9  }
0x27: {  	s1 =	sld [smem:$0x3EA8]  }
0x28: {  	s2 =	sld [smem:$0x3EA9]  }
0x29: {  	s4 =	sld [smem:$0x3EAB]  }
0x2a: {  	p0 =	seq.s32 s5, $0x0;
	s5 =	sld [smem:$0x3EAC]  }
0x2b: {  	s6 =	sld [smem:$0x3EAD]  }
0x2c: {  	s7 =	sld [smem:$0x3EAE]  }
0x2d: {  	s3 =	simm.s32 $0x108;
	s8 =	sld [smem:$0x3EAF]  }
0x2e: {  	s3 =	simm.s32 @!p0 $0x1082;
	s9 =	sld [smem:$0x3EB0]  }
0x2f: {  	lr =	sadd.s32 s0, s3;
	s0 =	sld [smem:$0x3EA7]  }
0x30: {  	s3 =	sld [smem:$0x3EAA]  }
0x31: {  	[smem:$0x3EB3] =	sst s10  }
0x32: {  	s10 =	sld [smem:$0x3EB1];
	_ =	sdelay $0x3  }
0x33: {  	p0 =	seq.s32 s10, $0x1;
	s10 =	sld [smem:$0x3EB3];
	_ =	sdelay $0x3  }
0x34: {  	[smem:$0x3EB3] =	sst s10  }
0x35: {  	s10 =	sld [smem:$0x3EB2];
	_ =	sdelay $0x3  }
0x36: {  	p1 =	seq.s32 s10, $0x1;
	s10 =	sld [smem:$0x3EB3];
	_ =	sdelay $0x3  }
0x37: {  	[smem:$0x3EB3] =	sst s10  }
0x38: {  	s10 =	sld [smem:$0x3EB4]  }
0x39: {  	_ = 	snop;
	(pc) =	sbr.ind lr, $3  }
0x3a: {  	_ = 	snop  }
0x3b: {  	_ = 	snop  }
0x3c: {  	p2 =	seq.s32 s10, $0x1;
	s10 =	sld [smem:$0x3EB3]  }
0x3d: {  	_ =	shalt  }
0x3e: {  	_ =	shalt  }
0x3f: {  	_ =	shalt  }
0x40: {  	_ =	shalt  }
0x41: {  	_ =	shalt  }
0x42: {  	_ =	shalt  }
0x43: {  	_ =	shalt  }
0x44: {  	_ =	shalt  }
0x45: {  	_ =	shalt  }
0x46: {  	_ =	shalt  }
0x47: {  	_ =	shalt  }
0x48: {  	_ =	shalt  }
0x49: {  	_ =	shalt  }
0x4a: {  	_ =	shalt  }
0x4b: {  	_ =	shalt  }
0x4c: {  	_ =	shalt  }
0x4d: {  	_ =	shalt  }
0x4e: {  	_ =	shalt  }
0x4f: {  	_ =	shalt  }
0x50: {  	_ =	shalt  }
0x51: {  	_ =	shalt  }
0x52: {  	_ =	shalt  }
0x53: {  	_ =	shalt  }
0x54: {  	_ =	shalt  }
0x55: {  	_ =	shalt  }
0x56: {  	_ =	shalt  }
0x57: {  	_ =	shalt  }
0x58: {  	_ =	shalt  }
0x59: {  	_ =	shalt  }
0x5a: {  	_ =	shalt  }
0x5b: {  	_ =	shalt  }
0x5c: {  	_ =	shalt  }
0x5d: {  	_ =	shalt  }
0x5e: {  	_ =	shalt  }
0x5f: {  	_ =	shalt  }
0x60: {  	_ =	shalt  }
0x61: {  	_ =	shalt  }
0x62: {  	_ =	shalt  }
0x63: {  	_ =	shalt  }
0x64: {  	_ =	shalt  }
0x65: {  	_ =	shalt  }
0x66: {  	_ =	shalt  }
0x67: {  	_ =	shalt  }
0x68: {  	_ =	shalt  }
0x69: {  	_ =	shalt  }
0x6a: {  	_ =	shalt  }
0x6b: {  	_ =	shalt  }
0x6c: {  	_ =	shalt  }
0x6d: {  	_ =	shalt  }
0x6e: {  	_ =	shalt  }
0x6f: {  	_ =	shalt  }
0x70: {  	_ =	shalt  }
0x71: {  	_ =	shalt  }
0x72: {  	_ =	shalt  }
0x73: {  	_ =	shalt  }
0x74: {  	_ =	shalt  }
0x75: {  	_ =	shalt  }
0x76: {  	_ =	shalt  }
0x77: {  	_ =	shalt  }
0x78: {  	_ =	shalt  }
0x79: {  	_ =	shalt  }
0x7a: {  	_ =	shalt  }
0x7b: {  	_ =	shalt  }
0x7c: {  	_ =	shalt  }
0x7d: {  	_ =	shalt  }
0x7e: {  	_ =	shalt  }
0x7f: {  	_ =	shalt  }
0x80: {  	_ =	shalt  }
0x81: {  	_ =	shalt  }
0x82: {  	_ =	shalt  }
0x83: {  	_ =	shalt  }
0x84: {  	_ =	shalt  }
0x85: {  	_ =	shalt  }
0x86: {  	_ =	shalt  }
0x87: {  	_ =	shalt  }
.Lfunc_end0:
.L_simem_size_0:
called_computation.3_lowered:
.L_overlay_start_0:
0x88: {  	s2 =	sld [smem:$0x3FD9]  }
0x89: {  	s3 =	sld [smem:$0x3FFE];
	_ =	sdelay $0x1  }
0x8a: {  	s1 =	srdreg.scid  }
0x8b: {  	s0 =	sand.u32 $0x1, s1  }
0x8c: {  	s17 =	sshll.u32 s0, $0xA;
	s2 =	sadd.s32 s3, s2  }
0x8d: {  	s2 =	sadd.s32 s2, s17  }
0x8e: {  	[smem:$0x3EBF] =	sst s2  }
0x8f: {  	_ = 	snop  }
0x90: {  	(tm) =	ssettm $0x1  }
0x91: {  	s18 =	sld [smem:$0x3FFB];
	_ =	sdelay $0x3  }
0x92: {  	_ =	strace s18  }
0x93: {  	s2 =	sld [smem:$0x3FFC];
	_ =	sdelay $0x3  }
0x94: {  	_ =	strace s2  }
0x95: {  	s2 =	sld [smem:$0x3FFD];
	_ =	sdelay $0x3  }
0x96: {  	_ =	strace s2  }
0x97: {  	_ =	strace $0x8FFFFFFF  }
0x98: {  	s19 =	sld [smem:$0x3FDB];
	_ =	sdelay $0x1  }
0x99: {  	s20 =	simm.s32 $_scs_section_size  }
0x9a: {  	s4 =	simm.s32 $_size__tile_overlayer_lowered;
	s5 =	simm.s32 $_tile_overlayer_lowered  }
0x9b: {  	s6 =	simm.s32 $0x1BFF;
	s21 =	sshll.u32 s5, $0x1;
	s3 =	sadd.s32 s20, s19  }
0x9c: {  	s22 =	simm.s32 $0x0;
	s4 =	sshll.u32 s4, $0x1;
	s5 =	sadd.s32 s21, s3  }
0x9d: {  	[timem:s22], [sflag:s6] =	dma.local [hbm:s5], s4  }
0x9e: {  	_ =	swait.ge [sflag:s6], s4  }
0x9f: {  	s4 =	ssub.s32 $0x0, s4;
	[sflag:s6] =	ssyncset.done $0x0  }
0xa0: {  	[sflag:s6] =	ssyncadd.s32 s4;
	_ =	sdelay $0x1  }
0xa1: {  	s23 =	simm.s32 $0x1B8B  }
0xa2: {  	_ =	swait.ge [sflag:s23], $0x1  }
0xa3: {  	[sflag:s23] =	ssyncset.done $0x0  }
0xa4: {  	[sflag:s23] =	ssyncadd.s32 $0xFFFFFFFF  }
0xa5: {  	s4 =	sld [smem:$0x0]  }
0xa6: {  	s5 =	sand.u32 $0xFFFFFFFE, s1  }
0xa7: {  	p0 =	sne.s32 s1, s5  }
0xa8: {  	s5 =	sshll.u32 @p0 s5, $0xE  }
0xa9: {  	s5 =	sadd.s32 @p0 $0x11B8D, s5;
	s6 =	sshll.u32 @p0 s4, $0x11  }
0xaa: {  	s5 =	sor.u32 @p0 s6, s5  }
0xab: {  	[sflag:s5] =	ssyncadd.remote.s32 @p0 $0x1;
	_ =	sdelay $0x1  }
0xac: {  	s5 =	simm.s32 @p0 $0x1B8D  }
0xad: {  	_ =	swait.eq @p0 [sflag:s5], $0x1  }
0xae: {  	[sflag:s5] =	ssyncadd.s32 @p0 $0xFFFFFFFF  }
0xaf: {  	s6 =	sshll.u32 @!p0 s1, $0xE  }
0xb0: {  	s6 =	sor.u32 @!p0 $0x4000, s6;
	s5 =	simm.s32 @!p0 $0x1B8D  }
0xb1: {  	s4 =	sshll.u32 @!p0 s4, $0x11;
	s6 =	sadd.s32 @!p0 $0x11B8D, s6;
	_ =	swait.eq @!p0 [sflag:s5], $0x1  }
0xb2: {  	s4 =	sor.u32 @!p0 s4, s6;
	[sflag:s5] =	ssyncadd.s32 @!p0 $0xFFFFFFFF  }
0xb3: {  	s25 =	simm.s32 $0x1B8E;
	s24 =	sld [smem:$0x3FFE];
	[sflag:s4] =	ssyncadd.remote.s32 @!p0 $0x1  }
0xb4: {  	s26 =	simm.s32 $execute0_lowered;
	[smem:$0x3FD2] =	sst s25  }
0xb5: {  	s5 =	sshll.u32 s26, $0x1;
	_ =	strace $0x8000004F;
	[dreg:$0x1] =	wrdreg $0xFFFFFFFF  }
0xb6: {  	s28 =	simm.s32 $_size_execute0_lowered;
	s3 =	sadd.s32 s3, s5;
	[dreg:$0x0] =	wrdreg $0x0  }
0xb7: {  	s5 =	sshll.u32 s28, $0x1;
	[dreg:$0x2] =	wrdreg s3  }
0xb8: {  	[dreg:$0x3] =	wrdreg s5  }
0xb9: {  	[dreg:$0x4] =	wrdreg $0xC0  }
0xba: {  	_ =	task [dreg:s22], $0x5FFFF  }
0xbb: {  	[dreg:$0x1] =	wrdreg $0xFFFFFFFF  }
0xbc: {  	[dreg:$0x0] =	wrdreg $0x60  }
0xbd: {  	[dreg:$0x2] =	wrdreg s24  }
0xbe: {  	[dreg:$0x3] =	wrdreg $0x51000  }
0xbf: {  	[dreg:$0x4] =	wrdreg $0xA  }
0xc0: {  	_ =	task.clear_ibuf [dreg:s22], $0x5FFFF;
	_ =	strace $0x9000004F  }
0xc1: {  	s29 =	simm.s32 $0xA;
	_ =	strace $0x80000051  }
0xc2: {  	_ =	swait.ge [sflag:s29], $0x1  }
0xc3: {  	[sflag:s29] =	ssyncadd.s32 $0xFFFFFFFF  }
0xc4: {  	_ =	strace $0x90000051  }
0xc5: {  	_ =	sfence  }
0xc6: {  	s30 =	sld [smem:$0x0];
	_ =	sdelay $0x2  }
0xc7: {  	s31 =	sshll.u32 s1, $0xD;
	s1 =	sshrl.u32 s1, $0x2  }
0xc8: {  	s4 =	sand.u32 $0x4000, s31;
	s1 =	sadd.s32 s1, s30  }
0xc9: {  	s0 =	sor.u32 s4, s0;
	s1 =	sshll.u32 s1, $0x11  }
0xca: {  	s0 =	sor.u32 s1, s0  }
0xcb: {  	s0 =	sadd.s32 $0x8F2B, s0  }
0xcc: {  	[sflag:s0] =	ssyncadd.remote.s32 $0x1  }
0xcd: {  	_ =	sfence.sel $0xFFFF  }
0xce: {  	[dreg:$0x0] =	wrdreg $0xFFFFFFFF;
	(pc) =	sbr.abs _section_cstart, $3  }
0xcf: {  	[dreg:$0x1] =	wrdreg $0xFFFFFFFF  }
0xd0: {  	_ =	task.clear_ibuf [dreg:s22], $0x2FFFF;
	_ =	strace $0x9FFFFFFF  }
0xd1: {  	(tm) =	ssettm $0x7FFFFFFF  }
tec
execute0_lowered:
.L_overlay_start_1:
0x0: {  	(tag) =	ssettag $0x1  }
0x1: {  	s0 =	rddreg [dreg:$0x0];
	s2 =	srdreg.scid  }
0x2: {  	s20 =	stileid.u32;
	s1 =	rddreg [dreg:$0x1]  }
0x3: {  	s29 =	simm.s32 $0x2900;
	s30 =	simm.s32 $0x3;
	s31 =	simm.s32 $0x1400  }
0x4: {  	s5 =	sand.u32 $0x1, s2;
	s3 =	sshll.u32 s20, $0x1;
	s13 =	smul.u32 $0x2800, s20  }
0x5: {  	s2 =	simm.s32 $0x0;
	s11 =	sor.u32 $0x10, s20;
	s10 =	smul.u32 $0x138800, s5  }
0x6: {  	s7 =	sadd.s32 $0xF95400, s0;
	s12 =	sor.u32 $0x20, s20;
	s14 =	smul.u32 $0x2800, s11  }
0x7: {  	s18 =	sor.u32 $0x30, s20;
	s19 =	sor.u32 $0x40, s20;
	s15 =	smul.u32 $0x2800, s12  }
0x8: {  	s21 =	sor.u32 $0x70, s20;
	s4 =	ssub.s32 $0x2, s5;
	s16 =	smul.u32 $0x2800, s18  }
0x9: {  	s6 =	sor.u32 s5, s3;
	s3 =	sor.u32 $0x60, s20;
	s24 =	smul.u32 $0x2800, s19  }
0xa: {  	[smem:$0x7FF] =	sst s2;
	s25 =	sshrl.u32 s4, $0x1;
	s8 =	smul.u32 $0x13880, s6  }
0xb: {  	p0 =	sgt.u32 s21, $0x7C;
	s6 =	smul.u32 $0x1388, s6;
	s9 =	ssub.s32 s4, s25  }
0xc: {  	s4 =	sor.u32 $0x50, s20;
	s13 =	sadd.s32 s10, s13;
	s14 =	sadd.s32 s10, s14  }
0xd: {  	s22 =	sadd.s32 s10, s15;
	s23 =	sadd.s32 s10, s16;
	s16 =	smul.u32 $0x2800, s3  }
0xe: {  	s3 =	smul.u32 $0xA000, s3;
	s13 =	sshrl.u32 s13, $0x3;
	s26 =	sshrl.u32 s14, $0x3  }
0xf: {  	s14 =	sshrl.u32 s22, $0x3;
	s15 =	sshrl.u32 s23, $0x3;
	s17 =	smul.u32 $0x2800, s4  }
0x10: {  	s6 =	sshrl.u32 s6, $0x3;
	s4 =	smul.u32 $0xA000, s4;
	s13 =	sadd.s32 s7, s13  }
0x11: {  	s25 =	sadd.s32 s7, s14;
	s14 =	sadd.s32 s10, s24;
	s23 =	sadd.s32 s10, s16  }
0x12: {  	s24 =	smul.u32 $0x27100, s20;
	[dreg:$0x3] =	wrdreg s13;
	s13 =	sadd.s32 s7, s26  }
0x13: {  	s26 =	sadd.s32 s7, s15;
	s15 =	sadd.s32 s10, s17;
	s17 =	smul.u32 $0x2800, s21  }
0x14: {  	s16 =	smax.u32 s9, $0x1;
	[dreg:$0x5] =	wrdreg s25;
	s25 =	smul.u32 $0x13880, s5  }
0x15: {  	s5 =	smul.u32 $0x1388, s5;
	s4 =	sshrl.u32 s4, $0x2;
	[dreg:$0x4] =	wrdreg s13  }
0x16: {  	[dreg:$0x6] =	wrdreg s26;
	s13 =	sshrl.u32 s14, $0x3;
	s14 =	sshrl.u32 s15, $0x3  }
0x17: {  	s26 =	sadd.s32 $0x1206800, s0;
	s15 =	smul.u32 $0xA000, s20;
	s13 =	sadd.s32 s7, s13  }
0x18: {  	s22 =	sadd.s32 s7, s14;
	s10 =	sadd.s32 s10, s17;
	[dreg:$0x7] =	wrdreg s13  }
0x19: {  	s8 =	sadd.s32 s26, s8;
	[dreg:$0x8] =	wrdreg s22;
	s13 =	sshrl.u32 s23, $0x3  }
0x1a: {  	s10 =	sshrl.u32 s10, $0x3;
	[dreg:$0xb] =	wrdreg s8;
	s23 =	smul.u32 $0xA000, s12  }
0x1b: {  	s13 =	sadd.s32 s7, s13;
	s7 =	sadd.s32 s7, s10;
	s10 =	smul.u32 $0x2710, s20  }
0x1c: {  	s22 =	sshrl.u32 s15, $0x2;
	s12 =	sshrl.u32 s3, $0x2;
	s20 =	smul.u32 $0xA000, s11  }
0x1d: {  	s3 =	simm.s32 $0x28;
	s11 =	smul.u32 $0xA000, s21;
	[dreg:$0x9] =	wrdreg s13  }
0x1e: {  	[dreg:$0xa] =	wrdreg s7;
	s7 =	sadd.s32 s24, s26;
	s24 =	smul.u32 $0xA000, s18  }
0x1f: {  	s13 =	sadd.s32 $0x17000, s0;
	s0 =	sadd.s32 $0xF94E00, s0;
	s26 =	smul.u32 $0xA000, s19  }
0x20: {  	s7 =	sadd.s32 s25, s7;
	_ =	strace $0x80000050;
	s5 =	sadd.s32 s5, s10  }
0x21: {  	[dreg:$0xc] =	wrdreg s0;
	s17 =	sadd.s32 s13, s6;
	s0 =	sshrl.u32 s20, $0x2  }
0x22: {  	s25 =	sshrl.u32 s23, $0x2;
	s23 =	sadd.s32 s12, s1;
	s14 =	sshrl.u32 s11, $0x2  }
0x23: {  	s11 =	simm.s32 $0x1480;
	s6 =	simm.s32 $0x4;
	[dreg:$0xd] =	wrdreg s17  }
0x24: {  	s17 =	sadd.s32 s22, s1;
	s18 =	sadd.s32 s0, s1;
	s19 =	sadd.s32 s25, s1  }
0x25: {  	s9 =	sshrl.u32 s24, $0x2;
	s10 =	sshrl.u32 s26, $0x2;
	s22 =	sadd.s32 s4, s1  }
0x26: {  	s15 =	sadd.s32 $0x28, s5;
	s24 =	sadd.s32 s14, s1;
	s25 =	sadd.s32 $0x500, s7  }
0x27: {  	s0 =	simm.s32 $0x2880;
	s4 =	simm.s32 $0x1;
	s7 =	simm.s32 $0x0  }
0x28: {  	s20 =	sadd.s32 s9, s1;
	s21 =	sadd.s32 s10, s1;
	s26 =	sshrl.u32 s15, $0x3  }
0x29: {  	s9 =	sadd.s32 $0x50, s5;
	s5 =	simm.s32 $0x2;
	s28 =	sadd.s32 s26, s13  }
.LBB2_1:
0x2a: {  	s8 =	rddreg [dreg:$0xc]  }
0x2b: {  	[tilespmem:s29], [sflag:$0x3] =	stream.linear.gather [hbm4b:s8+s2], $0x2800, $0x38;
	[tilespmem:$0x18980] =	vst v63  }
0x2c: {  	_ =	swait.ge [sflag:s30], $0x2800  }
0x2d: {  	[sflag:s30] =	ssyncset.done $0x0  }
0x2e: {  	[sflag:s30] =	ssyncadd.s32 $0xFFFFD800  }
0x2f: {  	[spmem:s17] =	stream.linear.scatter [tilespmem:s29], [sflag:$0x3], $0x2800, $0x38;
	[tilespmem:$0x18980] =	vst v63  }
0x30: {  	_ =	swait.ge [sflag:s30], $0x2800  }
0x31: {  	[sflag:s30] =	ssyncset.done $0x0  }
0x32: {  	[sflag:s30] =	ssyncadd.s32 $0xFFFFD800  }
0x33: {  	[spmem:s18] =	stream.linear.scatter [tilespmem:s29], [sflag:$0x3], $0x2800, $0x38;
	[tilespmem:$0x18980] =	vst v63  }
0x34: {  	_ =	swait.ge [sflag:s30], $0x2800  }
0x35: {  	[sflag:s30] =	ssyncset.done $0x0  }
0x36: {  	[sflag:s30] =	ssyncadd.s32 $0xFFFFD800  }
0x37: {  	[spmem:s19] =	stream.linear.scatter [tilespmem:s29], [sflag:$0x3], $0x2800, $0x38;
	[tilespmem:$0x18980] =	vst v63  }
0x38: {  	_ =	swait.ge [sflag:s30], $0x2800  }
0x39: {  	[sflag:s30] =	ssyncset.done $0x0  }
0x3a: {  	[sflag:s30] =	ssyncadd.s32 $0xFFFFD800  }
0x3b: {  	[spmem:s20] =	stream.linear.scatter [tilespmem:s29], [sflag:$0x3], $0x2800, $0x38;
	[tilespmem:$0x18980] =	vst v63  }
0x3c: {  	_ =	swait.ge [sflag:s30], $0x2800  }
0x3d: {  	[sflag:s30] =	ssyncset.done $0x0  }
0x3e: {  	[sflag:s30] =	ssyncadd.s32 $0xFFFFD800  }
0x3f: {  	[spmem:s21] =	stream.linear.scatter [tilespmem:s29], [sflag:$0x3], $0x2800, $0x38;
	[tilespmem:$0x18980] =	vst v63  }
0x40: {  	_ =	swait.ge [sflag:s30], $0x2800  }
0x41: {  	[sflag:s30] =	ssyncset.done $0x0  }
0x42: {  	[sflag:s30] =	ssyncadd.s32 $0xFFFFD800  }
0x43: {  	[spmem:s22] =	stream.linear.scatter [tilespmem:s29], [sflag:$0x3], $0x2800, $0x38;
	[tilespmem:$0x18980] =	vst v63  }
0x44: {  	_ =	swait.ge [sflag:s30], $0x2800  }
0x45: {  	[sflag:s30] =	ssyncset.done $0x0  }
0x46: {  	[sflag:s30] =	ssyncadd.s32 $0xFFFFD800  }
0x47: {  	[spmem:s23] =	stream.linear.scatter [tilespmem:s29], [sflag:$0x3], $0x2800, $0x38;
	[tilespmem:$0x18980] =	vst v63  }
0x48: {  	_ =	swait.ge [sflag:s30], $0x2800  }
0x49: {  	[sflag:s30] =	ssyncset.done $0x0  }
0x4a: {  	s8 =	simm.s32 @!p0 $0x2900;
	[sflag:s30] =	ssyncadd.s32 $0xFFFFD800  }
0x4b: {  	[spmem:s24] =	stream.linear.scatter @!p0 [tilespmem:s8], [sflag:$0x3], $0x2800, $0x38;
	[tilespmem:$0x18980] =	vst v63  }
0x4c: {  	s8 =	simm.s32 @!p0 $0x3  }
0x4d: {  	_ =	swait.ge @!p0 [sflag:s8], $0x2800  }
0x4e: {  	[sflag:s8] =	ssyncset.done @!p0 $0x0  }
0x4f: {  	[sflag:s8] =	ssyncadd.s32 @!p0 $0xFFFFD800  }
0x50: {  	[bflag:$0x0] =	sbarrier.arrive $0xFFFF  }
0x51: {  	s10 =	rddreg [dreg:$0xd]  }
0x52: {  	[tilespmem:s31], [sflag:$0x3] =	stream.linear.gather [hbm4b:s10+s2], $0x28, $0x38;
	[tilespmem:$0x18980] =	vst v63  }
0x53: {  	_ =	swait.ge [sflag:s30], $0x28  }
0x54: {  	[sflag:s30] =	ssyncset.done $0x0  }
0x55: {  	s12 =	rddreg [dreg:$0xb];
	[sflag:s30] =	ssyncadd.s32 $0xFFFFFFD8  }
0x56: {  	[tilespmem:s2], [sflag:$0x3] =	stream.linear.gather [hbm4b:s12+s2], $0x1400, $0x38;
	[tilespmem:$0x18980] =	vst v63  }
0x57: {  	_ =	swait.ge [sflag:s30], $0x1400  }
0x58: {  	[sflag:s30] =	ssyncset.done $0x0  }
0x59: {  	s14 =	sadd.s32 $0xFFFFFD80, s25;
	[sflag:s30] =	ssyncadd.s32 $0xFFFFEC00  }
0x5a: {  	[tilespmem:s11], [sflag:$0x1] =	stream.linear.gather [hbm4b:s14+s2], $0x1400, $0x38;
	[tilespmem:$0x18980] =	vst v63  }
0x5b: {  	s15 =	sadd.s32 $0x0, s28  }
0x5c: {  	[tilespmem:s0], [sflag:$0x2] =	stream.linear.gather [hbm4b:s15+s2], $0x28, $0x38;
	[tilespmem:$0x18980] =	vst v63  }
0x5d: {  	_ = 	snop  }
0x5e: {  	[spmem:s1] =	stream.indirect.scatter.add.f32 [tilespmem:s2], [sflag:$0x3], $0x80, s31, s3, $0xb8;
	[tilespmem:$0x18980] =	vst v63  }
0x5f: {  	_ =	swait.ge [sflag:s30], $0x1400  }
0x60: {  	[sflag:s30] =	ssyncset.done $0x0  }
0x61: {  	[sflag:s30] =	ssyncadd.s32 $0xFFFFEC00  }
0x62: {  	_ =	swait.ge [sflag:s4], $0x1400  }
0x63: {  	[sflag:s4] =	ssyncset.done $0x0  }
0x64: {  	[sflag:s4] =	ssyncadd.s32 $0xFFFFEC00  }
0x65: {  	_ =	swait.ge [sflag:s5], $0x28  }
0x66: {  	[sflag:s5] =	ssyncset.done $0x0  }
0x67: {  	s26 =	sshrl.u32 s9, $0x3;
	[sflag:s5] =	ssyncadd.s32 $0xFFFFFFD8  }
0x68: {  	[tilespmem:s2], [sflag:$0x1] =	stream.linear.gather [hbm4b:s25+s2], $0x1400, $0x38;
	[tilespmem:$0x18980] =	vst v63  }
0x69: {  	s8 =	sadd.s32 s13, s26  }
0x6a: {  	[tilespmem:s31], [sflag:$0x2] =	stream.linear.gather [hbm4b:s8+s2], $0x28, $0x38;
	[tilespmem:$0x18980] =	vst v63  }
0x6b: {  	_ = 	snop  }
0x6c: {  	[spmem:s1] =	stream.indirect.scatter.add.f32 [tilespmem:s11], [sflag:$0x3], $0x80, s0, s3, $0xb8;
	[tilespmem:$0x18980] =	vst v63  }
0x6d: {  	_ =	swait.ge [sflag:s30], $0x1400  }
0x6e: {  	[sflag:s30] =	ssyncset.done $0x0  }
0x6f: {  	[sflag:s30] =	ssyncadd.s32 $0xFFFFEC00  }
0x70: {  	_ =	swait.ge [sflag:s4], $0x1400  }
0x71: {  	[sflag:s4] =	ssyncset.done $0x0  }
0x72: {  	[sflag:s4] =	ssyncadd.s32 $0xFFFFEC00  }
0x73: {  	s26 =	smov.u32 s9;
	s10 =	simm.s32 $0xA;
	_ =	swait.ge [sflag:s5], $0x28  }
0x74: {  	s12 =	simm.s32 $0x14;
	s8 =	sadd.s32 $0x500, s25;
	[sflag:s5] =	ssyncset.done $0x0  }
.LBB2_2:
0x75: {  	s14 =	sadd.s32 $0xFFFFFD80, s8  }
0x76: {  	[sflag:s5] =	ssyncadd.s32 $0xFFFFFFD8;
	s26 =	sadd.s32 $0x50, s26;
	s15 =	smov.u32 s12  }
0x77: {  	[tilespmem:s11], [sflag:$0x1] =	stream.linear.gather [hbm4b:s14+s2], $0x1400, $0x38;
	[tilespmem:$0x18980] =	vst v63  }
0x78: {  	p1 =	sne.s32 s12, $0x262;
	s12 =	sadd.s32 $0xA, s12;
	s10 =	sadd.s32 s10, s28  }
0x79: {  	[tilespmem:s0], [sflag:$0x2] =	stream.linear.gather [hbm4b:s10+s2], $0x28, $0x38;
	[tilespmem:$0x18980] =	vst v63  }
0x7a: {  	s10 =	smov.u32 s15  }
0x7b: {  	[spmem:s1] =	stream.indirect.scatter.add.f32 [tilespmem:s2], [sflag:$0x3], $0x80, s31, s3, $0xb8;
	[tilespmem:$0x18980] =	vst v63  }
0x7c: {  	_ =	swait.ge [sflag:s30], $0x1400  }
0x7d: {  	[sflag:s30] =	ssyncset.done $0x0  }
0x7e: {  	[sflag:s30] =	ssyncadd.s32 $0xFFFFEC00  }
0x7f: {  	_ =	swait.ge [sflag:s4], $0x1400  }
0x80: {  	[sflag:s4] =	ssyncset.done $0x0  }
0x81: {  	[sflag:s4] =	ssyncadd.s32 $0xFFFFEC00  }
0x82: {  	_ =	swait.ge [sflag:s5], $0x28  }
0x83: {  	[sflag:s5] =	ssyncset.done $0x0  }
0x84: {  	s14 =	sshrl.u32 s26, $0x3;
	[sflag:s5] =	ssyncadd.s32 $0xFFFFFFD8  }
0x85: {  	[tilespmem:s2], [sflag:$0x1] =	stream.linear.gather [hbm4b:s8+s2], $0x1400, $0x38;
	[tilespmem:$0x18980] =	vst v63  }
0x86: {  	s14 =	sadd.s32 s13, s14  }
0x87: {  	[tilespmem:s31], [sflag:$0x2] =	stream.linear.gather [hbm4b:s14+s2], $0x28, $0x38;
	[tilespmem:$0x18980] =	vst v63  }
0x88: {  	_ = 	snop  }
0x89: {  	[spmem:s1] =	stream.indirect.scatter.add.f32 [tilespmem:s11], [sflag:$0x3], $0x80, s0, s3, $0xb8;
	[tilespmem:$0x18980] =	vst v63  }
0x8a: {  	_ =	swait.ge [sflag:s30], $0x1400  }
0x8b: {  	[sflag:s30] =	ssyncset.done $0x0  }
0x8c: {  	[sflag:s30] =	ssyncadd.s32 $0xFFFFEC00  }
.Ltmp0:
0x8d: {  	_ =	swait.ge [sflag:s4], $0x1400;
	(pc) =	sbr.rel @p1 .LBB2_2-.Ltmp0, $4  }
0x8e: {  	[sflag:s4] =	ssyncset.done $0x0  }
0x8f: {  	[sflag:s4] =	ssyncadd.s32 $0xFFFFEC00  }
0x90: {  	_ =	swait.ge [sflag:s5], $0x28  }
0x91: {  	s8 =	sadd.s32 $0x500, s8;
	[sflag:s5] =	ssyncset.done $0x0  }
0x92: {  	s12 =	sadd.s32 $0xFFFFFD80, s8;
	[sflag:s5] =	ssyncadd.s32 $0xFFFFFFD8  }
0x93: {  	[tilespmem:s11], [sflag:$0x1] =	stream.linear.gather [hbm4b:s12+s2], $0x1400, $0x38;
	[tilespmem:$0x18980] =	vst v63  }
0x94: {  	s10 =	sadd.s32 s10, s28  }
0x95: {  	[tilespmem:s0], [sflag:$0x2] =	stream.linear.gather [hbm4b:s10+s2], $0x28, $0x38;
	[tilespmem:$0x18980] =	vst v63  }
0x96: {  	_ = 	snop  }
0x97: {  	[spmem:s1] =	stream.indirect.scatter.add.f32 [tilespmem:s2], [sflag:$0x3], $0x80, s31, s3, $0xb8;
	[tilespmem:$0x18980] =	vst v63  }
0x98: {  	_ =	swait.ge [sflag:s30], $0x1400  }
0x99: {  	[sflag:s30] =	ssyncset.done $0x0  }
0x9a: {  	[sflag:s30] =	ssyncadd.s32 $0xFFFFEC00  }
0x9b: {  	_ =	swait.ge [sflag:s4], $0x1400  }
0x9c: {  	[sflag:s4] =	ssyncset.done $0x0  }
0x9d: {  	[sflag:s4] =	ssyncadd.s32 $0xFFFFEC00  }
0x9e: {  	_ =	swait.ge [sflag:s5], $0x28  }
0x9f: {  	s12 =	sadd.s32 $0x50, s26;
	[sflag:s5] =	ssyncset.done $0x0  }
0xa0: {  	s10 =	sshrl.u32 s12, $0x3;
	[sflag:s5] =	ssyncadd.s32 $0xFFFFFFD8  }
0xa1: {  	[tilespmem:s2], [sflag:$0x1] =	stream.linear.gather [hbm4b:s8+s2], $0x1400, $0x38;
	[tilespmem:$0x18980] =	vst v63  }
0xa2: {  	s14 =	sadd.s32 s13, s10  }
0xa3: {  	[tilespmem:s31], [sflag:$0x2] =	stream.linear.gather [hbm4b:s14+s2], $0x28, $0x38;
	[tilespmem:$0x18980] =	vst v63  }
0xa4: {  	_ = 	snop  }
0xa5: {  	[spmem:s1] =	stream.indirect.scatter.add.f32 [tilespmem:s11], [sflag:$0x3], $0x80, s0, s3, $0xb8;
	[tilespmem:$0x18980] =	vst v63  }
0xa6: {  	_ =	swait.ge [sflag:s30], $0x1400  }
0xa7: {  	[sflag:s30] =	ssyncset.done $0x0  }
0xa8: {  	[sflag:s30] =	ssyncadd.s32 $0xFFFFEC00  }
0xa9: {  	_ =	swait.ge [sflag:s4], $0x1400  }
0xaa: {  	[sflag:s4] =	ssyncset.done $0x0  }
0xab: {  	[sflag:s4] =	ssyncadd.s32 $0xFFFFEC00  }
0xac: {  	_ =	swait.ge [sflag:s5], $0x28  }
0xad: {  	[sflag:s5] =	ssyncset.done $0x0  }
0xae: {  	[sflag:s5] =	ssyncadd.s32 $0xFFFFFFD8  }
0xaf: {  	[spmem:s1] =	stream.indirect.scatter.add.f32 [tilespmem:s2], [sflag:$0x3], $0x80, s31, s3, $0xb8;
	[tilespmem:$0x18980] =	vst v63  }
0xb0: {  	_ =	swait.ge [sflag:s30], $0x1400  }
0xb1: {  	[sflag:s30] =	ssyncset.done $0x0  }
0xb2: {  	[sflag:s30] =	ssyncadd.s32 $0xFFFFEC00  }
0xb3: {  	[bflag:$0x0] =	sbarrier.arrive $0xFFFF  }
0xb4: {  	[tilespmem:s29], [sflag:$0x4] =	stream.linear.gather [spmem:s17], $0x2800, $0x38;
	[tilespmem:$0x18980] =	vst v63  }
0xb5: {  	_ =	swait.ge [sflag:s6], $0x2800  }
0xb6: {  	[sflag:s6] =	ssyncset.done $0x0  }
0xb7: {  	s15 =	rddreg [dreg:$0x3];
	[sflag:s6] =	ssyncadd.s32 $0xFFFFD800  }
0xb8: {  	[hbm4b:s15+s2] =	stream.linear.scatter [tilespmem:s29], [sflag:$0x3], $0x2800, $0x38;
	[tilespmem:$0x18980] =	vst v63  }
0xb9: {  	_ =	swait.ge [sflag:s30], $0x2800  }
0xba: {  	[sflag:s30] =	ssyncset.done $0x0  }
0xbb: {  	[sflag:s30] =	ssyncadd.s32 $0xFFFFD800  }
0xbc: {  	[tilespmem:s29], [sflag:$0x4] =	stream.linear.gather [spmem:s18], $0x2800, $0x38;
	[tilespmem:$0x18980] =	vst v63  }
0xbd: {  	_ =	swait.ge [sflag:s6], $0x2800  }
0xbe: {  	[sflag:s6] =	ssyncset.done $0x0  }
0xbf: {  	s26 =	rddreg [dreg:$0x4];
	[sflag:s6] =	ssyncadd.s32 $0xFFFFD800  }
0xc0: {  	[hbm4b:s26+s2] =	stream.linear.scatter [tilespmem:s29], [sflag:$0x3], $0x2800, $0x38;
	[tilespmem:$0x18980] =	vst v63  }
0xc1: {  	_ =	swait.ge [sflag:s30], $0x2800  }
0xc2: {  	[sflag:s30] =	ssyncset.done $0x0  }
0xc3: {  	[sflag:s30] =	ssyncadd.s32 $0xFFFFD800  }
0xc4: {  	[tilespmem:s29], [sflag:$0x4] =	stream.linear.gather [spmem:s19], $0x2800, $0x38;
	[tilespmem:$0x18980] =	vst v63  }
0xc5: {  	_ =	swait.ge [sflag:s6], $0x2800  }
0xc6: {  	[sflag:s6] =	ssyncset.done $0x0  }
0xc7: {  	s10 =	rddreg [dreg:$0x5];
	[sflag:s6] =	ssyncadd.s32 $0xFFFFD800  }
0xc8: {  	[hbm4b:s10+s2] =	stream.linear.scatter [tilespmem:s29], [sflag:$0x3], $0x2800, $0x38;
	[tilespmem:$0x18980] =	vst v63  }
0xc9: {  	_ =	swait.ge [sflag:s30], $0x2800  }
0xca: {  	[sflag:s30] =	ssyncset.done $0x0  }
0xcb: {  	[sflag:s30] =	ssyncadd.s32 $0xFFFFD800  }
0xcc: {  	[tilespmem:s29], [sflag:$0x4] =	stream.linear.gather [spmem:s20], $0x2800, $0x38;
	[tilespmem:$0x18980] =	vst v63  }
0xcd: {  	_ =	swait.ge [sflag:s6], $0x2800  }
0xce: {  	[sflag:s6] =	ssyncset.done $0x0  }
0xcf: {  	s12 =	rddreg [dreg:$0x6];
	[sflag:s6] =	ssyncadd.s32 $0xFFFFD800  }
0xd0: {  	[hbm4b:s12+s2] =	stream.linear.scatter [tilespmem:s29], [sflag:$0x3], $0x2800, $0x38;
	[tilespmem:$0x18980] =	vst v63  }
0xd1: {  	_ =	swait.ge [sflag:s30], $0x2800  }
0xd2: {  	[sflag:s30] =	ssyncset.done $0x0  }
0xd3: {  	[sflag:s30] =	ssyncadd.s32 $0xFFFFD800  }
0xd4: {  	[tilespmem:s29], [sflag:$0x4] =	stream.linear.gather [spmem:s21], $0x2800, $0x38;
	[tilespmem:$0x18980] =	vst v63  }
0xd5: {  	_ =	swait.ge [sflag:s6], $0x2800  }
0xd6: {  	[sflag:s6] =	ssyncset.done $0x0  }
0xd7: {  	s14 =	rddreg [dreg:$0x7];
	[sflag:s6] =	ssyncadd.s32 $0xFFFFD800  }
0xd8: {  	[hbm4b:s14+s2] =	stream.linear.scatter [tilespmem:s29], [sflag:$0x3], $0x2800, $0x38;
	[tilespmem:$0x18980] =	vst v63  }
0xd9: {  	_ =	swait.ge [sflag:s30], $0x2800  }
0xda: {  	[sflag:s30] =	ssyncset.done $0x0  }
0xdb: {  	[sflag:s30] =	ssyncadd.s32 $0xFFFFD800  }
0xdc: {  	[tilespmem:s29], [sflag:$0x4] =	stream.linear.gather [spmem:s22], $0x2800, $0x38;
	[tilespmem:$0x18980] =	vst v63  }
0xdd: {  	_ =	swait.ge [sflag:s6], $0x2800  }
0xde: {  	[sflag:s6] =	ssyncset.done $0x0  }
0xdf: {  	s15 =	rddreg [dreg:$0x8];
	[sflag:s6] =	ssyncadd.s32 $0xFFFFD800  }
0xe0: {  	[hbm4b:s15+s2] =	stream.linear.scatter [tilespmem:s29], [sflag:$0x3], $0x2800, $0x38;
	[tilespmem:$0x18980] =	vst v63  }
0xe1: {  	_ =	swait.ge [sflag:s30], $0x2800  }
0xe2: {  	[sflag:s30] =	ssyncset.done $0x0  }
0xe3: {  	[sflag:s30] =	ssyncadd.s32 $0xFFFFD800  }
0xe4: {  	[tilespmem:s29], [sflag:$0x4] =	stream.linear.gather [spmem:s23], $0x2800, $0x38;
	[tilespmem:$0x18980] =	vst v63  }
0xe5: {  	_ =	swait.ge [sflag:s6], $0x2800  }
0xe6: {  	[sflag:s6] =	ssyncset.done $0x0  }
0xe7: {  	s26 =	rddreg [dreg:$0x9];
	[sflag:s6] =	ssyncadd.s32 $0xFFFFD800  }
0xe8: {  	[hbm4b:s26+s2] =	stream.linear.scatter [tilespmem:s29], [sflag:$0x3], $0x2800, $0x38;
	[tilespmem:$0x18980] =	vst v63  }
0xe9: {  	_ =	swait.ge [sflag:s30], $0x2800  }
0xea: {  	[sflag:s30] =	ssyncset.done $0x0  }
0xeb: {  	s8 =	simm.s32 @!p0 $0x2900;
	s10 =	simm.s32 @!p0 $0x4;
	[sflag:s30] =	ssyncadd.s32 $0xFFFFD800  }
0xec: {  	[tilespmem:s8], [sflag:$0x4] =	stream.linear.gather @!p0 [spmem:s24], $0x2800, $0x38;
	[tilespmem:$0x18980] =	vst v63  }
0xed: {  	s7 =	sadd.s32 $0x1, s7;
	_ =	swait.ge @!p0 [sflag:s10], $0x2800  }
0xee: {  	p1 =	sne.s32 s7, s16;
	[sflag:s10] =	ssyncset.done @!p0 $0x0  }
0xef: {  	s12 =	rddreg [dreg:$0xa];
	[sflag:s10] =	ssyncadd.s32 @!p0 $0xFFFFD800;
	s10 =	simm.s32 @!p0 $0x0  }
0xf0: {  	[hbm4b:s12+s10] =	stream.linear.scatter @!p0 [tilespmem:s8], [sflag:$0x3], $0x2800, $0x38;
	[tilespmem:$0x18980] =	vst v63  }
.Ltmp1:
0xf1: {  	_ = 	snop;
	(pc) =	sbr.rel @p1 .LBB2_1-.Ltmp1, $4  }
0xf2: {  	s8 =	simm.s32 @!p0 $0x3  }
0xf3: {  	_ =	swait.ge @!p0 [sflag:s8], $0x2800  }
0xf4: {  	[sflag:s8] =	ssyncset.done @!p0 $0x0  }
0xf5: {  	[sflag:s8] =	ssyncadd.s32 @!p0 $0xFFFFD800  }
0xf6: {  	_ =	sfence.sel $0x180000  }
0xf7: {  	[bflag:$0x0] =	sbarrier.arrive $0xFFFF  }
0xf8: {  	_ =	strace $0x90000050  }
0xf9: {  	s0 =	stileid.u32;
	[bflag:$0x2] =	sbarrier.arrive $0xFFFF  }
0xfa: {  	p0 =	sne.s32 s0, $0x0;
	s0 =	rddreg [dreg:$0x2]  }
0xfb: {  	s0 =	sadd.s32 @!p0 $0x100000, s0  }
0xfc: {  	[sflag:s0] =	ssyncadd.tile.s32 @!p0 $0x1;
	_ =	shalt  }
.Lfunc_end2:
_tile_overlayer_lowered:
.L_overlay_start_2:
0xfd: {  	(tag) =	ssettag $0x2  }
0xfe: {  	s0 =	rddreg [dreg:$0x0];
	s2 =	stileid.u32  }
0xff: {  	s1 =	rddreg [dreg:$0x1];
	p0 =	sne.s32 s2, $0x0  }
0x100: {  	s3 =	rddreg [dreg:$0x2];
	[bflag:$0x3] =	sbarrier.arrive $0xFFFF;
	s2 =	simm.s32 @!p0 $0x1C03  }
0x101: {  	[timem:s3], [sflag:s2] =	dma.local @!p0 [hbm:s0], s1  }
0x102: {  	s0 =	simm.s32 @!p0 $0x3  }
0x103: {  	_ =	swait.ge @!p0 [sflag:s0], s1  }
0x104: {  	s1 =	ssub.s32 @!p0 $0x0, s1;
	[sflag:s0] =	ssyncset.done @!p0 $0x0  }
0x105: {  	[sflag:s0] =	ssyncadd.s32 @!p0 s1  }
0x106: {  	[bflag:$0x3] =	sbarrier.arrive $0xFFFF  }
0x107: {  	_ =	shalt  }

</sc_bundles>
